<compile_context>
chip_gen: v7x
topology: tpu7x:2x2x1
jax: 0.10.2.dev20260603
libtpu: 0.0.44.dev20260713+nightly
codegen_flags: <defaults>
</compile_context>

<pallas_src>
import functools

import jax
import jax.numpy as jnp
from jax import lax
from jax.experimental import pallas as pl
from jax.experimental.pallas import tpu as pltpu
from jax.experimental.pallas import tpu_sc as plsc

RW = 16
FW = 12
NG = 2
SUBW = 128
SUB = 4
SUPER = SUB * SUBW


def _sc_mesh():
    return plsc.VectorSubcoreMesh(core_axis_name="c", subcore_axis_name="s")


def _num_cores_subcores():
    try:
        info = plsc.get_sparse_core_info()
        return info.num_cores, info.num_subcores
    except Exception:
        return 2, 16



def _make_mega(n, nacc, nsup, nc, ns, kblk):
    zblks = nacc // (ns * 64)
    wb = nacc // ns
    ublks = wb // SUBW

    @functools.partial(
        pl.kernel,
        out_type=[
            jax.ShapeDtypeStruct((kblk - 1, NG, nacc, RW), jnp.float32),
            jax.ShapeDtypeStruct((2 * NG * nacc, RW), jnp.float32),
        ],
        mesh=_sc_mesh(),
        compiler_params=pltpu.CompilerParams(
            use_tc_tiling_on_sc=False,
            internal_scratch_in_bytes=64 * 1024),
        scratch_types=(
            [pltpu.VMEM((SUB, SUBW), jnp.int32) for _ in range(6)]
            + [pltpu.VMEM((SUB, SUBW, RW), jnp.float32) for _ in range(2)]
            + [pltpu.VMEM((64, RW), jnp.float32)]
            + [pltpu.VMEM((SUBW, RW), jnp.float32) for _ in range(3)]
            + [pltpu.VMEM_SHARED((nacc, RW), jnp.float32)]
            + [pltpu.SemaphoreType.DMA for _ in range(7)]
        ),
    )
    def mega(g0t_hbm, srcr_hbm, dstr_hbm, d2r_hbm, zero_hbm,
             accs_hbm, gbuf_hbm, *scr):
        srcb = scr[0:3]
        dstb = scr[3:6]
        rows = scr[6:8]
        zero_v = scr[8]
        ub_a = scr[9]
        ub_b = scr[10]
        ub_d = scr[11]
        acc_sh = scr[12]
        isem = scr[13:16]
        gsem = scr[16:18]
        ssem = scr[18:20]
        c = lax.axis_index("c")
        s = lax.axis_index("s")
        gq = c
        pltpu.sync_copy(zero_hbm, zero_v)
        base = s * nsup * SUB
        r0w = s * wb

        def cbody(blk, carry):
            r0 = r0w + blk * SUBW
            pltpu.sync_copy(g0t_hbm.at[gq, pl.ds(r0, SUBW)], ub_a)
            pltpu.sync_copy(ub_a, gbuf_hbm.at[pl.ds(gq * nacc + r0, SUBW)])
            return carry

        lax.fori_loop(0, ublks, cbody, 0)
        plsc.subcore_barrier()

        def fire_idx(srcsel, i, b):
            r0 = base + i * SUB
            pltpu.async_copy(srcr_hbm.at[srcsel, pl.ds(r0, SUB)], srcb[b],
                             isem[b])
            pltpu.async_copy(dstr_hbm.at[pl.ds(r0, SUB)], dstb[b], isem[b])

        def drain_idx(srcsel, i, b):
            r0 = base + i * SUB
            pltpu.make_async_copy(srcr_hbm.at[srcsel, pl.ds(r0, SUB)],
                                  srcb[b], isem[b]).wait()
            pltpu.make_async_copy(dstr_hbm.at[pl.ds(r0, SUB)], dstb[b],
                                  isem[b]).wait()

        def fire_gather(bi, br):
            for j in range(SUB):
                pltpu.async_copy(gbuf_hbm.at[srcb[bi].at[j]],
                                 rows[br].at[j], gsem[br])

        def drain_gather(bi, br):
            for j in range(SUB):
                pltpu.make_async_copy(gbuf_hbm.at[srcb[bi].at[j]],
                                      rows[br].at[j], gsem[br]).wait()

        def fire_scat(bi, br):
            for j in range(SUB):
                pltpu.async_copy(rows[br].at[j], acc_sh.at[dstb[bi].at[j]],
                                 ssem[br], add=True)

        def drain_scat(bi, br):
            for j in range(SUB):
                pltpu.make_async_copy(rows[br].at[j],
                                      acc_sh.at[dstb[bi].at[j]],
                                      ssem[br]).wait()

        def kbody(k, carry):
            cur = lax.rem(k - 1, 2)
            nxt = lax.rem(k, 2)
            srcsel = cur * NG + gq
            scl = jnp.where(k == 1, jnp.float32(1.0), jnp.float32(2.0))

            def zbody(r, carry2):
                pltpu.sync_copy(
                    zero_v, acc_sh.at[pl.ds((s * zblks + r) * 64, 64)])
                return carry2

            lax.fori_loop(0, zblks, zbody, 0)
            plsc.subcore_barrier()

            fire_idx(srcsel, 0, 0)
            fire_idx(srcsel, 1, 1)
            drain_idx(srcsel, 0, 0)
            fire_gather(0, 0)

            def body(p, carry2):
                i0 = p * 6
                for q in range(6):
                    i = i0 + q
                    br = q % 2
                    brn = (q + 1) % 2
                    bi = q % 3
                    bi1 = (q + 1) % 3
                    bi2 = (q + 2) % 3
                    drain_gather(bi, br)
                    fire_scat(bi, br)
                    if q == 0:
                        @pl.when(p > 0)
                        def _():
                            drain_scat(bi2, brn)
                    else:
                        drain_scat(bi2, brn)

                    @pl.when(i + 1 < nsup)
                    def _():
                        drain_idx(srcsel, i + 1, bi1)
                        fire_gather(bi1, brn)

                    @pl.when(i + 2 < nsup)
                    def _():
                        fire_idx(srcsel, i + 2, bi2)
                return carry2

            lax.fori_loop(0, nsup // 6, body, 0)
            drain_scat((nsup - 1) % 3, (nsup - 1) % 2)
            plsc.subcore_barrier()

            def ubody(blk, carry2):
                r0 = r0w + blk * SUBW
                pltpu.sync_copy(acc_sh.at[pl.ds(r0, SUBW)], ub_a)
                pltpu.sync_copy(
                    gbuf_hbm.at[pl.ds((nxt * NG + gq) * nacc + r0, SUBW)],
                    ub_b)
                pltpu.sync_copy(d2r_hbm.at[pl.ds(r0, SUBW)], ub_d)

                def vbody(v, carry3):
                    a = ub_a[v]
                    gp = ub_b[v]
                    d2 = ub_d[v]
                    gn = (-scl) * d2 * a - \
                        jnp.where(k > 1, gp, jnp.zeros_like(gp))
                    ub_b[v] = gn
                    return carry3

                lax.fori_loop(0, SUBW, vbody, 0)
                pltpu.sync_copy(
                    ub_b,
                    gbuf_hbm.at[pl.ds((nxt * NG + gq) * nacc + r0, SUBW)])
                pltpu.sync_copy(ub_a,
                                accs_hbm.at[k - 1, gq, pl.ds(r0, SUBW)])
                return carry2

            lax.fori_loop(0, ublks, ubody, 0)
            plsc.subcore_barrier()
            return carry

        lax.fori_loop(1, kblk, kbody, 0)

    return mega


def _make_deg(n, nacc, nsupd, nc, ns):
    zblks = nacc // (ns * 64)
    wb = nacc // ns

    @functools.partial(
        pl.kernel,
        out_type=jax.ShapeDtypeStruct((nc, nacc, RW), jnp.float32),
        mesh=_sc_mesh(),
        compiler_params=pltpu.CompilerParams(
            use_tc_tiling_on_sc=False,
            internal_scratch_in_bytes=64 * 1024),
        scratch_types=(
            [pltpu.VMEM((SUB, SUBW), jnp.int32) for _ in range(3)]
            + [pltpu.VMEM((SUBW, RW), jnp.float32),
               pltpu.VMEM((64, RW), jnp.float32),
               pltpu.VMEM_SHARED((nacc, RW), jnp.float32)]
            + [pltpu.SemaphoreType.DMA for _ in range(6)]
        ),
    )
    def deg(srcr_hbm, ones_hbm, zero_hbm, out_hbm, *scr):
        idxb = scr[0:3]
        ones_v = scr[3]
        zero_v = scr[4]
        acc_sh = scr[5]
        isem = scr[6:9]
        ssem = scr[9:12]
        c = lax.axis_index("c")
        s = lax.axis_index("s")

        pltpu.sync_copy(zero_hbm, zero_v)
        pltpu.sync_copy(ones_hbm, ones_v)
        base = ((c * ns + s) * nsupd) * SUB

        def fire_idx(i, b):
            pltpu.async_copy(srcr_hbm.at[pl.ds(base + i * SUB, SUB)],
                             idxb[b], isem[b])

        def drain_idx(i, b):
            pltpu.make_async_copy(srcr_hbm.at[pl.ds(base + i * SUB, SUB)],
                                  idxb[b], isem[b]).wait()

        def fire_scat(b):
            for j in range(SUB):
                pltpu.async_copy(ones_v, acc_sh.at[idxb[b].at[j]],
                                 ssem[b], add=True)

        def drain_scat(b):
            for j in range(SUB):
                pltpu.make_async_copy(ones_v, acc_sh.at[idxb[b].at[j]],
                                      ssem[b]).wait()

        def zbody(r, carry):
            pltpu.sync_copy(zero_v,
                            acc_sh.at[pl.ds((s * zblks + r) * 64, 64)])
            return carry

        lax.fori_loop(0, zblks, zbody, 0)
        plsc.subcore_barrier()

        fire_idx(0, 0)
        fire_idx(1, 1)

        def body(p, carry):
            i0 = p * 3
            for q in range(3):
                i = i0 + q
                b = q
                b1 = (q + 1) % 3
                b2 = (q + 2) % 3
                if q == 0:
                    @pl.when(p > 0)
                    def _():
                        drain_scat(b2)
                else:
                    drain_scat(b2)

                @pl.when(i + 2 < nsupd)
                def _():
                    fire_idx(i + 2, b2)

                drain_idx(i, b)
                fire_scat(b)
            return carry

        lax.fori_loop(0, nsupd // 3, body, 0)
        drain_scat(2)
        plsc.subcore_barrier()
        pltpu.sync_copy(acc_sh.at[pl.ds(s * wb, wb)],
                        out_hbm.at[c, pl.ds(s * wb, wb)])

    return deg



def _prep_body(x_ref, dp_ref, dinv_ref, d2_ref, g_ref):
    deg = dp_ref[0, :, 0:1] + dp_ref[1, :, 0:1]
    dinv = jnp.where(deg > 0.0,
                     lax.rsqrt(jnp.maximum(deg, 1e-12)),
                     jnp.zeros_like(deg))
    dinv_ref[...] = dinv
    d2_ref[...] = jnp.broadcast_to(dinv * dinv, d2_ref.shape)
    xb = x_ref[...]
    z = jnp.zeros((xb.shape[0], RW - FW), jnp.float32)
    for g in range(NG):
        hg = xb[:, g * FW:(g + 1) * FW]
        g_ref[g] = jnp.concatenate([dinv * hg, z], axis=1)


def _final_body(kblk, x_ref, dinv_ref, accs_ref, w1_ref, b1_ref, gam_ref,
                bet_ref, mu_ref, var_ref, wm_ref, bm_ref, y_ref):
    xb = x_ref[...]
    dinv = dinv_ref[...]
    out = jnp.dot(xb, w1_ref[0], preferred_element_type=jnp.float32)
    t_m2 = None
    t_m1 = xb
    for k in range(1, kblk):
        a = jnp.concatenate(
            [accs_ref[k - 1, g][:, :FW] for g in range(NG)], axis=1)
        if k == 1:
            t = -dinv * a
        else:
            t = -2.0 * dinv * a - t_m2
        out = out + jnp.dot(t, w1_ref[k],
                            preferred_element_type=jnp.float32)
        t_m2, t_m1 = t_m1, t
    o = out + b1_ref[...]
    o = (o - mu_ref[...]) * lax.rsqrt(var_ref[...] + 1e-5) * gam_ref[...] \
        + bet_ref[...]
    h = jnp.maximum(o, 0.0)
    y_ref[...] = jnp.dot(h, wm_ref[...],
                         preferred_element_type=jnp.float32) + bm_ref[...]



def kernel(x, edge_index, W1, b1, gamma, beta, bn_mean, bn_var, Wmix, bmix):
    n, n_in = x.shape
    e = edge_index.shape[1]
    kblk = W1.shape[0]
    n_hid = W1.shape[2]
    n_out = Wmix.shape[2]
    nc, ns = _num_cores_subcores()

    per_tile = ns * SUPER
    nsup = -(-e // per_tile)
    nsup = -(-nsup // 6) * 6
    nsupd = nsup // nc
    epad = ns * nsup * SUPER
    pad = epad - e

    nacc = -(-(n + 1) // (ns * SUBW)) * (ns * SUBW)

    src = edge_index[0]
    dst = edge_index[1]
    src_g = jnp.concatenate([src, jnp.zeros((pad,), jnp.int32)])
    src_n = jnp.concatenate([src, jnp.full((pad,), n, jnp.int32)])
    dst_n = jnp.concatenate([dst, jnp.full((pad,), n, jnp.int32)])
    src4r = jnp.stack([src_g + (b * NG + g) * nacc
                       for b in range(2) for g in range(NG)]) \
               .reshape(2 * NG, epad // SUBW, SUBW)
    dstr = dst_n.reshape(epad // SUBW, SUBW)
    srcdr = src_n.reshape(epad // SUBW, SUBW)

    zero64 = jnp.zeros((64, RW), jnp.float32)
    ones128 = jnp.ones((SUBW, RW), jnp.float32)

    degp = _make_deg(n, nacc, nsupd, nc, ns)(srcdr, ones128, zero64)

    bsz = 2048
    assert nacc % bsz == 0
    grid = (nacc // bsz,)
    f32 = jnp.float32
    xp = jnp.concatenate([x, jnp.zeros((nacc - n, n_in), f32)])

    spec_x = pl.BlockSpec((bsz, n_in), lambda b: (b, 0))
    spec_deg = pl.BlockSpec((nc, bsz, RW), lambda b: (0, b, 0))
    spec_dinv = pl.BlockSpec((bsz, 1), lambda b: (b, 0))
    spec_d2 = pl.BlockSpec((bsz, RW), lambda b: (b, 0))
    spec_pack = pl.BlockSpec((NG, bsz, RW), lambda b: (0, b, 0))

    dinv, d2r, g0t = pl.pallas_call(
        _prep_body,
        grid=grid,
        in_specs=[spec_x, spec_deg],
        out_specs=[spec_dinv, spec_d2, spec_pack],
        out_shape=[
            jax.ShapeDtypeStruct((nacc, 1), f32),
            jax.ShapeDtypeStruct((nacc, RW), f32),
            jax.ShapeDtypeStruct((NG, nacc, RW), f32),
        ],
    )(xp, degp)

    accs, _gbuf = _make_mega(n, nacc, nsup, nc, ns, kblk)(
        g0t, src4r, dstr, d2r, zero64)

    spec_accs = pl.BlockSpec((kblk - 1, NG, bsz, RW),
                             lambda b: (0, 0, b, 0))
    spec_w1 = pl.BlockSpec((kblk, n_in, n_hid), lambda b: (0, 0, 0))
    spec_vec = pl.BlockSpec((1, n_hid), lambda b: (0, 0))
    spec_wm = pl.BlockSpec((n_hid, n_out), lambda b: (0, 0))
    spec_bm = pl.BlockSpec((1, n_out), lambda b: (0, 0))
    spec_y = pl.BlockSpec((bsz, n_out), lambda b: (b, 0))

    y = pl.pallas_call(
        functools.partial(_final_body, kblk),
        grid=grid,
        in_specs=[spec_x, spec_dinv, spec_accs, spec_w1, spec_vec,
                  spec_vec, spec_vec, spec_vec, spec_vec, spec_wm,
                  spec_bm],
        out_specs=spec_y,
        out_shape=jax.ShapeDtypeStruct((nacc, n_out), f32),
    )(xp, dinv, accs, W1, b1.reshape(1, n_hid), gamma.reshape(1, n_hid),
      beta.reshape(1, n_hid), bn_mean.reshape(1, n_hid),
      bn_var.reshape(1, n_hid), Wmix[0], bmix.reshape(1, n_out))
    return y[:n]

# --- scband reference (transcript-rebuilt; emitter-appended) ---
"""Pipeline reference for scband-kipf-net-78039555768470 (READ-ONLY COPY).

The authoritative reference and input builder live on the scoring server;
editing this copy changes nothing except your own understanding.
"""

import jax, jax.numpy as jnp
import numpy as np

N = 100000
E = 3200000
N_IN = 24
N_HID = 64
K_BLOCK = 6
K_MIX = 1
N_OUT = 6


def setup_inputs(seed: int = 0) -> dict:
    key = jax.random.key(seed)
    ks = jax.random.split(key, 6)
    x = jax.random.normal(ks[0], (N, N_IN), dtype=jnp.float32)
    edge_index = jax.random.randint(ks[1], (2, E), 0, N, dtype=jnp.int32)
    # Kipfblock ChebConv(24 -> 64, K=6)
    W1 = jax.random.normal(ks[2], (K_BLOCK, N_IN, N_HID), dtype=jnp.float32) * (1.0 / np.sqrt(N_IN))
    b1 = jnp.zeros((N_HID,), dtype=jnp.float32)
    # BatchNorm1d(64) parameters (eval mode with running stats)
    gamma = jnp.ones((N_HID,), dtype=jnp.float32)
    beta = jnp.zeros((N_HID,), dtype=jnp.float32)
    bn_mean = jnp.zeros((N_HID,), dtype=jnp.float32)
    bn_var = jnp.ones((N_HID,), dtype=jnp.float32)
    # conv_mix ChebConv(64 -> 6, K=1)
    Wmix = jax.random.normal(ks[3], (K_MIX, N_HID, N_OUT), dtype=jnp.float32) * (1.0 / np.sqrt(N_HID))
    bmix = jnp.zeros((N_OUT,), dtype=jnp.float32)
    return {"x": x, "edge_index": edge_index, "W1": W1, "b1": b1,
            "gamma": gamma, "beta": beta, "bn_mean": bn_mean, "bn_var": bn_var,
            "Wmix": Wmix, "bmix": bmix}


def _cheb(x, src, dst, w, Wk, b):
    # PyG ChebConv with sym normalization, lambda_max=2 => L_hat = -D^{-1/2} A D^{-1/2}
    K = Wk.shape[0]

    def prop(h):
        return jnp.zeros_like(h).at[dst].add(w[:, None] * h[src])

    Tx0 = x
    out = Tx0 @ Wk[0]
    if K > 1:
        Tx1 = prop(Tx0)
        out = out + Tx1 @ Wk[1]
        for k in range(2, K):
            Tx2 = 2.0 * prop(Tx1) - Tx0
            out = out + Tx2 @ Wk[k]
            Tx0, Tx1 = Tx1, Tx2
    return out + b


def reference(x, edge_index, W1, b1, gamma, beta, bn_mean, bn_var, Wmix, bmix):
    src = edge_index[0]
    dst = edge_index[1]
    deg = jnp.zeros((x.shape[0],), dtype=x.dtype).at[src].add(1.0)
    dinv = jnp.where(deg > 0, 1.0 / jnp.sqrt(jnp.maximum(deg, 1e-12)), 0.0)
    w = -dinv[src] * dinv[dst]
    # Kipfblock: ChebConv -> BatchNorm1d (eval) -> ReLU
    h = _cheb(x, src, dst, w, W1, b1)
    h = (h - bn_mean) / jnp.sqrt(bn_var + 1e-5) * gamma + beta
    h = jax.nn.relu(h)
    # conv_mix (K=1); dropout is identity in eval mode
    y = _cheb(h, src, dst, w, Wmix, bmix)
    return y

if __name__ == "__main__":
    import jax
    _d = setup_inputs()
    print(jax.jit(kernel)(*tuple(_d.values())))

</pallas_src>

<mosaic_0001>
#map = affine_map<(d0, d1) -> (0, 0, 0)>
#map1 = affine_map<(d0, d1) -> (0, 0)>
#map2 = affine_map<(d0, d1) -> (0, 0, 0, 0)>
module attributes {stable_mosaic.version = 14 : i64} {
  func.func @mega(%arg0: i32, %arg1: i32, %arg2: memref<2x100352x16xf32, #tpu.memory_space<hbm>>, %arg3: memref<4x25344x128xi32, #tpu.memory_space<hbm>>, %arg4: memref<25344x128xi32, #tpu.memory_space<hbm>>, %arg5: memref<100352x16xf32, #tpu.memory_space<hbm>>, %arg6: memref<64x16xf32, #tpu.memory_space<hbm>>, %arg7: memref<5x2x100352x16xf32, #tpu.memory_space<hbm>>, %arg8: memref<401408x16xf32, #tpu.memory_space<hbm>>, %arg9: memref<4x128xi32, #tpu.memory_space<vmem>>, %arg10: memref<4x128xi32, #tpu.memory_space<vmem>>, %arg11: memref<4x128xi32, #tpu.memory_space<vmem>>, %arg12: memref<4x128xi32, #tpu.memory_space<vmem>>, %arg13: memref<4x128xi32, #tpu.memory_space<vmem>>, %arg14: memref<4x128xi32, #tpu.memory_space<vmem>>, %arg15: memref<4x128x16xf32, #tpu.memory_space<vmem>>, %arg16: memref<4x128x16xf32, #tpu.memory_space<vmem>>, %arg17: memref<64x16xf32, #tpu.memory_space<vmem>>, %arg18: memref<128x16xf32, #tpu.memory_space<vmem>>, %arg19: memref<128x16xf32, #tpu.memory_space<vmem>>, %arg20: memref<128x16xf32, #tpu.memory_space<vmem>>, %arg21: memref<100352x16xf32, #tpu.memory_space<vmem_shared>>, %arg22: memref<!tpu.dma_semaphore, #tpu.memory_space<semaphore_mem>>, %arg23: memref<!tpu.dma_semaphore, #tpu.memory_space<semaphore_mem>>, %arg24: memref<!tpu.dma_semaphore, #tpu.memory_space<semaphore_mem>>, %arg25: memref<!tpu.dma_semaphore, #tpu.memory_space<semaphore_mem>>, %arg26: memref<!tpu.dma_semaphore, #tpu.memory_space<semaphore_mem>>, %arg27: memref<!tpu.dma_semaphore, #tpu.memory_space<semaphore_mem>>, %arg28: memref<!tpu.dma_semaphore, #tpu.memory_space<semaphore_mem>>) attributes {dimension_semantics = [#tpu.dimension_semantics<core_parallel>, #tpu.dimension_semantics<subcore_parallel>], iteration_bounds = array<i64: 2, 16>, scalar_prefetch = 0 : i64, scratch_operands = 20 : i64, tpu.core_type = #tpu.core_type<sc_vector_subcore>, window_params = [{transform_indices = #map}, {transform_indices = #map}, {transform_indices = #map1}, {transform_indices = #map1}, {transform_indices = #map1}, {transform_indices = #map2}, {transform_indices = #map1}]} {
    "tpu.region"() ({
      %run_scoped3A = tpu.sem_alloc : memref<!tpu.dma_semaphore, #tpu.memory_space<semaphore_mem>>
      tpu.enqueue_dma source(%arg6 : memref<64x16xf32, #tpu.memory_space<hbm>>) target(%arg17 : memref<64x16xf32, #tpu.memory_space<vmem>>) target_semaphore(%run_scoped3A : memref<!tpu.dma_semaphore, #tpu.memory_space<semaphore_mem>>)
      tpu.wait_dma2 semaphore(%run_scoped3A : memref<!tpu.dma_semaphore, #tpu.memory_space<semaphore_mem>>) src(%arg6 : memref<64x16xf32, #tpu.memory_space<hbm>>) dst(%arg17 : memref<64x16xf32, #tpu.memory_space<vmem>>)
      tpu.yield
    }) : () -> ()
    %mul3A = arith.constant 396 : i32
    %mul3A_0 = arith.muli %arg1, %mul3A : i32
    %mul3A_1 = arith.constant 4 : i32
    %mul3A_2 = arith.muli %mul3A_0, %mul3A_1 : i32
    %mul3A_3 = arith.constant 6272 : i32
    %mul3A_4 = arith.muli %arg1, %mul3A_3 : i32
    %scan3A = arith.constant 0 : i32
    %scan3A_5 = arith.constant 0 : i32
    %scan3A_6 = arith.constant 49 : i32
    %scan3A_7 = arith.addi %scan3A_5, %scan3A_6 : i32
    %scan3A_8 = arith.constant 1 : i32
    scf.for %scan3A_16 = %scan3A_5 to %scan3A_7 step %scan3A_8  : i32 {
      %mul3A_17 = arith.constant 128 : i32
      %mul3A_18 = arith.muli %scan3A_16, %mul3A_17 : i32
      %add3A = arith.addi %mul3A_4, %mul3A_18 : i32
      "tpu.region"() ({
        %run_scoped3A = tpu.sem_alloc : memref<!tpu.dma_semaphore, #tpu.memory_space<semaphore_mem>>
        %dma_start3A = arith.constant 0 : i32
        %dma_start3A_22 = tpu.memref_slice %arg2[%arg0, %add3A, %dma_start3A] : memref<2x100352x16xf32, #tpu.memory_space<hbm>> -> memref<1x128x16xf32, #tpu.memory_space<hbm>>
        %dma_start3A_23 = tpu.memref_squeeze %dma_start3A_22 : memref<1x128x16xf32, #tpu.memory_space<hbm>> -> memref<128x16xf32, #tpu.memory_space<hbm>>
        %dma_start3A_24 = arith.constant 0 : i32
        %dma_start3A_25 = tpu.memref_slice %arg2[%arg0, %add3A, %dma_start3A_24] : memref<2x100352x16xf32, #tpu.memory_space<hbm>> -> memref<1x128x16xf32, #tpu.memory_space<hbm>>
        %dma_start3A_26 = tpu.memref_squeeze %dma_start3A_25 : memref<1x128x16xf32, #tpu.memory_space<hbm>> -> memref<128x16xf32, #tpu.memory_space<hbm>>
        tpu.enqueue_dma source(%dma_start3A_26 : memref<128x16xf32, #tpu.memory_space<hbm>>) target(%arg18 : memref<128x16xf32, #tpu.memory_space<vmem>>) target_semaphore(%run_scoped3A : memref<!tpu.dma_semaphore, #tpu.memory_space<semaphore_mem>>)
        %dma_wait3A = arith.constant 0 : i32
        %dma_wait3A_27 = tpu.memref_slice %arg2[%arg0, %add3A, %dma_wait3A] : memref<2x100352x16xf32, #tpu.memory_space<hbm>> -> memref<1x128x16xf32, #tpu.memory_space<hbm>>
        %dma_wait3A_28 = tpu.memref_squeeze %dma_wait3A_27 : memref<1x128x16xf32, #tpu.memory_space<hbm>> -> memref<128x16xf32, #tpu.memory_space<hbm>>
        %dma_wait3A_29 = arith.constant 0 : i32
        %dma_wait3A_30 = tpu.memref_slice %arg2[%arg0, %add3A, %dma_wait3A_29] : memref<2x100352x16xf32, #tpu.memory_space<hbm>> -> memref<1x128x16xf32, #tpu.memory_space<hbm>>
        %dma_wait3A_31 = tpu.memref_squeeze %dma_wait3A_30 : memref<1x128x16xf32, #tpu.memory_space<hbm>> -> memref<128x16xf32, #tpu.memory_space<hbm>>
        tpu.wait_dma2 semaphore(%run_scoped3A : memref<!tpu.dma_semaphore, #tpu.memory_space<semaphore_mem>>) src(%dma_wait3A_31 : memref<128x16xf32, #tpu.memory_space<hbm>>) dst(%arg18 : memref<128x16xf32, #tpu.memory_space<vmem>>)
        tpu.yield
      }) : () -> ()
      %mul3A_19 = arith.constant 100352 : i32
      %mul3A_20 = arith.muli %arg0, %mul3A_19 : i32
      %add3A_21 = arith.addi %mul3A_20, %add3A : i32
      "tpu.region"() ({
        %run_scoped3A = tpu.sem_alloc : memref<!tpu.dma_semaphore, #tpu.memory_space<semaphore_mem>>
        %dma_start3A = arith.constant 0 : i32
        %dma_start3A_22 = tpu.memref_slice %arg8[%add3A_21, %dma_start3A] : memref<401408x16xf32, #tpu.memory_space<hbm>> -> memref<128x16xf32, #tpu.memory_space<hbm>>
        %dma_start3A_23 = arith.constant 0 : i32
        %dma_start3A_24 = tpu.memref_slice %arg8[%add3A_21, %dma_start3A_23] : memref<401408x16xf32, #tpu.memory_space<hbm>> -> memref<128x16xf32, #tpu.memory_space<hbm>>
        tpu.enqueue_dma source(%arg18 : memref<128x16xf32, #tpu.memory_space<vmem>>) target(%dma_start3A_24 : memref<128x16xf32, #tpu.memory_space<hbm>>) target_semaphore(%run_scoped3A : memref<!tpu.dma_semaphore, #tpu.memory_space<semaphore_mem>>)
        %dma_wait3A = arith.constant 0 : i32
        %dma_wait3A_25 = tpu.memref_slice %arg8[%add3A_21, %dma_wait3A] : memref<401408x16xf32, #tpu.memory_space<hbm>> -> memref<128x16xf32, #tpu.memory_space<hbm>>
        %dma_wait3A_26 = arith.constant 0 : i32
        %dma_wait3A_27 = tpu.memref_slice %arg8[%add3A_21, %dma_wait3A_26] : memref<401408x16xf32, #tpu.memory_space<hbm>> -> memref<128x16xf32, #tpu.memory_space<hbm>>
        tpu.wait_dma2 semaphore(%run_scoped3A : memref<!tpu.dma_semaphore, #tpu.memory_space<semaphore_mem>>) src(%arg18 : memref<128x16xf32, #tpu.memory_space<vmem>>) dst(%dma_wait3A_27 : memref<128x16xf32, #tpu.memory_space<hbm>>)
        tpu.yield
      }) : () -> ()
    }
    %scan3A_9 = arith.constant 49 : i32
    %barrier3A = arith.constant 0 : index
    tpu.barrier barrier_id(%barrier3A)
    %scan3A_10 = arith.constant 0 : i32
    %scan3A_11 = arith.constant 1 : i32
    %scan3A_12 = arith.constant 5 : i32
    %scan3A_13 = arith.addi %scan3A_11, %scan3A_12 : i32
    %scan3A_14 = arith.constant 1 : i32
    scf.for %scan3A_16 = %scan3A_11 to %scan3A_13 step %scan3A_14  : i32 {
      %sub3A = arith.constant 1 : i32
      %sub3A_17 = arith.subi %scan3A_16, %sub3A : i32
      %rem3A = arith.constant 2 : i32
      %rem3A_18 = arith.remsi %sub3A_17, %rem3A : i32
      %rem3A_19 = arith.constant 2 : i32
      %rem3A_20 = arith.remsi %scan3A_16, %rem3A_19 : i32
      %mul3A_21 = arith.constant 2 : i32
      %mul3A_22 = arith.muli %rem3A_18, %mul3A_21 : i32
      %add3A = arith.addi %mul3A_22, %arg0 : i32
      %eq3A = arith.constant 1 : i32
      %eq3A_23 = arith.cmpi eq, %scan3A_16, %eq3A : i32
      %jit3A = arith.constant 1.000000e+00 : f32
      %jit3A_24 = arith.constant 2.000000e+00 : f32
      %select_n3A = arith.select %eq3A_23, %jit3A, %jit3A_24 : f32
      %scan3A_25 = arith.constant 0 : i32
      %scan3A_26 = arith.constant 0 : i32
      %scan3A_27 = arith.constant 98 : i32
      %scan3A_28 = arith.addi %scan3A_26, %scan3A_27 : i32
      %scan3A_29 = arith.constant 1 : i32
      scf.for %scan3A_176 = %scan3A_26 to %scan3A_28 step %scan3A_29  : i32 {
        %mul3A_177 = arith.constant 98 : i32
        %mul3A_178 = arith.muli %arg1, %mul3A_177 : i32
        %add3A_179 = arith.addi %mul3A_178, %scan3A_176 : i32
        %mul3A_180 = arith.constant 64 : i32
        %mul3A_181 = arith.muli %add3A_179, %mul3A_180 : i32
        "tpu.region"() ({
          %run_scoped3A = tpu.sem_alloc : memref<!tpu.dma_semaphore, #tpu.memory_space<semaphore_mem>>
          %dma_start3A_182 = arith.constant 0 : i32
          %dma_start3A_183 = tpu.memref_slice %arg21[%mul3A_181, %dma_start3A_182] : memref<100352x16xf32, #tpu.memory_space<vmem_shared>> -> memref<64x16xf32, #tpu.memory_space<vmem_shared>>
          %dma_start3A_184 = arith.constant 0 : i32
          %dma_start3A_185 = tpu.memref_slice %arg21[%mul3A_181, %dma_start3A_184] : memref<100352x16xf32, #tpu.memory_space<vmem_shared>> -> memref<64x16xf32, #tpu.memory_space<vmem_shared>>
          tpu.enqueue_dma source(%arg17 : memref<64x16xf32, #tpu.memory_space<vmem>>) target(%dma_start3A_185 : memref<64x16xf32, #tpu.memory_space<vmem_shared>>) target_semaphore(%run_scoped3A : memref<!tpu.dma_semaphore, #tpu.memory_space<semaphore_mem>>)
          %dma_wait3A_186 = arith.constant 0 : i32
          %dma_wait3A_187 = tpu.memref_slice %arg21[%mul3A_181, %dma_wait3A_186] : memref<100352x16xf32, #tpu.memory_space<vmem_shared>> -> memref<64x16xf32, #tpu.memory_space<vmem_shared>>
          %dma_wait3A_188 = arith.constant 0 : i32
          %dma_wait3A_189 = tpu.memref_slice %arg21[%mul3A_181, %dma_wait3A_188] : memref<100352x16xf32, #tpu.memory_space<vmem_shared>> -> memref<64x16xf32, #tpu.memory_space<vmem_shared>>
          tpu.wait_dma2 semaphore(%run_scoped3A : memref<!tpu.dma_semaphore, #tpu.memory_space<semaphore_mem>>) src(%arg17 : memref<64x16xf32, #tpu.memory_space<vmem>>) dst(%dma_wait3A_189 : memref<64x16xf32, #tpu.memory_space<vmem_shared>>)
          tpu.yield
        }) : () -> ()
      }
      %scan3A_30 = arith.constant 98 : i32
      %barrier3A_31 = arith.constant 0 : index
      tpu.barrier barrier_id(%barrier3A_31)
      %add3A_32 = arith.constant 0 : i32
      %add3A_33 = arith.addi %mul3A_2, %add3A_32 : i32
      %dma_start3A = arith.constant 0 : i32
      %dma_start3A_34 = tpu.memref_slice %arg3[%add3A, %add3A_33, %dma_start3A] : memref<4x25344x128xi32, #tpu.memory_space<hbm>> -> memref<1x4x128xi32, #tpu.memory_space<hbm>>
      %dma_start3A_35 = tpu.memref_squeeze %dma_start3A_34 : memref<1x4x128xi32, #tpu.memory_space<hbm>> -> memref<4x128xi32, #tpu.memory_space<hbm>>
      %dma_start3A_36 = arith.constant 0 : i32
      %dma_start3A_37 = tpu.memref_slice %arg3[%add3A, %add3A_33, %dma_start3A_36] : memref<4x25344x128xi32, #tpu.memory_space<hbm>> -> memref<1x4x128xi32, #tpu.memory_space<hbm>>
      %dma_start3A_38 = tpu.memref_squeeze %dma_start3A_37 : memref<1x4x128xi32, #tpu.memory_space<hbm>> -> memref<4x128xi32, #tpu.memory_space<hbm>>
      tpu.enqueue_dma source(%dma_start3A_38 : memref<4x128xi32, #tpu.memory_space<hbm>>) target(%arg9 : memref<4x128xi32, #tpu.memory_space<vmem>>) target_semaphore(%arg22 : memref<!tpu.dma_semaphore, #tpu.memory_space<semaphore_mem>>)
      %dma_start3A_39 = arith.constant 0 : i32
      %dma_start3A_40 = tpu.memref_slice %arg4[%add3A_33, %dma_start3A_39] : memref<25344x128xi32, #tpu.memory_space<hbm>> -> memref<4x128xi32, #tpu.memory_space<hbm>>
      %dma_start3A_41 = arith.constant 0 : i32
      %dma_start3A_42 = tpu.memref_slice %arg4[%add3A_33, %dma_start3A_41] : memref<25344x128xi32, #tpu.memory_space<hbm>> -> memref<4x128xi32, #tpu.memory_space<hbm>>
      tpu.enqueue_dma source(%dma_start3A_42 : memref<4x128xi32, #tpu.memory_space<hbm>>) target(%arg12 : memref<4x128xi32, #tpu.memory_space<vmem>>) target_semaphore(%arg22 : memref<!tpu.dma_semaphore, #tpu.memory_space<semaphore_mem>>)
      %add3A_43 = arith.constant 4 : i32
      %add3A_44 = arith.addi %mul3A_2, %add3A_43 : i32
      %dma_start3A_45 = arith.constant 0 : i32
      %dma_start3A_46 = tpu.memref_slice %arg3[%add3A, %add3A_44, %dma_start3A_45] : memref<4x25344x128xi32, #tpu.memory_space<hbm>> -> memref<1x4x128xi32, #tpu.memory_space<hbm>>
      %dma_start3A_47 = tpu.memref_squeeze %dma_start3A_46 : memref<1x4x128xi32, #tpu.memory_space<hbm>> -> memref<4x128xi32, #tpu.memory_space<hbm>>
      %dma_start3A_48 = arith.constant 0 : i32
      %dma_start3A_49 = tpu.memref_slice %arg3[%add3A, %add3A_44, %dma_start3A_48] : memref<4x25344x128xi32, #tpu.memory_space<hbm>> -> memref<1x4x128xi32, #tpu.memory_space<hbm>>
      %dma_start3A_50 = tpu.memref_squeeze %dma_start3A_49 : memref<1x4x128xi32, #tpu.memory_space<hbm>> -> memref<4x128xi32, #tpu.memory_space<hbm>>
      tpu.enqueue_dma source(%dma_start3A_50 : memref<4x128xi32, #tpu.memory_space<hbm>>) target(%arg10 : memref<4x128xi32, #tpu.memory_space<vmem>>) target_semaphore(%arg23 : memref<!tpu.dma_semaphore, #tpu.memory_space<semaphore_mem>>)
      %dma_start3A_51 = arith.constant 0 : i32
      %dma_start3A_52 = tpu.memref_slice %arg4[%add3A_44, %dma_start3A_51] : memref<25344x128xi32, #tpu.memory_space<hbm>> -> memref<4x128xi32, #tpu.memory_space<hbm>>
      %dma_start3A_53 = arith.constant 0 : i32
      %dma_start3A_54 = tpu.memref_slice %arg4[%add3A_44, %dma_start3A_53] : memref<25344x128xi32, #tpu.memory_space<hbm>> -> memref<4x128xi32, #tpu.memory_space<hbm>>
      tpu.enqueue_dma source(%dma_start3A_54 : memref<4x128xi32, #tpu.memory_space<hbm>>) target(%arg13 : memref<4x128xi32, #tpu.memory_space<vmem>>) target_semaphore(%arg23 : memref<!tpu.dma_semaphore, #tpu.memory_space<semaphore_mem>>)
      %add3A_55 = arith.constant 0 : i32
      %add3A_56 = arith.addi %mul3A_2, %add3A_55 : i32
      %dma_wait3A = arith.constant 0 : i32
      %dma_wait3A_57 = tpu.memref_slice %arg3[%add3A, %add3A_56, %dma_wait3A] : memref<4x25344x128xi32, #tpu.memory_space<hbm>> -> memref<1x4x128xi32, #tpu.memory_space<hbm>>
      %dma_wait3A_58 = tpu.memref_squeeze %dma_wait3A_57 : memref<1x4x128xi32, #tpu.memory_space<hbm>> -> memref<4x128xi32, #tpu.memory_space<hbm>>
      %dma_wait3A_59 = arith.constant 0 : i32
      %dma_wait3A_60 = tpu.memref_slice %arg3[%add3A, %add3A_56, %dma_wait3A_59] : memref<4x25344x128xi32, #tpu.memory_space<hbm>> -> memref<1x4x128xi32, #tpu.memory_space<hbm>>
      %dma_wait3A_61 = tpu.memref_squeeze %dma_wait3A_60 : memref<1x4x128xi32, #tpu.memory_space<hbm>> -> memref<4x128xi32, #tpu.memory_space<hbm>>
      tpu.wait_dma2 semaphore(%arg22 : memref<!tpu.dma_semaphore, #tpu.memory_space<semaphore_mem>>) src(%dma_wait3A_61 : memref<4x128xi32, #tpu.memory_space<hbm>>) dst(%arg9 : memref<4x128xi32, #tpu.memory_space<vmem>>)
      %dma_wait3A_62 = arith.constant 0 : i32
      %dma_wait3A_63 = tpu.memref_slice %arg4[%add3A_56, %dma_wait3A_62] : memref<25344x128xi32, #tpu.memory_space<hbm>> -> memref<4x128xi32, #tpu.memory_space<hbm>>
      %dma_wait3A_64 = arith.constant 0 : i32
      %dma_wait3A_65 = tpu.memref_slice %arg4[%add3A_56, %dma_wait3A_64] : memref<25344x128xi32, #tpu.memory_space<hbm>> -> memref<4x128xi32, #tpu.memory_space<hbm>>
      tpu.wait_dma2 semaphore(%arg22 : memref<!tpu.dma_semaphore, #tpu.memory_space<semaphore_mem>>) src(%dma_wait3A_65 : memref<4x128xi32, #tpu.memory_space<hbm>>) dst(%arg12 : memref<4x128xi32, #tpu.memory_space<vmem>>)
      %dma_start3A_66 = arith.constant 0 : i32
      %dma_start3A_67 = arith.constant 0 : i32
      %dma_start3A_68 = arith.constant 0 : i32
      %dma_start3A_69 = arith.constant 0 : i32
      %dma_start3A_70 = tpu.memref_slice %arg15[%dma_start3A_67, %dma_start3A_68, %dma_start3A_69] : memref<4x128x16xf32, #tpu.memory_space<vmem>> -> memref<1x128x16xf32, #tpu.memory_space<vmem>>
      %dma_start3A_71 = tpu.memref_squeeze %dma_start3A_70 : memref<1x128x16xf32, #tpu.memory_space<vmem>> -> memref<128x16xf32, #tpu.memory_space<vmem>>
      %dma_start3A_72 = arith.constant 0 : i32
      %dma_start3A_73 = tpu.memref_slice %arg9[%dma_start3A_66, %dma_start3A_72] : memref<4x128xi32, #tpu.memory_space<vmem>> -> memref<1x128xi32, #tpu.memory_space<vmem>>
      %dma_start3A_74 = tpu.memref_squeeze %dma_start3A_73 : memref<1x128xi32, #tpu.memory_space<vmem>> -> memref<128xi32, #tpu.memory_space<vmem>>
      %dma_start3A_75 = arith.constant 0 : i32
      %dma_start3A_76 = arith.constant 0 : i32
      %dma_start3A_77 = tpu.memref_slice %arg8[%dma_start3A_75, %dma_start3A_76] : memref<401408x16xf32, #tpu.memory_space<hbm>> -> memref<401408x16xf32, #tpu.memory_space<hbm>>
      tpu.enqueue_indirect_dma source(%dma_start3A_77 : memref<401408x16xf32, #tpu.memory_space<hbm>>) target(%dma_start3A_71 : memref<128x16xf32, #tpu.memory_space<vmem>>) offsets(%dma_start3A_74 : memref<128xi32, #tpu.memory_space<vmem>>) semaphore(%arg25 : memref<!tpu.dma_semaphore, #tpu.memory_space<semaphore_mem>>)
      %dma_start3A_78 = arith.constant 1 : i32
      %dma_start3A_79 = arith.constant 1 : i32
      %dma_start3A_80 = arith.constant 0 : i32
      %dma_start3A_81 = arith.constant 0 : i32
      %dma_start3A_82 = tpu.memref_slice %arg15[%dma_start3A_79, %dma_start3A_80, %dma_start3A_81] : memref<4x128x16xf32, #tpu.memory_space<vmem>> -> memref<1x128x16xf32, #tpu.memory_space<vmem>>
      %dma_start3A_83 = tpu.memref_squeeze %dma_start3A_82 : memref<1x128x16xf32, #tpu.memory_space<vmem>> -> memref<128x16xf32, #tpu.memory_space<vmem>>
      %dma_start3A_84 = arith.constant 0 : i32
      %dma_start3A_85 = tpu.memref_slice %arg9[%dma_start3A_78, %dma_start3A_84] : memref<4x128xi32, #tpu.memory_space<vmem>> -> memref<1x128xi32, #tpu.memory_space<vmem>>
      %dma_start3A_86 = tpu.memref_squeeze %dma_start3A_85 : memref<1x128xi32, #tpu.memory_space<vmem>> -> memref<128xi32, #tpu.memory_space<vmem>>
      %dma_start3A_87 = arith.constant 0 : i32
      %dma_start3A_88 = arith.constant 0 : i32
      %dma_start3A_89 = tpu.memref_slice %arg8[%dma_start3A_87, %dma_start3A_88] : memref<401408x16xf32, #tpu.memory_space<hbm>> -> memref<401408x16xf32, #tpu.memory_space<hbm>>
      tpu.enqueue_indirect_dma source(%dma_start3A_89 : memref<401408x16xf32, #tpu.memory_space<hbm>>) target(%dma_start3A_83 : memref<128x16xf32, #tpu.memory_space<vmem>>) offsets(%dma_start3A_86 : memref<128xi32, #tpu.memory_space<vmem>>) semaphore(%arg25 : memref<!tpu.dma_semaphore, #tpu.memory_space<semaphore_mem>>)
      %dma_start3A_90 = arith.constant 2 : i32
      %dma_start3A_91 = arith.constant 2 : i32
      %dma_start3A_92 = arith.constant 0 : i32
      %dma_start3A_93 = arith.constant 0 : i32
      %dma_start3A_94 = tpu.memref_slice %arg15[%dma_start3A_91, %dma_start3A_92, %dma_start3A_93] : memref<4x128x16xf32, #tpu.memory_space<vmem>> -> memref<1x128x16xf32, #tpu.memory_space<vmem>>
      %dma_start3A_95 = tpu.memref_squeeze %dma_start3A_94 : memref<1x128x16xf32, #tpu.memory_space<vmem>> -> memref<128x16xf32, #tpu.memory_space<vmem>>
      %dma_start3A_96 = arith.constant 0 : i32
      %dma_start3A_97 = tpu.memref_slice %arg9[%dma_start3A_90, %dma_start3A_96] : memref<4x128xi32, #tpu.memory_space<vmem>> -> memref<1x128xi32, #tpu.memory_space<vmem>>
      %dma_start3A_98 = tpu.memref_squeeze %dma_start3A_97 : memref<1x128xi32, #tpu.memory_space<vmem>> -> memref<128xi32, #tpu.memory_space<vmem>>
      %dma_start3A_99 = arith.constant 0 : i32
      %dma_start3A_100 = arith.constant 0 : i32
      %dma_start3A_101 = tpu.memref_slice %arg8[%dma_start3A_99, %dma_start3A_100] : memref<401408x16xf32, #tpu.memory_space<hbm>> -> memref<401408x16xf32, #tpu.memory_space<hbm>>
      tpu.enqueue_indirect_dma source(%dma_start3A_101 : memref<401408x16xf32, #tpu.memory_space<hbm>>) target(%dma_start3A_95 : memref<128x16xf32, #tpu.memory_space<vmem>>) offsets(%dma_start3A_98 : memref<128xi32, #tpu.memory_space<vmem>>) semaphore(%arg25 : memref<!tpu.dma_semaphore, #tpu.memory_space<semaphore_mem>>)
      %dma_start3A_102 = arith.constant 3 : i32
      %dma_start3A_103 = arith.constant 3 : i32
      %dma_start3A_104 = arith.constant 0 : i32
      %dma_start3A_105 = arith.constant 0 : i32
      %dma_start3A_106 = tpu.memref_slice %arg15[%dma_start3A_103, %dma_start3A_104, %dma_start3A_105] : memref<4x128x16xf32, #tpu.memory_space<vmem>> -> memref<1x128x16xf32, #tpu.memory_space<vmem>>
      %dma_start3A_107 = tpu.memref_squeeze %dma_start3A_106 : memref<1x128x16xf32, #tpu.memory_space<vmem>> -> memref<128x16xf32, #tpu.memory_space<vmem>>
      %dma_start3A_108 = arith.constant 0 : i32
      %dma_start3A_109 = tpu.memref_slice %arg9[%dma_start3A_102, %dma_start3A_108] : memref<4x128xi32, #tpu.memory_space<vmem>> -> memref<1x128xi32, #tpu.memory_space<vmem>>
      %dma_start3A_110 = tpu.memref_squeeze %dma_start3A_109 : memref<1x128xi32, #tpu.memory_space<vmem>> -> memref<128xi32, #tpu.memory_space<vmem>>
      %dma_start3A_111 = arith.constant 0 : i32
      %dma_start3A_112 = arith.constant 0 : i32
      %dma_start3A_113 = tpu.memref_slice %arg8[%dma_start3A_111, %dma_start3A_112] : memref<401408x16xf32, #tpu.memory_space<hbm>> -> memref<401408x16xf32, #tpu.memory_space<hbm>>
      tpu.enqueue_indirect_dma source(%dma_start3A_113 : memref<401408x16xf32, #tpu.memory_space<hbm>>) target(%dma_start3A_107 : memref<128x16xf32, #tpu.memory_space<vmem>>) offsets(%dma_start3A_110 : memref<128xi32, #tpu.memory_space<vmem>>) semaphore(%arg25 : memref<!tpu.dma_semaphore, #tpu.memory_space<semaphore_mem>>)
      %scan3A_114 = arith.constant 0 : i32
      %scan3A_115 = arith.constant 0 : i32
      %scan3A_116 = arith.constant 66 : i32
      %scan3A_117 = arith.addi %scan3A_115, %scan3A_116 : i32
      %scan3A_118 = arith.constant 1 : i32
      scf.for %scan3A_176 = %scan3A_115 to %scan3A_117 step %scan3A_118  : i32 {
        %mul3A_177 = arith.constant 6 : i32
        %mul3A_178 = arith.muli %scan3A_176, %mul3A_177 : i32
        %add3A_179 = arith.constant 0 : i32
        %add3A_180 = arith.addi %mul3A_178, %add3A_179 : i32
        %dma_wait3A_181 = arith.constant 0 : i32
        %dma_wait3A_182 = arith.constant 0 : i32
        %dma_wait3A_183 = arith.constant 0 : i32
        %dma_wait3A_184 = arith.constant 0 : i32
        %dma_wait3A_185 = tpu.memref_slice %arg15[%dma_wait3A_182, %dma_wait3A_183, %dma_wait3A_184] : memref<4x128x16xf32, #tpu.memory_space<vmem>> -> memref<1x128x16xf32, #tpu.memory_space<vmem>>
        %dma_wait3A_186 = tpu.memref_squeeze %dma_wait3A_185 : memref<1x128x16xf32, #tpu.memory_space<vmem>> -> memref<128x16xf32, #tpu.memory_space<vmem>>
        %dma_wait3A_187 = arith.constant 0 : i32
        %dma_wait3A_188 = tpu.memref_slice %arg9[%dma_wait3A_181, %dma_wait3A_187] : memref<4x128xi32, #tpu.memory_space<vmem>> -> memref<1x128xi32, #tpu.memory_space<vmem>>
        %dma_wait3A_189 = tpu.memref_squeeze %dma_wait3A_188 : memref<1x128xi32, #tpu.memory_space<vmem>> -> memref<128xi32, #tpu.memory_space<vmem>>
        %dma_wait3A_190 = arith.constant 0 : i32
        %dma_wait3A_191 = arith.constant 0 : i32
        %dma_wait3A_192 = tpu.memref_slice %arg8[%dma_wait3A_190, %dma_wait3A_191] : memref<401408x16xf32, #tpu.memory_space<hbm>> -> memref<401408x16xf32, #tpu.memory_space<hbm>>
        tpu.wait_indirect_dma semaphore(%arg25 : memref<!tpu.dma_semaphore, #tpu.memory_space<semaphore_mem>>) src(%dma_wait3A_192 : memref<401408x16xf32, #tpu.memory_space<hbm>>) dst(%dma_wait3A_186 : memref<128x16xf32, #tpu.memory_space<vmem>>)
        %dma_wait3A_193 = arith.constant 1 : i32
        %dma_wait3A_194 = arith.constant 1 : i32
        %dma_wait3A_195 = arith.constant 0 : i32
        %dma_wait3A_196 = arith.constant 0 : i32
        %dma_wait3A_197 = tpu.memref_slice %arg15[%dma_wait3A_194, %dma_wait3A_195, %dma_wait3A_196] : memref<4x128x16xf32, #tpu.memory_space<vmem>> -> memref<1x128x16xf32, #tpu.memory_space<vmem>>
        %dma_wait3A_198 = tpu.memref_squeeze %dma_wait3A_197 : memref<1x128x16xf32, #tpu.memory_space<vmem>> -> memref<128x16xf32, #tpu.memory_space<vmem>>
        %dma_wait3A_199 = arith.constant 0 : i32
        %dma_wait3A_200 = tpu.memref_slice %arg9[%dma_wait3A_193, %dma_wait3A_199] : memref<4x128xi32, #tpu.memory_space<vmem>> -> memref<1x128xi32, #tpu.memory_space<vmem>>
        %dma_wait3A_201 = tpu.memref_squeeze %dma_wait3A_200 : memref<1x128xi32, #tpu.memory_space<vmem>> -> memref<128xi32, #tpu.memory_space<vmem>>
        %dma_wait3A_202 = arith.constant 0 : i32
        %dma_wait3A_203 = arith.constant 0 : i32
        %dma_wait3A_204 = tpu.memref_slice %arg8[%dma_wait3A_202, %dma_wait3A_203] : memref<401408x16xf32, #tpu.memory_space<hbm>> -> memref<401408x16xf32, #tpu.memory_space<hbm>>
        tpu.wait_indirect_dma semaphore(%arg25 : memref<!tpu.dma_semaphore, #tpu.memory_space<semaphore_mem>>) src(%dma_wait3A_204 : memref<401408x16xf32, #tpu.memory_space<hbm>>) dst(%dma_wait3A_198 : memref<128x16xf32, #tpu.memory_space<vmem>>)
        %dma_wait3A_205 = arith.constant 2 : i32
        %dma_wait3A_206 = arith.constant 2 : i32
        %dma_wait3A_207 = arith.constant 0 : i32
        %dma_wait3A_208 = arith.constant 0 : i32
        %dma_wait3A_209 = tpu.memref_slice %arg15[%dma_wait3A_206, %dma_wait3A_207, %dma_wait3A_208] : memref<4x128x16xf32, #tpu.memory_space<vmem>> -> memref<1x128x16xf32, #tpu.memory_space<vmem>>
        %dma_wait3A_210 = tpu.memref_squeeze %dma_wait3A_209 : memref<1x128x16xf32, #tpu.memory_space<vmem>> -> memref<128x16xf32, #tpu.memory_space<vmem>>
        %dma_wait3A_211 = arith.constant 0 : i32
        %dma_wait3A_212 = tpu.memref_slice %arg9[%dma_wait3A_205, %dma_wait3A_211] : memref<4x128xi32, #tpu.memory_space<vmem>> -> memref<1x128xi32, #tpu.memory_space<vmem>>
        %dma_wait3A_213 = tpu.memref_squeeze %dma_wait3A_212 : memref<1x128xi32, #tpu.memory_space<vmem>> -> memref<128xi32, #tpu.memory_space<vmem>>
        %dma_wait3A_214 = arith.constant 0 : i32
        %dma_wait3A_215 = arith.constant 0 : i32
        %dma_wait3A_216 = tpu.memref_slice %arg8[%dma_wait3A_214, %dma_wait3A_215] : memref<401408x16xf32, #tpu.memory_space<hbm>> -> memref<401408x16xf32, #tpu.memory_space<hbm>>
        tpu.wait_indirect_dma semaphore(%arg25 : memref<!tpu.dma_semaphore, #tpu.memory_space<semaphore_mem>>) src(%dma_wait3A_216 : memref<401408x16xf32, #tpu.memory_space<hbm>>) dst(%dma_wait3A_210 : memref<128x16xf32, #tpu.memory_space<vmem>>)
        %dma_wait3A_217 = arith.constant 3 : i32
        %dma_wait3A_218 = arith.constant 3 : i32
        %dma_wait3A_219 = arith.constant 0 : i32
        %dma_wait3A_220 = arith.constant 0 : i32
        %dma_wait3A_221 = tpu.memref_slice %arg15[%dma_wait3A_218, %dma_wait3A_219, %dma_wait3A_220] : memref<4x128x16xf32, #tpu.memory_space<vmem>> -> memref<1x128x16xf32, #tpu.memory_space<vmem>>
        %dma_wait3A_222 = tpu.memref_squeeze %dma_wait3A_221 : memref<1x128x16xf32, #tpu.memory_space<vmem>> -> memref<128x16xf32, #tpu.memory_space<vmem>>
        %dma_wait3A_223 = arith.constant 0 : i32
        %dma_wait3A_224 = tpu.memref_slice %arg9[%dma_wait3A_217, %dma_wait3A_223] : memref<4x128xi32, #tpu.memory_space<vmem>> -> memref<1x128xi32, #tpu.memory_space<vmem>>
        %dma_wait3A_225 = tpu.memref_squeeze %dma_wait3A_224 : memref<1x128xi32, #tpu.memory_space<vmem>> -> memref<128xi32, #tpu.memory_space<vmem>>
        %dma_wait3A_226 = arith.constant 0 : i32
        %dma_wait3A_227 = arith.constant 0 : i32
        %dma_wait3A_228 = tpu.memref_slice %arg8[%dma_wait3A_226, %dma_wait3A_227] : memref<401408x16xf32, #tpu.memory_space<hbm>> -> memref<401408x16xf32, #tpu.memory_space<hbm>>
        tpu.wait_indirect_dma semaphore(%arg25 : memref<!tpu.dma_semaphore, #tpu.memory_space<semaphore_mem>>) src(%dma_wait3A_228 : memref<401408x16xf32, #tpu.memory_space<hbm>>) dst(%dma_wait3A_222 : memref<128x16xf32, #tpu.memory_space<vmem>>)
        %dma_start3A_229 = arith.constant 0 : i32
        %dma_start3A_230 = arith.constant 0 : i32
        %dma_start3A_231 = arith.constant 0 : i32
        %dma_start3A_232 = arith.constant 0 : i32
        %dma_start3A_233 = tpu.memref_slice %arg15[%dma_start3A_229, %dma_start3A_231, %dma_start3A_232] : memref<4x128x16xf32, #tpu.memory_space<vmem>> -> memref<1x128x16xf32, #tpu.memory_space<vmem>>
        %dma_start3A_234 = tpu.memref_squeeze %dma_start3A_233 : memref<1x128x16xf32, #tpu.memory_space<vmem>> -> memref<128x16xf32, #tpu.memory_space<vmem>>
        %dma_start3A_235 = arith.constant 0 : i32
        %dma_start3A_236 = tpu.memref_slice %arg12[%dma_start3A_230, %dma_start3A_235] : memref<4x128xi32, #tpu.memory_space<vmem>> -> memref<1x128xi32, #tpu.memory_space<vmem>>
        %dma_start3A_237 = tpu.memref_squeeze %dma_start3A_236 : memref<1x128xi32, #tpu.memory_space<vmem>> -> memref<128xi32, #tpu.memory_space<vmem>>
        %dma_start3A_238 = arith.constant 0 : i32
        %dma_start3A_239 = arith.constant 0 : i32
        %dma_start3A_240 = tpu.memref_slice %arg21[%dma_start3A_238, %dma_start3A_239] : memref<100352x16xf32, #tpu.memory_space<vmem_shared>> -> memref<100352x16xf32, #tpu.memory_space<vmem_shared>>
        tpu.enqueue_indirect_dma source(%dma_start3A_234 : memref<128x16xf32, #tpu.memory_space<vmem>>) target(%dma_start3A_240 : memref<100352x16xf32, #tpu.memory_space<vmem_shared>>) offsets(%dma_start3A_237 : memref<128xi32, #tpu.memory_space<vmem>>) semaphore(%arg27 : memref<!tpu.dma_semaphore, #tpu.memory_space<semaphore_mem>>) {add = true}
        %dma_start3A_241 = arith.constant 1 : i32
        %dma_start3A_242 = arith.constant 1 : i32
        %dma_start3A_243 = arith.constant 0 : i32
        %dma_start3A_244 = arith.constant 0 : i32
        %dma_start3A_245 = tpu.memref_slice %arg15[%dma_start3A_241, %dma_start3A_243, %dma_start3A_244] : memref<4x128x16xf32, #tpu.memory_space<vmem>> -> memref<1x128x16xf32, #tpu.memory_space<vmem>>
        %dma_start3A_246 = tpu.memref_squeeze %dma_start3A_245 : memref<1x128x16xf32, #tpu.memory_space<vmem>> -> memref<128x16xf32, #tpu.memory_space<vmem>>
        %dma_start3A_247 = arith.constant 0 : i32
        %dma_start3A_248 = tpu.memref_slice %arg12[%dma_start3A_242, %dma_start3A_247] : memref<4x128xi32, #tpu.memory_space<vmem>> -> memref<1x128xi32, #tpu.memory_space<vmem>>
        %dma_start3A_249 = tpu.memref_squeeze %dma_start3A_248 : memref<1x128xi32, #tpu.memory_space<vmem>> -> memref<128xi32, #tpu.memory_space<vmem>>
        %dma_start3A_250 = arith.constant 0 : i32
        %dma_start3A_251 = arith.constant 0 : i32
        %dma_start3A_252 = tpu.memref_slice %arg21[%dma_start3A_250, %dma_start3A_251] : memref<100352x16xf32, #tpu.memory_space<vmem_shared>> -> memref<100352x16xf32, #tpu.memory_space<vmem_shared>>
        tpu.enqueue_indirect_dma source(%dma_start3A_246 : memref<128x16xf32, #tpu.memory_space<vmem>>) target(%dma_start3A_252 : memref<100352x16xf32, #tpu.memory_space<vmem_shared>>) offsets(%dma_start3A_249 : memref<128xi32, #tpu.memory_space<vmem>>) semaphore(%arg27 : memref<!tpu.dma_semaphore, #tpu.memory_space<semaphore_mem>>) {add = true}
        %dma_start3A_253 = arith.constant 2 : i32
        %dma_start3A_254 = arith.constant 2 : i32
        %dma_start3A_255 = arith.constant 0 : i32
        %dma_start3A_256 = arith.constant 0 : i32
        %dma_start3A_257 = tpu.memref_slice %arg15[%dma_start3A_253, %dma_start3A_255, %dma_start3A_256] : memref<4x128x16xf32, #tpu.memory_space<vmem>> -> memref<1x128x16xf32, #tpu.memory_space<vmem>>
        %dma_start3A_258 = tpu.memref_squeeze %dma_start3A_257 : memref<1x128x16xf32, #tpu.memory_space<vmem>> -> memref<128x16xf32, #tpu.memory_space<vmem>>
        %dma_start3A_259 = arith.constant 0 : i32
        %dma_start3A_260 = tpu.memref_slice %arg12[%dma_start3A_254, %dma_start3A_259] : memref<4x128xi32, #tpu.memory_space<vmem>> -> memref<1x128xi32, #tpu.memory_space<vmem>>
        %dma_start3A_261 = tpu.memref_squeeze %dma_start3A_260 : memref<1x128xi32, #tpu.memory_space<vmem>> -> memref<128xi32, #tpu.memory_space<vmem>>
        %dma_start3A_262 = arith.constant 0 : i32
        %dma_start3A_263 = arith.constant 0 : i32
        %dma_start3A_264 = tpu.memref_slice %arg21[%dma_start3A_262, %dma_start3A_263] : memref<100352x16xf32, #tpu.memory_space<vmem_shared>> -> memref<100352x16xf32, #tpu.memory_space<vmem_shared>>
        tpu.enqueue_indirect_dma source(%dma_start3A_258 : memref<128x16xf32, #tpu.memory_space<vmem>>) target(%dma_start3A_264 : memref<100352x16xf32, #tpu.memory_space<vmem_shared>>) offsets(%dma_start3A_261 : memref<128xi32, #tpu.memory_space<vmem>>) semaphore(%arg27 : memref<!tpu.dma_semaphore, #tpu.memory_space<semaphore_mem>>) {add = true}
        %dma_start3A_265 = arith.constant 3 : i32
        %dma_start3A_266 = arith.constant 3 : i32
        %dma_start3A_267 = arith.constant 0 : i32
        %dma_start3A_268 = arith.constant 0 : i32
        %dma_start3A_269 = tpu.memref_slice %arg15[%dma_start3A_265, %dma_start3A_267, %dma_start3A_268] : memref<4x128x16xf32, #tpu.memory_space<vmem>> -> memref<1x128x16xf32, #tpu.memory_space<vmem>>
        %dma_start3A_270 = tpu.memref_squeeze %dma_start3A_269 : memref<1x128x16xf32, #tpu.memory_space<vmem>> -> memref<128x16xf32, #tpu.memory_space<vmem>>
        %dma_start3A_271 = arith.constant 0 : i32
        %dma_start3A_272 = tpu.memref_slice %arg12[%dma_start3A_266, %dma_start3A_271] : memref<4x128xi32, #tpu.memory_space<vmem>> -> memref<1x128xi32, #tpu.memory_space<vmem>>
        %dma_start3A_273 = tpu.memref_squeeze %dma_start3A_272 : memref<1x128xi32, #tpu.memory_space<vmem>> -> memref<128xi32, #tpu.memory_space<vmem>>
        %dma_start3A_274 = arith.constant 0 : i32
        %dma_start3A_275 = arith.constant 0 : i32
        %dma_start3A_276 = tpu.memref_slice %arg21[%dma_start3A_274, %dma_start3A_275] : memref<100352x16xf32, #tpu.memory_space<vmem_shared>> -> memref<100352x16xf32, #tpu.memory_space<vmem_shared>>
        tpu.enqueue_indirect_dma source(%dma_start3A_270 : memref<128x16xf32, #tpu.memory_space<vmem>>) target(%dma_start3A_276 : memref<100352x16xf32, #tpu.memory_space<vmem_shared>>) offsets(%dma_start3A_273 : memref<128xi32, #tpu.memory_space<vmem>>) semaphore(%arg27 : memref<!tpu.dma_semaphore, #tpu.memory_space<semaphore_mem>>) {add = true}
        %gt3A = arith.constant 0 : i32
        %gt3A_277 = arith.cmpi sgt, %scan3A_176, %gt3A : i32
        %convert_element_type3A = arith.extui %gt3A_277 : i1 to i32
        %cond3A = arith.constant 0 : i32
        %cond3A_278 = arith.cmpi ne, %convert_element_type3A, %cond3A : i32
        scf.if %cond3A_278 {
          %dma_wait3A_1092 = arith.constant 0 : i32
          %dma_wait3A_1093 = arith.constant 0 : i32
          %dma_wait3A_1094 = arith.constant 0 : i32
          %dma_wait3A_1095 = arith.constant 0 : i32
          %dma_wait3A_1096 = tpu.memref_slice %arg16[%dma_wait3A_1092, %dma_wait3A_1094, %dma_wait3A_1095] : memref<4x128x16xf32, #tpu.memory_space<vmem>> -> memref<1x128x16xf32, #tpu.memory_space<vmem>>
          %dma_wait3A_1097 = tpu.memref_squeeze %dma_wait3A_1096 : memref<1x128x16xf32, #tpu.memory_space<vmem>> -> memref<128x16xf32, #tpu.memory_space<vmem>>
          %dma_wait3A_1098 = arith.constant 0 : i32
          %dma_wait3A_1099 = tpu.memref_slice %arg14[%dma_wait3A_1093, %dma_wait3A_1098] : memref<4x128xi32, #tpu.memory_space<vmem>> -> memref<1x128xi32, #tpu.memory_space<vmem>>
          %dma_wait3A_1100 = tpu.memref_squeeze %dma_wait3A_1099 : memref<1x128xi32, #tpu.memory_space<vmem>> -> memref<128xi32, #tpu.memory_space<vmem>>
          %dma_wait3A_1101 = arith.constant 0 : i32
          %dma_wait3A_1102 = arith.constant 0 : i32
          %dma_wait3A_1103 = tpu.memref_slice %arg21[%dma_wait3A_1101, %dma_wait3A_1102] : memref<100352x16xf32, #tpu.memory_space<vmem_shared>> -> memref<100352x16xf32, #tpu.memory_space<vmem_shared>>
          tpu.wait_indirect_dma semaphore(%arg28 : memref<!tpu.dma_semaphore, #tpu.memory_space<semaphore_mem>>) src(%dma_wait3A_1097 : memref<128x16xf32, #tpu.memory_space<vmem>>) dst(%dma_wait3A_1103 : memref<100352x16xf32, #tpu.memory_space<vmem_shared>>)
          %dma_wait3A_1104 = arith.constant 1 : i32
          %dma_wait3A_1105 = arith.constant 1 : i32
          %dma_wait3A_1106 = arith.constant 0 : i32
          %dma_wait3A_1107 = arith.constant 0 : i32
          %dma_wait3A_1108 = tpu.memref_slice %arg16[%dma_wait3A_1104, %dma_wait3A_1106, %dma_wait3A_1107] : memref<4x128x16xf32, #tpu.memory_space<vmem>> -> memref<1x128x16xf32, #tpu.memory_space<vmem>>
          %dma_wait3A_1109 = tpu.memref_squeeze %dma_wait3A_1108 : memref<1x128x16xf32, #tpu.memory_space<vmem>> -> memref<128x16xf32, #tpu.memory_space<vmem>>
          %dma_wait3A_1110 = arith.constant 0 : i32
          %dma_wait3A_1111 = tpu.memref_slice %arg14[%dma_wait3A_1105, %dma_wait3A_1110] : memref<4x128xi32, #tpu.memory_space<vmem>> -> memref<1x128xi32, #tpu.memory_space<vmem>>
          %dma_wait3A_1112 = tpu.memref_squeeze %dma_wait3A_1111 : memref<1x128xi32, #tpu.memory_space<vmem>> -> memref<128xi32, #tpu.memory_space<vmem>>
          %dma_wait3A_1113 = arith.constant 0 : i32
          %dma_wait3A_1114 = arith.constant 0 : i32
          %dma_wait3A_1115 = tpu.memref_slice %arg21[%dma_wait3A_1113, %dma_wait3A_1114] : memref<100352x16xf32, #tpu.memory_space<vmem_shared>> -> memref<100352x16xf32, #tpu.memory_space<vmem_shared>>
          tpu.wait_indirect_dma semaphore(%arg28 : memref<!tpu.dma_semaphore, #tpu.memory_space<semaphore_mem>>) src(%dma_wait3A_1109 : memref<128x16xf32, #tpu.memory_space<vmem>>) dst(%dma_wait3A_1115 : memref<100352x16xf32, #tpu.memory_space<vmem_shared>>)
          %dma_wait3A_1116 = arith.constant 2 : i32
          %dma_wait3A_1117 = arith.constant 2 : i32
          %dma_wait3A_1118 = arith.constant 0 : i32
          %dma_wait3A_1119 = arith.constant 0 : i32
          %dma_wait3A_1120 = tpu.memref_slice %arg16[%dma_wait3A_1116, %dma_wait3A_1118, %dma_wait3A_1119] : memref<4x128x16xf32, #tpu.memory_space<vmem>> -> memref<1x128x16xf32, #tpu.memory_space<vmem>>
          %dma_wait3A_1121 = tpu.memref_squeeze %dma_wait3A_1120 : memref<1x128x16xf32, #tpu.memory_space<vmem>> -> memref<128x16xf32, #tpu.memory_space<vmem>>
          %dma_wait3A_1122 = arith.constant 0 : i32
          %dma_wait3A_1123 = tpu.memref_slice %arg14[%dma_wait3A_1117, %dma_wait3A_1122] : memref<4x128xi32, #tpu.memory_space<vmem>> -> memref<1x128xi32, #tpu.memory_space<vmem>>
          %dma_wait3A_1124 = tpu.memref_squeeze %dma_wait3A_1123 : memref<1x128xi32, #tpu.memory_space<vmem>> -> memref<128xi32, #tpu.memory_space<vmem>>
          %dma_wait3A_1125 = arith.constant 0 : i32
          %dma_wait3A_1126 = arith.constant 0 : i32
          %dma_wait3A_1127 = tpu.memref_slice %arg21[%dma_wait3A_1125, %dma_wait3A_1126] : memref<100352x16xf32, #tpu.memory_space<vmem_shared>> -> memref<100352x16xf32, #tpu.memory_space<vmem_shared>>
          tpu.wait_indirect_dma semaphore(%arg28 : memref<!tpu.dma_semaphore, #tpu.memory_space<semaphore_mem>>) src(%dma_wait3A_1121 : memref<128x16xf32, #tpu.memory_space<vmem>>) dst(%dma_wait3A_1127 : memref<100352x16xf32, #tpu.memory_space<vmem_shared>>)
          %dma_wait3A_1128 = arith.constant 3 : i32
          %dma_wait3A_1129 = arith.constant 3 : i32
          %dma_wait3A_1130 = arith.constant 0 : i32
          %dma_wait3A_1131 = arith.constant 0 : i32
          %dma_wait3A_1132 = tpu.memref_slice %arg16[%dma_wait3A_1128, %dma_wait3A_1130, %dma_wait3A_1131] : memref<4x128x16xf32, #tpu.memory_space<vmem>> -> memref<1x128x16xf32, #tpu.memory_space<vmem>>
          %dma_wait3A_1133 = tpu.memref_squeeze %dma_wait3A_1132 : memref<1x128x16xf32, #tpu.memory_space<vmem>> -> memref<128x16xf32, #tpu.memory_space<vmem>>
          %dma_wait3A_1134 = arith.constant 0 : i32
          %dma_wait3A_1135 = tpu.memref_slice %arg14[%dma_wait3A_1129, %dma_wait3A_1134] : memref<4x128xi32, #tpu.memory_space<vmem>> -> memref<1x128xi32, #tpu.memory_space<vmem>>
          %dma_wait3A_1136 = tpu.memref_squeeze %dma_wait3A_1135 : memref<1x128xi32, #tpu.memory_space<vmem>> -> memref<128xi32, #tpu.memory_space<vmem>>
          %dma_wait3A_1137 = arith.constant 0 : i32
          %dma_wait3A_1138 = arith.constant 0 : i32
          %dma_wait3A_1139 = tpu.memref_slice %arg21[%dma_wait3A_1137, %dma_wait3A_1138] : memref<100352x16xf32, #tpu.memory_space<vmem_shared>> -> memref<100352x16xf32, #tpu.memory_space<vmem_shared>>
          tpu.wait_indirect_dma semaphore(%arg28 : memref<!tpu.dma_semaphore, #tpu.memory_space<semaphore_mem>>) src(%dma_wait3A_1133 : memref<128x16xf32, #tpu.memory_space<vmem>>) dst(%dma_wait3A_1139 : memref<100352x16xf32, #tpu.memory_space<vmem_shared>>)
        } else {
        }
        %add3A_279 = arith.constant 1 : i32
        %add3A_280 = arith.addi %add3A_180, %add3A_279 : i32
        %lt3A = arith.constant 396 : i32
        %lt3A_281 = arith.cmpi slt, %add3A_280, %lt3A : i32
        %convert_element_type3A_282 = arith.extui %lt3A_281 : i1 to i32
        %cond3A_283 = arith.constant 0 : i32
        %cond3A_284 = arith.cmpi ne, %convert_element_type3A_282, %cond3A_283 : i32
        scf.if %cond3A_284 {
          %add3A_1092 = arith.constant 1 : i32
          %add3A_1093 = arith.addi %add3A_180, %add3A_1092 : i32
          %mul3A_1094 = arith.constant 4 : i32
          %mul3A_1095 = arith.muli %add3A_1093, %mul3A_1094 : i32
          %add3A_1096 = arith.addi %mul3A_2, %mul3A_1095 : i32
          %dma_wait3A_1097 = arith.constant 0 : i32
          %dma_wait3A_1098 = tpu.memref_slice %arg3[%add3A, %add3A_1096, %dma_wait3A_1097] : memref<4x25344x128xi32, #tpu.memory_space<hbm>> -> memref<1x4x128xi32, #tpu.memory_space<hbm>>
          %dma_wait3A_1099 = tpu.memref_squeeze %dma_wait3A_1098 : memref<1x4x128xi32, #tpu.memory_space<hbm>> -> memref<4x128xi32, #tpu.memory_space<hbm>>
          %dma_wait3A_1100 = arith.constant 0 : i32
          %dma_wait3A_1101 = tpu.memref_slice %arg3[%add3A, %add3A_1096, %dma_wait3A_1100] : memref<4x25344x128xi32, #tpu.memory_space<hbm>> -> memref<1x4x128xi32, #tpu.memory_space<hbm>>
          %dma_wait3A_1102 = tpu.memref_squeeze %dma_wait3A_1101 : memref<1x4x128xi32, #tpu.memory_space<hbm>> -> memref<4x128xi32, #tpu.memory_space<hbm>>
          tpu.wait_dma2 semaphore(%arg23 : memref<!tpu.dma_semaphore, #tpu.memory_space<semaphore_mem>>) src(%dma_wait3A_1102 : memref<4x128xi32, #tpu.memory_space<hbm>>) dst(%arg10 : memref<4x128xi32, #tpu.memory_space<vmem>>)
          %dma_wait3A_1103 = arith.constant 0 : i32
          %dma_wait3A_1104 = tpu.memref_slice %arg4[%add3A_1096, %dma_wait3A_1103] : memref<25344x128xi32, #tpu.memory_space<hbm>> -> memref<4x128xi32, #tpu.memory_space<hbm>>
          %dma_wait3A_1105 = arith.constant 0 : i32
          %dma_wait3A_1106 = tpu.memref_slice %arg4[%add3A_1096, %dma_wait3A_1105] : memref<25344x128xi32, #tpu.memory_space<hbm>> -> memref<4x128xi32, #tpu.memory_space<hbm>>
          tpu.wait_dma2 semaphore(%arg23 : memref<!tpu.dma_semaphore, #tpu.memory_space<semaphore_mem>>) src(%dma_wait3A_1106 : memref<4x128xi32, #tpu.memory_space<hbm>>) dst(%arg13 : memref<4x128xi32, #tpu.memory_space<vmem>>)
          %dma_start3A_1107 = arith.constant 0 : i32
          %dma_start3A_1108 = arith.constant 0 : i32
          %dma_start3A_1109 = arith.constant 0 : i32
          %dma_start3A_1110 = arith.constant 0 : i32
          %dma_start3A_1111 = tpu.memref_slice %arg16[%dma_start3A_1108, %dma_start3A_1109, %dma_start3A_1110] : memref<4x128x16xf32, #tpu.memory_space<vmem>> -> memref<1x128x16xf32, #tpu.memory_space<vmem>>
          %dma_start3A_1112 = tpu.memref_squeeze %dma_start3A_1111 : memref<1x128x16xf32, #tpu.memory_space<vmem>> -> memref<128x16xf32, #tpu.memory_space<vmem>>
          %dma_start3A_1113 = arith.constant 0 : i32
          %dma_start3A_1114 = tpu.memref_slice %arg10[%dma_start3A_1107, %dma_start3A_1113] : memref<4x128xi32, #tpu.memory_space<vmem>> -> memref<1x128xi32, #tpu.memory_space<vmem>>
          %dma_start3A_1115 = tpu.memref_squeeze %dma_start3A_1114 : memref<1x128xi32, #tpu.memory_space<vmem>> -> memref<128xi32, #tpu.memory_space<vmem>>
          %dma_start3A_1116 = arith.constant 0 : i32
          %dma_start3A_1117 = arith.constant 0 : i32
          %dma_start3A_1118 = tpu.memref_slice %arg8[%dma_start3A_1116, %dma_start3A_1117] : memref<401408x16xf32, #tpu.memory_space<hbm>> -> memref<401408x16xf32, #tpu.memory_space<hbm>>
          tpu.enqueue_indirect_dma source(%dma_start3A_1118 : memref<401408x16xf32, #tpu.memory_space<hbm>>) target(%dma_start3A_1112 : memref<128x16xf32, #tpu.memory_space<vmem>>) offsets(%dma_start3A_1115 : memref<128xi32, #tpu.memory_space<vmem>>) semaphore(%arg26 : memref<!tpu.dma_semaphore, #tpu.memory_space<semaphore_mem>>)
          %dma_start3A_1119 = arith.constant 1 : i32
          %dma_start3A_1120 = arith.constant 1 : i32
          %dma_start3A_1121 = arith.constant 0 : i32
          %dma_start3A_1122 = arith.constant 0 : i32
          %dma_start3A_1123 = tpu.memref_slice %arg16[%dma_start3A_1120, %dma_start3A_1121, %dma_start3A_1122] : memref<4x128x16xf32, #tpu.memory_space<vmem>> -> memref<1x128x16xf32, #tpu.memory_space<vmem>>
          %dma_start3A_1124 = tpu.memref_squeeze %dma_start3A_1123 : memref<1x128x16xf32, #tpu.memory_space<vmem>> -> memref<128x16xf32, #tpu.memory_space<vmem>>
          %dma_start3A_1125 = arith.constant 0 : i32
          %dma_start3A_1126 = tpu.memref_slice %arg10[%dma_start3A_1119, %dma_start3A_1125] : memref<4x128xi32, #tpu.memory_space<vmem>> -> memref<1x128xi32, #tpu.memory_space<vmem>>
          %dma_start3A_1127 = tpu.memref_squeeze %dma_start3A_1126 : memref<1x128xi32, #tpu.memory_space<vmem>> -> memref<128xi32, #tpu.memory_space<vmem>>
          %dma_start3A_1128 = arith.constant 0 : i32
          %dma_start3A_1129 = arith.constant 0 : i32
          %dma_start3A_1130 = tpu.memref_slice %arg8[%dma_start3A_1128, %dma_start3A_1129] : memref<401408x16xf32, #tpu.memory_space<hbm>> -> memref<401408x16xf32, #tpu.memory_space<hbm>>
          tpu.enqueue_indirect_dma source(%dma_start3A_1130 : memref<401408x16xf32, #tpu.memory_space<hbm>>) target(%dma_start3A_1124 : memref<128x16xf32, #tpu.memory_space<vmem>>) offsets(%dma_start3A_1127 : memref<128xi32, #tpu.memory_space<vmem>>) semaphore(%arg26 : memref<!tpu.dma_semaphore, #tpu.memory_space<semaphore_mem>>)
          %dma_start3A_1131 = arith.constant 2 : i32
          %dma_start3A_1132 = arith.constant 2 : i32
          %dma_start3A_1133 = arith.constant 0 : i32
          %dma_start3A_1134 = arith.constant 0 : i32
          %dma_start3A_1135 = tpu.memref_slice %arg16[%dma_start3A_1132, %dma_start3A_1133, %dma_start3A_1134] : memref<4x128x16xf32, #tpu.memory_space<vmem>> -> memref<1x128x16xf32, #tpu.memory_space<vmem>>
          %dma_start3A_1136 = tpu.memref_squeeze %dma_start3A_1135 : memref<1x128x16xf32, #tpu.memory_space<vmem>> -> memref<128x16xf32, #tpu.memory_space<vmem>>
          %dma_start3A_1137 = arith.constant 0 : i32
          %dma_start3A_1138 = tpu.memref_slice %arg10[%dma_start3A_1131, %dma_start3A_1137] : memref<4x128xi32, #tpu.memory_space<vmem>> -> memref<1x128xi32, #tpu.memory_space<vmem>>
          %dma_start3A_1139 = tpu.memref_squeeze %dma_start3A_1138 : memref<1x128xi32, #tpu.memory_space<vmem>> -> memref<128xi32, #tpu.memory_space<vmem>>
          %dma_start3A_1140 = arith.constant 0 : i32
          %dma_start3A_1141 = arith.constant 0 : i32
          %dma_start3A_1142 = tpu.memref_slice %arg8[%dma_start3A_1140, %dma_start3A_1141] : memref<401408x16xf32, #tpu.memory_space<hbm>> -> memref<401408x16xf32, #tpu.memory_space<hbm>>
          tpu.enqueue_indirect_dma source(%dma_start3A_1142 : memref<401408x16xf32, #tpu.memory_space<hbm>>) target(%dma_start3A_1136 : memref<128x16xf32, #tpu.memory_space<vmem>>) offsets(%dma_start3A_1139 : memref<128xi32, #tpu.memory_space<vmem>>) semaphore(%arg26 : memref<!tpu.dma_semaphore, #tpu.memory_space<semaphore_mem>>)
          %dma_start3A_1143 = arith.constant 3 : i32
          %dma_start3A_1144 = arith.constant 3 : i32
          %dma_start3A_1145 = arith.constant 0 : i32
          %dma_start3A_1146 = arith.constant 0 : i32
          %dma_start3A_1147 = tpu.memref_slice %arg16[%dma_start3A_1144, %dma_start3A_1145, %dma_start3A_1146] : memref<4x128x16xf32, #tpu.memory_space<vmem>> -> memref<1x128x16xf32, #tpu.memory_space<vmem>>
          %dma_start3A_1148 = tpu.memref_squeeze %dma_start3A_1147 : memref<1x128x16xf32, #tpu.memory_space<vmem>> -> memref<128x16xf32, #tpu.memory_space<vmem>>
          %dma_start3A_1149 = arith.constant 0 : i32
          %dma_start3A_1150 = tpu.memref_slice %arg10[%dma_start3A_1143, %dma_start3A_1149] : memref<4x128xi32, #tpu.memory_space<vmem>> -> memref<1x128xi32, #tpu.memory_space<vmem>>
          %dma_start3A_1151 = tpu.memref_squeeze %dma_start3A_1150 : memref<1x128xi32, #tpu.memory_space<vmem>> -> memref<128xi32, #tpu.memory_space<vmem>>
          %dma_start3A_1152 = arith.constant 0 : i32
          %dma_start3A_1153 = arith.constant 0 : i32
          %dma_start3A_1154 = tpu.memref_slice %arg8[%dma_start3A_1152, %dma_start3A_1153] : memref<401408x16xf32, #tpu.memory_space<hbm>> -> memref<401408x16xf32, #tpu.memory_space<hbm>>
          tpu.enqueue_indirect_dma source(%dma_start3A_1154 : memref<401408x16xf32, #tpu.memory_space<hbm>>) target(%dma_start3A_1148 : memref<128x16xf32, #tpu.memory_space<vmem>>) offsets(%dma_start3A_1151 : memref<128xi32, #tpu.memory_space<vmem>>) semaphore(%arg26 : memref<!tpu.dma_semaphore, #tpu.memory_space<semaphore_mem>>)
        } else {
        }
        %add3A_285 = arith.constant 2 : i32
        %add3A_286 = arith.addi %add3A_180, %add3A_285 : i32
        %lt3A_287 = arith.constant 396 : i32
        %lt3A_288 = arith.cmpi slt, %add3A_286, %lt3A_287 : i32
        %convert_element_type3A_289 = arith.extui %lt3A_288 : i1 to i32
        %cond3A_290 = arith.constant 0 : i32
        %cond3A_291 = arith.cmpi ne, %convert_element_type3A_289, %cond3A_290 : i32
        scf.if %cond3A_291 {
          %add3A_1092 = arith.constant 2 : i32
          %add3A_1093 = arith.addi %add3A_180, %add3A_1092 : i32
          %mul3A_1094 = arith.constant 4 : i32
          %mul3A_1095 = arith.muli %add3A_1093, %mul3A_1094 : i32
          %add3A_1096 = arith.addi %mul3A_2, %mul3A_1095 : i32
          %dma_start3A_1097 = arith.constant 0 : i32
          %dma_start3A_1098 = tpu.memref_slice %arg3[%add3A, %add3A_1096, %dma_start3A_1097] : memref<4x25344x128xi32, #tpu.memory_space<hbm>> -> memref<1x4x128xi32, #tpu.memory_space<hbm>>
          %dma_start3A_1099 = tpu.memref_squeeze %dma_start3A_1098 : memref<1x4x128xi32, #tpu.memory_space<hbm>> -> memref<4x128xi32, #tpu.memory_space<hbm>>
          %dma_start3A_1100 = arith.constant 0 : i32
          %dma_start3A_1101 = tpu.memref_slice %arg3[%add3A, %add3A_1096, %dma_start3A_1100] : memref<4x25344x128xi32, #tpu.memory_space<hbm>> -> memref<1x4x128xi32, #tpu.memory_space<hbm>>
          %dma_start3A_1102 = tpu.memref_squeeze %dma_start3A_1101 : memref<1x4x128xi32, #tpu.memory_space<hbm>> -> memref<4x128xi32, #tpu.memory_space<hbm>>
          tpu.enqueue_dma source(%dma_start3A_1102 : memref<4x128xi32, #tpu.memory_space<hbm>>) target(%arg11 : memref<4x128xi32, #tpu.memory_space<vmem>>) target_semaphore(%arg24 : memref<!tpu.dma_semaphore, #tpu.memory_space<semaphore_mem>>)
          %dma_start3A_1103 = arith.constant 0 : i32
          %dma_start3A_1104 = tpu.memref_slice %arg4[%add3A_1096, %dma_start3A_1103] : memref<25344x128xi32, #tpu.memory_space<hbm>> -> memref<4x128xi32, #tpu.memory_space<hbm>>
          %dma_start3A_1105 = arith.constant 0 : i32
          %dma_start3A_1106 = tpu.memref_slice %arg4[%add3A_1096, %dma_start3A_1105] : memref<25344x128xi32, #tpu.memory_space<hbm>> -> memref<4x128xi32, #tpu.memory_space<hbm>>
          tpu.enqueue_dma source(%dma_start3A_1106 : memref<4x128xi32, #tpu.memory_space<hbm>>) target(%arg14 : memref<4x128xi32, #tpu.memory_space<vmem>>) target_semaphore(%arg24 : memref<!tpu.dma_semaphore, #tpu.memory_space<semaphore_mem>>)
        } else {
        }
        %add3A_292 = arith.constant 1 : i32
        %add3A_293 = arith.addi %mul3A_178, %add3A_292 : i32
        %dma_wait3A_294 = arith.constant 0 : i32
        %dma_wait3A_295 = arith.constant 0 : i32
        %dma_wait3A_296 = arith.constant 0 : i32
        %dma_wait3A_297 = arith.constant 0 : i32
        %dma_wait3A_298 = tpu.memref_slice %arg16[%dma_wait3A_295, %dma_wait3A_296, %dma_wait3A_297] : memref<4x128x16xf32, #tpu.memory_space<vmem>> -> memref<1x128x16xf32, #tpu.memory_space<vmem>>
        %dma_wait3A_299 = tpu.memref_squeeze %dma_wait3A_298 : memref<1x128x16xf32, #tpu.memory_space<vmem>> -> memref<128x16xf32, #tpu.memory_space<vmem>>
        %dma_wait3A_300 = arith.constant 0 : i32
        %dma_wait3A_301 = tpu.memref_slice %arg10[%dma_wait3A_294, %dma_wait3A_300] : memref<4x128xi32, #tpu.memory_space<vmem>> -> memref<1x128xi32, #tpu.memory_space<vmem>>
        %dma_wait3A_302 = tpu.memref_squeeze %dma_wait3A_301 : memref<1x128xi32, #tpu.memory_space<vmem>> -> memref<128xi32, #tpu.memory_space<vmem>>
        %dma_wait3A_303 = arith.constant 0 : i32
        %dma_wait3A_304 = arith.constant 0 : i32
        %dma_wait3A_305 = tpu.memref_slice %arg8[%dma_wait3A_303, %dma_wait3A_304] : memref<401408x16xf32, #tpu.memory_space<hbm>> -> memref<401408x16xf32, #tpu.memory_space<hbm>>
        tpu.wait_indirect_dma semaphore(%arg26 : memref<!tpu.dma_semaphore, #tpu.memory_space<semaphore_mem>>) src(%dma_wait3A_305 : memref<401408x16xf32, #tpu.memory_space<hbm>>) dst(%dma_wait3A_299 : memref<128x16xf32, #tpu.memory_space<vmem>>)
        %dma_wait3A_306 = arith.constant 1 : i32
        %dma_wait3A_307 = arith.constant 1 : i32
        %dma_wait3A_308 = arith.constant 0 : i32
        %dma_wait3A_309 = arith.constant 0 : i32
        %dma_wait3A_310 = tpu.memref_slice %arg16[%dma_wait3A_307, %dma_wait3A_308, %dma_wait3A_309] : memref<4x128x16xf32, #tpu.memory_space<vmem>> -> memref<1x128x16xf32, #tpu.memory_space<vmem>>
        %dma_wait3A_311 = tpu.memref_squeeze %dma_wait3A_310 : memref<1x128x16xf32, #tpu.memory_space<vmem>> -> memref<128x16xf32, #tpu.memory_space<vmem>>
        %dma_wait3A_312 = arith.constant 0 : i32
        %dma_wait3A_313 = tpu.memref_slice %arg10[%dma_wait3A_306, %dma_wait3A_312] : memref<4x128xi32, #tpu.memory_space<vmem>> -> memref<1x128xi32, #tpu.memory_space<vmem>>
        %dma_wait3A_314 = tpu.memref_squeeze %dma_wait3A_313 : memref<1x128xi32, #tpu.memory_space<vmem>> -> memref<128xi32, #tpu.memory_space<vmem>>
        %dma_wait3A_315 = arith.constant 0 : i32
        %dma_wait3A_316 = arith.constant 0 : i32
        %dma_wait3A_317 = tpu.memref_slice %arg8[%dma_wait3A_315, %dma_wait3A_316] : memref<401408x16xf32, #tpu.memory_space<hbm>> -> memref<401408x16xf32, #tpu.memory_space<hbm>>
        tpu.wait_indirect_dma semaphore(%arg26 : memref<!tpu.dma_semaphore, #tpu.memory_space<semaphore_mem>>) src(%dma_wait3A_317 : memref<401408x16xf32, #tpu.memory_space<hbm>>) dst(%dma_wait3A_311 : memref<128x16xf32, #tpu.memory_space<vmem>>)
        %dma_wait3A_318 = arith.constant 2 : i32
        %dma_wait3A_319 = arith.constant 2 : i32
        %dma_wait3A_320 = arith.constant 0 : i32
        %dma_wait3A_321 = arith.constant 0 : i32
        %dma_wait3A_322 = tpu.memref_slice %arg16[%dma_wait3A_319, %dma_wait3A_320, %dma_wait3A_321] : memref<4x128x16xf32, #tpu.memory_space<vmem>> -> memref<1x128x16xf32, #tpu.memory_space<vmem>>
        %dma_wait3A_323 = tpu.memref_squeeze %dma_wait3A_322 : memref<1x128x16xf32, #tpu.memory_space<vmem>> -> memref<128x16xf32, #tpu.memory_space<vmem>>
        %dma_wait3A_324 = arith.constant 0 : i32
        %dma_wait3A_325 = tpu.memref_slice %arg10[%dma_wait3A_318, %dma_wait3A_324] : memref<4x128xi32, #tpu.memory_space<vmem>> -> memref<1x128xi32, #tpu.memory_space<vmem>>
        %dma_wait3A_326 = tpu.memref_squeeze %dma_wait3A_325 : memref<1x128xi32, #tpu.memory_space<vmem>> -> memref<128xi32, #tpu.memory_space<vmem>>
        %dma_wait3A_327 = arith.constant 0 : i32
        %dma_wait3A_328 = arith.constant 0 : i32
        %dma_wait3A_329 = tpu.memref_slice %arg8[%dma_wait3A_327, %dma_wait3A_328] : memref<401408x16xf32, #tpu.memory_space<hbm>> -> memref<401408x16xf32, #tpu.memory_space<hbm>>
        tpu.wait_indirect_dma semaphore(%arg26 : memref<!tpu.dma_semaphore, #tpu.memory_space<semaphore_mem>>) src(%dma_wait3A_329 : memref<401408x16xf32, #tpu.memory_space<hbm>>) dst(%dma_wait3A_323 : memref<128x16xf32, #tpu.memory_space<vmem>>)
        %dma_wait3A_330 = arith.constant 3 : i32
        %dma_wait3A_331 = arith.constant 3 : i32
        %dma_wait3A_332 = arith.constant 0 : i32
        %dma_wait3A_333 = arith.constant 0 : i32
        %dma_wait3A_334 = tpu.memref_slice %arg16[%dma_wait3A_331, %dma_wait3A_332, %dma_wait3A_333] : memref<4x128x16xf32, #tpu.memory_space<vmem>> -> memref<1x128x16xf32, #tpu.memory_space<vmem>>
        %dma_wait3A_335 = tpu.memref_squeeze %dma_wait3A_334 : memref<1x128x16xf32, #tpu.memory_space<vmem>> -> memref<128x16xf32, #tpu.memory_space<vmem>>
        %dma_wait3A_336 = arith.constant 0 : i32
        %dma_wait3A_337 = tpu.memref_slice %arg10[%dma_wait3A_330, %dma_wait3A_336] : memref<4x128xi32, #tpu.memory_space<vmem>> -> memref<1x128xi32, #tpu.memory_space<vmem>>
        %dma_wait3A_338 = tpu.memref_squeeze %dma_wait3A_337 : memref<1x128xi32, #tpu.memory_space<vmem>> -> memref<128xi32, #tpu.memory_space<vmem>>
        %dma_wait3A_339 = arith.constant 0 : i32
        %dma_wait3A_340 = arith.constant 0 : i32
        %dma_wait3A_341 = tpu.memref_slice %arg8[%dma_wait3A_339, %dma_wait3A_340] : memref<401408x16xf32, #tpu.memory_space<hbm>> -> memref<401408x16xf32, #tpu.memory_space<hbm>>
        tpu.wait_indirect_dma semaphore(%arg26 : memref<!tpu.dma_semaphore, #tpu.memory_space<semaphore_mem>>) src(%dma_wait3A_341 : memref<401408x16xf32, #tpu.memory_space<hbm>>) dst(%dma_wait3A_335 : memref<128x16xf32, #tpu.memory_space<vmem>>)
        %dma_start3A_342 = arith.constant 0 : i32
        %dma_start3A_343 = arith.constant 0 : i32
        %dma_start3A_344 = arith.constant 0 : i32
        %dma_start3A_345 = arith.constant 0 : i32
        %dma_start3A_346 = tpu.memref_slice %arg16[%dma_start3A_342, %dma_start3A_344, %dma_start3A_345] : memref<4x128x16xf32, #tpu.memory_space<vmem>> -> memref<1x128x16xf32, #tpu.memory_space<vmem>>
        %dma_start3A_347 = tpu.memref_squeeze %dma_start3A_346 : memref<1x128x16xf32, #tpu.memory_space<vmem>> -> memref<128x16xf32, #tpu.memory_space<vmem>>
        %dma_start3A_348 = arith.constant 0 : i32
        %dma_start3A_349 = tpu.memref_slice %arg13[%dma_start3A_343, %dma_start3A_348] : memref<4x128xi32, #tpu.memory_space<vmem>> -> memref<1x128xi32, #tpu.memory_space<vmem>>
        %dma_start3A_350 = tpu.memref_squeeze %dma_start3A_349 : memref<1x128xi32, #tpu.memory_space<vmem>> -> memref<128xi32, #tpu.memory_space<vmem>>
        %dma_start3A_351 = arith.constant 0 : i32
        %dma_start3A_352 = arith.constant 0 : i32
        %dma_start3A_353 = tpu.memref_slice %arg21[%dma_start3A_351, %dma_start3A_352] : memref<100352x16xf32, #tpu.memory_space<vmem_shared>> -> memref<100352x16xf32, #tpu.memory_space<vmem_shared>>
        tpu.enqueue_indirect_dma source(%dma_start3A_347 : memref<128x16xf32, #tpu.memory_space<vmem>>) target(%dma_start3A_353 : memref<100352x16xf32, #tpu.memory_space<vmem_shared>>) offsets(%dma_start3A_350 : memref<128xi32, #tpu.memory_space<vmem>>) semaphore(%arg28 : memref<!tpu.dma_semaphore, #tpu.memory_space<semaphore_mem>>) {add = true}
        %dma_start3A_354 = arith.constant 1 : i32
        %dma_start3A_355 = arith.constant 1 : i32
        %dma_start3A_356 = arith.constant 0 : i32
        %dma_start3A_357 = arith.constant 0 : i32
        %dma_start3A_358 = tpu.memref_slice %arg16[%dma_start3A_354, %dma_start3A_356, %dma_start3A_357] : memref<4x128x16xf32, #tpu.memory_space<vmem>> -> memref<1x128x16xf32, #tpu.memory_space<vmem>>
        %dma_start3A_359 = tpu.memref_squeeze %dma_start3A_358 : memref<1x128x16xf32, #tpu.memory_space<vmem>> -> memref<128x16xf32, #tpu.memory_space<vmem>>
        %dma_start3A_360 = arith.constant 0 : i32
        %dma_start3A_361 = tpu.memref_slice %arg13[%dma_start3A_355, %dma_start3A_360] : memref<4x128xi32, #tpu.memory_space<vmem>> -> memref<1x128xi32, #tpu.memory_space<vmem>>
        %dma_start3A_362 = tpu.memref_squeeze %dma_start3A_361 : memref<1x128xi32, #tpu.memory_space<vmem>> -> memref<128xi32, #tpu.memory_space<vmem>>
        %dma_start3A_363 = arith.constant 0 : i32
        %dma_start3A_364 = arith.constant 0 : i32
        %dma_start3A_365 = tpu.memref_slice %arg21[%dma_start3A_363, %dma_start3A_364] : memref<100352x16xf32, #tpu.memory_space<vmem_shared>> -> memref<100352x16xf32, #tpu.memory_space<vmem_shared>>
        tpu.enqueue_indirect_dma source(%dma_start3A_359 : memref<128x16xf32, #tpu.memory_space<vmem>>) target(%dma_start3A_365 : memref<100352x16xf32, #tpu.memory_space<vmem_shared>>) offsets(%dma_start3A_362 : memref<128xi32, #tpu.memory_space<vmem>>) semaphore(%arg28 : memref<!tpu.dma_semaphore, #tpu.memory_space<semaphore_mem>>) {add = true}
        %dma_start3A_366 = arith.constant 2 : i32
        %dma_start3A_367 = arith.constant 2 : i32
        %dma_start3A_368 = arith.constant 0 : i32
        %dma_start3A_369 = arith.constant 0 : i32
        %dma_start3A_370 = tpu.memref_slice %arg16[%dma_start3A_366, %dma_start3A_368, %dma_start3A_369] : memref<4x128x16xf32, #tpu.memory_space<vmem>> -> memref<1x128x16xf32, #tpu.memory_space<vmem>>
        %dma_start3A_371 = tpu.memref_squeeze %dma_start3A_370 : memref<1x128x16xf32, #tpu.memory_space<vmem>> -> memref<128x16xf32, #tpu.memory_space<vmem>>
        %dma_start3A_372 = arith.constant 0 : i32
        %dma_start3A_373 = tpu.memref_slice %arg13[%dma_start3A_367, %dma_start3A_372] : memref<4x128xi32, #tpu.memory_space<vmem>> -> memref<1x128xi32, #tpu.memory_space<vmem>>
        %dma_start3A_374 = tpu.memref_squeeze %dma_start3A_373 : memref<1x128xi32, #tpu.memory_space<vmem>> -> memref<128xi32, #tpu.memory_space<vmem>>
        %dma_start3A_375 = arith.constant 0 : i32
        %dma_start3A_376 = arith.constant 0 : i32
        %dma_start3A_377 = tpu.memref_slice %arg21[%dma_start3A_375, %dma_start3A_376] : memref<100352x16xf32, #tpu.memory_space<vmem_shared>> -> memref<100352x16xf32, #tpu.memory_space<vmem_shared>>
        tpu.enqueue_indirect_dma source(%dma_start3A_371 : memref<128x16xf32, #tpu.memory_space<vmem>>) target(%dma_start3A_377 : memref<100352x16xf32, #tpu.memory_space<vmem_shared>>) offsets(%dma_start3A_374 : memref<128xi32, #tpu.memory_space<vmem>>) semaphore(%arg28 : memref<!tpu.dma_semaphore, #tpu.memory_space<semaphore_mem>>) {add = true}
        %dma_start3A_378 = arith.constant 3 : i32
        %dma_start3A_379 = arith.constant 3 : i32
        %dma_start3A_380 = arith.constant 0 : i32
        %dma_start3A_381 = arith.constant 0 : i32
        %dma_start3A_382 = tpu.memref_slice %arg16[%dma_start3A_378, %dma_start3A_380, %dma_start3A_381] : memref<4x128x16xf32, #tpu.memory_space<vmem>> -> memref<1x128x16xf32, #tpu.memory_space<vmem>>
        %dma_start3A_383 = tpu.memref_squeeze %dma_start3A_382 : memref<1x128x16xf32, #tpu.memory_space<vmem>> -> memref<128x16xf32, #tpu.memory_space<vmem>>
        %dma_start3A_384 = arith.constant 0 : i32
        %dma_start3A_385 = tpu.memref_slice %arg13[%dma_start3A_379, %dma_start3A_384] : memref<4x128xi32, #tpu.memory_space<vmem>> -> memref<1x128xi32, #tpu.memory_space<vmem>>
        %dma_start3A_386 = tpu.memref_squeeze %dma_start3A_385 : memref<1x128xi32, #tpu.memory_space<vmem>> -> memref<128xi32, #tpu.memory_space<vmem>>
        %dma_start3A_387 = arith.constant 0 : i32
        %dma_start3A_388 = arith.constant 0 : i32
        %dma_start3A_389 = tpu.memref_slice %arg21[%dma_start3A_387, %dma_start3A_388] : memref<100352x16xf32, #tpu.memory_space<vmem_shared>> -> memref<100352x16xf32, #tpu.memory_space<vmem_shared>>
        tpu.enqueue_indirect_dma source(%dma_start3A_383 : memref<128x16xf32, #tpu.memory_space<vmem>>) target(%dma_start3A_389 : memref<100352x16xf32, #tpu.memory_space<vmem_shared>>) offsets(%dma_start3A_386 : memref<128xi32, #tpu.memory_space<vmem>>) semaphore(%arg28 : memref<!tpu.dma_semaphore, #tpu.memory_space<semaphore_mem>>) {add = true}
        %dma_wait3A_390 = arith.constant 0 : i32
        %dma_wait3A_391 = arith.constant 0 : i32
        %dma_wait3A_392 = arith.constant 0 : i32
        %dma_wait3A_393 = arith.constant 0 : i32
        %dma_wait3A_394 = tpu.memref_slice %arg15[%dma_wait3A_390, %dma_wait3A_392, %dma_wait3A_393] : memref<4x128x16xf32, #tpu.memory_space<vmem>> -> memref<1x128x16xf32, #tpu.memory_space<vmem>>
        %dma_wait3A_395 = tpu.memref_squeeze %dma_wait3A_394 : memref<1x128x16xf32, #tpu.memory_space<vmem>> -> memref<128x16xf32, #tpu.memory_space<vmem>>
        %dma_wait3A_396 = arith.constant 0 : i32
        %dma_wait3A_397 = tpu.memref_slice %arg12[%dma_wait3A_391, %dma_wait3A_396] : memref<4x128xi32, #tpu.memory_space<vmem>> -> memref<1x128xi32, #tpu.memory_space<vmem>>
        %dma_wait3A_398 = tpu.memref_squeeze %dma_wait3A_397 : memref<1x128xi32, #tpu.memory_space<vmem>> -> memref<128xi32, #tpu.memory_space<vmem>>
        %dma_wait3A_399 = arith.constant 0 : i32
        %dma_wait3A_400 = arith.constant 0 : i32
        %dma_wait3A_401 = tpu.memref_slice %arg21[%dma_wait3A_399, %dma_wait3A_400] : memref<100352x16xf32, #tpu.memory_space<vmem_shared>> -> memref<100352x16xf32, #tpu.memory_space<vmem_shared>>
        tpu.wait_indirect_dma semaphore(%arg27 : memref<!tpu.dma_semaphore, #tpu.memory_space<semaphore_mem>>) src(%dma_wait3A_395 : memref<128x16xf32, #tpu.memory_space<vmem>>) dst(%dma_wait3A_401 : memref<100352x16xf32, #tpu.memory_space<vmem_shared>>)
        %dma_wait3A_402 = arith.constant 1 : i32
        %dma_wait3A_403 = arith.constant 1 : i32
        %dma_wait3A_404 = arith.constant 0 : i32
        %dma_wait3A_405 = arith.constant 0 : i32
        %dma_wait3A_406 = tpu.memref_slice %arg15[%dma_wait3A_402, %dma_wait3A_404, %dma_wait3A_405] : memref<4x128x16xf32, #tpu.memory_space<vmem>> -> memref<1x128x16xf32, #tpu.memory_space<vmem>>
        %dma_wait3A_407 = tpu.memref_squeeze %dma_wait3A_406 : memref<1x128x16xf32, #tpu.memory_space<vmem>> -> memref<128x16xf32, #tpu.memory_space<vmem>>
        %dma_wait3A_408 = arith.constant 0 : i32
        %dma_wait3A_409 = tpu.memref_slice %arg12[%dma_wait3A_403, %dma_wait3A_408] : memref<4x128xi32, #tpu.memory_space<vmem>> -> memref<1x128xi32, #tpu.memory_space<vmem>>
        %dma_wait3A_410 = tpu.memref_squeeze %dma_wait3A_409 : memref<1x128xi32, #tpu.memory_space<vmem>> -> memref<128xi32, #tpu.memory_space<vmem>>
        %dma_wait3A_411 = arith.constant 0 : i32
        %dma_wait3A_412 = arith.constant 0 : i32
        %dma_wait3A_413 = tpu.memref_slice %arg21[%dma_wait3A_411, %dma_wait3A_412] : memref<100352x16xf32, #tpu.memory_space<vmem_shared>> -> memref<100352x16xf32, #tpu.memory_space<vmem_shared>>
        tpu.wait_indirect_dma semaphore(%arg27 : memref<!tpu.dma_semaphore, #tpu.memory_space<semaphore_mem>>) src(%dma_wait3A_407 : memref<128x16xf32, #tpu.memory_space<vmem>>) dst(%dma_wait3A_413 : memref<100352x16xf32, #tpu.memory_space<vmem_shared>>)
        %dma_wait3A_414 = arith.constant 2 : i32
        %dma_wait3A_415 = arith.constant 2 : i32
        %dma_wait3A_416 = arith.constant 0 : i32
        %dma_wait3A_417 = arith.constant 0 : i32
        %dma_wait3A_418 = tpu.memref_slice %arg15[%dma_wait3A_414, %dma_wait3A_416, %dma_wait3A_417] : memref<4x128x16xf32, #tpu.memory_space<vmem>> -> memref<1x128x16xf32, #tpu.memory_space<vmem>>
        %dma_wait3A_419 = tpu.memref_squeeze %dma_wait3A_418 : memref<1x128x16xf32, #tpu.memory_space<vmem>> -> memref<128x16xf32, #tpu.memory_space<vmem>>
        %dma_wait3A_420 = arith.constant 0 : i32
        %dma_wait3A_421 = tpu.memref_slice %arg12[%dma_wait3A_415, %dma_wait3A_420] : memref<4x128xi32, #tpu.memory_space<vmem>> -> memref<1x128xi32, #tpu.memory_space<vmem>>
        %dma_wait3A_422 = tpu.memref_squeeze %dma_wait3A_421 : memref<1x128xi32, #tpu.memory_space<vmem>> -> memref<128xi32, #tpu.memory_space<vmem>>
        %dma_wait3A_423 = arith.constant 0 : i32
        %dma_wait3A_424 = arith.constant 0 : i32
        %dma_wait3A_425 = tpu.memref_slice %arg21[%dma_wait3A_423, %dma_wait3A_424] : memref<100352x16xf32, #tpu.memory_space<vmem_shared>> -> memref<100352x16xf32, #tpu.memory_space<vmem_shared>>
        tpu.wait_indirect_dma semaphore(%arg27 : memref<!tpu.dma_semaphore, #tpu.memory_space<semaphore_mem>>) src(%dma_wait3A_419 : memref<128x16xf32, #tpu.memory_space<vmem>>) dst(%dma_wait3A_425 : memref<100352x16xf32, #tpu.memory_space<vmem_shared>>)
        %dma_wait3A_426 = arith.constant 3 : i32
        %dma_wait3A_427 = arith.constant 3 : i32
        %dma_wait3A_428 = arith.constant 0 : i32
        %dma_wait3A_429 = arith.constant 0 : i32
        %dma_wait3A_430 = tpu.memref_slice %arg15[%dma_wait3A_426, %dma_wait3A_428, %dma_wait3A_429] : memref<4x128x16xf32, #tpu.memory_space<vmem>> -> memref<1x128x16xf32, #tpu.memory_space<vmem>>
        %dma_wait3A_431 = tpu.memref_squeeze %dma_wait3A_430 : memref<1x128x16xf32, #tpu.memory_space<vmem>> -> memref<128x16xf32, #tpu.memory_space<vmem>>
        %dma_wait3A_432 = arith.constant 0 : i32
        %dma_wait3A_433 = tpu.memref_slice %arg12[%dma_wait3A_427, %dma_wait3A_432] : memref<4x128xi32, #tpu.memory_space<vmem>> -> memref<1x128xi32, #tpu.memory_space<vmem>>
        %dma_wait3A_434 = tpu.memref_squeeze %dma_wait3A_433 : memref<1x128xi32, #tpu.memory_space<vmem>> -> memref<128xi32, #tpu.memory_space<vmem>>
        %dma_wait3A_435 = arith.constant 0 : i32
        %dma_wait3A_436 = arith.constant 0 : i32
        %dma_wait3A_437 = tpu.memref_slice %arg21[%dma_wait3A_435, %dma_wait3A_436] : memref<100352x16xf32, #tpu.memory_space<vmem_shared>> -> memref<100352x16xf32, #tpu.memory_space<vmem_shared>>
        tpu.wait_indirect_dma semaphore(%arg27 : memref<!tpu.dma_semaphore, #tpu.memory_space<semaphore_mem>>) src(%dma_wait3A_431 : memref<128x16xf32, #tpu.memory_space<vmem>>) dst(%dma_wait3A_437 : memref<100352x16xf32, #tpu.memory_space<vmem_shared>>)
        %add3A_438 = arith.constant 1 : i32
        %add3A_439 = arith.addi %add3A_293, %add3A_438 : i32
        %lt3A_440 = arith.constant 396 : i32
        %lt3A_441 = arith.cmpi slt, %add3A_439, %lt3A_440 : i32
        %convert_element_type3A_442 = arith.extui %lt3A_441 : i1 to i32
        %cond3A_443 = arith.constant 0 : i32
        %cond3A_444 = arith.cmpi ne, %convert_element_type3A_442, %cond3A_443 : i32
        scf.if %cond3A_444 {
          %add3A_1092 = arith.constant 1 : i32
          %add3A_1093 = arith.addi %add3A_293, %add3A_1092 : i32
          %mul3A_1094 = arith.constant 4 : i32
          %mul3A_1095 = arith.muli %add3A_1093, %mul3A_1094 : i32
          %add3A_1096 = arith.addi %mul3A_2, %mul3A_1095 : i32
          %dma_wait3A_1097 = arith.constant 0 : i32
          %dma_wait3A_1098 = tpu.memref_slice %arg3[%add3A, %add3A_1096, %dma_wait3A_1097] : memref<4x25344x128xi32, #tpu.memory_space<hbm>> -> memref<1x4x128xi32, #tpu.memory_space<hbm>>
          %dma_wait3A_1099 = tpu.memref_squeeze %dma_wait3A_1098 : memref<1x4x128xi32, #tpu.memory_space<hbm>> -> memref<4x128xi32, #tpu.memory_space<hbm>>
          %dma_wait3A_1100 = arith.constant 0 : i32
          %dma_wait3A_1101 = tpu.memref_slice %arg3[%add3A, %add3A_1096, %dma_wait3A_1100] : memref<4x25344x128xi32, #tpu.memory_space<hbm>> -> memref<1x4x128xi32, #tpu.memory_space<hbm>>
          %dma_wait3A_1102 = tpu.memref_squeeze %dma_wait3A_1101 : memref<1x4x128xi32, #tpu.memory_space<hbm>> -> memref<4x128xi32, #tpu.memory_space<hbm>>
          tpu.wait_dma2 semaphore(%arg24 : memref<!tpu.dma_semaphore, #tpu.memory_space<semaphore_mem>>) src(%dma_wait3A_1102 : memref<4x128xi32, #tpu.memory_space<hbm>>) dst(%arg11 : memref<4x128xi32, #tpu.memory_space<vmem>>)
          %dma_wait3A_1103 = arith.constant 0 : i32
          %dma_wait3A_1104 = tpu.memref_slice %arg4[%add3A_1096, %dma_wait3A_1103] : memref<25344x128xi32, #tpu.memory_space<hbm>> -> memref<4x128xi32, #tpu.memory_space<hbm>>
          %dma_wait3A_1105 = arith.constant 0 : i32
          %dma_wait3A_1106 = tpu.memref_slice %arg4[%add3A_1096, %dma_wait3A_1105] : memref<25344x128xi32, #tpu.memory_space<hbm>> -> memref<4x128xi32, #tpu.memory_space<hbm>>
          tpu.wait_dma2 semaphore(%arg24 : memref<!tpu.dma_semaphore, #tpu.memory_space<semaphore_mem>>) src(%dma_wait3A_1106 : memref<4x128xi32, #tpu.memory_space<hbm>>) dst(%arg14 : memref<4x128xi32, #tpu.memory_space<vmem>>)
          %dma_start3A_1107 = arith.constant 0 : i32
          %dma_start3A_1108 = arith.constant 0 : i32
          %dma_start3A_1109 = arith.constant 0 : i32
          %dma_start3A_1110 = arith.constant 0 : i32
          %dma_start3A_1111 = tpu.memref_slice %arg15[%dma_start3A_1108, %dma_start3A_1109, %dma_start3A_1110] : memref<4x128x16xf32, #tpu.memory_space<vmem>> -> memref<1x128x16xf32, #tpu.memory_space<vmem>>
          %dma_start3A_1112 = tpu.memref_squeeze %dma_start3A_1111 : memref<1x128x16xf32, #tpu.memory_space<vmem>> -> memref<128x16xf32, #tpu.memory_space<vmem>>
          %dma_start3A_1113 = arith.constant 0 : i32
          %dma_start3A_1114 = tpu.memref_slice %arg11[%dma_start3A_1107, %dma_start3A_1113] : memref<4x128xi32, #tpu.memory_space<vmem>> -> memref<1x128xi32, #tpu.memory_space<vmem>>
          %dma_start3A_1115 = tpu.memref_squeeze %dma_start3A_1114 : memref<1x128xi32, #tpu.memory_space<vmem>> -> memref<128xi32, #tpu.memory_space<vmem>>
          %dma_start3A_1116 = arith.constant 0 : i32
          %dma_start3A_1117 = arith.constant 0 : i32
          %dma_start3A_1118 = tpu.memref_slice %arg8[%dma_start3A_1116, %dma_start3A_1117] : memref<401408x16xf32, #tpu.memory_space<hbm>> -> memref<401408x16xf32, #tpu.memory_space<hbm>>
          tpu.enqueue_indirect_dma source(%dma_start3A_1118 : memref<401408x16xf32, #tpu.memory_space<hbm>>) target(%dma_start3A_1112 : memref<128x16xf32, #tpu.memory_space<vmem>>) offsets(%dma_start3A_1115 : memref<128xi32, #tpu.memory_space<vmem>>) semaphore(%arg25 : memref<!tpu.dma_semaphore, #tpu.memory_space<semaphore_mem>>)
          %dma_start3A_1119 = arith.constant 1 : i32
          %dma_start3A_1120 = arith.constant 1 : i32
          %dma_start3A_1121 = arith.constant 0 : i32
          %dma_start3A_1122 = arith.constant 0 : i32
          %dma_start3A_1123 = tpu.memref_slice %arg15[%dma_start3A_1120, %dma_start3A_1121, %dma_start3A_1122] : memref<4x128x16xf32, #tpu.memory_space<vmem>> -> memref<1x128x16xf32, #tpu.memory_space<vmem>>
          %dma_start3A_1124 = tpu.memref_squeeze %dma_start3A_1123 : memref<1x128x16xf32, #tpu.memory_space<vmem>> -> memref<128x16xf32, #tpu.memory_space<vmem>>
          %dma_start3A_1125 = arith.constant 0 : i32
          %dma_start3A_1126 = tpu.memref_slice %arg11[%dma_start3A_1119, %dma_start3A_1125] : memref<4x128xi32, #tpu.memory_space<vmem>> -> memref<1x128xi32, #tpu.memory_space<vmem>>
          %dma_start3A_1127 = tpu.memref_squeeze %dma_start3A_1126 : memref<1x128xi32, #tpu.memory_space<vmem>> -> memref<128xi32, #tpu.memory_space<vmem>>
          %dma_start3A_1128 = arith.constant 0 : i32
          %dma_start3A_1129 = arith.constant 0 : i32
          %dma_start3A_1130 = tpu.memref_slice %arg8[%dma_start3A_1128, %dma_start3A_1129] : memref<401408x16xf32, #tpu.memory_space<hbm>> -> memref<401408x16xf32, #tpu.memory_space<hbm>>
          tpu.enqueue_indirect_dma source(%dma_start3A_1130 : memref<401408x16xf32, #tpu.memory_space<hbm>>) target(%dma_start3A_1124 : memref<128x16xf32, #tpu.memory_space<vmem>>) offsets(%dma_start3A_1127 : memref<128xi32, #tpu.memory_space<vmem>>) semaphore(%arg25 : memref<!tpu.dma_semaphore, #tpu.memory_space<semaphore_mem>>)
          %dma_start3A_1131 = arith.constant 2 : i32
          %dma_start3A_1132 = arith.constant 2 : i32
          %dma_start3A_1133 = arith.constant 0 : i32
          %dma_start3A_1134 = arith.constant 0 : i32
          %dma_start3A_1135 = tpu.memref_slice %arg15[%dma_start3A_1132, %dma_start3A_1133, %dma_start3A_1134] : memref<4x128x16xf32, #tpu.memory_space<vmem>> -> memref<1x128x16xf32, #tpu.memory_space<vmem>>
          %dma_start3A_1136 = tpu.memref_squeeze %dma_start3A_1135 : memref<1x128x16xf32, #tpu.memory_space<vmem>> -> memref<128x16xf32, #tpu.memory_space<vmem>>
          %dma_start3A_1137 = arith.constant 0 : i32
          %dma_start3A_1138 = tpu.memref_slice %arg11[%dma_start3A_1131, %dma_start3A_1137] : memref<4x128xi32, #tpu.memory_space<vmem>> -> memref<1x128xi32, #tpu.memory_space<vmem>>
          %dma_start3A_1139 = tpu.memref_squeeze %dma_start3A_1138 : memref<1x128xi32, #tpu.memory_space<vmem>> -> memref<128xi32, #tpu.memory_space<vmem>>
          %dma_start3A_1140 = arith.constant 0 : i32
          %dma_start3A_1141 = arith.constant 0 : i32
          %dma_start3A_1142 = tpu.memref_slice %arg8[%dma_start3A_1140, %dma_start3A_1141] : memref<401408x16xf32, #tpu.memory_space<hbm>> -> memref<401408x16xf32, #tpu.memory_space<hbm>>
          tpu.enqueue_indirect_dma source(%dma_start3A_1142 : memref<401408x16xf32, #tpu.memory_space<hbm>>) target(%dma_start3A_1136 : memref<128x16xf32, #tpu.memory_space<vmem>>) offsets(%dma_start3A_1139 : memref<128xi32, #tpu.memory_space<vmem>>) semaphore(%arg25 : memref<!tpu.dma_semaphore, #tpu.memory_space<semaphore_mem>>)
          %dma_start3A_1143 = arith.constant 3 : i32
          %dma_start3A_1144 = arith.constant 3 : i32
          %dma_start3A_1145 = arith.constant 0 : i32
          %dma_start3A_1146 = arith.constant 0 : i32
          %dma_start3A_1147 = tpu.memref_slice %arg15[%dma_start3A_1144, %dma_start3A_1145, %dma_start3A_1146] : memref<4x128x16xf32, #tpu.memory_space<vmem>> -> memref<1x128x16xf32, #tpu.memory_space<vmem>>
          %dma_start3A_1148 = tpu.memref_squeeze %dma_start3A_1147 : memref<1x128x16xf32, #tpu.memory_space<vmem>> -> memref<128x16xf32, #tpu.memory_space<vmem>>
          %dma_start3A_1149 = arith.constant 0 : i32
          %dma_start3A_1150 = tpu.memref_slice %arg11[%dma_start3A_1143, %dma_start3A_1149] : memref<4x128xi32, #tpu.memory_space<vmem>> -> memref<1x128xi32, #tpu.memory_space<vmem>>
          %dma_start3A_1151 = tpu.memref_squeeze %dma_start3A_1150 : memref<1x128xi32, #tpu.memory_space<vmem>> -> memref<128xi32, #tpu.memory_space<vmem>>
          %dma_start3A_1152 = arith.constant 0 : i32
          %dma_start3A_1153 = arith.constant 0 : i32
          %dma_start3A_1154 = tpu.memref_slice %arg8[%dma_start3A_1152, %dma_start3A_1153] : memref<401408x16xf32, #tpu.memory_space<hbm>> -> memref<401408x16xf32, #tpu.memory_space<hbm>>
          tpu.enqueue_indirect_dma source(%dma_start3A_1154 : memref<401408x16xf32, #tpu.memory_space<hbm>>) target(%dma_start3A_1148 : memref<128x16xf32, #tpu.memory_space<vmem>>) offsets(%dma_start3A_1151 : memref<128xi32, #tpu.memory_space<vmem>>) semaphore(%arg25 : memref<!tpu.dma_semaphore, #tpu.memory_space<semaphore_mem>>)
        } else {
        }
        %add3A_445 = arith.constant 2 : i32
        %add3A_446 = arith.addi %add3A_293, %add3A_445 : i32
        %lt3A_447 = arith.constant 396 : i32
        %lt3A_448 = arith.cmpi slt, %add3A_446, %lt3A_447 : i32
        %convert_element_type3A_449 = arith.extui %lt3A_448 : i1 to i32
        %cond3A_450 = arith.constant 0 : i32
        %cond3A_451 = arith.cmpi ne, %convert_element_type3A_449, %cond3A_450 : i32
        scf.if %cond3A_451 {
          %add3A_1092 = arith.constant 2 : i32
          %add3A_1093 = arith.addi %add3A_293, %add3A_1092 : i32
          %mul3A_1094 = arith.constant 4 : i32
          %mul3A_1095 = arith.muli %add3A_1093, %mul3A_1094 : i32
          %add3A_1096 = arith.addi %mul3A_2, %mul3A_1095 : i32
          %dma_start3A_1097 = arith.constant 0 : i32
          %dma_start3A_1098 = tpu.memref_slice %arg3[%add3A, %add3A_1096, %dma_start3A_1097] : memref<4x25344x128xi32, #tpu.memory_space<hbm>> -> memref<1x4x128xi32, #tpu.memory_space<hbm>>
          %dma_start3A_1099 = tpu.memref_squeeze %dma_start3A_1098 : memref<1x4x128xi32, #tpu.memory_space<hbm>> -> memref<4x128xi32, #tpu.memory_space<hbm>>
          %dma_start3A_1100 = arith.constant 0 : i32
          %dma_start3A_1101 = tpu.memref_slice %arg3[%add3A, %add3A_1096, %dma_start3A_1100] : memref<4x25344x128xi32, #tpu.memory_space<hbm>> -> memref<1x4x128xi32, #tpu.memory_space<hbm>>
          %dma_start3A_1102 = tpu.memref_squeeze %dma_start3A_1101 : memref<1x4x128xi32, #tpu.memory_space<hbm>> -> memref<4x128xi32, #tpu.memory_space<hbm>>
          tpu.enqueue_dma source(%dma_start3A_1102 : memref<4x128xi32, #tpu.memory_space<hbm>>) target(%arg9 : memref<4x128xi32, #tpu.memory_space<vmem>>) target_semaphore(%arg22 : memref<!tpu.dma_semaphore, #tpu.memory_space<semaphore_mem>>)
          %dma_start3A_1103 = arith.constant 0 : i32
          %dma_start3A_1104 = tpu.memref_slice %arg4[%add3A_1096, %dma_start3A_1103] : memref<25344x128xi32, #tpu.memory_space<hbm>> -> memref<4x128xi32, #tpu.memory_space<hbm>>
          %dma_start3A_1105 = arith.constant 0 : i32
          %dma_start3A_1106 = tpu.memref_slice %arg4[%add3A_1096, %dma_start3A_1105] : memref<25344x128xi32, #tpu.memory_space<hbm>> -> memref<4x128xi32, #tpu.memory_space<hbm>>
          tpu.enqueue_dma source(%dma_start3A_1106 : memref<4x128xi32, #tpu.memory_space<hbm>>) target(%arg12 : memref<4x128xi32, #tpu.memory_space<vmem>>) target_semaphore(%arg22 : memref<!tpu.dma_semaphore, #tpu.memory_space<semaphore_mem>>)
        } else {
        }
        %add3A_452 = arith.constant 2 : i32
        %add3A_453 = arith.addi %mul3A_178, %add3A_452 : i32
        %dma_wait3A_454 = arith.constant 0 : i32
        %dma_wait3A_455 = arith.constant 0 : i32
        %dma_wait3A_456 = arith.constant 0 : i32
        %dma_wait3A_457 = arith.constant 0 : i32
        %dma_wait3A_458 = tpu.memref_slice %arg15[%dma_wait3A_455, %dma_wait3A_456, %dma_wait3A_457] : memref<4x128x16xf32, #tpu.memory_space<vmem>> -> memref<1x128x16xf32, #tpu.memory_space<vmem>>
        %dma_wait3A_459 = tpu.memref_squeeze %dma_wait3A_458 : memref<1x128x16xf32, #tpu.memory_space<vmem>> -> memref<128x16xf32, #tpu.memory_space<vmem>>
        %dma_wait3A_460 = arith.constant 0 : i32
        %dma_wait3A_461 = tpu.memref_slice %arg11[%dma_wait3A_454, %dma_wait3A_460] : memref<4x128xi32, #tpu.memory_space<vmem>> -> memref<1x128xi32, #tpu.memory_space<vmem>>
        %dma_wait3A_462 = tpu.memref_squeeze %dma_wait3A_461 : memref<1x128xi32, #tpu.memory_space<vmem>> -> memref<128xi32, #tpu.memory_space<vmem>>
        %dma_wait3A_463 = arith.constant 0 : i32
        %dma_wait3A_464 = arith.constant 0 : i32
        %dma_wait3A_465 = tpu.memref_slice %arg8[%dma_wait3A_463, %dma_wait3A_464] : memref<401408x16xf32, #tpu.memory_space<hbm>> -> memref<401408x16xf32, #tpu.memory_space<hbm>>
        tpu.wait_indirect_dma semaphore(%arg25 : memref<!tpu.dma_semaphore, #tpu.memory_space<semaphore_mem>>) src(%dma_wait3A_465 : memref<401408x16xf32, #tpu.memory_space<hbm>>) dst(%dma_wait3A_459 : memref<128x16xf32, #tpu.memory_space<vmem>>)
        %dma_wait3A_466 = arith.constant 1 : i32
        %dma_wait3A_467 = arith.constant 1 : i32
        %dma_wait3A_468 = arith.constant 0 : i32
        %dma_wait3A_469 = arith.constant 0 : i32
        %dma_wait3A_470 = tpu.memref_slice %arg15[%dma_wait3A_467, %dma_wait3A_468, %dma_wait3A_469] : memref<4x128x16xf32, #tpu.memory_space<vmem>> -> memref<1x128x16xf32, #tpu.memory_space<vmem>>
        %dma_wait3A_471 = tpu.memref_squeeze %dma_wait3A_470 : memref<1x128x16xf32, #tpu.memory_space<vmem>> -> memref<128x16xf32, #tpu.memory_space<vmem>>
        %dma_wait3A_472 = arith.constant 0 : i32
        %dma_wait3A_473 = tpu.memref_slice %arg11[%dma_wait3A_466, %dma_wait3A_472] : memref<4x128xi32, #tpu.memory_space<vmem>> -> memref<1x128xi32, #tpu.memory_space<vmem>>
        %dma_wait3A_474 = tpu.memref_squeeze %dma_wait3A_473 : memref<1x128xi32, #tpu.memory_space<vmem>> -> memref<128xi32, #tpu.memory_space<vmem>>
        %dma_wait3A_475 = arith.constant 0 : i32
        %dma_wait3A_476 = arith.constant 0 : i32
        %dma_wait3A_477 = tpu.memref_slice %arg8[%dma_wait3A_475, %dma_wait3A_476] : memref<401408x16xf32, #tpu.memory_space<hbm>> -> memref<401408x16xf32, #tpu.memory_space<hbm>>
        tpu.wait_indirect_dma semaphore(%arg25 : memref<!tpu.dma_semaphore, #tpu.memory_space<semaphore_mem>>) src(%dma_wait3A_477 : memref<401408x16xf32, #tpu.memory_space<hbm>>) dst(%dma_wait3A_471 : memref<128x16xf32, #tpu.memory_space<vmem>>)
        %dma_wait3A_478 = arith.constant 2 : i32
        %dma_wait3A_479 = arith.constant 2 : i32
        %dma_wait3A_480 = arith.constant 0 : i32
        %dma_wait3A_481 = arith.constant 0 : i32
        %dma_wait3A_482 = tpu.memref_slice %arg15[%dma_wait3A_479, %dma_wait3A_480, %dma_wait3A_481] : memref<4x128x16xf32, #tpu.memory_space<vmem>> -> memref<1x128x16xf32, #tpu.memory_space<vmem>>
        %dma_wait3A_483 = tpu.memref_squeeze %dma_wait3A_482 : memref<1x128x16xf32, #tpu.memory_space<vmem>> -> memref<128x16xf32, #tpu.memory_space<vmem>>
        %dma_wait3A_484 = arith.constant 0 : i32
        %dma_wait3A_485 = tpu.memref_slice %arg11[%dma_wait3A_478, %dma_wait3A_484] : memref<4x128xi32, #tpu.memory_space<vmem>> -> memref<1x128xi32, #tpu.memory_space<vmem>>
        %dma_wait3A_486 = tpu.memref_squeeze %dma_wait3A_485 : memref<1x128xi32, #tpu.memory_space<vmem>> -> memref<128xi32, #tpu.memory_space<vmem>>
        %dma_wait3A_487 = arith.constant 0 : i32
        %dma_wait3A_488 = arith.constant 0 : i32
        %dma_wait3A_489 = tpu.memref_slice %arg8[%dma_wait3A_487, %dma_wait3A_488] : memref<401408x16xf32, #tpu.memory_space<hbm>> -> memref<401408x16xf32, #tpu.memory_space<hbm>>
        tpu.wait_indirect_dma semaphore(%arg25 : memref<!tpu.dma_semaphore, #tpu.memory_space<semaphore_mem>>) src(%dma_wait3A_489 : memref<401408x16xf32, #tpu.memory_space<hbm>>) dst(%dma_wait3A_483 : memref<128x16xf32, #tpu.memory_space<vmem>>)
        %dma_wait3A_490 = arith.constant 3 : i32
        %dma_wait3A_491 = arith.constant 3 : i32
        %dma_wait3A_492 = arith.constant 0 : i32
        %dma_wait3A_493 = arith.constant 0 : i32
        %dma_wait3A_494 = tpu.memref_slice %arg15[%dma_wait3A_491, %dma_wait3A_492, %dma_wait3A_493] : memref<4x128x16xf32, #tpu.memory_space<vmem>> -> memref<1x128x16xf32, #tpu.memory_space<vmem>>
        %dma_wait3A_495 = tpu.memref_squeeze %dma_wait3A_494 : memref<1x128x16xf32, #tpu.memory_space<vmem>> -> memref<128x16xf32, #tpu.memory_space<vmem>>
        %dma_wait3A_496 = arith.constant 0 : i32
        %dma_wait3A_497 = tpu.memref_slice %arg11[%dma_wait3A_490, %dma_wait3A_496] : memref<4x128xi32, #tpu.memory_space<vmem>> -> memref<1x128xi32, #tpu.memory_space<vmem>>
        %dma_wait3A_498 = tpu.memref_squeeze %dma_wait3A_497 : memref<1x128xi32, #tpu.memory_space<vmem>> -> memref<128xi32, #tpu.memory_space<vmem>>
        %dma_wait3A_499 = arith.constant 0 : i32
        %dma_wait3A_500 = arith.constant 0 : i32
        %dma_wait3A_501 = tpu.memref_slice %arg8[%dma_wait3A_499, %dma_wait3A_500] : memref<401408x16xf32, #tpu.memory_space<hbm>> -> memref<401408x16xf32, #tpu.memory_space<hbm>>
        tpu.wait_indirect_dma semaphore(%arg25 : memref<!tpu.dma_semaphore, #tpu.memory_space<semaphore_mem>>) src(%dma_wait3A_501 : memref<401408x16xf32, #tpu.memory_space<hbm>>) dst(%dma_wait3A_495 : memref<128x16xf32, #tpu.memory_space<vmem>>)
        %dma_start3A_502 = arith.constant 0 : i32
        %dma_start3A_503 = arith.constant 0 : i32
        %dma_start3A_504 = arith.constant 0 : i32
        %dma_start3A_505 = arith.constant 0 : i32
        %dma_start3A_506 = tpu.memref_slice %arg15[%dma_start3A_502, %dma_start3A_504, %dma_start3A_505] : memref<4x128x16xf32, #tpu.memory_space<vmem>> -> memref<1x128x16xf32, #tpu.memory_space<vmem>>
        %dma_start3A_507 = tpu.memref_squeeze %dma_start3A_506 : memref<1x128x16xf32, #tpu.memory_space<vmem>> -> memref<128x16xf32, #tpu.memory_space<vmem>>
        %dma_start3A_508 = arith.constant 0 : i32
        %dma_start3A_509 = tpu.memref_slice %arg14[%dma_start3A_503, %dma_start3A_508] : memref<4x128xi32, #tpu.memory_space<vmem>> -> memref<1x128xi32, #tpu.memory_space<vmem>>
        %dma_start3A_510 = tpu.memref_squeeze %dma_start3A_509 : memref<1x128xi32, #tpu.memory_space<vmem>> -> memref<128xi32, #tpu.memory_space<vmem>>
        %dma_start3A_511 = arith.constant 0 : i32
        %dma_start3A_512 = arith.constant 0 : i32
        %dma_start3A_513 = tpu.memref_slice %arg21[%dma_start3A_511, %dma_start3A_512] : memref<100352x16xf32, #tpu.memory_space<vmem_shared>> -> memref<100352x16xf32, #tpu.memory_space<vmem_shared>>
        tpu.enqueue_indirect_dma source(%dma_start3A_507 : memref<128x16xf32, #tpu.memory_space<vmem>>) target(%dma_start3A_513 : memref<100352x16xf32, #tpu.memory_space<vmem_shared>>) offsets(%dma_start3A_510 : memref<128xi32, #tpu.memory_space<vmem>>) semaphore(%arg27 : memref<!tpu.dma_semaphore, #tpu.memory_space<semaphore_mem>>) {add = true}
        %dma_start3A_514 = arith.constant 1 : i32
        %dma_start3A_515 = arith.constant 1 : i32
        %dma_start3A_516 = arith.constant 0 : i32
        %dma_start3A_517 = arith.constant 0 : i32
        %dma_start3A_518 = tpu.memref_slice %arg15[%dma_start3A_514, %dma_start3A_516, %dma_start3A_517] : memref<4x128x16xf32, #tpu.memory_space<vmem>> -> memref<1x128x16xf32, #tpu.memory_space<vmem>>
        %dma_start3A_519 = tpu.memref_squeeze %dma_start3A_518 : memref<1x128x16xf32, #tpu.memory_space<vmem>> -> memref<128x16xf32, #tpu.memory_space<vmem>>
        %dma_start3A_520 = arith.constant 0 : i32
        %dma_start3A_521 = tpu.memref_slice %arg14[%dma_start3A_515, %dma_start3A_520] : memref<4x128xi32, #tpu.memory_space<vmem>> -> memref<1x128xi32, #tpu.memory_space<vmem>>
        %dma_start3A_522 = tpu.memref_squeeze %dma_start3A_521 : memref<1x128xi32, #tpu.memory_space<vmem>> -> memref<128xi32, #tpu.memory_space<vmem>>
        %dma_start3A_523 = arith.constant 0 : i32
        %dma_start3A_524 = arith.constant 0 : i32
        %dma_start3A_525 = tpu.memref_slice %arg21[%dma_start3A_523, %dma_start3A_524] : memref<100352x16xf32, #tpu.memory_space<vmem_shared>> -> memref<100352x16xf32, #tpu.memory_space<vmem_shared>>
        tpu.enqueue_indirect_dma source(%dma_start3A_519 : memref<128x16xf32, #tpu.memory_space<vmem>>) target(%dma_start3A_525 : memref<100352x16xf32, #tpu.memory_space<vmem_shared>>) offsets(%dma_start3A_522 : memref<128xi32, #tpu.memory_space<vmem>>) semaphore(%arg27 : memref<!tpu.dma_semaphore, #tpu.memory_space<semaphore_mem>>) {add = true}
        %dma_start3A_526 = arith.constant 2 : i32
        %dma_start3A_527 = arith.constant 2 : i32
        %dma_start3A_528 = arith.constant 0 : i32
        %dma_start3A_529 = arith.constant 0 : i32
        %dma_start3A_530 = tpu.memref_slice %arg15[%dma_start3A_526, %dma_start3A_528, %dma_start3A_529] : memref<4x128x16xf32, #tpu.memory_space<vmem>> -> memref<1x128x16xf32, #tpu.memory_space<vmem>>
        %dma_start3A_531 = tpu.memref_squeeze %dma_start3A_530 : memref<1x128x16xf32, #tpu.memory_space<vmem>> -> memref<128x16xf32, #tpu.memory_space<vmem>>
        %dma_start3A_532 = arith.constant 0 : i32
        %dma_start3A_533 = tpu.memref_slice %arg14[%dma_start3A_527, %dma_start3A_532] : memref<4x128xi32, #tpu.memory_space<vmem>> -> memref<1x128xi32, #tpu.memory_space<vmem>>
        %dma_start3A_534 = tpu.memref_squeeze %dma_start3A_533 : memref<1x128xi32, #tpu.memory_space<vmem>> -> memref<128xi32, #tpu.memory_space<vmem>>
        %dma_start3A_535 = arith.constant 0 : i32
        %dma_start3A_536 = arith.constant 0 : i32
        %dma_start3A_537 = tpu.memref_slice %arg21[%dma_start3A_535, %dma_start3A_536] : memref<100352x16xf32, #tpu.memory_space<vmem_shared>> -> memref<100352x16xf32, #tpu.memory_space<vmem_shared>>
        tpu.enqueue_indirect_dma source(%dma_start3A_531 : memref<128x16xf32, #tpu.memory_space<vmem>>) target(%dma_start3A_537 : memref<100352x16xf32, #tpu.memory_space<vmem_shared>>) offsets(%dma_start3A_534 : memref<128xi32, #tpu.memory_space<vmem>>) semaphore(%arg27 : memref<!tpu.dma_semaphore, #tpu.memory_space<semaphore_mem>>) {add = true}
        %dma_start3A_538 = arith.constant 3 : i32
        %dma_start3A_539 = arith.constant 3 : i32
        %dma_start3A_540 = arith.constant 0 : i32
        %dma_start3A_541 = arith.constant 0 : i32
        %dma_start3A_542 = tpu.memref_slice %arg15[%dma_start3A_538, %dma_start3A_540, %dma_start3A_541] : memref<4x128x16xf32, #tpu.memory_space<vmem>> -> memref<1x128x16xf32, #tpu.memory_space<vmem>>
        %dma_start3A_543 = tpu.memref_squeeze %dma_start3A_542 : memref<1x128x16xf32, #tpu.memory_space<vmem>> -> memref<128x16xf32, #tpu.memory_space<vmem>>
        %dma_start3A_544 = arith.constant 0 : i32
        %dma_start3A_545 = tpu.memref_slice %arg14[%dma_start3A_539, %dma_start3A_544] : memref<4x128xi32, #tpu.memory_space<vmem>> -> memref<1x128xi32, #tpu.memory_space<vmem>>
        %dma_start3A_546 = tpu.memref_squeeze %dma_start3A_545 : memref<1x128xi32, #tpu.memory_space<vmem>> -> memref<128xi32, #tpu.memory_space<vmem>>
        %dma_start3A_547 = arith.constant 0 : i32
        %dma_start3A_548 = arith.constant 0 : i32
        %dma_start3A_549 = tpu.memref_slice %arg21[%dma_start3A_547, %dma_start3A_548] : memref<100352x16xf32, #tpu.memory_space<vmem_shared>> -> memref<100352x16xf32, #tpu.memory_space<vmem_shared>>
        tpu.enqueue_indirect_dma source(%dma_start3A_543 : memref<128x16xf32, #tpu.memory_space<vmem>>) target(%dma_start3A_549 : memref<100352x16xf32, #tpu.memory_space<vmem_shared>>) offsets(%dma_start3A_546 : memref<128xi32, #tpu.memory_space<vmem>>) semaphore(%arg27 : memref<!tpu.dma_semaphore, #tpu.memory_space<semaphore_mem>>) {add = true}
        %dma_wait3A_550 = arith.constant 0 : i32
        %dma_wait3A_551 = arith.constant 0 : i32
        %dma_wait3A_552 = arith.constant 0 : i32
        %dma_wait3A_553 = arith.constant 0 : i32
        %dma_wait3A_554 = tpu.memref_slice %arg16[%dma_wait3A_550, %dma_wait3A_552, %dma_wait3A_553] : memref<4x128x16xf32, #tpu.memory_space<vmem>> -> memref<1x128x16xf32, #tpu.memory_space<vmem>>
        %dma_wait3A_555 = tpu.memref_squeeze %dma_wait3A_554 : memref<1x128x16xf32, #tpu.memory_space<vmem>> -> memref<128x16xf32, #tpu.memory_space<vmem>>
        %dma_wait3A_556 = arith.constant 0 : i32
        %dma_wait3A_557 = tpu.memref_slice %arg13[%dma_wait3A_551, %dma_wait3A_556] : memref<4x128xi32, #tpu.memory_space<vmem>> -> memref<1x128xi32, #tpu.memory_space<vmem>>
        %dma_wait3A_558 = tpu.memref_squeeze %dma_wait3A_557 : memref<1x128xi32, #tpu.memory_space<vmem>> -> memref<128xi32, #tpu.memory_space<vmem>>
        %dma_wait3A_559 = arith.constant 0 : i32
        %dma_wait3A_560 = arith.constant 0 : i32
        %dma_wait3A_561 = tpu.memref_slice %arg21[%dma_wait3A_559, %dma_wait3A_560] : memref<100352x16xf32, #tpu.memory_space<vmem_shared>> -> memref<100352x16xf32, #tpu.memory_space<vmem_shared>>
        tpu.wait_indirect_dma semaphore(%arg28 : memref<!tpu.dma_semaphore, #tpu.memory_space<semaphore_mem>>) src(%dma_wait3A_555 : memref<128x16xf32, #tpu.memory_space<vmem>>) dst(%dma_wait3A_561 : memref<100352x16xf32, #tpu.memory_space<vmem_shared>>)
        %dma_wait3A_562 = arith.constant 1 : i32
        %dma_wait3A_563 = arith.constant 1 : i32
        %dma_wait3A_564 = arith.constant 0 : i32
        %dma_wait3A_565 = arith.constant 0 : i32
        %dma_wait3A_566 = tpu.memref_slice %arg16[%dma_wait3A_562, %dma_wait3A_564, %dma_wait3A_565] : memref<4x128x16xf32, #tpu.memory_space<vmem>> -> memref<1x128x16xf32, #tpu.memory_space<vmem>>
        %dma_wait3A_567 = tpu.memref_squeeze %dma_wait3A_566 : memref<1x128x16xf32, #tpu.memory_space<vmem>> -> memref<128x16xf32, #tpu.memory_space<vmem>>
        %dma_wait3A_568 = arith.constant 0 : i32
        %dma_wait3A_569 = tpu.memref_slice %arg13[%dma_wait3A_563, %dma_wait3A_568] : memref<4x128xi32, #tpu.memory_space<vmem>> -> memref<1x128xi32, #tpu.memory_space<vmem>>
        %dma_wait3A_570 = tpu.memref_squeeze %dma_wait3A_569 : memref<1x128xi32, #tpu.memory_space<vmem>> -> memref<128xi32, #tpu.memory_space<vmem>>
        %dma_wait3A_571 = arith.constant 0 : i32
        %dma_wait3A_572 = arith.constant 0 : i32
        %dma_wait3A_573 = tpu.memref_slice %arg21[%dma_wait3A_571, %dma_wait3A_572] : memref<100352x16xf32, #tpu.memory_space<vmem_shared>> -> memref<100352x16xf32, #tpu.memory_space<vmem_shared>>
        tpu.wait_indirect_dma semaphore(%arg28 : memref<!tpu.dma_semaphore, #tpu.memory_space<semaphore_mem>>) src(%dma_wait3A_567 : memref<128x16xf32, #tpu.memory_space<vmem>>) dst(%dma_wait3A_573 : memref<100352x16xf32, #tpu.memory_space<vmem_shared>>)
        %dma_wait3A_574 = arith.constant 2 : i32
        %dma_wait3A_575 = arith.constant 2 : i32
        %dma_wait3A_576 = arith.constant 0 : i32
        %dma_wait3A_577 = arith.constant 0 : i32
        %dma_wait3A_578 = tpu.memref_slice %arg16[%dma_wait3A_574, %dma_wait3A_576, %dma_wait3A_577] : memref<4x128x16xf32, #tpu.memory_space<vmem>> -> memref<1x128x16xf32, #tpu.memory_space<vmem>>
        %dma_wait3A_579 = tpu.memref_squeeze %dma_wait3A_578 : memref<1x128x16xf32, #tpu.memory_space<vmem>> -> memref<128x16xf32, #tpu.memory_space<vmem>>
        %dma_wait3A_580 = arith.constant 0 : i32
        %dma_wait3A_581 = tpu.memref_slice %arg13[%dma_wait3A_575, %dma_wait3A_580] : memref<4x128xi32, #tpu.memory_space<vmem>> -> memref<1x128xi32, #tpu.memory_space<vmem>>
        %dma_wait3A_582 = tpu.memref_squeeze %dma_wait3A_581 : memref<1x128xi32, #tpu.memory_space<vmem>> -> memref<128xi32, #tpu.memory_space<vmem>>
        %dma_wait3A_583 = arith.constant 0 : i32
        %dma_wait3A_584 = arith.constant 0 : i32
        %dma_wait3A_585 = tpu.memref_slice %arg21[%dma_wait3A_583, %dma_wait3A_584] : memref<100352x16xf32, #tpu.memory_space<vmem_shared>> -> memref<100352x16xf32, #tpu.memory_space<vmem_shared>>
        tpu.wait_indirect_dma semaphore(%arg28 : memref<!tpu.dma_semaphore, #tpu.memory_space<semaphore_mem>>) src(%dma_wait3A_579 : memref<128x16xf32, #tpu.memory_space<vmem>>) dst(%dma_wait3A_585 : memref<100352x16xf32, #tpu.memory_space<vmem_shared>>)
        %dma_wait3A_586 = arith.constant 3 : i32
        %dma_wait3A_587 = arith.constant 3 : i32
        %dma_wait3A_588 = arith.constant 0 : i32
        %dma_wait3A_589 = arith.constant 0 : i32
        %dma_wait3A_590 = tpu.memref_slice %arg16[%dma_wait3A_586, %dma_wait3A_588, %dma_wait3A_589] : memref<4x128x16xf32, #tpu.memory_space<vmem>> -> memref<1x128x16xf32, #tpu.memory_space<vmem>>
        %dma_wait3A_591 = tpu.memref_squeeze %dma_wait3A_590 : memref<1x128x16xf32, #tpu.memory_space<vmem>> -> memref<128x16xf32, #tpu.memory_space<vmem>>
        %dma_wait3A_592 = arith.constant 0 : i32
        %dma_wait3A_593 = tpu.memref_slice %arg13[%dma_wait3A_587, %dma_wait3A_592] : memref<4x128xi32, #tpu.memory_space<vmem>> -> memref<1x128xi32, #tpu.memory_space<vmem>>
        %dma_wait3A_594 = tpu.memref_squeeze %dma_wait3A_593 : memref<1x128xi32, #tpu.memory_space<vmem>> -> memref<128xi32, #tpu.memory_space<vmem>>
        %dma_wait3A_595 = arith.constant 0 : i32
        %dma_wait3A_596 = arith.constant 0 : i32
        %dma_wait3A_597 = tpu.memref_slice %arg21[%dma_wait3A_595, %dma_wait3A_596] : memref<100352x16xf32, #tpu.memory_space<vmem_shared>> -> memref<100352x16xf32, #tpu.memory_space<vmem_shared>>
        tpu.wait_indirect_dma semaphore(%arg28 : memref<!tpu.dma_semaphore, #tpu.memory_space<semaphore_mem>>) src(%dma_wait3A_591 : memref<128x16xf32, #tpu.memory_space<vmem>>) dst(%dma_wait3A_597 : memref<100352x16xf32, #tpu.memory_space<vmem_shared>>)
        %add3A_598 = arith.constant 1 : i32
        %add3A_599 = arith.addi %add3A_453, %add3A_598 : i32
        %lt3A_600 = arith.constant 396 : i32
        %lt3A_601 = arith.cmpi slt, %add3A_599, %lt3A_600 : i32
        %convert_element_type3A_602 = arith.extui %lt3A_601 : i1 to i32
        %cond3A_603 = arith.constant 0 : i32
        %cond3A_604 = arith.cmpi ne, %convert_element_type3A_602, %cond3A_603 : i32
        scf.if %cond3A_604 {
          %add3A_1092 = arith.constant 1 : i32
          %add3A_1093 = arith.addi %add3A_453, %add3A_1092 : i32
          %mul3A_1094 = arith.constant 4 : i32
          %mul3A_1095 = arith.muli %add3A_1093, %mul3A_1094 : i32
          %add3A_1096 = arith.addi %mul3A_2, %mul3A_1095 : i32
          %dma_wait3A_1097 = arith.constant 0 : i32
          %dma_wait3A_1098 = tpu.memref_slice %arg3[%add3A, %add3A_1096, %dma_wait3A_1097] : memref<4x25344x128xi32, #tpu.memory_space<hbm>> -> memref<1x4x128xi32, #tpu.memory_space<hbm>>
          %dma_wait3A_1099 = tpu.memref_squeeze %dma_wait3A_1098 : memref<1x4x128xi32, #tpu.memory_space<hbm>> -> memref<4x128xi32, #tpu.memory_space<hbm>>
          %dma_wait3A_1100 = arith.constant 0 : i32
          %dma_wait3A_1101 = tpu.memref_slice %arg3[%add3A, %add3A_1096, %dma_wait3A_1100] : memref<4x25344x128xi32, #tpu.memory_space<hbm>> -> memref<1x4x128xi32, #tpu.memory_space<hbm>>
          %dma_wait3A_1102 = tpu.memref_squeeze %dma_wait3A_1101 : memref<1x4x128xi32, #tpu.memory_space<hbm>> -> memref<4x128xi32, #tpu.memory_space<hbm>>
          tpu.wait_dma2 semaphore(%arg22 : memref<!tpu.dma_semaphore, #tpu.memory_space<semaphore_mem>>) src(%dma_wait3A_1102 : memref<4x128xi32, #tpu.memory_space<hbm>>) dst(%arg9 : memref<4x128xi32, #tpu.memory_space<vmem>>)
          %dma_wait3A_1103 = arith.constant 0 : i32
          %dma_wait3A_1104 = tpu.memref_slice %arg4[%add3A_1096, %dma_wait3A_1103] : memref<25344x128xi32, #tpu.memory_space<hbm>> -> memref<4x128xi32, #tpu.memory_space<hbm>>
          %dma_wait3A_1105 = arith.constant 0 : i32
          %dma_wait3A_1106 = tpu.memref_slice %arg4[%add3A_1096, %dma_wait3A_1105] : memref<25344x128xi32, #tpu.memory_space<hbm>> -> memref<4x128xi32, #tpu.memory_space<hbm>>
          tpu.wait_dma2 semaphore(%arg22 : memref<!tpu.dma_semaphore, #tpu.memory_space<semaphore_mem>>) src(%dma_wait3A_1106 : memref<4x128xi32, #tpu.memory_space<hbm>>) dst(%arg12 : memref<4x128xi32, #tpu.memory_space<vmem>>)
          %dma_start3A_1107 = arith.constant 0 : i32
          %dma_start3A_1108 = arith.constant 0 : i32
          %dma_start3A_1109 = arith.constant 0 : i32
          %dma_start3A_1110 = arith.constant 0 : i32
          %dma_start3A_1111 = tpu.memref_slice %arg16[%dma_start3A_1108, %dma_start3A_1109, %dma_start3A_1110] : memref<4x128x16xf32, #tpu.memory_space<vmem>> -> memref<1x128x16xf32, #tpu.memory_space<vmem>>
          %dma_start3A_1112 = tpu.memref_squeeze %dma_start3A_1111 : memref<1x128x16xf32, #tpu.memory_space<vmem>> -> memref<128x16xf32, #tpu.memory_space<vmem>>
          %dma_start3A_1113 = arith.constant 0 : i32
          %dma_start3A_1114 = tpu.memref_slice %arg9[%dma_start3A_1107, %dma_start3A_1113] : memref<4x128xi32, #tpu.memory_space<vmem>> -> memref<1x128xi32, #tpu.memory_space<vmem>>
          %dma_start3A_1115 = tpu.memref_squeeze %dma_start3A_1114 : memref<1x128xi32, #tpu.memory_space<vmem>> -> memref<128xi32, #tpu.memory_space<vmem>>
          %dma_start3A_1116 = arith.constant 0 : i32
          %dma_start3A_1117 = arith.constant 0 : i32
          %dma_start3A_1118 = tpu.memref_slice %arg8[%dma_start3A_1116, %dma_start3A_1117] : memref<401408x16xf32, #tpu.memory_space<hbm>> -> memref<401408x16xf32, #tpu.memory_space<hbm>>
          tpu.enqueue_indirect_dma source(%dma_start3A_1118 : memref<401408x16xf32, #tpu.memory_space<hbm>>) target(%dma_start3A_1112 : memref<128x16xf32, #tpu.memory_space<vmem>>) offsets(%dma_start3A_1115 : memref<128xi32, #tpu.memory_space<vmem>>) semaphore(%arg26 : memref<!tpu.dma_semaphore, #tpu.memory_space<semaphore_mem>>)
          %dma_start3A_1119 = arith.constant 1 : i32
          %dma_start3A_1120 = arith.constant 1 : i32
          %dma_start3A_1121 = arith.constant 0 : i32
          %dma_start3A_1122 = arith.constant 0 : i32
          %dma_start3A_1123 = tpu.memref_slice %arg16[%dma_start3A_1120, %dma_start3A_1121, %dma_start3A_1122] : memref<4x128x16xf32, #tpu.memory_space<vmem>> -> memref<1x128x16xf32, #tpu.memory_space<vmem>>
          %dma_start3A_1124 = tpu.memref_squeeze %dma_start3A_1123 : memref<1x128x16xf32, #tpu.memory_space<vmem>> -> memref<128x16xf32, #tpu.memory_space<vmem>>
          %dma_start3A_1125 = arith.constant 0 : i32
          %dma_start3A_1126 = tpu.memref_slice %arg9[%dma_start3A_1119, %dma_start3A_1125] : memref<4x128xi32, #tpu.memory_space<vmem>> -> memref<1x128xi32, #tpu.memory_space<vmem>>
          %dma_start3A_1127 = tpu.memref_squeeze %dma_start3A_1126 : memref<1x128xi32, #tpu.memory_space<vmem>> -> memref<128xi32, #tpu.memory_space<vmem>>
          %dma_start3A_1128 = arith.constant 0 : i32
          %dma_start3A_1129 = arith.constant 0 : i32
          %dma_start3A_1130 = tpu.memref_slice %arg8[%dma_start3A_1128, %dma_start3A_1129] : memref<401408x16xf32, #tpu.memory_space<hbm>> -> memref<401408x16xf32, #tpu.memory_space<hbm>>
          tpu.enqueue_indirect_dma source(%dma_start3A_1130 : memref<401408x16xf32, #tpu.memory_space<hbm>>) target(%dma_start3A_1124 : memref<128x16xf32, #tpu.memory_space<vmem>>) offsets(%dma_start3A_1127 : memref<128xi32, #tpu.memory_space<vmem>>) semaphore(%arg26 : memref<!tpu.dma_semaphore, #tpu.memory_space<semaphore_mem>>)
          %dma_start3A_1131 = arith.constant 2 : i32
          %dma_start3A_1132 = arith.constant 2 : i32
          %dma_start3A_1133 = arith.constant 0 : i32
          %dma_start3A_1134 = arith.constant 0 : i32
          %dma_start3A_1135 = tpu.memref_slice %arg16[%dma_start3A_1132, %dma_start3A_1133, %dma_start3A_1134] : memref<4x128x16xf32, #tpu.memory_space<vmem>> -> memref<1x128x16xf32, #tpu.memory_space<vmem>>
          %dma_start3A_1136 = tpu.memref_squeeze %dma_start3A_1135 : memref<1x128x16xf32, #tpu.memory_space<vmem>> -> memref<128x16xf32, #tpu.memory_space<vmem>>
          %dma_start3A_1137 = arith.constant 0 : i32
          %dma_start3A_1138 = tpu.memref_slice %arg9[%dma_start3A_1131, %dma_start3A_1137] : memref<4x128xi32, #tpu.memory_space<vmem>> -> memref<1x128xi32, #tpu.memory_space<vmem>>
          %dma_start3A_1139 = tpu.memref_squeeze %dma_start3A_1138 : memref<1x128xi32, #tpu.memory_space<vmem>> -> memref<128xi32, #tpu.memory_space<vmem>>
          %dma_start3A_1140 = arith.constant 0 : i32
          %dma_start3A_1141 = arith.constant 0 : i32
          %dma_start3A_1142 = tpu.memref_slice %arg8[%dma_start3A_1140, %dma_start3A_1141] : memref<401408x16xf32, #tpu.memory_space<hbm>> -> memref<401408x16xf32, #tpu.memory_space<hbm>>
          tpu.enqueue_indirect_dma source(%dma_start3A_1142 : memref<401408x16xf32, #tpu.memory_space<hbm>>) target(%dma_start3A_1136 : memref<128x16xf32, #tpu.memory_space<vmem>>) offsets(%dma_start3A_1139 : memref<128xi32, #tpu.memory_space<vmem>>) semaphore(%arg26 : memref<!tpu.dma_semaphore, #tpu.memory_space<semaphore_mem>>)
          %dma_start3A_1143 = arith.constant 3 : i32
          %dma_start3A_1144 = arith.constant 3 : i32
          %dma_start3A_1145 = arith.constant 0 : i32
          %dma_start3A_1146 = arith.constant 0 : i32
          %dma_start3A_1147 = tpu.memref_slice %arg16[%dma_start3A_1144, %dma_start3A_1145, %dma_start3A_1146] : memref<4x128x16xf32, #tpu.memory_space<vmem>> -> memref<1x128x16xf32, #tpu.memory_space<vmem>>
          %dma_start3A_1148 = tpu.memref_squeeze %dma_start3A_1147 : memref<1x128x16xf32, #tpu.memory_space<vmem>> -> memref<128x16xf32, #tpu.memory_space<vmem>>
          %dma_start3A_1149 = arith.constant 0 : i32
          %dma_start3A_1150 = tpu.memref_slice %arg9[%dma_start3A_1143, %dma_start3A_1149] : memref<4x128xi32, #tpu.memory_space<vmem>> -> memref<1x128xi32, #tpu.memory_space<vmem>>
          %dma_start3A_1151 = tpu.memref_squeeze %dma_start3A_1150 : memref<1x128xi32, #tpu.memory_space<vmem>> -> memref<128xi32, #tpu.memory_space<vmem>>
          %dma_start3A_1152 = arith.constant 0 : i32
          %dma_start3A_1153 = arith.constant 0 : i32
          %dma_start3A_1154 = tpu.memref_slice %arg8[%dma_start3A_1152, %dma_start3A_1153] : memref<401408x16xf32, #tpu.memory_space<hbm>> -> memref<401408x16xf32, #tpu.memory_space<hbm>>
          tpu.enqueue_indirect_dma source(%dma_start3A_1154 : memref<401408x16xf32, #tpu.memory_space<hbm>>) target(%dma_start3A_1148 : memref<128x16xf32, #tpu.memory_space<vmem>>) offsets(%dma_start3A_1151 : memref<128xi32, #tpu.memory_space<vmem>>) semaphore(%arg26 : memref<!tpu.dma_semaphore, #tpu.memory_space<semaphore_mem>>)
        } else {
        }
        %add3A_605 = arith.constant 2 : i32
        %add3A_606 = arith.addi %add3A_453, %add3A_605 : i32
        %lt3A_607 = arith.constant 396 : i32
        %lt3A_608 = arith.cmpi slt, %add3A_606, %lt3A_607 : i32
        %convert_element_type3A_609 = arith.extui %lt3A_608 : i1 to i32
        %cond3A_610 = arith.constant 0 : i32
        %cond3A_611 = arith.cmpi ne, %convert_element_type3A_609, %cond3A_610 : i32
        scf.if %cond3A_611 {
          %add3A_1092 = arith.constant 2 : i32
          %add3A_1093 = arith.addi %add3A_453, %add3A_1092 : i32
          %mul3A_1094 = arith.constant 4 : i32
          %mul3A_1095 = arith.muli %add3A_1093, %mul3A_1094 : i32
          %add3A_1096 = arith.addi %mul3A_2, %mul3A_1095 : i32
          %dma_start3A_1097 = arith.constant 0 : i32
          %dma_start3A_1098 = tpu.memref_slice %arg3[%add3A, %add3A_1096, %dma_start3A_1097] : memref<4x25344x128xi32, #tpu.memory_space<hbm>> -> memref<1x4x128xi32, #tpu.memory_space<hbm>>
          %dma_start3A_1099 = tpu.memref_squeeze %dma_start3A_1098 : memref<1x4x128xi32, #tpu.memory_space<hbm>> -> memref<4x128xi32, #tpu.memory_space<hbm>>
          %dma_start3A_1100 = arith.constant 0 : i32
          %dma_start3A_1101 = tpu.memref_slice %arg3[%add3A, %add3A_1096, %dma_start3A_1100] : memref<4x25344x128xi32, #tpu.memory_space<hbm>> -> memref<1x4x128xi32, #tpu.memory_space<hbm>>
          %dma_start3A_1102 = tpu.memref_squeeze %dma_start3A_1101 : memref<1x4x128xi32, #tpu.memory_space<hbm>> -> memref<4x128xi32, #tpu.memory_space<hbm>>
          tpu.enqueue_dma source(%dma_start3A_1102 : memref<4x128xi32, #tpu.memory_space<hbm>>) target(%arg10 : memref<4x128xi32, #tpu.memory_space<vmem>>) target_semaphore(%arg23 : memref<!tpu.dma_semaphore, #tpu.memory_space<semaphore_mem>>)
          %dma_start3A_1103 = arith.constant 0 : i32
          %dma_start3A_1104 = tpu.memref_slice %arg4[%add3A_1096, %dma_start3A_1103] : memref<25344x128xi32, #tpu.memory_space<hbm>> -> memref<4x128xi32, #tpu.memory_space<hbm>>
          %dma_start3A_1105 = arith.constant 0 : i32
          %dma_start3A_1106 = tpu.memref_slice %arg4[%add3A_1096, %dma_start3A_1105] : memref<25344x128xi32, #tpu.memory_space<hbm>> -> memref<4x128xi32, #tpu.memory_space<hbm>>
          tpu.enqueue_dma source(%dma_start3A_1106 : memref<4x128xi32, #tpu.memory_space<hbm>>) target(%arg13 : memref<4x128xi32, #tpu.memory_space<vmem>>) target_semaphore(%arg23 : memref<!tpu.dma_semaphore, #tpu.memory_space<semaphore_mem>>)
        } else {
        }
        %add3A_612 = arith.constant 3 : i32
        %add3A_613 = arith.addi %mul3A_178, %add3A_612 : i32
        %dma_wait3A_614 = arith.constant 0 : i32
        %dma_wait3A_615 = arith.constant 0 : i32
        %dma_wait3A_616 = arith.constant 0 : i32
        %dma_wait3A_617 = arith.constant 0 : i32
        %dma_wait3A_618 = tpu.memref_slice %arg16[%dma_wait3A_615, %dma_wait3A_616, %dma_wait3A_617] : memref<4x128x16xf32, #tpu.memory_space<vmem>> -> memref<1x128x16xf32, #tpu.memory_space<vmem>>
        %dma_wait3A_619 = tpu.memref_squeeze %dma_wait3A_618 : memref<1x128x16xf32, #tpu.memory_space<vmem>> -> memref<128x16xf32, #tpu.memory_space<vmem>>
        %dma_wait3A_620 = arith.constant 0 : i32
        %dma_wait3A_621 = tpu.memref_slice %arg9[%dma_wait3A_614, %dma_wait3A_620] : memref<4x128xi32, #tpu.memory_space<vmem>> -> memref<1x128xi32, #tpu.memory_space<vmem>>
        %dma_wait3A_622 = tpu.memref_squeeze %dma_wait3A_621 : memref<1x128xi32, #tpu.memory_space<vmem>> -> memref<128xi32, #tpu.memory_space<vmem>>
        %dma_wait3A_623 = arith.constant 0 : i32
        %dma_wait3A_624 = arith.constant 0 : i32
        %dma_wait3A_625 = tpu.memref_slice %arg8[%dma_wait3A_623, %dma_wait3A_624] : memref<401408x16xf32, #tpu.memory_space<hbm>> -> memref<401408x16xf32, #tpu.memory_space<hbm>>
        tpu.wait_indirect_dma semaphore(%arg26 : memref<!tpu.dma_semaphore, #tpu.memory_space<semaphore_mem>>) src(%dma_wait3A_625 : memref<401408x16xf32, #tpu.memory_space<hbm>>) dst(%dma_wait3A_619 : memref<128x16xf32, #tpu.memory_space<vmem>>)
        %dma_wait3A_626 = arith.constant 1 : i32
        %dma_wait3A_627 = arith.constant 1 : i32
        %dma_wait3A_628 = arith.constant 0 : i32
        %dma_wait3A_629 = arith.constant 0 : i32
        %dma_wait3A_630 = tpu.memref_slice %arg16[%dma_wait3A_627, %dma_wait3A_628, %dma_wait3A_629] : memref<4x128x16xf32, #tpu.memory_space<vmem>> -> memref<1x128x16xf32, #tpu.memory_space<vmem>>
        %dma_wait3A_631 = tpu.memref_squeeze %dma_wait3A_630 : memref<1x128x16xf32, #tpu.memory_space<vmem>> -> memref<128x16xf32, #tpu.memory_space<vmem>>
        %dma_wait3A_632 = arith.constant 0 : i32
        %dma_wait3A_633 = tpu.memref_slice %arg9[%dma_wait3A_626, %dma_wait3A_632] : memref<4x128xi32, #tpu.memory_space<vmem>> -> memref<1x128xi32, #tpu.memory_space<vmem>>
        %dma_wait3A_634 = tpu.memref_squeeze %dma_wait3A_633 : memref<1x128xi32, #tpu.memory_space<vmem>> -> memref<128xi32, #tpu.memory_space<vmem>>
        %dma_wait3A_635 = arith.constant 0 : i32
        %dma_wait3A_636 = arith.constant 0 : i32
        %dma_wait3A_637 = tpu.memref_slice %arg8[%dma_wait3A_635, %dma_wait3A_636] : memref<401408x16xf32, #tpu.memory_space<hbm>> -> memref<401408x16xf32, #tpu.memory_space<hbm>>
        tpu.wait_indirect_dma semaphore(%arg26 : memref<!tpu.dma_semaphore, #tpu.memory_space<semaphore_mem>>) src(%dma_wait3A_637 : memref<401408x16xf32, #tpu.memory_space<hbm>>) dst(%dma_wait3A_631 : memref<128x16xf32, #tpu.memory_space<vmem>>)
        %dma_wait3A_638 = arith.constant 2 : i32
        %dma_wait3A_639 = arith.constant 2 : i32
        %dma_wait3A_640 = arith.constant 0 : i32
        %dma_wait3A_641 = arith.constant 0 : i32
        %dma_wait3A_642 = tpu.memref_slice %arg16[%dma_wait3A_639, %dma_wait3A_640, %dma_wait3A_641] : memref<4x128x16xf32, #tpu.memory_space<vmem>> -> memref<1x128x16xf32, #tpu.memory_space<vmem>>
        %dma_wait3A_643 = tpu.memref_squeeze %dma_wait3A_642 : memref<1x128x16xf32, #tpu.memory_space<vmem>> -> memref<128x16xf32, #tpu.memory_space<vmem>>
        %dma_wait3A_644 = arith.constant 0 : i32
        %dma_wait3A_645 = tpu.memref_slice %arg9[%dma_wait3A_638, %dma_wait3A_644] : memref<4x128xi32, #tpu.memory_space<vmem>> -> memref<1x128xi32, #tpu.memory_space<vmem>>
        %dma_wait3A_646 = tpu.memref_squeeze %dma_wait3A_645 : memref<1x128xi32, #tpu.memory_space<vmem>> -> memref<128xi32, #tpu.memory_space<vmem>>
        %dma_wait3A_647 = arith.constant 0 : i32
        %dma_wait3A_648 = arith.constant 0 : i32
        %dma_wait3A_649 = tpu.memref_slice %arg8[%dma_wait3A_647, %dma_wait3A_648] : memref<401408x16xf32, #tpu.memory_space<hbm>> -> memref<401408x16xf32, #tpu.memory_space<hbm>>
        tpu.wait_indirect_dma semaphore(%arg26 : memref<!tpu.dma_semaphore, #tpu.memory_space<semaphore_mem>>) src(%dma_wait3A_649 : memref<401408x16xf32, #tpu.memory_space<hbm>>) dst(%dma_wait3A_643 : memref<128x16xf32, #tpu.memory_space<vmem>>)
        %dma_wait3A_650 = arith.constant 3 : i32
        %dma_wait3A_651 = arith.constant 3 : i32
        %dma_wait3A_652 = arith.constant 0 : i32
        %dma_wait3A_653 = arith.constant 0 : i32
        %dma_wait3A_654 = tpu.memref_slice %arg16[%dma_wait3A_651, %dma_wait3A_652, %dma_wait3A_653] : memref<4x128x16xf32, #tpu.memory_space<vmem>> -> memref<1x128x16xf32, #tpu.memory_space<vmem>>
        %dma_wait3A_655 = tpu.memref_squeeze %dma_wait3A_654 : memref<1x128x16xf32, #tpu.memory_space<vmem>> -> memref<128x16xf32, #tpu.memory_space<vmem>>
        %dma_wait3A_656 = arith.constant 0 : i32
        %dma_wait3A_657 = tpu.memref_slice %arg9[%dma_wait3A_650, %dma_wait3A_656] : memref<4x128xi32, #tpu.memory_space<vmem>> -> memref<1x128xi32, #tpu.memory_space<vmem>>
        %dma_wait3A_658 = tpu.memref_squeeze %dma_wait3A_657 : memref<1x128xi32, #tpu.memory_space<vmem>> -> memref<128xi32, #tpu.memory_space<vmem>>
        %dma_wait3A_659 = arith.constant 0 : i32
        %dma_wait3A_660 = arith.constant 0 : i32
        %dma_wait3A_661 = tpu.memref_slice %arg8[%dma_wait3A_659, %dma_wait3A_660] : memref<401408x16xf32, #tpu.memory_space<hbm>> -> memref<401408x16xf32, #tpu.memory_space<hbm>>
        tpu.wait_indirect_dma semaphore(%arg26 : memref<!tpu.dma_semaphore, #tpu.memory_space<semaphore_mem>>) src(%dma_wait3A_661 : memref<401408x16xf32, #tpu.memory_space<hbm>>) dst(%dma_wait3A_655 : memref<128x16xf32, #tpu.memory_space<vmem>>)
        %dma_start3A_662 = arith.constant 0 : i32
        %dma_start3A_663 = arith.constant 0 : i32
        %dma_start3A_664 = arith.constant 0 : i32
        %dma_start3A_665 = arith.constant 0 : i32
        %dma_start3A_666 = tpu.memref_slice %arg16[%dma_start3A_662, %dma_start3A_664, %dma_start3A_665] : memref<4x128x16xf32, #tpu.memory_space<vmem>> -> memref<1x128x16xf32, #tpu.memory_space<vmem>>
        %dma_start3A_667 = tpu.memref_squeeze %dma_start3A_666 : memref<1x128x16xf32, #tpu.memory_space<vmem>> -> memref<128x16xf32, #tpu.memory_space<vmem>>
        %dma_start3A_668 = arith.constant 0 : i32
        %dma_start3A_669 = tpu.memref_slice %arg12[%dma_start3A_663, %dma_start3A_668] : memref<4x128xi32, #tpu.memory_space<vmem>> -> memref<1x128xi32, #tpu.memory_space<vmem>>
        %dma_start3A_670 = tpu.memref_squeeze %dma_start3A_669 : memref<1x128xi32, #tpu.memory_space<vmem>> -> memref<128xi32, #tpu.memory_space<vmem>>
        %dma_start3A_671 = arith.constant 0 : i32
        %dma_start3A_672 = arith.constant 0 : i32
        %dma_start3A_673 = tpu.memref_slice %arg21[%dma_start3A_671, %dma_start3A_672] : memref<100352x16xf32, #tpu.memory_space<vmem_shared>> -> memref<100352x16xf32, #tpu.memory_space<vmem_shared>>
        tpu.enqueue_indirect_dma source(%dma_start3A_667 : memref<128x16xf32, #tpu.memory_space<vmem>>) target(%dma_start3A_673 : memref<100352x16xf32, #tpu.memory_space<vmem_shared>>) offsets(%dma_start3A_670 : memref<128xi32, #tpu.memory_space<vmem>>) semaphore(%arg28 : memref<!tpu.dma_semaphore, #tpu.memory_space<semaphore_mem>>) {add = true}
        %dma_start3A_674 = arith.constant 1 : i32
        %dma_start3A_675 = arith.constant 1 : i32
        %dma_start3A_676 = arith.constant 0 : i32
        %dma_start3A_677 = arith.constant 0 : i32
        %dma_start3A_678 = tpu.memref_slice %arg16[%dma_start3A_674, %dma_start3A_676, %dma_start3A_677] : memref<4x128x16xf32, #tpu.memory_space<vmem>> -> memref<1x128x16xf32, #tpu.memory_space<vmem>>
        %dma_start3A_679 = tpu.memref_squeeze %dma_start3A_678 : memref<1x128x16xf32, #tpu.memory_space<vmem>> -> memref<128x16xf32, #tpu.memory_space<vmem>>
        %dma_start3A_680 = arith.constant 0 : i32
        %dma_start3A_681 = tpu.memref_slice %arg12[%dma_start3A_675, %dma_start3A_680] : memref<4x128xi32, #tpu.memory_space<vmem>> -> memref<1x128xi32, #tpu.memory_space<vmem>>
        %dma_start3A_682 = tpu.memref_squeeze %dma_start3A_681 : memref<1x128xi32, #tpu.memory_space<vmem>> -> memref<128xi32, #tpu.memory_space<vmem>>
        %dma_start3A_683 = arith.constant 0 : i32
        %dma_start3A_684 = arith.constant 0 : i32
        %dma_start3A_685 = tpu.memref_slice %arg21[%dma_start3A_683, %dma_start3A_684] : memref<100352x16xf32, #tpu.memory_space<vmem_shared>> -> memref<100352x16xf32, #tpu.memory_space<vmem_shared>>
        tpu.enqueue_indirect_dma source(%dma_start3A_679 : memref<128x16xf32, #tpu.memory_space<vmem>>) target(%dma_start3A_685 : memref<100352x16xf32, #tpu.memory_space<vmem_shared>>) offsets(%dma_start3A_682 : memref<128xi32, #tpu.memory_space<vmem>>) semaphore(%arg28 : memref<!tpu.dma_semaphore, #tpu.memory_space<semaphore_mem>>) {add = true}
        %dma_start3A_686 = arith.constant 2 : i32
        %dma_start3A_687 = arith.constant 2 : i32
        %dma_start3A_688 = arith.constant 0 : i32
        %dma_start3A_689 = arith.constant 0 : i32
        %dma_start3A_690 = tpu.memref_slice %arg16[%dma_start3A_686, %dma_start3A_688, %dma_start3A_689] : memref<4x128x16xf32, #tpu.memory_space<vmem>> -> memref<1x128x16xf32, #tpu.memory_space<vmem>>
        %dma_start3A_691 = tpu.memref_squeeze %dma_start3A_690 : memref<1x128x16xf32, #tpu.memory_space<vmem>> -> memref<128x16xf32, #tpu.memory_space<vmem>>
        %dma_start3A_692 = arith.constant 0 : i32
        %dma_start3A_693 = tpu.memref_slice %arg12[%dma_start3A_687, %dma_start3A_692] : memref<4x128xi32, #tpu.memory_space<vmem>> -> memref<1x128xi32, #tpu.memory_space<vmem>>
        %dma_start3A_694 = tpu.memref_squeeze %dma_start3A_693 : memref<1x128xi32, #tpu.memory_space<vmem>> -> memref<128xi32, #tpu.memory_space<vmem>>
        %dma_start3A_695 = arith.constant 0 : i32
        %dma_start3A_696 = arith.constant 0 : i32
        %dma_start3A_697 = tpu.memref_slice %arg21[%dma_start3A_695, %dma_start3A_696] : memref<100352x16xf32, #tpu.memory_space<vmem_shared>> -> memref<100352x16xf32, #tpu.memory_space<vmem_shared>>
        tpu.enqueue_indirect_dma source(%dma_start3A_691 : memref<128x16xf32, #tpu.memory_space<vmem>>) target(%dma_start3A_697 : memref<100352x16xf32, #tpu.memory_space<vmem_shared>>) offsets(%dma_start3A_694 : memref<128xi32, #tpu.memory_space<vmem>>) semaphore(%arg28 : memref<!tpu.dma_semaphore, #tpu.memory_space<semaphore_mem>>) {add = true}
        %dma_start3A_698 = arith.constant 3 : i32
        %dma_start3A_699 = arith.constant 3 : i32
        %dma_start3A_700 = arith.constant 0 : i32
        %dma_start3A_701 = arith.constant 0 : i32
        %dma_start3A_702 = tpu.memref_slice %arg16[%dma_start3A_698, %dma_start3A_700, %dma_start3A_701] : memref<4x128x16xf32, #tpu.memory_space<vmem>> -> memref<1x128x16xf32, #tpu.memory_space<vmem>>
        %dma_start3A_703 = tpu.memref_squeeze %dma_start3A_702 : memref<1x128x16xf32, #tpu.memory_space<vmem>> -> memref<128x16xf32, #tpu.memory_space<vmem>>
        %dma_start3A_704 = arith.constant 0 : i32
        %dma_start3A_705 = tpu.memref_slice %arg12[%dma_start3A_699, %dma_start3A_704] : memref<4x128xi32, #tpu.memory_space<vmem>> -> memref<1x128xi32, #tpu.memory_space<vmem>>
        %dma_start3A_706 = tpu.memref_squeeze %dma_start3A_705 : memref<1x128xi32, #tpu.memory_space<vmem>> -> memref<128xi32, #tpu.memory_space<vmem>>
        %dma_start3A_707 = arith.constant 0 : i32
        %dma_start3A_708 = arith.constant 0 : i32
        %dma_start3A_709 = tpu.memref_slice %arg21[%dma_start3A_707, %dma_start3A_708] : memref<100352x16xf32, #tpu.memory_space<vmem_shared>> -> memref<100352x16xf32, #tpu.memory_space<vmem_shared>>
        tpu.enqueue_indirect_dma source(%dma_start3A_703 : memref<128x16xf32, #tpu.memory_space<vmem>>) target(%dma_start3A_709 : memref<100352x16xf32, #tpu.memory_space<vmem_shared>>) offsets(%dma_start3A_706 : memref<128xi32, #tpu.memory_space<vmem>>) semaphore(%arg28 : memref<!tpu.dma_semaphore, #tpu.memory_space<semaphore_mem>>) {add = true}
        %dma_wait3A_710 = arith.constant 0 : i32
        %dma_wait3A_711 = arith.constant 0 : i32
        %dma_wait3A_712 = arith.constant 0 : i32
        %dma_wait3A_713 = arith.constant 0 : i32
        %dma_wait3A_714 = tpu.memref_slice %arg15[%dma_wait3A_710, %dma_wait3A_712, %dma_wait3A_713] : memref<4x128x16xf32, #tpu.memory_space<vmem>> -> memref<1x128x16xf32, #tpu.memory_space<vmem>>
        %dma_wait3A_715 = tpu.memref_squeeze %dma_wait3A_714 : memref<1x128x16xf32, #tpu.memory_space<vmem>> -> memref<128x16xf32, #tpu.memory_space<vmem>>
        %dma_wait3A_716 = arith.constant 0 : i32
        %dma_wait3A_717 = tpu.memref_slice %arg14[%dma_wait3A_711, %dma_wait3A_716] : memref<4x128xi32, #tpu.memory_space<vmem>> -> memref<1x128xi32, #tpu.memory_space<vmem>>
        %dma_wait3A_718 = tpu.memref_squeeze %dma_wait3A_717 : memref<1x128xi32, #tpu.memory_space<vmem>> -> memref<128xi32, #tpu.memory_space<vmem>>
        %dma_wait3A_719 = arith.constant 0 : i32
        %dma_wait3A_720 = arith.constant 0 : i32
        %dma_wait3A_721 = tpu.memref_slice %arg21[%dma_wait3A_719, %dma_wait3A_720] : memref<100352x16xf32, #tpu.memory_space<vmem_shared>> -> memref<100352x16xf32, #tpu.memory_space<vmem_shared>>
        tpu.wait_indirect_dma semaphore(%arg27 : memref<!tpu.dma_semaphore, #tpu.memory_space<semaphore_mem>>) src(%dma_wait3A_715 : memref<128x16xf32, #tpu.memory_space<vmem>>) dst(%dma_wait3A_721 : memref<100352x16xf32, #tpu.memory_space<vmem_shared>>)
        %dma_wait3A_722 = arith.constant 1 : i32
        %dma_wait3A_723 = arith.constant 1 : i32
        %dma_wait3A_724 = arith.constant 0 : i32
        %dma_wait3A_725 = arith.constant 0 : i32
        %dma_wait3A_726 = tpu.memref_slice %arg15[%dma_wait3A_722, %dma_wait3A_724, %dma_wait3A_725] : memref<4x128x16xf32, #tpu.memory_space<vmem>> -> memref<1x128x16xf32, #tpu.memory_space<vmem>>
        %dma_wait3A_727 = tpu.memref_squeeze %dma_wait3A_726 : memref<1x128x16xf32, #tpu.memory_space<vmem>> -> memref<128x16xf32, #tpu.memory_space<vmem>>
        %dma_wait3A_728 = arith.constant 0 : i32
        %dma_wait3A_729 = tpu.memref_slice %arg14[%dma_wait3A_723, %dma_wait3A_728] : memref<4x128xi32, #tpu.memory_space<vmem>> -> memref<1x128xi32, #tpu.memory_space<vmem>>
        %dma_wait3A_730 = tpu.memref_squeeze %dma_wait3A_729 : memref<1x128xi32, #tpu.memory_space<vmem>> -> memref<128xi32, #tpu.memory_space<vmem>>
        %dma_wait3A_731 = arith.constant 0 : i32
        %dma_wait3A_732 = arith.constant 0 : i32
        %dma_wait3A_733 = tpu.memref_slice %arg21[%dma_wait3A_731, %dma_wait3A_732] : memref<100352x16xf32, #tpu.memory_space<vmem_shared>> -> memref<100352x16xf32, #tpu.memory_space<vmem_shared>>
        tpu.wait_indirect_dma semaphore(%arg27 : memref<!tpu.dma_semaphore, #tpu.memory_space<semaphore_mem>>) src(%dma_wait3A_727 : memref<128x16xf32, #tpu.memory_space<vmem>>) dst(%dma_wait3A_733 : memref<100352x16xf32, #tpu.memory_space<vmem_shared>>)
        %dma_wait3A_734 = arith.constant 2 : i32
        %dma_wait3A_735 = arith.constant 2 : i32
        %dma_wait3A_736 = arith.constant 0 : i32
        %dma_wait3A_737 = arith.constant 0 : i32
        %dma_wait3A_738 = tpu.memref_slice %arg15[%dma_wait3A_734, %dma_wait3A_736, %dma_wait3A_737] : memref<4x128x16xf32, #tpu.memory_space<vmem>> -> memref<1x128x16xf32, #tpu.memory_space<vmem>>
        %dma_wait3A_739 = tpu.memref_squeeze %dma_wait3A_738 : memref<1x128x16xf32, #tpu.memory_space<vmem>> -> memref<128x16xf32, #tpu.memory_space<vmem>>
        %dma_wait3A_740 = arith.constant 0 : i32
        %dma_wait3A_741 = tpu.memref_slice %arg14[%dma_wait3A_735, %dma_wait3A_740] : memref<4x128xi32, #tpu.memory_space<vmem>> -> memref<1x128xi32, #tpu.memory_space<vmem>>
        %dma_wait3A_742 = tpu.memref_squeeze %dma_wait3A_741 : memref<1x128xi32, #tpu.memory_space<vmem>> -> memref<128xi32, #tpu.memory_space<vmem>>
        %dma_wait3A_743 = arith.constant 0 : i32
        %dma_wait3A_744 = arith.constant 0 : i32
        %dma_wait3A_745 = tpu.memref_slice %arg21[%dma_wait3A_743, %dma_wait3A_744] : memref<100352x16xf32, #tpu.memory_space<vmem_shared>> -> memref<100352x16xf32, #tpu.memory_space<vmem_shared>>
        tpu.wait_indirect_dma semaphore(%arg27 : memref<!tpu.dma_semaphore, #tpu.memory_space<semaphore_mem>>) src(%dma_wait3A_739 : memref<128x16xf32, #tpu.memory_space<vmem>>) dst(%dma_wait3A_745 : memref<100352x16xf32, #tpu.memory_space<vmem_shared>>)
        %dma_wait3A_746 = arith.constant 3 : i32
        %dma_wait3A_747 = arith.constant 3 : i32
        %dma_wait3A_748 = arith.constant 0 : i32
        %dma_wait3A_749 = arith.constant 0 : i32
        %dma_wait3A_750 = tpu.memref_slice %arg15[%dma_wait3A_746, %dma_wait3A_748, %dma_wait3A_749] : memref<4x128x16xf32, #tpu.memory_space<vmem>> -> memref<1x128x16xf32, #tpu.memory_space<vmem>>
        %dma_wait3A_751 = tpu.memref_squeeze %dma_wait3A_750 : memref<1x128x16xf32, #tpu.memory_space<vmem>> -> memref<128x16xf32, #tpu.memory_space<vmem>>
        %dma_wait3A_752 = arith.constant 0 : i32
        %dma_wait3A_753 = tpu.memref_slice %arg14[%dma_wait3A_747, %dma_wait3A_752] : memref<4x128xi32, #tpu.memory_space<vmem>> -> memref<1x128xi32, #tpu.memory_space<vmem>>
        %dma_wait3A_754 = tpu.memref_squeeze %dma_wait3A_753 : memref<1x128xi32, #tpu.memory_space<vmem>> -> memref<128xi32, #tpu.memory_space<vmem>>
        %dma_wait3A_755 = arith.constant 0 : i32
        %dma_wait3A_756 = arith.constant 0 : i32
        %dma_wait3A_757 = tpu.memref_slice %arg21[%dma_wait3A_755, %dma_wait3A_756] : memref<100352x16xf32, #tpu.memory_space<vmem_shared>> -> memref<100352x16xf32, #tpu.memory_space<vmem_shared>>
        tpu.wait_indirect_dma semaphore(%arg27 : memref<!tpu.dma_semaphore, #tpu.memory_space<semaphore_mem>>) src(%dma_wait3A_751 : memref<128x16xf32, #tpu.memory_space<vmem>>) dst(%dma_wait3A_757 : memref<100352x16xf32, #tpu.memory_space<vmem_shared>>)
        %add3A_758 = arith.constant 1 : i32
        %add3A_759 = arith.addi %add3A_613, %add3A_758 : i32
        %lt3A_760 = arith.constant 396 : i32
        %lt3A_761 = arith.cmpi slt, %add3A_759, %lt3A_760 : i32
        %convert_element_type3A_762 = arith.extui %lt3A_761 : i1 to i32
        %cond3A_763 = arith.constant 0 : i32
        %cond3A_764 = arith.cmpi ne, %convert_element_type3A_762, %cond3A_763 : i32
        scf.if %cond3A_764 {
          %add3A_1092 = arith.constant 1 : i32
          %add3A_1093 = arith.addi %add3A_613, %add3A_1092 : i32
          %mul3A_1094 = arith.constant 4 : i32
          %mul3A_1095 = arith.muli %add3A_1093, %mul3A_1094 : i32
          %add3A_1096 = arith.addi %mul3A_2, %mul3A_1095 : i32
          %dma_wait3A_1097 = arith.constant 0 : i32
          %dma_wait3A_1098 = tpu.memref_slice %arg3[%add3A, %add3A_1096, %dma_wait3A_1097] : memref<4x25344x128xi32, #tpu.memory_space<hbm>> -> memref<1x4x128xi32, #tpu.memory_space<hbm>>
          %dma_wait3A_1099 = tpu.memref_squeeze %dma_wait3A_1098 : memref<1x4x128xi32, #tpu.memory_space<hbm>> -> memref<4x128xi32, #tpu.memory_space<hbm>>
          %dma_wait3A_1100 = arith.constant 0 : i32
          %dma_wait3A_1101 = tpu.memref_slice %arg3[%add3A, %add3A_1096, %dma_wait3A_1100] : memref<4x25344x128xi32, #tpu.memory_space<hbm>> -> memref<1x4x128xi32, #tpu.memory_space<hbm>>
          %dma_wait3A_1102 = tpu.memref_squeeze %dma_wait3A_1101 : memref<1x4x128xi32, #tpu.memory_space<hbm>> -> memref<4x128xi32, #tpu.memory_space<hbm>>
          tpu.wait_dma2 semaphore(%arg23 : memref<!tpu.dma_semaphore, #tpu.memory_space<semaphore_mem>>) src(%dma_wait3A_1102 : memref<4x128xi32, #tpu.memory_space<hbm>>) dst(%arg10 : memref<4x128xi32, #tpu.memory_space<vmem>>)
          %dma_wait3A_1103 = arith.constant 0 : i32
          %dma_wait3A_1104 = tpu.memref_slice %arg4[%add3A_1096, %dma_wait3A_1103] : memref<25344x128xi32, #tpu.memory_space<hbm>> -> memref<4x128xi32, #tpu.memory_space<hbm>>
          %dma_wait3A_1105 = arith.constant 0 : i32
          %dma_wait3A_1106 = tpu.memref_slice %arg4[%add3A_1096, %dma_wait3A_1105] : memref<25344x128xi32, #tpu.memory_space<hbm>> -> memref<4x128xi32, #tpu.memory_space<hbm>>
          tpu.wait_dma2 semaphore(%arg23 : memref<!tpu.dma_semaphore, #tpu.memory_space<semaphore_mem>>) src(%dma_wait3A_1106 : memref<4x128xi32, #tpu.memory_space<hbm>>) dst(%arg13 : memref<4x128xi32, #tpu.memory_space<vmem>>)
          %dma_start3A_1107 = arith.constant 0 : i32
          %dma_start3A_1108 = arith.constant 0 : i32
          %dma_start3A_1109 = arith.constant 0 : i32
          %dma_start3A_1110 = arith.constant 0 : i32
          %dma_start3A_1111 = tpu.memref_slice %arg15[%dma_start3A_1108, %dma_start3A_1109, %dma_start3A_1110] : memref<4x128x16xf32, #tpu.memory_space<vmem>> -> memref<1x128x16xf32, #tpu.memory_space<vmem>>
          %dma_start3A_1112 = tpu.memref_squeeze %dma_start3A_1111 : memref<1x128x16xf32, #tpu.memory_space<vmem>> -> memref<128x16xf32, #tpu.memory_space<vmem>>
          %dma_start3A_1113 = arith.constant 0 : i32
          %dma_start3A_1114 = tpu.memref_slice %arg10[%dma_start3A_1107, %dma_start3A_1113] : memref<4x128xi32, #tpu.memory_space<vmem>> -> memref<1x128xi32, #tpu.memory_space<vmem>>
          %dma_start3A_1115 = tpu.memref_squeeze %dma_start3A_1114 : memref<1x128xi32, #tpu.memory_space<vmem>> -> memref<128xi32, #tpu.memory_space<vmem>>
          %dma_start3A_1116 = arith.constant 0 : i32
          %dma_start3A_1117 = arith.constant 0 : i32
          %dma_start3A_1118 = tpu.memref_slice %arg8[%dma_start3A_1116, %dma_start3A_1117] : memref<401408x16xf32, #tpu.memory_space<hbm>> -> memref<401408x16xf32, #tpu.memory_space<hbm>>
          tpu.enqueue_indirect_dma source(%dma_start3A_1118 : memref<401408x16xf32, #tpu.memory_space<hbm>>) target(%dma_start3A_1112 : memref<128x16xf32, #tpu.memory_space<vmem>>) offsets(%dma_start3A_1115 : memref<128xi32, #tpu.memory_space<vmem>>) semaphore(%arg25 : memref<!tpu.dma_semaphore, #tpu.memory_space<semaphore_mem>>)
          %dma_start3A_1119 = arith.constant 1 : i32
          %dma_start3A_1120 = arith.constant 1 : i32
          %dma_start3A_1121 = arith.constant 0 : i32
          %dma_start3A_1122 = arith.constant 0 : i32
          %dma_start3A_1123 = tpu.memref_slice %arg15[%dma_start3A_1120, %dma_start3A_1121, %dma_start3A_1122] : memref<4x128x16xf32, #tpu.memory_space<vmem>> -> memref<1x128x16xf32, #tpu.memory_space<vmem>>
          %dma_start3A_1124 = tpu.memref_squeeze %dma_start3A_1123 : memref<1x128x16xf32, #tpu.memory_space<vmem>> -> memref<128x16xf32, #tpu.memory_space<vmem>>
          %dma_start3A_1125 = arith.constant 0 : i32
          %dma_start3A_1126 = tpu.memref_slice %arg10[%dma_start3A_1119, %dma_start3A_1125] : memref<4x128xi32, #tpu.memory_space<vmem>> -> memref<1x128xi32, #tpu.memory_space<vmem>>
          %dma_start3A_1127 = tpu.memref_squeeze %dma_start3A_1126 : memref<1x128xi32, #tpu.memory_space<vmem>> -> memref<128xi32, #tpu.memory_space<vmem>>
          %dma_start3A_1128 = arith.constant 0 : i32
          %dma_start3A_1129 = arith.constant 0 : i32
          %dma_start3A_1130 = tpu.memref_slice %arg8[%dma_start3A_1128, %dma_start3A_1129] : memref<401408x16xf32, #tpu.memory_space<hbm>> -> memref<401408x16xf32, #tpu.memory_space<hbm>>
          tpu.enqueue_indirect_dma source(%dma_start3A_1130 : memref<401408x16xf32, #tpu.memory_space<hbm>>) target(%dma_start3A_1124 : memref<128x16xf32, #tpu.memory_space<vmem>>) offsets(%dma_start3A_1127 : memref<128xi32, #tpu.memory_space<vmem>>) semaphore(%arg25 : memref<!tpu.dma_semaphore, #tpu.memory_space<semaphore_mem>>)
          %dma_start3A_1131 = arith.constant 2 : i32
          %dma_start3A_1132 = arith.constant 2 : i32
          %dma_start3A_1133 = arith.constant 0 : i32
          %dma_start3A_1134 = arith.constant 0 : i32
          %dma_start3A_1135 = tpu.memref_slice %arg15[%dma_start3A_1132, %dma_start3A_1133, %dma_start3A_1134] : memref<4x128x16xf32, #tpu.memory_space<vmem>> -> memref<1x128x16xf32, #tpu.memory_space<vmem>>
          %dma_start3A_1136 = tpu.memref_squeeze %dma_start3A_1135 : memref<1x128x16xf32, #tpu.memory_space<vmem>> -> memref<128x16xf32, #tpu.memory_space<vmem>>
          %dma_start3A_1137 = arith.constant 0 : i32
          %dma_start3A_1138 = tpu.memref_slice %arg10[%dma_start3A_1131, %dma_start3A_1137] : memref<4x128xi32, #tpu.memory_space<vmem>> -> memref<1x128xi32, #tpu.memory_space<vmem>>
          %dma_start3A_1139 = tpu.memref_squeeze %dma_start3A_1138 : memref<1x128xi32, #tpu.memory_space<vmem>> -> memref<128xi32, #tpu.memory_space<vmem>>
          %dma_start3A_1140 = arith.constant 0 : i32
          %dma_start3A_1141 = arith.constant 0 : i32
          %dma_start3A_1142 = tpu.memref_slice %arg8[%dma_start3A_1140, %dma_start3A_1141] : memref<401408x16xf32, #tpu.memory_space<hbm>> -> memref<401408x16xf32, #tpu.memory_space<hbm>>
          tpu.enqueue_indirect_dma source(%dma_start3A_1142 : memref<401408x16xf32, #tpu.memory_space<hbm>>) target(%dma_start3A_1136 : memref<128x16xf32, #tpu.memory_space<vmem>>) offsets(%dma_start3A_1139 : memref<128xi32, #tpu.memory_space<vmem>>) semaphore(%arg25 : memref<!tpu.dma_semaphore, #tpu.memory_space<semaphore_mem>>)
          %dma_start3A_1143 = arith.constant 3 : i32
          %dma_start3A_1144 = arith.constant 3 : i32
          %dma_start3A_1145 = arith.constant 0 : i32
          %dma_start3A_1146 = arith.constant 0 : i32
          %dma_start3A_1147 = tpu.memref_slice %arg15[%dma_start3A_1144, %dma_start3A_1145, %dma_start3A_1146] : memref<4x128x16xf32, #tpu.memory_space<vmem>> -> memref<1x128x16xf32, #tpu.memory_space<vmem>>
          %dma_start3A_1148 = tpu.memref_squeeze %dma_start3A_1147 : memref<1x128x16xf32, #tpu.memory_space<vmem>> -> memref<128x16xf32, #tpu.memory_space<vmem>>
          %dma_start3A_1149 = arith.constant 0 : i32
          %dma_start3A_1150 = tpu.memref_slice %arg10[%dma_start3A_1143, %dma_start3A_1149] : memref<4x128xi32, #tpu.memory_space<vmem>> -> memref<1x128xi32, #tpu.memory_space<vmem>>
          %dma_start3A_1151 = tpu.memref_squeeze %dma_start3A_1150 : memref<1x128xi32, #tpu.memory_space<vmem>> -> memref<128xi32, #tpu.memory_space<vmem>>
          %dma_start3A_1152 = arith.constant 0 : i32
          %dma_start3A_1153 = arith.constant 0 : i32
          %dma_start3A_1154 = tpu.memref_slice %arg8[%dma_start3A_1152, %dma_start3A_1153] : memref<401408x16xf32, #tpu.memory_space<hbm>> -> memref<401408x16xf32, #tpu.memory_space<hbm>>
          tpu.enqueue_indirect_dma source(%dma_start3A_1154 : memref<401408x16xf32, #tpu.memory_space<hbm>>) target(%dma_start3A_1148 : memref<128x16xf32, #tpu.memory_space<vmem>>) offsets(%dma_start3A_1151 : memref<128xi32, #tpu.memory_space<vmem>>) semaphore(%arg25 : memref<!tpu.dma_semaphore, #tpu.memory_space<semaphore_mem>>)
        } else {
        }
        %add3A_765 = arith.constant 2 : i32
        %add3A_766 = arith.addi %add3A_613, %add3A_765 : i32
        %lt3A_767 = arith.constant 396 : i32
        %lt3A_768 = arith.cmpi slt, %add3A_766, %lt3A_767 : i32
        %convert_element_type3A_769 = arith.extui %lt3A_768 : i1 to i32
        %cond3A_770 = arith.constant 0 : i32
        %cond3A_771 = arith.cmpi ne, %convert_element_type3A_769, %cond3A_770 : i32
        scf.if %cond3A_771 {
          %add3A_1092 = arith.constant 2 : i32
          %add3A_1093 = arith.addi %add3A_613, %add3A_1092 : i32
          %mul3A_1094 = arith.constant 4 : i32
          %mul3A_1095 = arith.muli %add3A_1093, %mul3A_1094 : i32
          %add3A_1096 = arith.addi %mul3A_2, %mul3A_1095 : i32
          %dma_start3A_1097 = arith.constant 0 : i32
          %dma_start3A_1098 = tpu.memref_slice %arg3[%add3A, %add3A_1096, %dma_start3A_1097] : memref<4x25344x128xi32, #tpu.memory_space<hbm>> -> memref<1x4x128xi32, #tpu.memory_space<hbm>>
          %dma_start3A_1099 = tpu.memref_squeeze %dma_start3A_1098 : memref<1x4x128xi32, #tpu.memory_space<hbm>> -> memref<4x128xi32, #tpu.memory_space<hbm>>
          %dma_start3A_1100 = arith.constant 0 : i32
          %dma_start3A_1101 = tpu.memref_slice %arg3[%add3A, %add3A_1096, %dma_start3A_1100] : memref<4x25344x128xi32, #tpu.memory_space<hbm>> -> memref<1x4x128xi32, #tpu.memory_space<hbm>>
          %dma_start3A_1102 = tpu.memref_squeeze %dma_start3A_1101 : memref<1x4x128xi32, #tpu.memory_space<hbm>> -> memref<4x128xi32, #tpu.memory_space<hbm>>
          tpu.enqueue_dma source(%dma_start3A_1102 : memref<4x128xi32, #tpu.memory_space<hbm>>) target(%arg11 : memref<4x128xi32, #tpu.memory_space<vmem>>) target_semaphore(%arg24 : memref<!tpu.dma_semaphore, #tpu.memory_space<semaphore_mem>>)
          %dma_start3A_1103 = arith.constant 0 : i32
          %dma_start3A_1104 = tpu.memref_slice %arg4[%add3A_1096, %dma_start3A_1103] : memref<25344x128xi32, #tpu.memory_space<hbm>> -> memref<4x128xi32, #tpu.memory_space<hbm>>
          %dma_start3A_1105 = arith.constant 0 : i32
          %dma_start3A_1106 = tpu.memref_slice %arg4[%add3A_1096, %dma_start3A_1105] : memref<25344x128xi32, #tpu.memory_space<hbm>> -> memref<4x128xi32, #tpu.memory_space<hbm>>
          tpu.enqueue_dma source(%dma_start3A_1106 : memref<4x128xi32, #tpu.memory_space<hbm>>) target(%arg14 : memref<4x128xi32, #tpu.memory_space<vmem>>) target_semaphore(%arg24 : memref<!tpu.dma_semaphore, #tpu.memory_space<semaphore_mem>>)
        } else {
        }
        %add3A_772 = arith.constant 4 : i32
        %add3A_773 = arith.addi %mul3A_178, %add3A_772 : i32
        %dma_wait3A_774 = arith.constant 0 : i32
        %dma_wait3A_775 = arith.constant 0 : i32
        %dma_wait3A_776 = arith.constant 0 : i32
        %dma_wait3A_777 = arith.constant 0 : i32
        %dma_wait3A_778 = tpu.memref_slice %arg15[%dma_wait3A_775, %dma_wait3A_776, %dma_wait3A_777] : memref<4x128x16xf32, #tpu.memory_space<vmem>> -> memref<1x128x16xf32, #tpu.memory_space<vmem>>
        %dma_wait3A_779 = tpu.memref_squeeze %dma_wait3A_778 : memref<1x128x16xf32, #tpu.memory_space<vmem>> -> memref<128x16xf32, #tpu.memory_space<vmem>>
        %dma_wait3A_780 = arith.constant 0 : i32
        %dma_wait3A_781 = tpu.memref_slice %arg10[%dma_wait3A_774, %dma_wait3A_780] : memref<4x128xi32, #tpu.memory_space<vmem>> -> memref<1x128xi32, #tpu.memory_space<vmem>>
        %dma_wait3A_782 = tpu.memref_squeeze %dma_wait3A_781 : memref<1x128xi32, #tpu.memory_space<vmem>> -> memref<128xi32, #tpu.memory_space<vmem>>
        %dma_wait3A_783 = arith.constant 0 : i32
        %dma_wait3A_784 = arith.constant 0 : i32
        %dma_wait3A_785 = tpu.memref_slice %arg8[%dma_wait3A_783, %dma_wait3A_784] : memref<401408x16xf32, #tpu.memory_space<hbm>> -> memref<401408x16xf32, #tpu.memory_space<hbm>>
        tpu.wait_indirect_dma semaphore(%arg25 : memref<!tpu.dma_semaphore, #tpu.memory_space<semaphore_mem>>) src(%dma_wait3A_785 : memref<401408x16xf32, #tpu.memory_space<hbm>>) dst(%dma_wait3A_779 : memref<128x16xf32, #tpu.memory_space<vmem>>)
        %dma_wait3A_786 = arith.constant 1 : i32
        %dma_wait3A_787 = arith.constant 1 : i32
        %dma_wait3A_788 = arith.constant 0 : i32
        %dma_wait3A_789 = arith.constant 0 : i32
        %dma_wait3A_790 = tpu.memref_slice %arg15[%dma_wait3A_787, %dma_wait3A_788, %dma_wait3A_789] : memref<4x128x16xf32, #tpu.memory_space<vmem>> -> memref<1x128x16xf32, #tpu.memory_space<vmem>>
        %dma_wait3A_791 = tpu.memref_squeeze %dma_wait3A_790 : memref<1x128x16xf32, #tpu.memory_space<vmem>> -> memref<128x16xf32, #tpu.memory_space<vmem>>
        %dma_wait3A_792 = arith.constant 0 : i32
        %dma_wait3A_793 = tpu.memref_slice %arg10[%dma_wait3A_786, %dma_wait3A_792] : memref<4x128xi32, #tpu.memory_space<vmem>> -> memref<1x128xi32, #tpu.memory_space<vmem>>
        %dma_wait3A_794 = tpu.memref_squeeze %dma_wait3A_793 : memref<1x128xi32, #tpu.memory_space<vmem>> -> memref<128xi32, #tpu.memory_space<vmem>>
        %dma_wait3A_795 = arith.constant 0 : i32
        %dma_wait3A_796 = arith.constant 0 : i32
        %dma_wait3A_797 = tpu.memref_slice %arg8[%dma_wait3A_795, %dma_wait3A_796] : memref<401408x16xf32, #tpu.memory_space<hbm>> -> memref<401408x16xf32, #tpu.memory_space<hbm>>
        tpu.wait_indirect_dma semaphore(%arg25 : memref<!tpu.dma_semaphore, #tpu.memory_space<semaphore_mem>>) src(%dma_wait3A_797 : memref<401408x16xf32, #tpu.memory_space<hbm>>) dst(%dma_wait3A_791 : memref<128x16xf32, #tpu.memory_space<vmem>>)
        %dma_wait3A_798 = arith.constant 2 : i32
        %dma_wait3A_799 = arith.constant 2 : i32
        %dma_wait3A_800 = arith.constant 0 : i32
        %dma_wait3A_801 = arith.constant 0 : i32
        %dma_wait3A_802 = tpu.memref_slice %arg15[%dma_wait3A_799, %dma_wait3A_800, %dma_wait3A_801] : memref<4x128x16xf32, #tpu.memory_space<vmem>> -> memref<1x128x16xf32, #tpu.memory_space<vmem>>
        %dma_wait3A_803 = tpu.memref_squeeze %dma_wait3A_802 : memref<1x128x16xf32, #tpu.memory_space<vmem>> -> memref<128x16xf32, #tpu.memory_space<vmem>>
        %dma_wait3A_804 = arith.constant 0 : i32
        %dma_wait3A_805 = tpu.memref_slice %arg10[%dma_wait3A_798, %dma_wait3A_804] : memref<4x128xi32, #tpu.memory_space<vmem>> -> memref<1x128xi32, #tpu.memory_space<vmem>>
        %dma_wait3A_806 = tpu.memref_squeeze %dma_wait3A_805 : memref<1x128xi32, #tpu.memory_space<vmem>> -> memref<128xi32, #tpu.memory_space<vmem>>
        %dma_wait3A_807 = arith.constant 0 : i32
        %dma_wait3A_808 = arith.constant 0 : i32
        %dma_wait3A_809 = tpu.memref_slice %arg8[%dma_wait3A_807, %dma_wait3A_808] : memref<401408x16xf32, #tpu.memory_space<hbm>> -> memref<401408x16xf32, #tpu.memory_space<hbm>>
        tpu.wait_indirect_dma semaphore(%arg25 : memref<!tpu.dma_semaphore, #tpu.memory_space<semaphore_mem>>) src(%dma_wait3A_809 : memref<401408x16xf32, #tpu.memory_space<hbm>>) dst(%dma_wait3A_803 : memref<128x16xf32, #tpu.memory_space<vmem>>)
        %dma_wait3A_810 = arith.constant 3 : i32
        %dma_wait3A_811 = arith.constant 3 : i32
        %dma_wait3A_812 = arith.constant 0 : i32
        %dma_wait3A_813 = arith.constant 0 : i32
        %dma_wait3A_814 = tpu.memref_slice %arg15[%dma_wait3A_811, %dma_wait3A_812, %dma_wait3A_813] : memref<4x128x16xf32, #tpu.memory_space<vmem>> -> memref<1x128x16xf32, #tpu.memory_space<vmem>>
        %dma_wait3A_815 = tpu.memref_squeeze %dma_wait3A_814 : memref<1x128x16xf32, #tpu.memory_space<vmem>> -> memref<128x16xf32, #tpu.memory_space<vmem>>
        %dma_wait3A_816 = arith.constant 0 : i32
        %dma_wait3A_817 = tpu.memref_slice %arg10[%dma_wait3A_810, %dma_wait3A_816] : memref<4x128xi32, #tpu.memory_space<vmem>> -> memref<1x128xi32, #tpu.memory_space<vmem>>
        %dma_wait3A_818 = tpu.memref_squeeze %dma_wait3A_817 : memref<1x128xi32, #tpu.memory_space<vmem>> -> memref<128xi32, #tpu.memory_space<vmem>>
        %dma_wait3A_819 = arith.constant 0 : i32
        %dma_wait3A_820 = arith.constant 0 : i32
        %dma_wait3A_821 = tpu.memref_slice %arg8[%dma_wait3A_819, %dma_wait3A_820] : memref<401408x16xf32, #tpu.memory_space<hbm>> -> memref<401408x16xf32, #tpu.memory_space<hbm>>
        tpu.wait_indirect_dma semaphore(%arg25 : memref<!tpu.dma_semaphore, #tpu.memory_space<semaphore_mem>>) src(%dma_wait3A_821 : memref<401408x16xf32, #tpu.memory_space<hbm>>) dst(%dma_wait3A_815 : memref<128x16xf32, #tpu.memory_space<vmem>>)
        %dma_start3A_822 = arith.constant 0 : i32
        %dma_start3A_823 = arith.constant 0 : i32
        %dma_start3A_824 = arith.constant 0 : i32
        %dma_start3A_825 = arith.constant 0 : i32
        %dma_start3A_826 = tpu.memref_slice %arg15[%dma_start3A_822, %dma_start3A_824, %dma_start3A_825] : memref<4x128x16xf32, #tpu.memory_space<vmem>> -> memref<1x128x16xf32, #tpu.memory_space<vmem>>
        %dma_start3A_827 = tpu.memref_squeeze %dma_start3A_826 : memref<1x128x16xf32, #tpu.memory_space<vmem>> -> memref<128x16xf32, #tpu.memory_space<vmem>>
        %dma_start3A_828 = arith.constant 0 : i32
        %dma_start3A_829 = tpu.memref_slice %arg13[%dma_start3A_823, %dma_start3A_828] : memref<4x128xi32, #tpu.memory_space<vmem>> -> memref<1x128xi32, #tpu.memory_space<vmem>>
        %dma_start3A_830 = tpu.memref_squeeze %dma_start3A_829 : memref<1x128xi32, #tpu.memory_space<vmem>> -> memref<128xi32, #tpu.memory_space<vmem>>
        %dma_start3A_831 = arith.constant 0 : i32
        %dma_start3A_832 = arith.constant 0 : i32
        %dma_start3A_833 = tpu.memref_slice %arg21[%dma_start3A_831, %dma_start3A_832] : memref<100352x16xf32, #tpu.memory_space<vmem_shared>> -> memref<100352x16xf32, #tpu.memory_space<vmem_shared>>
        tpu.enqueue_indirect_dma source(%dma_start3A_827 : memref<128x16xf32, #tpu.memory_space<vmem>>) target(%dma_start3A_833 : memref<100352x16xf32, #tpu.memory_space<vmem_shared>>) offsets(%dma_start3A_830 : memref<128xi32, #tpu.memory_space<vmem>>) semaphore(%arg27 : memref<!tpu.dma_semaphore, #tpu.memory_space<semaphore_mem>>) {add = true}
        %dma_start3A_834 = arith.constant 1 : i32
        %dma_start3A_835 = arith.constant 1 : i32
        %dma_start3A_836 = arith.constant 0 : i32
        %dma_start3A_837 = arith.constant 0 : i32
        %dma_start3A_838 = tpu.memref_slice %arg15[%dma_start3A_834, %dma_start3A_836, %dma_start3A_837] : memref<4x128x16xf32, #tpu.memory_space<vmem>> -> memref<1x128x16xf32, #tpu.memory_space<vmem>>
        %dma_start3A_839 = tpu.memref_squeeze %dma_start3A_838 : memref<1x128x16xf32, #tpu.memory_space<vmem>> -> memref<128x16xf32, #tpu.memory_space<vmem>>
        %dma_start3A_840 = arith.constant 0 : i32
        %dma_start3A_841 = tpu.memref_slice %arg13[%dma_start3A_835, %dma_start3A_840] : memref<4x128xi32, #tpu.memory_space<vmem>> -> memref<1x128xi32, #tpu.memory_space<vmem>>
        %dma_start3A_842 = tpu.memref_squeeze %dma_start3A_841 : memref<1x128xi32, #tpu.memory_space<vmem>> -> memref<128xi32, #tpu.memory_space<vmem>>
        %dma_start3A_843 = arith.constant 0 : i32
        %dma_start3A_844 = arith.constant 0 : i32
        %dma_start3A_845 = tpu.memref_slice %arg21[%dma_start3A_843, %dma_start3A_844] : memref<100352x16xf32, #tpu.memory_space<vmem_shared>> -> memref<100352x16xf32, #tpu.memory_space<vmem_shared>>
        tpu.enqueue_indirect_dma source(%dma_start3A_839 : memref<128x16xf32, #tpu.memory_space<vmem>>) target(%dma_start3A_845 : memref<100352x16xf32, #tpu.memory_space<vmem_shared>>) offsets(%dma_start3A_842 : memref<128xi32, #tpu.memory_space<vmem>>) semaphore(%arg27 : memref<!tpu.dma_semaphore, #tpu.memory_space<semaphore_mem>>) {add = true}
        %dma_start3A_846 = arith.constant 2 : i32
        %dma_start3A_847 = arith.constant 2 : i32
        %dma_start3A_848 = arith.constant 0 : i32
        %dma_start3A_849 = arith.constant 0 : i32
        %dma_start3A_850 = tpu.memref_slice %arg15[%dma_start3A_846, %dma_start3A_848, %dma_start3A_849] : memref<4x128x16xf32, #tpu.memory_space<vmem>> -> memref<1x128x16xf32, #tpu.memory_space<vmem>>
        %dma_start3A_851 = tpu.memref_squeeze %dma_start3A_850 : memref<1x128x16xf32, #tpu.memory_space<vmem>> -> memref<128x16xf32, #tpu.memory_space<vmem>>
        %dma_start3A_852 = arith.constant 0 : i32
        %dma_start3A_853 = tpu.memref_slice %arg13[%dma_start3A_847, %dma_start3A_852] : memref<4x128xi32, #tpu.memory_space<vmem>> -> memref<1x128xi32, #tpu.memory_space<vmem>>
        %dma_start3A_854 = tpu.memref_squeeze %dma_start3A_853 : memref<1x128xi32, #tpu.memory_space<vmem>> -> memref<128xi32, #tpu.memory_space<vmem>>
        %dma_start3A_855 = arith.constant 0 : i32
        %dma_start3A_856 = arith.constant 0 : i32
        %dma_start3A_857 = tpu.memref_slice %arg21[%dma_start3A_855, %dma_start3A_856] : memref<100352x16xf32, #tpu.memory_space<vmem_shared>> -> memref<100352x16xf32, #tpu.memory_space<vmem_shared>>
        tpu.enqueue_indirect_dma source(%dma_start3A_851 : memref<128x16xf32, #tpu.memory_space<vmem>>) target(%dma_start3A_857 : memref<100352x16xf32, #tpu.memory_space<vmem_shared>>) offsets(%dma_start3A_854 : memref<128xi32, #tpu.memory_space<vmem>>) semaphore(%arg27 : memref<!tpu.dma_semaphore, #tpu.memory_space<semaphore_mem>>) {add = true}
        %dma_start3A_858 = arith.constant 3 : i32
        %dma_start3A_859 = arith.constant 3 : i32
        %dma_start3A_860 = arith.constant 0 : i32
        %dma_start3A_861 = arith.constant 0 : i32
        %dma_start3A_862 = tpu.memref_slice %arg15[%dma_start3A_858, %dma_start3A_860, %dma_start3A_861] : memref<4x128x16xf32, #tpu.memory_space<vmem>> -> memref<1x128x16xf32, #tpu.memory_space<vmem>>
        %dma_start3A_863 = tpu.memref_squeeze %dma_start3A_862 : memref<1x128x16xf32, #tpu.memory_space<vmem>> -> memref<128x16xf32, #tpu.memory_space<vmem>>
        %dma_start3A_864 = arith.constant 0 : i32
        %dma_start3A_865 = tpu.memref_slice %arg13[%dma_start3A_859, %dma_start3A_864] : memref<4x128xi32, #tpu.memory_space<vmem>> -> memref<1x128xi32, #tpu.memory_space<vmem>>
        %dma_start3A_866 = tpu.memref_squeeze %dma_start3A_865 : memref<1x128xi32, #tpu.memory_space<vmem>> -> memref<128xi32, #tpu.memory_space<vmem>>
        %dma_start3A_867 = arith.constant 0 : i32
        %dma_start3A_868 = arith.constant 0 : i32
        %dma_start3A_869 = tpu.memref_slice %arg21[%dma_start3A_867, %dma_start3A_868] : memref<100352x16xf32, #tpu.memory_space<vmem_shared>> -> memref<100352x16xf32, #tpu.memory_space<vmem_shared>>
        tpu.enqueue_indirect_dma source(%dma_start3A_863 : memref<128x16xf32, #tpu.memory_space<vmem>>) target(%dma_start3A_869 : memref<100352x16xf32, #tpu.memory_space<vmem_shared>>) offsets(%dma_start3A_866 : memref<128xi32, #tpu.memory_space<vmem>>) semaphore(%arg27 : memref<!tpu.dma_semaphore, #tpu.memory_space<semaphore_mem>>) {add = true}
        %dma_wait3A_870 = arith.constant 0 : i32
        %dma_wait3A_871 = arith.constant 0 : i32
        %dma_wait3A_872 = arith.constant 0 : i32
        %dma_wait3A_873 = arith.constant 0 : i32
        %dma_wait3A_874 = tpu.memref_slice %arg16[%dma_wait3A_870, %dma_wait3A_872, %dma_wait3A_873] : memref<4x128x16xf32, #tpu.memory_space<vmem>> -> memref<1x128x16xf32, #tpu.memory_space<vmem>>
        %dma_wait3A_875 = tpu.memref_squeeze %dma_wait3A_874 : memref<1x128x16xf32, #tpu.memory_space<vmem>> -> memref<128x16xf32, #tpu.memory_space<vmem>>
        %dma_wait3A_876 = arith.constant 0 : i32
        %dma_wait3A_877 = tpu.memref_slice %arg12[%dma_wait3A_871, %dma_wait3A_876] : memref<4x128xi32, #tpu.memory_space<vmem>> -> memref<1x128xi32, #tpu.memory_space<vmem>>
        %dma_wait3A_878 = tpu.memref_squeeze %dma_wait3A_877 : memref<1x128xi32, #tpu.memory_space<vmem>> -> memref<128xi32, #tpu.memory_space<vmem>>
        %dma_wait3A_879 = arith.constant 0 : i32
        %dma_wait3A_880 = arith.constant 0 : i32
        %dma_wait3A_881 = tpu.memref_slice %arg21[%dma_wait3A_879, %dma_wait3A_880] : memref<100352x16xf32, #tpu.memory_space<vmem_shared>> -> memref<100352x16xf32, #tpu.memory_space<vmem_shared>>
        tpu.wait_indirect_dma semaphore(%arg28 : memref<!tpu.dma_semaphore, #tpu.memory_space<semaphore_mem>>) src(%dma_wait3A_875 : memref<128x16xf32, #tpu.memory_space<vmem>>) dst(%dma_wait3A_881 : memref<100352x16xf32, #tpu.memory_space<vmem_shared>>)
        %dma_wait3A_882 = arith.constant 1 : i32
        %dma_wait3A_883 = arith.constant 1 : i32
        %dma_wait3A_884 = arith.constant 0 : i32
        %dma_wait3A_885 = arith.constant 0 : i32
        %dma_wait3A_886 = tpu.memref_slice %arg16[%dma_wait3A_882, %dma_wait3A_884, %dma_wait3A_885] : memref<4x128x16xf32, #tpu.memory_space<vmem>> -> memref<1x128x16xf32, #tpu.memory_space<vmem>>
        %dma_wait3A_887 = tpu.memref_squeeze %dma_wait3A_886 : memref<1x128x16xf32, #tpu.memory_space<vmem>> -> memref<128x16xf32, #tpu.memory_space<vmem>>
        %dma_wait3A_888 = arith.constant 0 : i32
        %dma_wait3A_889 = tpu.memref_slice %arg12[%dma_wait3A_883, %dma_wait3A_888] : memref<4x128xi32, #tpu.memory_space<vmem>> -> memref<1x128xi32, #tpu.memory_space<vmem>>
        %dma_wait3A_890 = tpu.memref_squeeze %dma_wait3A_889 : memref<1x128xi32, #tpu.memory_space<vmem>> -> memref<128xi32, #tpu.memory_space<vmem>>
        %dma_wait3A_891 = arith.constant 0 : i32
        %dma_wait3A_892 = arith.constant 0 : i32
        %dma_wait3A_893 = tpu.memref_slice %arg21[%dma_wait3A_891, %dma_wait3A_892] : memref<100352x16xf32, #tpu.memory_space<vmem_shared>> -> memref<100352x16xf32, #tpu.memory_space<vmem_shared>>
        tpu.wait_indirect_dma semaphore(%arg28 : memref<!tpu.dma_semaphore, #tpu.memory_space<semaphore_mem>>) src(%dma_wait3A_887 : memref<128x16xf32, #tpu.memory_space<vmem>>) dst(%dma_wait3A_893 : memref<100352x16xf32, #tpu.memory_space<vmem_shared>>)
        %dma_wait3A_894 = arith.constant 2 : i32
        %dma_wait3A_895 = arith.constant 2 : i32
        %dma_wait3A_896 = arith.constant 0 : i32
        %dma_wait3A_897 = arith.constant 0 : i32
        %dma_wait3A_898 = tpu.memref_slice %arg16[%dma_wait3A_894, %dma_wait3A_896, %dma_wait3A_897] : memref<4x128x16xf32, #tpu.memory_space<vmem>> -> memref<1x128x16xf32, #tpu.memory_space<vmem>>
        %dma_wait3A_899 = tpu.memref_squeeze %dma_wait3A_898 : memref<1x128x16xf32, #tpu.memory_space<vmem>> -> memref<128x16xf32, #tpu.memory_space<vmem>>
        %dma_wait3A_900 = arith.constant 0 : i32
        %dma_wait3A_901 = tpu.memref_slice %arg12[%dma_wait3A_895, %dma_wait3A_900] : memref<4x128xi32, #tpu.memory_space<vmem>> -> memref<1x128xi32, #tpu.memory_space<vmem>>
        %dma_wait3A_902 = tpu.memref_squeeze %dma_wait3A_901 : memref<1x128xi32, #tpu.memory_space<vmem>> -> memref<128xi32, #tpu.memory_space<vmem>>
        %dma_wait3A_903 = arith.constant 0 : i32
        %dma_wait3A_904 = arith.constant 0 : i32
        %dma_wait3A_905 = tpu.memref_slice %arg21[%dma_wait3A_903, %dma_wait3A_904] : memref<100352x16xf32, #tpu.memory_space<vmem_shared>> -> memref<100352x16xf32, #tpu.memory_space<vmem_shared>>
        tpu.wait_indirect_dma semaphore(%arg28 : memref<!tpu.dma_semaphore, #tpu.memory_space<semaphore_mem>>) src(%dma_wait3A_899 : memref<128x16xf32, #tpu.memory_space<vmem>>) dst(%dma_wait3A_905 : memref<100352x16xf32, #tpu.memory_space<vmem_shared>>)
        %dma_wait3A_906 = arith.constant 3 : i32
        %dma_wait3A_907 = arith.constant 3 : i32
        %dma_wait3A_908 = arith.constant 0 : i32
        %dma_wait3A_909 = arith.constant 0 : i32
        %dma_wait3A_910 = tpu.memref_slice %arg16[%dma_wait3A_906, %dma_wait3A_908, %dma_wait3A_909] : memref<4x128x16xf32, #tpu.memory_space<vmem>> -> memref<1x128x16xf32, #tpu.memory_space<vmem>>
        %dma_wait3A_911 = tpu.memref_squeeze %dma_wait3A_910 : memref<1x128x16xf32, #tpu.memory_space<vmem>> -> memref<128x16xf32, #tpu.memory_space<vmem>>
        %dma_wait3A_912 = arith.constant 0 : i32
        %dma_wait3A_913 = tpu.memref_slice %arg12[%dma_wait3A_907, %dma_wait3A_912] : memref<4x128xi32, #tpu.memory_space<vmem>> -> memref<1x128xi32, #tpu.memory_space<vmem>>
        %dma_wait3A_914 = tpu.memref_squeeze %dma_wait3A_913 : memref<1x128xi32, #tpu.memory_space<vmem>> -> memref<128xi32, #tpu.memory_space<vmem>>
        %dma_wait3A_915 = arith.constant 0 : i32
        %dma_wait3A_916 = arith.constant 0 : i32
        %dma_wait3A_917 = tpu.memref_slice %arg21[%dma_wait3A_915, %dma_wait3A_916] : memref<100352x16xf32, #tpu.memory_space<vmem_shared>> -> memref<100352x16xf32, #tpu.memory_space<vmem_shared>>
        tpu.wait_indirect_dma semaphore(%arg28 : memref<!tpu.dma_semaphore, #tpu.memory_space<semaphore_mem>>) src(%dma_wait3A_911 : memref<128x16xf32, #tpu.memory_space<vmem>>) dst(%dma_wait3A_917 : memref<100352x16xf32, #tpu.memory_space<vmem_shared>>)
        %add3A_918 = arith.constant 1 : i32
        %add3A_919 = arith.addi %add3A_773, %add3A_918 : i32
        %lt3A_920 = arith.constant 396 : i32
        %lt3A_921 = arith.cmpi slt, %add3A_919, %lt3A_920 : i32
        %convert_element_type3A_922 = arith.extui %lt3A_921 : i1 to i32
        %cond3A_923 = arith.constant 0 : i32
        %cond3A_924 = arith.cmpi ne, %convert_element_type3A_922, %cond3A_923 : i32
        scf.if %cond3A_924 {
          %add3A_1092 = arith.constant 1 : i32
          %add3A_1093 = arith.addi %add3A_773, %add3A_1092 : i32
          %mul3A_1094 = arith.constant 4 : i32
          %mul3A_1095 = arith.muli %add3A_1093, %mul3A_1094 : i32
          %add3A_1096 = arith.addi %mul3A_2, %mul3A_1095 : i32
          %dma_wait3A_1097 = arith.constant 0 : i32
          %dma_wait3A_1098 = tpu.memref_slice %arg3[%add3A, %add3A_1096, %dma_wait3A_1097] : memref<4x25344x128xi32, #tpu.memory_space<hbm>> -> memref<1x4x128xi32, #tpu.memory_space<hbm>>
          %dma_wait3A_1099 = tpu.memref_squeeze %dma_wait3A_1098 : memref<1x4x128xi32, #tpu.memory_space<hbm>> -> memref<4x128xi32, #tpu.memory_space<hbm>>
          %dma_wait3A_1100 = arith.constant 0 : i32
          %dma_wait3A_1101 = tpu.memref_slice %arg3[%add3A, %add3A_1096, %dma_wait3A_1100] : memref<4x25344x128xi32, #tpu.memory_space<hbm>> -> memref<1x4x128xi32, #tpu.memory_space<hbm>>
          %dma_wait3A_1102 = tpu.memref_squeeze %dma_wait3A_1101 : memref<1x4x128xi32, #tpu.memory_space<hbm>> -> memref<4x128xi32, #tpu.memory_space<hbm>>
          tpu.wait_dma2 semaphore(%arg24 : memref<!tpu.dma_semaphore, #tpu.memory_space<semaphore_mem>>) src(%dma_wait3A_1102 : memref<4x128xi32, #tpu.memory_space<hbm>>) dst(%arg11 : memref<4x128xi32, #tpu.memory_space<vmem>>)
          %dma_wait3A_1103 = arith.constant 0 : i32
          %dma_wait3A_1104 = tpu.memref_slice %arg4[%add3A_1096, %dma_wait3A_1103] : memref<25344x128xi32, #tpu.memory_space<hbm>> -> memref<4x128xi32, #tpu.memory_space<hbm>>
          %dma_wait3A_1105 = arith.constant 0 : i32
          %dma_wait3A_1106 = tpu.memref_slice %arg4[%add3A_1096, %dma_wait3A_1105] : memref<25344x128xi32, #tpu.memory_space<hbm>> -> memref<4x128xi32, #tpu.memory_space<hbm>>
          tpu.wait_dma2 semaphore(%arg24 : memref<!tpu.dma_semaphore, #tpu.memory_space<semaphore_mem>>) src(%dma_wait3A_1106 : memref<4x128xi32, #tpu.memory_space<hbm>>) dst(%arg14 : memref<4x128xi32, #tpu.memory_space<vmem>>)
          %dma_start3A_1107 = arith.constant 0 : i32
          %dma_start3A_1108 = arith.constant 0 : i32
          %dma_start3A_1109 = arith.constant 0 : i32
          %dma_start3A_1110 = arith.constant 0 : i32
          %dma_start3A_1111 = tpu.memref_slice %arg16[%dma_start3A_1108, %dma_start3A_1109, %dma_start3A_1110] : memref<4x128x16xf32, #tpu.memory_space<vmem>> -> memref<1x128x16xf32, #tpu.memory_space<vmem>>
          %dma_start3A_1112 = tpu.memref_squeeze %dma_start3A_1111 : memref<1x128x16xf32, #tpu.memory_space<vmem>> -> memref<128x16xf32, #tpu.memory_space<vmem>>
          %dma_start3A_1113 = arith.constant 0 : i32
          %dma_start3A_1114 = tpu.memref_slice %arg11[%dma_start3A_1107, %dma_start3A_1113] : memref<4x128xi32, #tpu.memory_space<vmem>> -> memref<1x128xi32, #tpu.memory_space<vmem>>
          %dma_start3A_1115 = tpu.memref_squeeze %dma_start3A_1114 : memref<1x128xi32, #tpu.memory_space<vmem>> -> memref<128xi32, #tpu.memory_space<vmem>>
          %dma_start3A_1116 = arith.constant 0 : i32
          %dma_start3A_1117 = arith.constant 0 : i32
          %dma_start3A_1118 = tpu.memref_slice %arg8[%dma_start3A_1116, %dma_start3A_1117] : memref<401408x16xf32, #tpu.memory_space<hbm>> -> memref<401408x16xf32, #tpu.memory_space<hbm>>
          tpu.enqueue_indirect_dma source(%dma_start3A_1118 : memref<401408x16xf32, #tpu.memory_space<hbm>>) target(%dma_start3A_1112 : memref<128x16xf32, #tpu.memory_space<vmem>>) offsets(%dma_start3A_1115 : memref<128xi32, #tpu.memory_space<vmem>>) semaphore(%arg26 : memref<!tpu.dma_semaphore, #tpu.memory_space<semaphore_mem>>)
          %dma_start3A_1119 = arith.constant 1 : i32
          %dma_start3A_1120 = arith.constant 1 : i32
          %dma_start3A_1121 = arith.constant 0 : i32
          %dma_start3A_1122 = arith.constant 0 : i32
          %dma_start3A_1123 = tpu.memref_slice %arg16[%dma_start3A_1120, %dma_start3A_1121, %dma_start3A_1122] : memref<4x128x16xf32, #tpu.memory_space<vmem>> -> memref<1x128x16xf32, #tpu.memory_space<vmem>>
          %dma_start3A_1124 = tpu.memref_squeeze %dma_start3A_1123 : memref<1x128x16xf32, #tpu.memory_space<vmem>> -> memref<128x16xf32, #tpu.memory_space<vmem>>
          %dma_start3A_1125 = arith.constant 0 : i32
          %dma_start3A_1126 = tpu.memref_slice %arg11[%dma_start3A_1119, %dma_start3A_1125] : memref<4x128xi32, #tpu.memory_space<vmem>> -> memref<1x128xi32, #tpu.memory_space<vmem>>
          %dma_start3A_1127 = tpu.memref_squeeze %dma_start3A_1126 : memref<1x128xi32, #tpu.memory_space<vmem>> -> memref<128xi32, #tpu.memory_space<vmem>>
          %dma_start3A_1128 = arith.constant 0 : i32
          %dma_start3A_1129 = arith.constant 0 : i32
          %dma_start3A_1130 = tpu.memref_slice %arg8[%dma_start3A_1128, %dma_start3A_1129] : memref<401408x16xf32, #tpu.memory_space<hbm>> -> memref<401408x16xf32, #tpu.memory_space<hbm>>
          tpu.enqueue_indirect_dma source(%dma_start3A_1130 : memref<401408x16xf32, #tpu.memory_space<hbm>>) target(%dma_start3A_1124 : memref<128x16xf32, #tpu.memory_space<vmem>>) offsets(%dma_start3A_1127 : memref<128xi32, #tpu.memory_space<vmem>>) semaphore(%arg26 : memref<!tpu.dma_semaphore, #tpu.memory_space<semaphore_mem>>)
          %dma_start3A_1131 = arith.constant 2 : i32
          %dma_start3A_1132 = arith.constant 2 : i32
          %dma_start3A_1133 = arith.constant 0 : i32
          %dma_start3A_1134 = arith.constant 0 : i32
          %dma_start3A_1135 = tpu.memref_slice %arg16[%dma_start3A_1132, %dma_start3A_1133, %dma_start3A_1134] : memref<4x128x16xf32, #tpu.memory_space<vmem>> -> memref<1x128x16xf32, #tpu.memory_space<vmem>>
          %dma_start3A_1136 = tpu.memref_squeeze %dma_start3A_1135 : memref<1x128x16xf32, #tpu.memory_space<vmem>> -> memref<128x16xf32, #tpu.memory_space<vmem>>
          %dma_start3A_1137 = arith.constant 0 : i32
          %dma_start3A_1138 = tpu.memref_slice %arg11[%dma_start3A_1131, %dma_start3A_1137] : memref<4x128xi32, #tpu.memory_space<vmem>> -> memref<1x128xi32, #tpu.memory_space<vmem>>
          %dma_start3A_1139 = tpu.memref_squeeze %dma_start3A_1138 : memref<1x128xi32, #tpu.memory_space<vmem>> -> memref<128xi32, #tpu.memory_space<vmem>>
          %dma_start3A_1140 = arith.constant 0 : i32
          %dma_start3A_1141 = arith.constant 0 : i32
          %dma_start3A_1142 = tpu.memref_slice %arg8[%dma_start3A_1140, %dma_start3A_1141] : memref<401408x16xf32, #tpu.memory_space<hbm>> -> memref<401408x16xf32, #tpu.memory_space<hbm>>
          tpu.enqueue_indirect_dma source(%dma_start3A_1142 : memref<401408x16xf32, #tpu.memory_space<hbm>>) target(%dma_start3A_1136 : memref<128x16xf32, #tpu.memory_space<vmem>>) offsets(%dma_start3A_1139 : memref<128xi32, #tpu.memory_space<vmem>>) semaphore(%arg26 : memref<!tpu.dma_semaphore, #tpu.memory_space<semaphore_mem>>)
          %dma_start3A_1143 = arith.constant 3 : i32
          %dma_start3A_1144 = arith.constant 3 : i32
          %dma_start3A_1145 = arith.constant 0 : i32
          %dma_start3A_1146 = arith.constant 0 : i32
          %dma_start3A_1147 = tpu.memref_slice %arg16[%dma_start3A_1144, %dma_start3A_1145, %dma_start3A_1146] : memref<4x128x16xf32, #tpu.memory_space<vmem>> -> memref<1x128x16xf32, #tpu.memory_space<vmem>>
          %dma_start3A_1148 = tpu.memref_squeeze %dma_start3A_1147 : memref<1x128x16xf32, #tpu.memory_space<vmem>> -> memref<128x16xf32, #tpu.memory_space<vmem>>
          %dma_start3A_1149 = arith.constant 0 : i32
          %dma_start3A_1150 = tpu.memref_slice %arg11[%dma_start3A_1143, %dma_start3A_1149] : memref<4x128xi32, #tpu.memory_space<vmem>> -> memref<1x128xi32, #tpu.memory_space<vmem>>
          %dma_start3A_1151 = tpu.memref_squeeze %dma_start3A_1150 : memref<1x128xi32, #tpu.memory_space<vmem>> -> memref<128xi32, #tpu.memory_space<vmem>>
          %dma_start3A_1152 = arith.constant 0 : i32
          %dma_start3A_1153 = arith.constant 0 : i32
          %dma_start3A_1154 = tpu.memref_slice %arg8[%dma_start3A_1152, %dma_start3A_1153] : memref<401408x16xf32, #tpu.memory_space<hbm>> -> memref<401408x16xf32, #tpu.memory_space<hbm>>
          tpu.enqueue_indirect_dma source(%dma_start3A_1154 : memref<401408x16xf32, #tpu.memory_space<hbm>>) target(%dma_start3A_1148 : memref<128x16xf32, #tpu.memory_space<vmem>>) offsets(%dma_start3A_1151 : memref<128xi32, #tpu.memory_space<vmem>>) semaphore(%arg26 : memref<!tpu.dma_semaphore, #tpu.memory_space<semaphore_mem>>)
        } else {
        }
        %add3A_925 = arith.constant 2 : i32
        %add3A_926 = arith.addi %add3A_773, %add3A_925 : i32
        %lt3A_927 = arith.constant 396 : i32
        %lt3A_928 = arith.cmpi slt, %add3A_926, %lt3A_927 : i32
        %convert_element_type3A_929 = arith.extui %lt3A_928 : i1 to i32
        %cond3A_930 = arith.constant 0 : i32
        %cond3A_931 = arith.cmpi ne, %convert_element_type3A_929, %cond3A_930 : i32
        scf.if %cond3A_931 {
          %add3A_1092 = arith.constant 2 : i32
          %add3A_1093 = arith.addi %add3A_773, %add3A_1092 : i32
          %mul3A_1094 = arith.constant 4 : i32
          %mul3A_1095 = arith.muli %add3A_1093, %mul3A_1094 : i32
          %add3A_1096 = arith.addi %mul3A_2, %mul3A_1095 : i32
          %dma_start3A_1097 = arith.constant 0 : i32
          %dma_start3A_1098 = tpu.memref_slice %arg3[%add3A, %add3A_1096, %dma_start3A_1097] : memref<4x25344x128xi32, #tpu.memory_space<hbm>> -> memref<1x4x128xi32, #tpu.memory_space<hbm>>
          %dma_start3A_1099 = tpu.memref_squeeze %dma_start3A_1098 : memref<1x4x128xi32, #tpu.memory_space<hbm>> -> memref<4x128xi32, #tpu.memory_space<hbm>>
          %dma_start3A_1100 = arith.constant 0 : i32
          %dma_start3A_1101 = tpu.memref_slice %arg3[%add3A, %add3A_1096, %dma_start3A_1100] : memref<4x25344x128xi32, #tpu.memory_space<hbm>> -> memref<1x4x128xi32, #tpu.memory_space<hbm>>
          %dma_start3A_1102 = tpu.memref_squeeze %dma_start3A_1101 : memref<1x4x128xi32, #tpu.memory_space<hbm>> -> memref<4x128xi32, #tpu.memory_space<hbm>>
          tpu.enqueue_dma source(%dma_start3A_1102 : memref<4x128xi32, #tpu.memory_space<hbm>>) target(%arg9 : memref<4x128xi32, #tpu.memory_space<vmem>>) target_semaphore(%arg22 : memref<!tpu.dma_semaphore, #tpu.memory_space<semaphore_mem>>)
          %dma_start3A_1103 = arith.constant 0 : i32
          %dma_start3A_1104 = tpu.memref_slice %arg4[%add3A_1096, %dma_start3A_1103] : memref<25344x128xi32, #tpu.memory_space<hbm>> -> memref<4x128xi32, #tpu.memory_space<hbm>>
          %dma_start3A_1105 = arith.constant 0 : i32
          %dma_start3A_1106 = tpu.memref_slice %arg4[%add3A_1096, %dma_start3A_1105] : memref<25344x128xi32, #tpu.memory_space<hbm>> -> memref<4x128xi32, #tpu.memory_space<hbm>>
          tpu.enqueue_dma source(%dma_start3A_1106 : memref<4x128xi32, #tpu.memory_space<hbm>>) target(%arg12 : memref<4x128xi32, #tpu.memory_space<vmem>>) target_semaphore(%arg22 : memref<!tpu.dma_semaphore, #tpu.memory_space<semaphore_mem>>)
        } else {
        }
        %add3A_932 = arith.constant 5 : i32
        %add3A_933 = arith.addi %mul3A_178, %add3A_932 : i32
        %dma_wait3A_934 = arith.constant 0 : i32
        %dma_wait3A_935 = arith.constant 0 : i32
        %dma_wait3A_936 = arith.constant 0 : i32
        %dma_wait3A_937 = arith.constant 0 : i32
        %dma_wait3A_938 = tpu.memref_slice %arg16[%dma_wait3A_935, %dma_wait3A_936, %dma_wait3A_937] : memref<4x128x16xf32, #tpu.memory_space<vmem>> -> memref<1x128x16xf32, #tpu.memory_space<vmem>>
        %dma_wait3A_939 = tpu.memref_squeeze %dma_wait3A_938 : memref<1x128x16xf32, #tpu.memory_space<vmem>> -> memref<128x16xf32, #tpu.memory_space<vmem>>
        %dma_wait3A_940 = arith.constant 0 : i32
        %dma_wait3A_941 = tpu.memref_slice %arg11[%dma_wait3A_934, %dma_wait3A_940] : memref<4x128xi32, #tpu.memory_space<vmem>> -> memref<1x128xi32, #tpu.memory_space<vmem>>
        %dma_wait3A_942 = tpu.memref_squeeze %dma_wait3A_941 : memref<1x128xi32, #tpu.memory_space<vmem>> -> memref<128xi32, #tpu.memory_space<vmem>>
        %dma_wait3A_943 = arith.constant 0 : i32
        %dma_wait3A_944 = arith.constant 0 : i32
        %dma_wait3A_945 = tpu.memref_slice %arg8[%dma_wait3A_943, %dma_wait3A_944] : memref<401408x16xf32, #tpu.memory_space<hbm>> -> memref<401408x16xf32, #tpu.memory_space<hbm>>
        tpu.wait_indirect_dma semaphore(%arg26 : memref<!tpu.dma_semaphore, #tpu.memory_space<semaphore_mem>>) src(%dma_wait3A_945 : memref<401408x16xf32, #tpu.memory_space<hbm>>) dst(%dma_wait3A_939 : memref<128x16xf32, #tpu.memory_space<vmem>>)
        %dma_wait3A_946 = arith.constant 1 : i32
        %dma_wait3A_947 = arith.constant 1 : i32
        %dma_wait3A_948 = arith.constant 0 : i32
        %dma_wait3A_949 = arith.constant 0 : i32
        %dma_wait3A_950 = tpu.memref_slice %arg16[%dma_wait3A_947, %dma_wait3A_948, %dma_wait3A_949] : memref<4x128x16xf32, #tpu.memory_space<vmem>> -> memref<1x128x16xf32, #tpu.memory_space<vmem>>
        %dma_wait3A_951 = tpu.memref_squeeze %dma_wait3A_950 : memref<1x128x16xf32, #tpu.memory_space<vmem>> -> memref<128x16xf32, #tpu.memory_space<vmem>>
        %dma_wait3A_952 = arith.constant 0 : i32
        %dma_wait3A_953 = tpu.memref_slice %arg11[%dma_wait3A_946, %dma_wait3A_952] : memref<4x128xi32, #tpu.memory_space<vmem>> -> memref<1x128xi32, #tpu.memory_space<vmem>>
        %dma_wait3A_954 = tpu.memref_squeeze %dma_wait3A_953 : memref<1x128xi32, #tpu.memory_space<vmem>> -> memref<128xi32, #tpu.memory_space<vmem>>
        %dma_wait3A_955 = arith.constant 0 : i32
        %dma_wait3A_956 = arith.constant 0 : i32
        %dma_wait3A_957 = tpu.memref_slice %arg8[%dma_wait3A_955, %dma_wait3A_956] : memref<401408x16xf32, #tpu.memory_space<hbm>> -> memref<401408x16xf32, #tpu.memory_space<hbm>>
        tpu.wait_indirect_dma semaphore(%arg26 : memref<!tpu.dma_semaphore, #tpu.memory_space<semaphore_mem>>) src(%dma_wait3A_957 : memref<401408x16xf32, #tpu.memory_space<hbm>>) dst(%dma_wait3A_951 : memref<128x16xf32, #tpu.memory_space<vmem>>)
        %dma_wait3A_958 = arith.constant 2 : i32
        %dma_wait3A_959 = arith.constant 2 : i32
        %dma_wait3A_960 = arith.constant 0 : i32
        %dma_wait3A_961 = arith.constant 0 : i32
        %dma_wait3A_962 = tpu.memref_slice %arg16[%dma_wait3A_959, %dma_wait3A_960, %dma_wait3A_961] : memref<4x128x16xf32, #tpu.memory_space<vmem>> -> memref<1x128x16xf32, #tpu.memory_space<vmem>>
        %dma_wait3A_963 = tpu.memref_squeeze %dma_wait3A_962 : memref<1x128x16xf32, #tpu.memory_space<vmem>> -> memref<128x16xf32, #tpu.memory_space<vmem>>
        %dma_wait3A_964 = arith.constant 0 : i32
        %dma_wait3A_965 = tpu.memref_slice %arg11[%dma_wait3A_958, %dma_wait3A_964] : memref<4x128xi32, #tpu.memory_space<vmem>> -> memref<1x128xi32, #tpu.memory_space<vmem>>
        %dma_wait3A_966 = tpu.memref_squeeze %dma_wait3A_965 : memref<1x128xi32, #tpu.memory_space<vmem>> -> memref<128xi32, #tpu.memory_space<vmem>>
        %dma_wait3A_967 = arith.constant 0 : i32
        %dma_wait3A_968 = arith.constant 0 : i32
        %dma_wait3A_969 = tpu.memref_slice %arg8[%dma_wait3A_967, %dma_wait3A_968] : memref<401408x16xf32, #tpu.memory_space<hbm>> -> memref<401408x16xf32, #tpu.memory_space<hbm>>
        tpu.wait_indirect_dma semaphore(%arg26 : memref<!tpu.dma_semaphore, #tpu.memory_space<semaphore_mem>>) src(%dma_wait3A_969 : memref<401408x16xf32, #tpu.memory_space<hbm>>) dst(%dma_wait3A_963 : memref<128x16xf32, #tpu.memory_space<vmem>>)
        %dma_wait3A_970 = arith.constant 3 : i32
        %dma_wait3A_971 = arith.constant 3 : i32
        %dma_wait3A_972 = arith.constant 0 : i32
        %dma_wait3A_973 = arith.constant 0 : i32
        %dma_wait3A_974 = tpu.memref_slice %arg16[%dma_wait3A_971, %dma_wait3A_972, %dma_wait3A_973] : memref<4x128x16xf32, #tpu.memory_space<vmem>> -> memref<1x128x16xf32, #tpu.memory_space<vmem>>
        %dma_wait3A_975 = tpu.memref_squeeze %dma_wait3A_974 : memref<1x128x16xf32, #tpu.memory_space<vmem>> -> memref<128x16xf32, #tpu.memory_space<vmem>>
        %dma_wait3A_976 = arith.constant 0 : i32
        %dma_wait3A_977 = tpu.memref_slice %arg11[%dma_wait3A_970, %dma_wait3A_976] : memref<4x128xi32, #tpu.memory_space<vmem>> -> memref<1x128xi32, #tpu.memory_space<vmem>>
        %dma_wait3A_978 = tpu.memref_squeeze %dma_wait3A_977 : memref<1x128xi32, #tpu.memory_space<vmem>> -> memref<128xi32, #tpu.memory_space<vmem>>
        %dma_wait3A_979 = arith.constant 0 : i32
        %dma_wait3A_980 = arith.constant 0 : i32
        %dma_wait3A_981 = tpu.memref_slice %arg8[%dma_wait3A_979, %dma_wait3A_980] : memref<401408x16xf32, #tpu.memory_space<hbm>> -> memref<401408x16xf32, #tpu.memory_space<hbm>>
        tpu.wait_indirect_dma semaphore(%arg26 : memref<!tpu.dma_semaphore, #tpu.memory_space<semaphore_mem>>) src(%dma_wait3A_981 : memref<401408x16xf32, #tpu.memory_space<hbm>>) dst(%dma_wait3A_975 : memref<128x16xf32, #tpu.memory_space<vmem>>)
        %dma_start3A_982 = arith.constant 0 : i32
        %dma_start3A_983 = arith.constant 0 : i32
        %dma_start3A_984 = arith.constant 0 : i32
        %dma_start3A_985 = arith.constant 0 : i32
        %dma_start3A_986 = tpu.memref_slice %arg16[%dma_start3A_982, %dma_start3A_984, %dma_start3A_985] : memref<4x128x16xf32, #tpu.memory_space<vmem>> -> memref<1x128x16xf32, #tpu.memory_space<vmem>>
        %dma_start3A_987 = tpu.memref_squeeze %dma_start3A_986 : memref<1x128x16xf32, #tpu.memory_space<vmem>> -> memref<128x16xf32, #tpu.memory_space<vmem>>
        %dma_start3A_988 = arith.constant 0 : i32
        %dma_start3A_989 = tpu.memref_slice %arg14[%dma_start3A_983, %dma_start3A_988] : memref<4x128xi32, #tpu.memory_space<vmem>> -> memref<1x128xi32, #tpu.memory_space<vmem>>
        %dma_start3A_990 = tpu.memref_squeeze %dma_start3A_989 : memref<1x128xi32, #tpu.memory_space<vmem>> -> memref<128xi32, #tpu.memory_space<vmem>>
        %dma_start3A_991 = arith.constant 0 : i32
        %dma_start3A_992 = arith.constant 0 : i32
        %dma_start3A_993 = tpu.memref_slice %arg21[%dma_start3A_991, %dma_start3A_992] : memref<100352x16xf32, #tpu.memory_space<vmem_shared>> -> memref<100352x16xf32, #tpu.memory_space<vmem_shared>>
        tpu.enqueue_indirect_dma source(%dma_start3A_987 : memref<128x16xf32, #tpu.memory_space<vmem>>) target(%dma_start3A_993 : memref<100352x16xf32, #tpu.memory_space<vmem_shared>>) offsets(%dma_start3A_990 : memref<128xi32, #tpu.memory_space<vmem>>) semaphore(%arg28 : memref<!tpu.dma_semaphore, #tpu.memory_space<semaphore_mem>>) {add = true}
        %dma_start3A_994 = arith.constant 1 : i32
        %dma_start3A_995 = arith.constant 1 : i32
        %dma_start3A_996 = arith.constant 0 : i32
        %dma_start3A_997 = arith.constant 0 : i32
        %dma_start3A_998 = tpu.memref_slice %arg16[%dma_start3A_994, %dma_start3A_996, %dma_start3A_997] : memref<4x128x16xf32, #tpu.memory_space<vmem>> -> memref<1x128x16xf32, #tpu.memory_space<vmem>>
        %dma_start3A_999 = tpu.memref_squeeze %dma_start3A_998 : memref<1x128x16xf32, #tpu.memory_space<vmem>> -> memref<128x16xf32, #tpu.memory_space<vmem>>
        %dma_start3A_1000 = arith.constant 0 : i32
        %dma_start3A_1001 = tpu.memref_slice %arg14[%dma_start3A_995, %dma_start3A_1000] : memref<4x128xi32, #tpu.memory_space<vmem>> -> memref<1x128xi32, #tpu.memory_space<vmem>>
        %dma_start3A_1002 = tpu.memref_squeeze %dma_start3A_1001 : memref<1x128xi32, #tpu.memory_space<vmem>> -> memref<128xi32, #tpu.memory_space<vmem>>
        %dma_start3A_1003 = arith.constant 0 : i32
        %dma_start3A_1004 = arith.constant 0 : i32
        %dma_start3A_1005 = tpu.memref_slice %arg21[%dma_start3A_1003, %dma_start3A_1004] : memref<100352x16xf32, #tpu.memory_space<vmem_shared>> -> memref<100352x16xf32, #tpu.memory_space<vmem_shared>>
        tpu.enqueue_indirect_dma source(%dma_start3A_999 : memref<128x16xf32, #tpu.memory_space<vmem>>) target(%dma_start3A_1005 : memref<100352x16xf32, #tpu.memory_space<vmem_shared>>) offsets(%dma_start3A_1002 : memref<128xi32, #tpu.memory_space<vmem>>) semaphore(%arg28 : memref<!tpu.dma_semaphore, #tpu.memory_space<semaphore_mem>>) {add = true}
        %dma_start3A_1006 = arith.constant 2 : i32
        %dma_start3A_1007 = arith.constant 2 : i32
        %dma_start3A_1008 = arith.constant 0 : i32
        %dma_start3A_1009 = arith.constant 0 : i32
        %dma_start3A_1010 = tpu.memref_slice %arg16[%dma_start3A_1006, %dma_start3A_1008, %dma_start3A_1009] : memref<4x128x16xf32, #tpu.memory_space<vmem>> -> memref<1x128x16xf32, #tpu.memory_space<vmem>>
        %dma_start3A_1011 = tpu.memref_squeeze %dma_start3A_1010 : memref<1x128x16xf32, #tpu.memory_space<vmem>> -> memref<128x16xf32, #tpu.memory_space<vmem>>
        %dma_start3A_1012 = arith.constant 0 : i32
        %dma_start3A_1013 = tpu.memref_slice %arg14[%dma_start3A_1007, %dma_start3A_1012] : memref<4x128xi32, #tpu.memory_space<vmem>> -> memref<1x128xi32, #tpu.memory_space<vmem>>
        %dma_start3A_1014 = tpu.memref_squeeze %dma_start3A_1013 : memref<1x128xi32, #tpu.memory_space<vmem>> -> memref<128xi32, #tpu.memory_space<vmem>>
        %dma_start3A_1015 = arith.constant 0 : i32
        %dma_start3A_1016 = arith.constant 0 : i32
        %dma_start3A_1017 = tpu.memref_slice %arg21[%dma_start3A_1015, %dma_start3A_1016] : memref<100352x16xf32, #tpu.memory_space<vmem_shared>> -> memref<100352x16xf32, #tpu.memory_space<vmem_shared>>
        tpu.enqueue_indirect_dma source(%dma_start3A_1011 : memref<128x16xf32, #tpu.memory_space<vmem>>) target(%dma_start3A_1017 : memref<100352x16xf32, #tpu.memory_space<vmem_shared>>) offsets(%dma_start3A_1014 : memref<128xi32, #tpu.memory_space<vmem>>) semaphore(%arg28 : memref<!tpu.dma_semaphore, #tpu.memory_space<semaphore_mem>>) {add = true}
        %dma_start3A_1018 = arith.constant 3 : i32
        %dma_start3A_1019 = arith.constant 3 : i32
        %dma_start3A_1020 = arith.constant 0 : i32
        %dma_start3A_1021 = arith.constant 0 : i32
        %dma_start3A_1022 = tpu.memref_slice %arg16[%dma_start3A_1018, %dma_start3A_1020, %dma_start3A_1021] : memref<4x128x16xf32, #tpu.memory_space<vmem>> -> memref<1x128x16xf32, #tpu.memory_space<vmem>>
        %dma_start3A_1023 = tpu.memref_squeeze %dma_start3A_1022 : memref<1x128x16xf32, #tpu.memory_space<vmem>> -> memref<128x16xf32, #tpu.memory_space<vmem>>
        %dma_start3A_1024 = arith.constant 0 : i32
        %dma_start3A_1025 = tpu.memref_slice %arg14[%dma_start3A_1019, %dma_start3A_1024] : memref<4x128xi32, #tpu.memory_space<vmem>> -> memref<1x128xi32, #tpu.memory_space<vmem>>
        %dma_start3A_1026 = tpu.memref_squeeze %dma_start3A_1025 : memref<1x128xi32, #tpu.memory_space<vmem>> -> memref<128xi32, #tpu.memory_space<vmem>>
        %dma_start3A_1027 = arith.constant 0 : i32
        %dma_start3A_1028 = arith.constant 0 : i32
        %dma_start3A_1029 = tpu.memref_slice %arg21[%dma_start3A_1027, %dma_start3A_1028] : memref<100352x16xf32, #tpu.memory_space<vmem_shared>> -> memref<100352x16xf32, #tpu.memory_space<vmem_shared>>
        tpu.enqueue_indirect_dma source(%dma_start3A_1023 : memref<128x16xf32, #tpu.memory_space<vmem>>) target(%dma_start3A_1029 : memref<100352x16xf32, #tpu.memory_space<vmem_shared>>) offsets(%dma_start3A_1026 : memref<128xi32, #tpu.memory_space<vmem>>) semaphore(%arg28 : memref<!tpu.dma_semaphore, #tpu.memory_space<semaphore_mem>>) {add = true}
        %dma_wait3A_1030 = arith.constant 0 : i32
        %dma_wait3A_1031 = arith.constant 0 : i32
        %dma_wait3A_1032 = arith.constant 0 : i32
        %dma_wait3A_1033 = arith.constant 0 : i32
        %dma_wait3A_1034 = tpu.memref_slice %arg15[%dma_wait3A_1030, %dma_wait3A_1032, %dma_wait3A_1033] : memref<4x128x16xf32, #tpu.memory_space<vmem>> -> memref<1x128x16xf32, #tpu.memory_space<vmem>>
        %dma_wait3A_1035 = tpu.memref_squeeze %dma_wait3A_1034 : memref<1x128x16xf32, #tpu.memory_space<vmem>> -> memref<128x16xf32, #tpu.memory_space<vmem>>
        %dma_wait3A_1036 = arith.constant 0 : i32
        %dma_wait3A_1037 = tpu.memref_slice %arg13[%dma_wait3A_1031, %dma_wait3A_1036] : memref<4x128xi32, #tpu.memory_space<vmem>> -> memref<1x128xi32, #tpu.memory_space<vmem>>
        %dma_wait3A_1038 = tpu.memref_squeeze %dma_wait3A_1037 : memref<1x128xi32, #tpu.memory_space<vmem>> -> memref<128xi32, #tpu.memory_space<vmem>>
        %dma_wait3A_1039 = arith.constant 0 : i32
        %dma_wait3A_1040 = arith.constant 0 : i32
        %dma_wait3A_1041 = tpu.memref_slice %arg21[%dma_wait3A_1039, %dma_wait3A_1040] : memref<100352x16xf32, #tpu.memory_space<vmem_shared>> -> memref<100352x16xf32, #tpu.memory_space<vmem_shared>>
        tpu.wait_indirect_dma semaphore(%arg27 : memref<!tpu.dma_semaphore, #tpu.memory_space<semaphore_mem>>) src(%dma_wait3A_1035 : memref<128x16xf32, #tpu.memory_space<vmem>>) dst(%dma_wait3A_1041 : memref<100352x16xf32, #tpu.memory_space<vmem_shared>>)
        %dma_wait3A_1042 = arith.constant 1 : i32
        %dma_wait3A_1043 = arith.constant 1 : i32
        %dma_wait3A_1044 = arith.constant 0 : i32
        %dma_wait3A_1045 = arith.constant 0 : i32
        %dma_wait3A_1046 = tpu.memref_slice %arg15[%dma_wait3A_1042, %dma_wait3A_1044, %dma_wait3A_1045] : memref<4x128x16xf32, #tpu.memory_space<vmem>> -> memref<1x128x16xf32, #tpu.memory_space<vmem>>
        %dma_wait3A_1047 = tpu.memref_squeeze %dma_wait3A_1046 : memref<1x128x16xf32, #tpu.memory_space<vmem>> -> memref<128x16xf32, #tpu.memory_space<vmem>>
        %dma_wait3A_1048 = arith.constant 0 : i32
        %dma_wait3A_1049 = tpu.memref_slice %arg13[%dma_wait3A_1043, %dma_wait3A_1048] : memref<4x128xi32, #tpu.memory_space<vmem>> -> memref<1x128xi32, #tpu.memory_space<vmem>>
        %dma_wait3A_1050 = tpu.memref_squeeze %dma_wait3A_1049 : memref<1x128xi32, #tpu.memory_space<vmem>> -> memref<128xi32, #tpu.memory_space<vmem>>
        %dma_wait3A_1051 = arith.constant 0 : i32
        %dma_wait3A_1052 = arith.constant 0 : i32
        %dma_wait3A_1053 = tpu.memref_slice %arg21[%dma_wait3A_1051, %dma_wait3A_1052] : memref<100352x16xf32, #tpu.memory_space<vmem_shared>> -> memref<100352x16xf32, #tpu.memory_space<vmem_shared>>
        tpu.wait_indirect_dma semaphore(%arg27 : memref<!tpu.dma_semaphore, #tpu.memory_space<semaphore_mem>>) src(%dma_wait3A_1047 : memref<128x16xf32, #tpu.memory_space<vmem>>) dst(%dma_wait3A_1053 : memref<100352x16xf32, #tpu.memory_space<vmem_shared>>)
        %dma_wait3A_1054 = arith.constant 2 : i32
        %dma_wait3A_1055 = arith.constant 2 : i32
        %dma_wait3A_1056 = arith.constant 0 : i32
        %dma_wait3A_1057 = arith.constant 0 : i32
        %dma_wait3A_1058 = tpu.memref_slice %arg15[%dma_wait3A_1054, %dma_wait3A_1056, %dma_wait3A_1057] : memref<4x128x16xf32, #tpu.memory_space<vmem>> -> memref<1x128x16xf32, #tpu.memory_space<vmem>>
        %dma_wait3A_1059 = tpu.memref_squeeze %dma_wait3A_1058 : memref<1x128x16xf32, #tpu.memory_space<vmem>> -> memref<128x16xf32, #tpu.memory_space<vmem>>
        %dma_wait3A_1060 = arith.constant 0 : i32
        %dma_wait3A_1061 = tpu.memref_slice %arg13[%dma_wait3A_1055, %dma_wait3A_1060] : memref<4x128xi32, #tpu.memory_space<vmem>> -> memref<1x128xi32, #tpu.memory_space<vmem>>
        %dma_wait3A_1062 = tpu.memref_squeeze %dma_wait3A_1061 : memref<1x128xi32, #tpu.memory_space<vmem>> -> memref<128xi32, #tpu.memory_space<vmem>>
        %dma_wait3A_1063 = arith.constant 0 : i32
        %dma_wait3A_1064 = arith.constant 0 : i32
        %dma_wait3A_1065 = tpu.memref_slice %arg21[%dma_wait3A_1063, %dma_wait3A_1064] : memref<100352x16xf32, #tpu.memory_space<vmem_shared>> -> memref<100352x16xf32, #tpu.memory_space<vmem_shared>>
        tpu.wait_indirect_dma semaphore(%arg27 : memref<!tpu.dma_semaphore, #tpu.memory_space<semaphore_mem>>) src(%dma_wait3A_1059 : memref<128x16xf32, #tpu.memory_space<vmem>>) dst(%dma_wait3A_1065 : memref<100352x16xf32, #tpu.memory_space<vmem_shared>>)
        %dma_wait3A_1066 = arith.constant 3 : i32
        %dma_wait3A_1067 = arith.constant 3 : i32
        %dma_wait3A_1068 = arith.constant 0 : i32
        %dma_wait3A_1069 = arith.constant 0 : i32
        %dma_wait3A_1070 = tpu.memref_slice %arg15[%dma_wait3A_1066, %dma_wait3A_1068, %dma_wait3A_1069] : memref<4x128x16xf32, #tpu.memory_space<vmem>> -> memref<1x128x16xf32, #tpu.memory_space<vmem>>
        %dma_wait3A_1071 = tpu.memref_squeeze %dma_wait3A_1070 : memref<1x128x16xf32, #tpu.memory_space<vmem>> -> memref<128x16xf32, #tpu.memory_space<vmem>>
        %dma_wait3A_1072 = arith.constant 0 : i32
        %dma_wait3A_1073 = tpu.memref_slice %arg13[%dma_wait3A_1067, %dma_wait3A_1072] : memref<4x128xi32, #tpu.memory_space<vmem>> -> memref<1x128xi32, #tpu.memory_space<vmem>>
        %dma_wait3A_1074 = tpu.memref_squeeze %dma_wait3A_1073 : memref<1x128xi32, #tpu.memory_space<vmem>> -> memref<128xi32, #tpu.memory_space<vmem>>
        %dma_wait3A_1075 = arith.constant 0 : i32
        %dma_wait3A_1076 = arith.constant 0 : i32
        %dma_wait3A_1077 = tpu.memref_slice %arg21[%dma_wait3A_1075, %dma_wait3A_1076] : memref<100352x16xf32, #tpu.memory_space<vmem_shared>> -> memref<100352x16xf32, #tpu.memory_space<vmem_shared>>
        tpu.wait_indirect_dma semaphore(%arg27 : memref<!tpu.dma_semaphore, #tpu.memory_space<semaphore_mem>>) src(%dma_wait3A_1071 : memref<128x16xf32, #tpu.memory_space<vmem>>) dst(%dma_wait3A_1077 : memref<100352x16xf32, #tpu.memory_space<vmem_shared>>)
        %add3A_1078 = arith.constant 1 : i32
        %add3A_1079 = arith.addi %add3A_933, %add3A_1078 : i32
        %lt3A_1080 = arith.constant 396 : i32
        %lt3A_1081 = arith.cmpi slt, %add3A_1079, %lt3A_1080 : i32
        %convert_element_type3A_1082 = arith.extui %lt3A_1081 : i1 to i32
        %cond3A_1083 = arith.constant 0 : i32
        %cond3A_1084 = arith.cmpi ne, %convert_element_type3A_1082, %cond3A_1083 : i32
        scf.if %cond3A_1084 {
          %add3A_1092 = arith.constant 1 : i32
          %add3A_1093 = arith.addi %add3A_933, %add3A_1092 : i32
          %mul3A_1094 = arith.constant 4 : i32
          %mul3A_1095 = arith.muli %add3A_1093, %mul3A_1094 : i32
          %add3A_1096 = arith.addi %mul3A_2, %mul3A_1095 : i32
          %dma_wait3A_1097 = arith.constant 0 : i32
          %dma_wait3A_1098 = tpu.memref_slice %arg3[%add3A, %add3A_1096, %dma_wait3A_1097] : memref<4x25344x128xi32, #tpu.memory_space<hbm>> -> memref<1x4x128xi32, #tpu.memory_space<hbm>>
          %dma_wait3A_1099 = tpu.memref_squeeze %dma_wait3A_1098 : memref<1x4x128xi32, #tpu.memory_space<hbm>> -> memref<4x128xi32, #tpu.memory_space<hbm>>
          %dma_wait3A_1100 = arith.constant 0 : i32
          %dma_wait3A_1101 = tpu.memref_slice %arg3[%add3A, %add3A_1096, %dma_wait3A_1100] : memref<4x25344x128xi32, #tpu.memory_space<hbm>> -> memref<1x4x128xi32, #tpu.memory_space<hbm>>
          %dma_wait3A_1102 = tpu.memref_squeeze %dma_wait3A_1101 : memref<1x4x128xi32, #tpu.memory_space<hbm>> -> memref<4x128xi32, #tpu.memory_space<hbm>>
          tpu.wait_dma2 semaphore(%arg22 : memref<!tpu.dma_semaphore, #tpu.memory_space<semaphore_mem>>) src(%dma_wait3A_1102 : memref<4x128xi32, #tpu.memory_space<hbm>>) dst(%arg9 : memref<4x128xi32, #tpu.memory_space<vmem>>)
          %dma_wait3A_1103 = arith.constant 0 : i32
          %dma_wait3A_1104 = tpu.memref_slice %arg4[%add3A_1096, %dma_wait3A_1103] : memref<25344x128xi32, #tpu.memory_space<hbm>> -> memref<4x128xi32, #tpu.memory_space<hbm>>
          %dma_wait3A_1105 = arith.constant 0 : i32
          %dma_wait3A_1106 = tpu.memref_slice %arg4[%add3A_1096, %dma_wait3A_1105] : memref<25344x128xi32, #tpu.memory_space<hbm>> -> memref<4x128xi32, #tpu.memory_space<hbm>>
          tpu.wait_dma2 semaphore(%arg22 : memref<!tpu.dma_semaphore, #tpu.memory_space<semaphore_mem>>) src(%dma_wait3A_1106 : memref<4x128xi32, #tpu.memory_space<hbm>>) dst(%arg12 : memref<4x128xi32, #tpu.memory_space<vmem>>)
          %dma_start3A_1107 = arith.constant 0 : i32
          %dma_start3A_1108 = arith.constant 0 : i32
          %dma_start3A_1109 = arith.constant 0 : i32
          %dma_start3A_1110 = arith.constant 0 : i32
          %dma_start3A_1111 = tpu.memref_slice %arg15[%dma_start3A_1108, %dma_start3A_1109, %dma_start3A_1110] : memref<4x128x16xf32, #tpu.memory_space<vmem>> -> memref<1x128x16xf32, #tpu.memory_space<vmem>>
          %dma_start3A_1112 = tpu.memref_squeeze %dma_start3A_1111 : memref<1x128x16xf32, #tpu.memory_space<vmem>> -> memref<128x16xf32, #tpu.memory_space<vmem>>
          %dma_start3A_1113 = arith.constant 0 : i32
          %dma_start3A_1114 = tpu.memref_slice %arg9[%dma_start3A_1107, %dma_start3A_1113] : memref<4x128xi32, #tpu.memory_space<vmem>> -> memref<1x128xi32, #tpu.memory_space<vmem>>
          %dma_start3A_1115 = tpu.memref_squeeze %dma_start3A_1114 : memref<1x128xi32, #tpu.memory_space<vmem>> -> memref<128xi32, #tpu.memory_space<vmem>>
          %dma_start3A_1116 = arith.constant 0 : i32
          %dma_start3A_1117 = arith.constant 0 : i32
          %dma_start3A_1118 = tpu.memref_slice %arg8[%dma_start3A_1116, %dma_start3A_1117] : memref<401408x16xf32, #tpu.memory_space<hbm>> -> memref<401408x16xf32, #tpu.memory_space<hbm>>
          tpu.enqueue_indirect_dma source(%dma_start3A_1118 : memref<401408x16xf32, #tpu.memory_space<hbm>>) target(%dma_start3A_1112 : memref<128x16xf32, #tpu.memory_space<vmem>>) offsets(%dma_start3A_1115 : memref<128xi32, #tpu.memory_space<vmem>>) semaphore(%arg25 : memref<!tpu.dma_semaphore, #tpu.memory_space<semaphore_mem>>)
          %dma_start3A_1119 = arith.constant 1 : i32
          %dma_start3A_1120 = arith.constant 1 : i32
          %dma_start3A_1121 = arith.constant 0 : i32
          %dma_start3A_1122 = arith.constant 0 : i32
          %dma_start3A_1123 = tpu.memref_slice %arg15[%dma_start3A_1120, %dma_start3A_1121, %dma_start3A_1122] : memref<4x128x16xf32, #tpu.memory_space<vmem>> -> memref<1x128x16xf32, #tpu.memory_space<vmem>>
          %dma_start3A_1124 = tpu.memref_squeeze %dma_start3A_1123 : memref<1x128x16xf32, #tpu.memory_space<vmem>> -> memref<128x16xf32, #tpu.memory_space<vmem>>
          %dma_start3A_1125 = arith.constant 0 : i32
          %dma_start3A_1126 = tpu.memref_slice %arg9[%dma_start3A_1119, %dma_start3A_1125] : memref<4x128xi32, #tpu.memory_space<vmem>> -> memref<1x128xi32, #tpu.memory_space<vmem>>
          %dma_start3A_1127 = tpu.memref_squeeze %dma_start3A_1126 : memref<1x128xi32, #tpu.memory_space<vmem>> -> memref<128xi32, #tpu.memory_space<vmem>>
          %dma_start3A_1128 = arith.constant 0 : i32
          %dma_start3A_1129 = arith.constant 0 : i32
          %dma_start3A_1130 = tpu.memref_slice %arg8[%dma_start3A_1128, %dma_start3A_1129] : memref<401408x16xf32, #tpu.memory_space<hbm>> -> memref<401408x16xf32, #tpu.memory_space<hbm>>
          tpu.enqueue_indirect_dma source(%dma_start3A_1130 : memref<401408x16xf32, #tpu.memory_space<hbm>>) target(%dma_start3A_1124 : memref<128x16xf32, #tpu.memory_space<vmem>>) offsets(%dma_start3A_1127 : memref<128xi32, #tpu.memory_space<vmem>>) semaphore(%arg25 : memref<!tpu.dma_semaphore, #tpu.memory_space<semaphore_mem>>)
          %dma_start3A_1131 = arith.constant 2 : i32
          %dma_start3A_1132 = arith.constant 2 : i32
          %dma_start3A_1133 = arith.constant 0 : i32
          %dma_start3A_1134 = arith.constant 0 : i32
          %dma_start3A_1135 = tpu.memref_slice %arg15[%dma_start3A_1132, %dma_start3A_1133, %dma_start3A_1134] : memref<4x128x16xf32, #tpu.memory_space<vmem>> -> memref<1x128x16xf32, #tpu.memory_space<vmem>>
          %dma_start3A_1136 = tpu.memref_squeeze %dma_start3A_1135 : memref<1x128x16xf32, #tpu.memory_space<vmem>> -> memref<128x16xf32, #tpu.memory_space<vmem>>
          %dma_start3A_1137 = arith.constant 0 : i32
          %dma_start3A_1138 = tpu.memref_slice %arg9[%dma_start3A_1131, %dma_start3A_1137] : memref<4x128xi32, #tpu.memory_space<vmem>> -> memref<1x128xi32, #tpu.memory_space<vmem>>
          %dma_start3A_1139 = tpu.memref_squeeze %dma_start3A_1138 : memref<1x128xi32, #tpu.memory_space<vmem>> -> memref<128xi32, #tpu.memory_space<vmem>>
          %dma_start3A_1140 = arith.constant 0 : i32
          %dma_start3A_1141 = arith.constant 0 : i32
          %dma_start3A_1142 = tpu.memref_slice %arg8[%dma_start3A_1140, %dma_start3A_1141] : memref<401408x16xf32, #tpu.memory_space<hbm>> -> memref<401408x16xf32, #tpu.memory_space<hbm>>
          tpu.enqueue_indirect_dma source(%dma_start3A_1142 : memref<401408x16xf32, #tpu.memory_space<hbm>>) target(%dma_start3A_1136 : memref<128x16xf32, #tpu.memory_space<vmem>>) offsets(%dma_start3A_1139 : memref<128xi32, #tpu.memory_space<vmem>>) semaphore(%arg25 : memref<!tpu.dma_semaphore, #tpu.memory_space<semaphore_mem>>)
          %dma_start3A_1143 = arith.constant 3 : i32
          %dma_start3A_1144 = arith.constant 3 : i32
          %dma_start3A_1145 = arith.constant 0 : i32
          %dma_start3A_1146 = arith.constant 0 : i32
          %dma_start3A_1147 = tpu.memref_slice %arg15[%dma_start3A_1144, %dma_start3A_1145, %dma_start3A_1146] : memref<4x128x16xf32, #tpu.memory_space<vmem>> -> memref<1x128x16xf32, #tpu.memory_space<vmem>>
          %dma_start3A_1148 = tpu.memref_squeeze %dma_start3A_1147 : memref<1x128x16xf32, #tpu.memory_space<vmem>> -> memref<128x16xf32, #tpu.memory_space<vmem>>
          %dma_start3A_1149 = arith.constant 0 : i32
          %dma_start3A_1150 = tpu.memref_slice %arg9[%dma_start3A_1143, %dma_start3A_1149] : memref<4x128xi32, #tpu.memory_space<vmem>> -> memref<1x128xi32, #tpu.memory_space<vmem>>
          %dma_start3A_1151 = tpu.memref_squeeze %dma_start3A_1150 : memref<1x128xi32, #tpu.memory_space<vmem>> -> memref<128xi32, #tpu.memory_space<vmem>>
          %dma_start3A_1152 = arith.constant 0 : i32
          %dma_start3A_1153 = arith.constant 0 : i32
          %dma_start3A_1154 = tpu.memref_slice %arg8[%dma_start3A_1152, %dma_start3A_1153] : memref<401408x16xf32, #tpu.memory_space<hbm>> -> memref<401408x16xf32, #tpu.memory_space<hbm>>
          tpu.enqueue_indirect_dma source(%dma_start3A_1154 : memref<401408x16xf32, #tpu.memory_space<hbm>>) target(%dma_start3A_1148 : memref<128x16xf32, #tpu.memory_space<vmem>>) offsets(%dma_start3A_1151 : memref<128xi32, #tpu.memory_space<vmem>>) semaphore(%arg25 : memref<!tpu.dma_semaphore, #tpu.memory_space<semaphore_mem>>)
        } else {
        }
        %add3A_1085 = arith.constant 2 : i32
        %add3A_1086 = arith.addi %add3A_933, %add3A_1085 : i32
        %lt3A_1087 = arith.constant 396 : i32
        %lt3A_1088 = arith.cmpi slt, %add3A_1086, %lt3A_1087 : i32
        %convert_element_type3A_1089 = arith.extui %lt3A_1088 : i1 to i32
        %cond3A_1090 = arith.constant 0 : i32
        %cond3A_1091 = arith.cmpi ne, %convert_element_type3A_1089, %cond3A_1090 : i32
        scf.if %cond3A_1091 {
          %add3A_1092 = arith.constant 2 : i32
          %add3A_1093 = arith.addi %add3A_933, %add3A_1092 : i32
          %mul3A_1094 = arith.constant 4 : i32
          %mul3A_1095 = arith.muli %add3A_1093, %mul3A_1094 : i32
          %add3A_1096 = arith.addi %mul3A_2, %mul3A_1095 : i32
          %dma_start3A_1097 = arith.constant 0 : i32
          %dma_start3A_1098 = tpu.memref_slice %arg3[%add3A, %add3A_1096, %dma_start3A_1097] : memref<4x25344x128xi32, #tpu.memory_space<hbm>> -> memref<1x4x128xi32, #tpu.memory_space<hbm>>
          %dma_start3A_1099 = tpu.memref_squeeze %dma_start3A_1098 : memref<1x4x128xi32, #tpu.memory_space<hbm>> -> memref<4x128xi32, #tpu.memory_space<hbm>>
          %dma_start3A_1100 = arith.constant 0 : i32
          %dma_start3A_1101 = tpu.memref_slice %arg3[%add3A, %add3A_1096, %dma_start3A_1100] : memref<4x25344x128xi32, #tpu.memory_space<hbm>> -> memref<1x4x128xi32, #tpu.memory_space<hbm>>
          %dma_start3A_1102 = tpu.memref_squeeze %dma_start3A_1101 : memref<1x4x128xi32, #tpu.memory_space<hbm>> -> memref<4x128xi32, #tpu.memory_space<hbm>>
          tpu.enqueue_dma source(%dma_start3A_1102 : memref<4x128xi32, #tpu.memory_space<hbm>>) target(%arg10 : memref<4x128xi32, #tpu.memory_space<vmem>>) target_semaphore(%arg23 : memref<!tpu.dma_semaphore, #tpu.memory_space<semaphore_mem>>)
          %dma_start3A_1103 = arith.constant 0 : i32
          %dma_start3A_1104 = tpu.memref_slice %arg4[%add3A_1096, %dma_start3A_1103] : memref<25344x128xi32, #tpu.memory_space<hbm>> -> memref<4x128xi32, #tpu.memory_space<hbm>>
          %dma_start3A_1105 = arith.constant 0 : i32
          %dma_start3A_1106 = tpu.memref_slice %arg4[%add3A_1096, %dma_start3A_1105] : memref<25344x128xi32, #tpu.memory_space<hbm>> -> memref<4x128xi32, #tpu.memory_space<hbm>>
          tpu.enqueue_dma source(%dma_start3A_1106 : memref<4x128xi32, #tpu.memory_space<hbm>>) target(%arg13 : memref<4x128xi32, #tpu.memory_space<vmem>>) target_semaphore(%arg23 : memref<!tpu.dma_semaphore, #tpu.memory_space<semaphore_mem>>)
        } else {
        }
      }
      %scan3A_119 = arith.constant 66 : i32
      %dma_wait3A_120 = arith.constant 0 : i32
      %dma_wait3A_121 = arith.constant 0 : i32
      %dma_wait3A_122 = arith.constant 0 : i32
      %dma_wait3A_123 = arith.constant 0 : i32
      %dma_wait3A_124 = tpu.memref_slice %arg16[%dma_wait3A_120, %dma_wait3A_122, %dma_wait3A_123] : memref<4x128x16xf32, #tpu.memory_space<vmem>> -> memref<1x128x16xf32, #tpu.memory_space<vmem>>
      %dma_wait3A_125 = tpu.memref_squeeze %dma_wait3A_124 : memref<1x128x16xf32, #tpu.memory_space<vmem>> -> memref<128x16xf32, #tpu.memory_space<vmem>>
      %dma_wait3A_126 = arith.constant 0 : i32
      %dma_wait3A_127 = tpu.memref_slice %arg14[%dma_wait3A_121, %dma_wait3A_126] : memref<4x128xi32, #tpu.memory_space<vmem>> -> memref<1x128xi32, #tpu.memory_space<vmem>>
      %dma_wait3A_128 = tpu.memref_squeeze %dma_wait3A_127 : memref<1x128xi32, #tpu.memory_space<vmem>> -> memref<128xi32, #tpu.memory_space<vmem>>
      %dma_wait3A_129 = arith.constant 0 : i32
      %dma_wait3A_130 = arith.constant 0 : i32
      %dma_wait3A_131 = tpu.memref_slice %arg21[%dma_wait3A_129, %dma_wait3A_130] : memref<100352x16xf32, #tpu.memory_space<vmem_shared>> -> memref<100352x16xf32, #tpu.memory_space<vmem_shared>>
      tpu.wait_indirect_dma semaphore(%arg28 : memref<!tpu.dma_semaphore, #tpu.memory_space<semaphore_mem>>) src(%dma_wait3A_125 : memref<128x16xf32, #tpu.memory_space<vmem>>) dst(%dma_wait3A_131 : memref<100352x16xf32, #tpu.memory_space<vmem_shared>>)
      %dma_wait3A_132 = arith.constant 1 : i32
      %dma_wait3A_133 = arith.constant 1 : i32
      %dma_wait3A_134 = arith.constant 0 : i32
      %dma_wait3A_135 = arith.constant 0 : i32
      %dma_wait3A_136 = tpu.memref_slice %arg16[%dma_wait3A_132, %dma_wait3A_134, %dma_wait3A_135] : memref<4x128x16xf32, #tpu.memory_space<vmem>> -> memref<1x128x16xf32, #tpu.memory_space<vmem>>
      %dma_wait3A_137 = tpu.memref_squeeze %dma_wait3A_136 : memref<1x128x16xf32, #tpu.memory_space<vmem>> -> memref<128x16xf32, #tpu.memory_space<vmem>>
      %dma_wait3A_138 = arith.constant 0 : i32
      %dma_wait3A_139 = tpu.memref_slice %arg14[%dma_wait3A_133, %dma_wait3A_138] : memref<4x128xi32, #tpu.memory_space<vmem>> -> memref<1x128xi32, #tpu.memory_space<vmem>>
      %dma_wait3A_140 = tpu.memref_squeeze %dma_wait3A_139 : memref<1x128xi32, #tpu.memory_space<vmem>> -> memref<128xi32, #tpu.memory_space<vmem>>
      %dma_wait3A_141 = arith.constant 0 : i32
      %dma_wait3A_142 = arith.constant 0 : i32
      %dma_wait3A_143 = tpu.memref_slice %arg21[%dma_wait3A_141, %dma_wait3A_142] : memref<100352x16xf32, #tpu.memory_space<vmem_shared>> -> memref<100352x16xf32, #tpu.memory_space<vmem_shared>>
      tpu.wait_indirect_dma semaphore(%arg28 : memref<!tpu.dma_semaphore, #tpu.memory_space<semaphore_mem>>) src(%dma_wait3A_137 : memref<128x16xf32, #tpu.memory_space<vmem>>) dst(%dma_wait3A_143 : memref<100352x16xf32, #tpu.memory_space<vmem_shared>>)
      %dma_wait3A_144 = arith.constant 2 : i32
      %dma_wait3A_145 = arith.constant 2 : i32
      %dma_wait3A_146 = arith.constant 0 : i32
      %dma_wait3A_147 = arith.constant 0 : i32
      %dma_wait3A_148 = tpu.memref_slice %arg16[%dma_wait3A_144, %dma_wait3A_146, %dma_wait3A_147] : memref<4x128x16xf32, #tpu.memory_space<vmem>> -> memref<1x128x16xf32, #tpu.memory_space<vmem>>
      %dma_wait3A_149 = tpu.memref_squeeze %dma_wait3A_148 : memref<1x128x16xf32, #tpu.memory_space<vmem>> -> memref<128x16xf32, #tpu.memory_space<vmem>>
      %dma_wait3A_150 = arith.constant 0 : i32
      %dma_wait3A_151 = tpu.memref_slice %arg14[%dma_wait3A_145, %dma_wait3A_150] : memref<4x128xi32, #tpu.memory_space<vmem>> -> memref<1x128xi32, #tpu.memory_space<vmem>>
      %dma_wait3A_152 = tpu.memref_squeeze %dma_wait3A_151 : memref<1x128xi32, #tpu.memory_space<vmem>> -> memref<128xi32, #tpu.memory_space<vmem>>
      %dma_wait3A_153 = arith.constant 0 : i32
      %dma_wait3A_154 = arith.constant 0 : i32
      %dma_wait3A_155 = tpu.memref_slice %arg21[%dma_wait3A_153, %dma_wait3A_154] : memref<100352x16xf32, #tpu.memory_space<vmem_shared>> -> memref<100352x16xf32, #tpu.memory_space<vmem_shared>>
      tpu.wait_indirect_dma semaphore(%arg28 : memref<!tpu.dma_semaphore, #tpu.memory_space<semaphore_mem>>) src(%dma_wait3A_149 : memref<128x16xf32, #tpu.memory_space<vmem>>) dst(%dma_wait3A_155 : memref<100352x16xf32, #tpu.memory_space<vmem_shared>>)
      %dma_wait3A_156 = arith.constant 3 : i32
      %dma_wait3A_157 = arith.constant 3 : i32
      %dma_wait3A_158 = arith.constant 0 : i32
      %dma_wait3A_159 = arith.constant 0 : i32
      %dma_wait3A_160 = tpu.memref_slice %arg16[%dma_wait3A_156, %dma_wait3A_158, %dma_wait3A_159] : memref<4x128x16xf32, #tpu.memory_space<vmem>> -> memref<1x128x16xf32, #tpu.memory_space<vmem>>
      %dma_wait3A_161 = tpu.memref_squeeze %dma_wait3A_160 : memref<1x128x16xf32, #tpu.memory_space<vmem>> -> memref<128x16xf32, #tpu.memory_space<vmem>>
      %dma_wait3A_162 = arith.constant 0 : i32
      %dma_wait3A_163 = tpu.memref_slice %arg14[%dma_wait3A_157, %dma_wait3A_162] : memref<4x128xi32, #tpu.memory_space<vmem>> -> memref<1x128xi32, #tpu.memory_space<vmem>>
      %dma_wait3A_164 = tpu.memref_squeeze %dma_wait3A_163 : memref<1x128xi32, #tpu.memory_space<vmem>> -> memref<128xi32, #tpu.memory_space<vmem>>
      %dma_wait3A_165 = arith.constant 0 : i32
      %dma_wait3A_166 = arith.constant 0 : i32
      %dma_wait3A_167 = tpu.memref_slice %arg21[%dma_wait3A_165, %dma_wait3A_166] : memref<100352x16xf32, #tpu.memory_space<vmem_shared>> -> memref<100352x16xf32, #tpu.memory_space<vmem_shared>>
      tpu.wait_indirect_dma semaphore(%arg28 : memref<!tpu.dma_semaphore, #tpu.memory_space<semaphore_mem>>) src(%dma_wait3A_161 : memref<128x16xf32, #tpu.memory_space<vmem>>) dst(%dma_wait3A_167 : memref<100352x16xf32, #tpu.memory_space<vmem_shared>>)
      %barrier3A_168 = arith.constant 0 : index
      tpu.barrier barrier_id(%barrier3A_168)
      %scan3A_169 = arith.constant 0 : i32
      %scan3A_170 = arith.constant 0 : i32
      %scan3A_171 = arith.constant 49 : i32
      %scan3A_172 = arith.addi %scan3A_170, %scan3A_171 : i32
      %scan3A_173 = arith.constant 1 : i32
      scf.for %scan3A_176 = %scan3A_170 to %scan3A_172 step %scan3A_173  : i32 {
        %mul3A_177 = arith.constant 128 : i32
        %mul3A_178 = arith.muli %scan3A_176, %mul3A_177 : i32
        %add3A_179 = arith.addi %mul3A_4, %mul3A_178 : i32
        "tpu.region"() ({
          %run_scoped3A = tpu.sem_alloc : memref<!tpu.dma_semaphore, #tpu.memory_space<semaphore_mem>>
          %dma_start3A_200 = arith.constant 0 : i32
          %dma_start3A_201 = tpu.memref_slice %arg21[%add3A_179, %dma_start3A_200] : memref<100352x16xf32, #tpu.memory_space<vmem_shared>> -> memref<128x16xf32, #tpu.memory_space<vmem_shared>>
          %dma_start3A_202 = arith.constant 0 : i32
          %dma_start3A_203 = tpu.memref_slice %arg21[%add3A_179, %dma_start3A_202] : memref<100352x16xf32, #tpu.memory_space<vmem_shared>> -> memref<128x16xf32, #tpu.memory_space<vmem_shared>>
          tpu.enqueue_dma source(%dma_start3A_203 : memref<128x16xf32, #tpu.memory_space<vmem_shared>>) target(%arg18 : memref<128x16xf32, #tpu.memory_space<vmem>>) target_semaphore(%run_scoped3A : memref<!tpu.dma_semaphore, #tpu.memory_space<semaphore_mem>>)
          %dma_wait3A_204 = arith.constant 0 : i32
          %dma_wait3A_205 = tpu.memref_slice %arg21[%add3A_179, %dma_wait3A_204] : memref<100352x16xf32, #tpu.memory_space<vmem_shared>> -> memref<128x16xf32, #tpu.memory_space<vmem_shared>>
          %dma_wait3A_206 = arith.constant 0 : i32
          %dma_wait3A_207 = tpu.memref_slice %arg21[%add3A_179, %dma_wait3A_206] : memref<100352x16xf32, #tpu.memory_space<vmem_shared>> -> memref<128x16xf32, #tpu.memory_space<vmem_shared>>
          tpu.wait_dma2 semaphore(%run_scoped3A : memref<!tpu.dma_semaphore, #tpu.memory_space<semaphore_mem>>) src(%dma_wait3A_207 : memref<128x16xf32, #tpu.memory_space<vmem_shared>>) dst(%arg18 : memref<128x16xf32, #tpu.memory_space<vmem>>)
          tpu.yield
        }) : () -> ()
        %mul3A_180 = arith.constant 2 : i32
        %mul3A_181 = arith.muli %rem3A_20, %mul3A_180 : i32
        %add3A_182 = arith.addi %mul3A_181, %arg0 : i32
        %mul3A_183 = arith.constant 100352 : i32
        %mul3A_184 = arith.muli %add3A_182, %mul3A_183 : i32
        %add3A_185 = arith.addi %mul3A_184, %add3A_179 : i32
        "tpu.region"() ({
          %run_scoped3A = tpu.sem_alloc : memref<!tpu.dma_semaphore, #tpu.memory_space<semaphore_mem>>
          %dma_start3A_200 = arith.constant 0 : i32
          %dma_start3A_201 = tpu.memref_slice %arg8[%add3A_185, %dma_start3A_200] : memref<401408x16xf32, #tpu.memory_space<hbm>> -> memref<128x16xf32, #tpu.memory_space<hbm>>
          %dma_start3A_202 = arith.constant 0 : i32
          %dma_start3A_203 = tpu.memref_slice %arg8[%add3A_185, %dma_start3A_202] : memref<401408x16xf32, #tpu.memory_space<hbm>> -> memref<128x16xf32, #tpu.memory_space<hbm>>
          tpu.enqueue_dma source(%dma_start3A_203 : memref<128x16xf32, #tpu.memory_space<hbm>>) target(%arg19 : memref<128x16xf32, #tpu.memory_space<vmem>>) target_semaphore(%run_scoped3A : memref<!tpu.dma_semaphore, #tpu.memory_space<semaphore_mem>>)
          %dma_wait3A_204 = arith.constant 0 : i32
          %dma_wait3A_205 = tpu.memref_slice %arg8[%add3A_185, %dma_wait3A_204] : memref<401408x16xf32, #tpu.memory_space<hbm>> -> memref<128x16xf32, #tpu.memory_space<hbm>>
          %dma_wait3A_206 = arith.constant 0 : i32
          %dma_wait3A_207 = tpu.memref_slice %arg8[%add3A_185, %dma_wait3A_206] : memref<401408x16xf32, #tpu.memory_space<hbm>> -> memref<128x16xf32, #tpu.memory_space<hbm>>
          tpu.wait_dma2 semaphore(%run_scoped3A : memref<!tpu.dma_semaphore, #tpu.memory_space<semaphore_mem>>) src(%dma_wait3A_207 : memref<128x16xf32, #tpu.memory_space<hbm>>) dst(%arg19 : memref<128x16xf32, #tpu.memory_space<vmem>>)
          tpu.yield
        }) : () -> ()
        "tpu.region"() ({
          %run_scoped3A = tpu.sem_alloc : memref<!tpu.dma_semaphore, #tpu.memory_space<semaphore_mem>>
          %dma_start3A_200 = arith.constant 0 : i32
          %dma_start3A_201 = tpu.memref_slice %arg5[%add3A_179, %dma_start3A_200] : memref<100352x16xf32, #tpu.memory_space<hbm>> -> memref<128x16xf32, #tpu.memory_space<hbm>>
          %dma_start3A_202 = arith.constant 0 : i32
          %dma_start3A_203 = tpu.memref_slice %arg5[%add3A_179, %dma_start3A_202] : memref<100352x16xf32, #tpu.memory_space<hbm>> -> memref<128x16xf32, #tpu.memory_space<hbm>>
          tpu.enqueue_dma source(%dma_start3A_203 : memref<128x16xf32, #tpu.memory_space<hbm>>) target(%arg20 : memref<128x16xf32, #tpu.memory_space<vmem>>) target_semaphore(%run_scoped3A : memref<!tpu.dma_semaphore, #tpu.memory_space<semaphore_mem>>)
          %dma_wait3A_204 = arith.constant 0 : i32
          %dma_wait3A_205 = tpu.memref_slice %arg5[%add3A_179, %dma_wait3A_204] : memref<100352x16xf32, #tpu.memory_space<hbm>> -> memref<128x16xf32, #tpu.memory_space<hbm>>
          %dma_wait3A_206 = arith.constant 0 : i32
          %dma_wait3A_207 = tpu.memref_slice %arg5[%add3A_179, %dma_wait3A_206] : memref<100352x16xf32, #tpu.memory_space<hbm>> -> memref<128x16xf32, #tpu.memory_space<hbm>>
          tpu.wait_dma2 semaphore(%run_scoped3A : memref<!tpu.dma_semaphore, #tpu.memory_space<semaphore_mem>>) src(%dma_wait3A_207 : memref<128x16xf32, #tpu.memory_space<hbm>>) dst(%arg20 : memref<128x16xf32, #tpu.memory_space<vmem>>)
          tpu.yield
        }) : () -> ()
        %scan3A_186 = arith.constant 0 : i32
        %scan3A_187 = arith.constant 0 : i32
        %scan3A_188 = arith.constant 128 : i32
        %scan3A_189 = arith.addi %scan3A_187, %scan3A_188 : i32
        %scan3A_190 = arith.constant 1 : i32
        scf.for %scan3A_200 = %scan3A_187 to %scan3A_189 step %scan3A_190  : i32 {
          %get3A = arith.index_cast %scan3A_200 : i32 to index
          %get3A_201 = arith.constant 0 : index
          %get3A_202 = tpu.vector_load %arg18[%get3A, %get3A_201] {strides = array<i32>} : memref<128x16xf32, #tpu.memory_space<vmem>>, vector<1x16xf32>,
          %get3A_203 = vector.shape_cast %get3A_202 : vector<1x16xf32> to vector<16xf32>
          %get3A_204 = arith.index_cast %scan3A_200 : i32 to index
          %get3A_205 = arith.constant 0 : index
          %get3A_206 = tpu.vector_load %arg19[%get3A_204, %get3A_205] {strides = array<i32>} : memref<128x16xf32, #tpu.memory_space<vmem>>, vector<1x16xf32>,
          %get3A_207 = vector.shape_cast %get3A_206 : vector<1x16xf32> to vector<16xf32>
          %get3A_208 = arith.index_cast %scan3A_200 : i32 to index
          %get3A_209 = arith.constant 0 : index
          %get3A_210 = tpu.vector_load %arg20[%get3A_208, %get3A_209] {strides = array<i32>} : memref<128x16xf32, #tpu.memory_space<vmem>>, vector<1x16xf32>,
          %get3A_211 = vector.shape_cast %get3A_210 : vector<1x16xf32> to vector<16xf32>
          %neg3A = arith.constant 0.000000e+00 : f32
          %neg3A_212 = arith.subf %neg3A, %select_n3A : f32
          %mul3A_213 = vector.broadcast %neg3A_212 : f32 to vector<16xf32>
          %mul3A_214 = arith.mulf %mul3A_213, %get3A_211 : vector<16xf32>
          %mul3A_215 = arith.mulf %mul3A_214, %get3A_203 : vector<16xf32>
          %gt3A = arith.constant 1 : i32
          %gt3A_216 = arith.cmpi sgt, %scan3A_16, %gt3A : i32
          %broadcast_in_dim3A = arith.constant 0.000000e+00 : f32
          %broadcast_in_dim3A_217 = vector.broadcast %broadcast_in_dim3A : f32 to vector<16xf32>
          %select_n3A_218 = arith.select %gt3A_216, %get3A_207, %broadcast_in_dim3A_217 : vector<16xf32>
          %sub3A_219 = arith.subf %mul3A_215, %select_n3A_218 : vector<16xf32>
          %swap3A = arith.index_cast %scan3A_200 : i32 to index
          %swap3A_220 = arith.constant 0 : index
          %swap3A_221 = tpu.vector_load %arg19[%swap3A, %swap3A_220] {strides = array<i32>} : memref<128x16xf32, #tpu.memory_space<vmem>>, vector<1x16xf32>,
          %swap3A_222 = vector.shape_cast %swap3A_221 : vector<1x16xf32> to vector<16xf32>
          %swap3A_223 = vector.shape_cast %sub3A_219 : vector<16xf32> to vector<1x16xf32>
          tpu.vector_store %arg19[%swap3A, %swap3A_220], %swap3A_223 {strides = array<i32>} : memref<128x16xf32, #tpu.memory_space<vmem>>, vector<1x16xf32>,
        }
        %scan3A_191 = arith.constant 128 : i32
        %mul3A_192 = arith.constant 2 : i32
        %mul3A_193 = arith.muli %rem3A_20, %mul3A_192 : i32
        %add3A_194 = arith.addi %mul3A_193, %arg0 : i32
        %mul3A_195 = arith.constant 100352 : i32
        %mul3A_196 = arith.muli %add3A_194, %mul3A_195 : i32
        %add3A_197 = arith.addi %mul3A_196, %add3A_179 : i32
        "tpu.region"() ({
          %run_scoped3A = tpu.sem_alloc : memref<!tpu.dma_semaphore, #tpu.memory_space<semaphore_mem>>
          %dma_start3A_200 = arith.constant 0 : i32
          %dma_start3A_201 = tpu.memref_slice %arg8[%add3A_197, %dma_start3A_200] : memref<401408x16xf32, #tpu.memory_space<hbm>> -> memref<128x16xf32, #tpu.memory_space<hbm>>
          %dma_start3A_202 = arith.constant 0 : i32
          %dma_start3A_203 = tpu.memref_slice %arg8[%add3A_197, %dma_start3A_202] : memref<401408x16xf32, #tpu.memory_space<hbm>> -> memref<128x16xf32, #tpu.memory_space<hbm>>
          tpu.enqueue_dma source(%arg19 : memref<128x16xf32, #tpu.memory_space<vmem>>) target(%dma_start3A_203 : memref<128x16xf32, #tpu.memory_space<hbm>>) target_semaphore(%run_scoped3A : memref<!tpu.dma_semaphore, #tpu.memory_space<semaphore_mem>>)
          %dma_wait3A_204 = arith.constant 0 : i32
          %dma_wait3A_205 = tpu.memref_slice %arg8[%add3A_197, %dma_wait3A_204] : memref<401408x16xf32, #tpu.memory_space<hbm>> -> memref<128x16xf32, #tpu.memory_space<hbm>>
          %dma_wait3A_206 = arith.constant 0 : i32
          %dma_wait3A_207 = tpu.memref_slice %arg8[%add3A_197, %dma_wait3A_206] : memref<401408x16xf32, #tpu.memory_space<hbm>> -> memref<128x16xf32, #tpu.memory_space<hbm>>
          tpu.wait_dma2 semaphore(%run_scoped3A : memref<!tpu.dma_semaphore, #tpu.memory_space<semaphore_mem>>) src(%arg19 : memref<128x16xf32, #tpu.memory_space<vmem>>) dst(%dma_wait3A_207 : memref<128x16xf32, #tpu.memory_space<hbm>>)
          tpu.yield
        }) : () -> ()
        %sub3A_198 = arith.constant 1 : i32
        %sub3A_199 = arith.subi %scan3A_16, %sub3A_198 : i32
        "tpu.region"() ({
          %run_scoped3A = tpu.sem_alloc : memref<!tpu.dma_semaphore, #tpu.memory_space<semaphore_mem>>
          %dma_start3A_200 = arith.constant 0 : i32
          %dma_start3A_201 = tpu.memref_slice %arg7[%sub3A_199, %arg0, %add3A_179, %dma_start3A_200] : memref<5x2x100352x16xf32, #tpu.memory_space<hbm>> -> memref<1x1x128x16xf32, #tpu.memory_space<hbm>>
          %dma_start3A_202 = tpu.memref_squeeze %dma_start3A_201 : memref<1x1x128x16xf32, #tpu.memory_space<hbm>> -> memref<128x16xf32, #tpu.memory_space<hbm>>
          %dma_start3A_203 = arith.constant 0 : i32
          %dma_start3A_204 = tpu.memref_slice %arg7[%sub3A_199, %arg0, %add3A_179, %dma_start3A_203] : memref<5x2x100352x16xf32, #tpu.memory_space<hbm>> -> memref<1x1x128x16xf32, #tpu.memory_space<hbm>>
          %dma_start3A_205 = tpu.memref_squeeze %dma_start3A_204 : memref<1x1x128x16xf32, #tpu.memory_space<hbm>> -> memref<128x16xf32, #tpu.memory_space<hbm>>
          tpu.enqueue_dma source(%arg18 : memref<128x16xf32, #tpu.memory_space<vmem>>) target(%dma_start3A_205 : memref<128x16xf32, #tpu.memory_space<hbm>>) target_semaphore(%run_scoped3A : memref<!tpu.dma_semaphore, #tpu.memory_space<semaphore_mem>>)
          %dma_wait3A_206 = arith.constant 0 : i32
          %dma_wait3A_207 = tpu.memref_slice %arg7[%sub3A_199, %arg0, %add3A_179, %dma_wait3A_206] : memref<5x2x100352x16xf32, #tpu.memory_space<hbm>> -> memref<1x1x128x16xf32, #tpu.memory_space<hbm>>
          %dma_wait3A_208 = tpu.memref_squeeze %dma_wait3A_207 : memref<1x1x128x16xf32, #tpu.memory_space<hbm>> -> memref<128x16xf32, #tpu.memory_space<hbm>>
          %dma_wait3A_209 = arith.constant 0 : i32
          %dma_wait3A_210 = tpu.memref_slice %arg7[%sub3A_199, %arg0, %add3A_179, %dma_wait3A_209] : memref<5x2x100352x16xf32, #tpu.memory_space<hbm>> -> memref<1x1x128x16xf32, #tpu.memory_space<hbm>>
          %dma_wait3A_211 = tpu.memref_squeeze %dma_wait3A_210 : memref<1x1x128x16xf32, #tpu.memory_space<hbm>> -> memref<128x16xf32, #tpu.memory_space<hbm>>
          tpu.wait_dma2 semaphore(%run_scoped3A : memref<!tpu.dma_semaphore, #tpu.memory_space<semaphore_mem>>) src(%arg18 : memref<128x16xf32, #tpu.memory_space<vmem>>) dst(%dma_wait3A_211 : memref<128x16xf32, #tpu.memory_space<hbm>>)
          tpu.yield
        }) : () -> ()
      }
      %scan3A_174 = arith.constant 49 : i32
      %barrier3A_175 = arith.constant 0 : index
      tpu.barrier barrier_id(%barrier3A_175)
    }
    %scan3A_15 = arith.constant 5 : i32
    return
  }
}

#map = affine_map<(d0, d1) -> (0, 0)>
#map1 = affine_map<(d0, d1) -> (0, 0, 0)>
module attributes {stable_mosaic.version = 14 : i64} {
  func.func @deg(%arg0: i32, %arg1: i32, %arg2: memref<25344x128xi32, #tpu.memory_space<hbm>>, %arg3: memref<128x16xf32, #tpu.memory_space<hbm>>, %arg4: memref<64x16xf32, #tpu.memory_space<hbm>>, %arg5: memref<2x100352x16xf32, #tpu.memory_space<hbm>>, %arg6: memref<4x128xi32, #tpu.memory_space<vmem>>, %arg7: memref<4x128xi32, #tpu.memory_space<vmem>>, %arg8: memref<4x128xi32, #tpu.memory_space<vmem>>, %arg9: memref<128x16xf32, #tpu.memory_space<vmem>>, %arg10: memref<64x16xf32, #tpu.memory_space<vmem>>, %arg11: memref<100352x16xf32, #tpu.memory_space<vmem_shared>>, %arg12: memref<!tpu.dma_semaphore, #tpu.memory_space<semaphore_mem>>, %arg13: memref<!tpu.dma_semaphore, #tpu.memory_space<semaphore_mem>>, %arg14: memref<!tpu.dma_semaphore, #tpu.memory_space<semaphore_mem>>, %arg15: memref<!tpu.dma_semaphore, #tpu.memory_space<semaphore_mem>>, %arg16: memref<!tpu.dma_semaphore, #tpu.memory_space<semaphore_mem>>, %arg17: memref<!tpu.dma_semaphore, #tpu.memory_space<semaphore_mem>>) attributes {dimension_semantics = [#tpu.dimension_semantics<core_parallel>, #tpu.dimension_semantics<subcore_parallel>], iteration_bounds = array<i64: 2, 16>, scalar_prefetch = 0 : i64, scratch_operands = 12 : i64, tpu.core_type = #tpu.core_type<sc_vector_subcore>, window_params = [{transform_indices = #map}, {transform_indices = #map}, {transform_indices = #map}, {transform_indices = #map1}]} {
    "tpu.region"() ({
      %run_scoped3A = tpu.sem_alloc : memref<!tpu.dma_semaphore, #tpu.memory_space<semaphore_mem>>
      tpu.enqueue_dma source(%arg4 : memref<64x16xf32, #tpu.memory_space<hbm>>) target(%arg10 : memref<64x16xf32, #tpu.memory_space<vmem>>) target_semaphore(%run_scoped3A : memref<!tpu.dma_semaphore, #tpu.memory_space<semaphore_mem>>)
      tpu.wait_dma2 semaphore(%run_scoped3A : memref<!tpu.dma_semaphore, #tpu.memory_space<semaphore_mem>>) src(%arg4 : memref<64x16xf32, #tpu.memory_space<hbm>>) dst(%arg10 : memref<64x16xf32, #tpu.memory_space<vmem>>)
      tpu.yield
    }) : () -> ()
    "tpu.region"() ({
      %run_scoped3A = tpu.sem_alloc : memref<!tpu.dma_semaphore, #tpu.memory_space<semaphore_mem>>
      tpu.enqueue_dma source(%arg3 : memref<128x16xf32, #tpu.memory_space<hbm>>) target(%arg9 : memref<128x16xf32, #tpu.memory_space<vmem>>) target_semaphore(%run_scoped3A : memref<!tpu.dma_semaphore, #tpu.memory_space<semaphore_mem>>)
      tpu.wait_dma2 semaphore(%run_scoped3A : memref<!tpu.dma_semaphore, #tpu.memory_space<semaphore_mem>>) src(%arg3 : memref<128x16xf32, #tpu.memory_space<hbm>>) dst(%arg9 : memref<128x16xf32, #tpu.memory_space<vmem>>)
      tpu.yield
    }) : () -> ()
    %mul3A = arith.constant 16 : i32
    %mul3A_0 = arith.muli %arg0, %mul3A : i32
    %add3A = arith.addi %mul3A_0, %arg1 : i32
    %mul3A_1 = arith.constant 198 : i32
    %mul3A_2 = arith.muli %add3A, %mul3A_1 : i32
    %mul3A_3 = arith.constant 4 : i32
    %mul3A_4 = arith.muli %mul3A_2, %mul3A_3 : i32
    %scan3A = arith.constant 0 : i32
    %scan3A_5 = arith.constant 0 : i32
    %scan3A_6 = arith.constant 98 : i32
    %scan3A_7 = arith.addi %scan3A_5, %scan3A_6 : i32
    %scan3A_8 = arith.constant 1 : i32
    scf.for %scan3A_59 = %scan3A_5 to %scan3A_7 step %scan3A_8  : i32 {
      %mul3A_60 = arith.constant 98 : i32
      %mul3A_61 = arith.muli %arg1, %mul3A_60 : i32
      %add3A_62 = arith.addi %mul3A_61, %scan3A_59 : i32
      %mul3A_63 = arith.constant 64 : i32
      %mul3A_64 = arith.muli %add3A_62, %mul3A_63 : i32
      "tpu.region"() ({
        %run_scoped3A = tpu.sem_alloc : memref<!tpu.dma_semaphore, #tpu.memory_space<semaphore_mem>>
        %dma_start3A_65 = arith.constant 0 : i32
        %dma_start3A_66 = tpu.memref_slice %arg11[%mul3A_64, %dma_start3A_65] : memref<100352x16xf32, #tpu.memory_space<vmem_shared>> -> memref<64x16xf32, #tpu.memory_space<vmem_shared>>
        %dma_start3A_67 = arith.constant 0 : i32
        %dma_start3A_68 = tpu.memref_slice %arg11[%mul3A_64, %dma_start3A_67] : memref<100352x16xf32, #tpu.memory_space<vmem_shared>> -> memref<64x16xf32, #tpu.memory_space<vmem_shared>>
        tpu.enqueue_dma source(%arg10 : memref<64x16xf32, #tpu.memory_space<vmem>>) target(%dma_start3A_68 : memref<64x16xf32, #tpu.memory_space<vmem_shared>>) target_semaphore(%run_scoped3A : memref<!tpu.dma_semaphore, #tpu.memory_space<semaphore_mem>>)
        %dma_wait3A_69 = arith.constant 0 : i32
        %dma_wait3A_70 = tpu.memref_slice %arg11[%mul3A_64, %dma_wait3A_69] : memref<100352x16xf32, #tpu.memory_space<vmem_shared>> -> memref<64x16xf32, #tpu.memory_space<vmem_shared>>
        %dma_wait3A_71 = arith.constant 0 : i32
        %dma_wait3A_72 = tpu.memref_slice %arg11[%mul3A_64, %dma_wait3A_71] : memref<100352x16xf32, #tpu.memory_space<vmem_shared>> -> memref<64x16xf32, #tpu.memory_space<vmem_shared>>
        tpu.wait_dma2 semaphore(%run_scoped3A : memref<!tpu.dma_semaphore, #tpu.memory_space<semaphore_mem>>) src(%arg10 : memref<64x16xf32, #tpu.memory_space<vmem>>) dst(%dma_wait3A_72 : memref<64x16xf32, #tpu.memory_space<vmem_shared>>)
        tpu.yield
      }) : () -> ()
    }
    %scan3A_9 = arith.constant 98 : i32
    %barrier3A = arith.constant 0 : index
    tpu.barrier barrier_id(%barrier3A)
    %add3A_10 = arith.constant 0 : i32
    %add3A_11 = arith.addi %mul3A_4, %add3A_10 : i32
    %dma_start3A = arith.constant 0 : i32
    %dma_start3A_12 = tpu.memref_slice %arg2[%add3A_11, %dma_start3A] : memref<25344x128xi32, #tpu.memory_space<hbm>> -> memref<4x128xi32, #tpu.memory_space<hbm>>
    %dma_start3A_13 = arith.constant 0 : i32
    %dma_start3A_14 = tpu.memref_slice %arg2[%add3A_11, %dma_start3A_13] : memref<25344x128xi32, #tpu.memory_space<hbm>> -> memref<4x128xi32, #tpu.memory_space<hbm>>
    tpu.enqueue_dma source(%dma_start3A_14 : memref<4x128xi32, #tpu.memory_space<hbm>>) target(%arg6 : memref<4x128xi32, #tpu.memory_space<vmem>>) target_semaphore(%arg12 : memref<!tpu.dma_semaphore, #tpu.memory_space<semaphore_mem>>)
    %add3A_15 = arith.constant 4 : i32
    %add3A_16 = arith.addi %mul3A_4, %add3A_15 : i32
    %dma_start3A_17 = arith.constant 0 : i32
    %dma_start3A_18 = tpu.memref_slice %arg2[%add3A_16, %dma_start3A_17] : memref<25344x128xi32, #tpu.memory_space<hbm>> -> memref<4x128xi32, #tpu.memory_space<hbm>>
    %dma_start3A_19 = arith.constant 0 : i32
    %dma_start3A_20 = tpu.memref_slice %arg2[%add3A_16, %dma_start3A_19] : memref<25344x128xi32, #tpu.memory_space<hbm>> -> memref<4x128xi32, #tpu.memory_space<hbm>>
    tpu.enqueue_dma source(%dma_start3A_20 : memref<4x128xi32, #tpu.memory_space<hbm>>) target(%arg7 : memref<4x128xi32, #tpu.memory_space<vmem>>) target_semaphore(%arg13 : memref<!tpu.dma_semaphore, #tpu.memory_space<semaphore_mem>>)
    %scan3A_21 = arith.constant 0 : i32
    %scan3A_22 = arith.constant 0 : i32
    %scan3A_23 = arith.constant 66 : i32
    %scan3A_24 = arith.addi %scan3A_22, %scan3A_23 : i32
    %scan3A_25 = arith.constant 1 : i32
    scf.for %scan3A_59 = %scan3A_22 to %scan3A_24 step %scan3A_25  : i32 {
      %mul3A_60 = arith.constant 3 : i32
      %mul3A_61 = arith.muli %scan3A_59, %mul3A_60 : i32
      %add3A_62 = arith.constant 0 : i32
      %add3A_63 = arith.addi %mul3A_61, %add3A_62 : i32
      %gt3A = arith.constant 0 : i32
      %gt3A_64 = arith.cmpi sgt, %scan3A_59, %gt3A : i32
      %convert_element_type3A = arith.extui %gt3A_64 : i1 to i32
      %cond3A = arith.constant 0 : i32
      %cond3A_65 = arith.cmpi ne, %convert_element_type3A, %cond3A : i32
      scf.if %cond3A_65 {
        %dma_wait3A_251 = arith.constant 0 : i32
        %dma_wait3A_252 = arith.constant 0 : i32
        %dma_wait3A_253 = tpu.memref_slice %arg8[%dma_wait3A_251, %dma_wait3A_252] : memref<4x128xi32, #tpu.memory_space<vmem>> -> memref<1x128xi32, #tpu.memory_space<vmem>>
        %dma_wait3A_254 = tpu.memref_squeeze %dma_wait3A_253 : memref<1x128xi32, #tpu.memory_space<vmem>> -> memref<128xi32, #tpu.memory_space<vmem>>
        %dma_wait3A_255 = arith.constant 0 : i32
        %dma_wait3A_256 = arith.constant 0 : i32
        %dma_wait3A_257 = tpu.memref_slice %arg11[%dma_wait3A_255, %dma_wait3A_256] : memref<100352x16xf32, #tpu.memory_space<vmem_shared>> -> memref<100352x16xf32, #tpu.memory_space<vmem_shared>>
        tpu.wait_indirect_dma semaphore(%arg17 : memref<!tpu.dma_semaphore, #tpu.memory_space<semaphore_mem>>) src(%arg9 : memref<128x16xf32, #tpu.memory_space<vmem>>) dst(%dma_wait3A_257 : memref<100352x16xf32, #tpu.memory_space<vmem_shared>>)
        %dma_wait3A_258 = arith.constant 1 : i32
        %dma_wait3A_259 = arith.constant 0 : i32
        %dma_wait3A_260 = tpu.memref_slice %arg8[%dma_wait3A_258, %dma_wait3A_259] : memref<4x128xi32, #tpu.memory_space<vmem>> -> memref<1x128xi32, #tpu.memory_space<vmem>>
        %dma_wait3A_261 = tpu.memref_squeeze %dma_wait3A_260 : memref<1x128xi32, #tpu.memory_space<vmem>> -> memref<128xi32, #tpu.memory_space<vmem>>
        %dma_wait3A_262 = arith.constant 0 : i32
        %dma_wait3A_263 = arith.constant 0 : i32
        %dma_wait3A_264 = tpu.memref_slice %arg11[%dma_wait3A_262, %dma_wait3A_263] : memref<100352x16xf32, #tpu.memory_space<vmem_shared>> -> memref<100352x16xf32, #tpu.memory_space<vmem_shared>>
        tpu.wait_indirect_dma semaphore(%arg17 : memref<!tpu.dma_semaphore, #tpu.memory_space<semaphore_mem>>) src(%arg9 : memref<128x16xf32, #tpu.memory_space<vmem>>) dst(%dma_wait3A_264 : memref<100352x16xf32, #tpu.memory_space<vmem_shared>>)
        %dma_wait3A_265 = arith.constant 2 : i32
        %dma_wait3A_266 = arith.constant 0 : i32
        %dma_wait3A_267 = tpu.memref_slice %arg8[%dma_wait3A_265, %dma_wait3A_266] : memref<4x128xi32, #tpu.memory_space<vmem>> -> memref<1x128xi32, #tpu.memory_space<vmem>>
        %dma_wait3A_268 = tpu.memref_squeeze %dma_wait3A_267 : memref<1x128xi32, #tpu.memory_space<vmem>> -> memref<128xi32, #tpu.memory_space<vmem>>
        %dma_wait3A_269 = arith.constant 0 : i32
        %dma_wait3A_270 = arith.constant 0 : i32
        %dma_wait3A_271 = tpu.memref_slice %arg11[%dma_wait3A_269, %dma_wait3A_270] : memref<100352x16xf32, #tpu.memory_space<vmem_shared>> -> memref<100352x16xf32, #tpu.memory_space<vmem_shared>>
        tpu.wait_indirect_dma semaphore(%arg17 : memref<!tpu.dma_semaphore, #tpu.memory_space<semaphore_mem>>) src(%arg9 : memref<128x16xf32, #tpu.memory_space<vmem>>) dst(%dma_wait3A_271 : memref<100352x16xf32, #tpu.memory_space<vmem_shared>>)
        %dma_wait3A_272 = arith.constant 3 : i32
        %dma_wait3A_273 = arith.constant 0 : i32
        %dma_wait3A_274 = tpu.memref_slice %arg8[%dma_wait3A_272, %dma_wait3A_273] : memref<4x128xi32, #tpu.memory_space<vmem>> -> memref<1x128xi32, #tpu.memory_space<vmem>>
        %dma_wait3A_275 = tpu.memref_squeeze %dma_wait3A_274 : memref<1x128xi32, #tpu.memory_space<vmem>> -> memref<128xi32, #tpu.memory_space<vmem>>
        %dma_wait3A_276 = arith.constant 0 : i32
        %dma_wait3A_277 = arith.constant 0 : i32
        %dma_wait3A_278 = tpu.memref_slice %arg11[%dma_wait3A_276, %dma_wait3A_277] : memref<100352x16xf32, #tpu.memory_space<vmem_shared>> -> memref<100352x16xf32, #tpu.memory_space<vmem_shared>>
        tpu.wait_indirect_dma semaphore(%arg17 : memref<!tpu.dma_semaphore, #tpu.memory_space<semaphore_mem>>) src(%arg9 : memref<128x16xf32, #tpu.memory_space<vmem>>) dst(%dma_wait3A_278 : memref<100352x16xf32, #tpu.memory_space<vmem_shared>>)
      } else {
      }
      %add3A_66 = arith.constant 2 : i32
      %add3A_67 = arith.addi %add3A_63, %add3A_66 : i32
      %lt3A = arith.constant 198 : i32
      %lt3A_68 = arith.cmpi slt, %add3A_67, %lt3A : i32
      %convert_element_type3A_69 = arith.extui %lt3A_68 : i1 to i32
      %cond3A_70 = arith.constant 0 : i32
      %cond3A_71 = arith.cmpi ne, %convert_element_type3A_69, %cond3A_70 : i32
      scf.if %cond3A_71 {
        %add3A_251 = arith.constant 2 : i32
        %add3A_252 = arith.addi %add3A_63, %add3A_251 : i32
        %mul3A_253 = arith.constant 4 : i32
        %mul3A_254 = arith.muli %add3A_252, %mul3A_253 : i32
        %add3A_255 = arith.addi %mul3A_4, %mul3A_254 : i32
        %dma_start3A_256 = arith.constant 0 : i32
        %dma_start3A_257 = tpu.memref_slice %arg2[%add3A_255, %dma_start3A_256] : memref<25344x128xi32, #tpu.memory_space<hbm>> -> memref<4x128xi32, #tpu.memory_space<hbm>>
        %dma_start3A_258 = arith.constant 0 : i32
        %dma_start3A_259 = tpu.memref_slice %arg2[%add3A_255, %dma_start3A_258] : memref<25344x128xi32, #tpu.memory_space<hbm>> -> memref<4x128xi32, #tpu.memory_space<hbm>>
        tpu.enqueue_dma source(%dma_start3A_259 : memref<4x128xi32, #tpu.memory_space<hbm>>) target(%arg8 : memref<4x128xi32, #tpu.memory_space<vmem>>) target_semaphore(%arg14 : memref<!tpu.dma_semaphore, #tpu.memory_space<semaphore_mem>>)
      } else {
      }
      %mul3A_72 = arith.constant 4 : i32
      %mul3A_73 = arith.muli %add3A_63, %mul3A_72 : i32
      %add3A_74 = arith.addi %mul3A_4, %mul3A_73 : i32
      %dma_wait3A_75 = arith.constant 0 : i32
      %dma_wait3A_76 = tpu.memref_slice %arg2[%add3A_74, %dma_wait3A_75] : memref<25344x128xi32, #tpu.memory_space<hbm>> -> memref<4x128xi32, #tpu.memory_space<hbm>>
      %dma_wait3A_77 = arith.constant 0 : i32
      %dma_wait3A_78 = tpu.memref_slice %arg2[%add3A_74, %dma_wait3A_77] : memref<25344x128xi32, #tpu.memory_space<hbm>> -> memref<4x128xi32, #tpu.memory_space<hbm>>
      tpu.wait_dma2 semaphore(%arg12 : memref<!tpu.dma_semaphore, #tpu.memory_space<semaphore_mem>>) src(%dma_wait3A_78 : memref<4x128xi32, #tpu.memory_space<hbm>>) dst(%arg6 : memref<4x128xi32, #tpu.memory_space<vmem>>)
      %dma_start3A_79 = arith.constant 0 : i32
      %dma_start3A_80 = arith.constant 0 : i32
      %dma_start3A_81 = tpu.memref_slice %arg6[%dma_start3A_79, %dma_start3A_80] : memref<4x128xi32, #tpu.memory_space<vmem>> -> memref<1x128xi32, #tpu.memory_space<vmem>>
      %dma_start3A_82 = tpu.memref_squeeze %dma_start3A_81 : memref<1x128xi32, #tpu.memory_space<vmem>> -> memref<128xi32, #tpu.memory_space<vmem>>
      %dma_start3A_83 = arith.constant 0 : i32
      %dma_start3A_84 = arith.constant 0 : i32
      %dma_start3A_85 = tpu.memref_slice %arg11[%dma_start3A_83, %dma_start3A_84] : memref<100352x16xf32, #tpu.memory_space<vmem_shared>> -> memref<100352x16xf32, #tpu.memory_space<vmem_shared>>
      tpu.enqueue_indirect_dma source(%arg9 : memref<128x16xf32, #tpu.memory_space<vmem>>) target(%dma_start3A_85 : memref<100352x16xf32, #tpu.memory_space<vmem_shared>>) offsets(%dma_start3A_82 : memref<128xi32, #tpu.memory_space<vmem>>) semaphore(%arg15 : memref<!tpu.dma_semaphore, #tpu.memory_space<semaphore_mem>>) {add = true}
      %dma_start3A_86 = arith.constant 1 : i32
      %dma_start3A_87 = arith.constant 0 : i32
      %dma_start3A_88 = tpu.memref_slice %arg6[%dma_start3A_86, %dma_start3A_87] : memref<4x128xi32, #tpu.memory_space<vmem>> -> memref<1x128xi32, #tpu.memory_space<vmem>>
      %dma_start3A_89 = tpu.memref_squeeze %dma_start3A_88 : memref<1x128xi32, #tpu.memory_space<vmem>> -> memref<128xi32, #tpu.memory_space<vmem>>
      %dma_start3A_90 = arith.constant 0 : i32
      %dma_start3A_91 = arith.constant 0 : i32
      %dma_start3A_92 = tpu.memref_slice %arg11[%dma_start3A_90, %dma_start3A_91] : memref<100352x16xf32, #tpu.memory_space<vmem_shared>> -> memref<100352x16xf32, #tpu.memory_space<vmem_shared>>
      tpu.enqueue_indirect_dma source(%arg9 : memref<128x16xf32, #tpu.memory_space<vmem>>) target(%dma_start3A_92 : memref<100352x16xf32, #tpu.memory_space<vmem_shared>>) offsets(%dma_start3A_89 : memref<128xi32, #tpu.memory_space<vmem>>) semaphore(%arg15 : memref<!tpu.dma_semaphore, #tpu.memory_space<semaphore_mem>>) {add = true}
      %dma_start3A_93 = arith.constant 2 : i32
      %dma_start3A_94 = arith.constant 0 : i32
      %dma_start3A_95 = tpu.memref_slice %arg6[%dma_start3A_93, %dma_start3A_94] : memref<4x128xi32, #tpu.memory_space<vmem>> -> memref<1x128xi32, #tpu.memory_space<vmem>>
      %dma_start3A_96 = tpu.memref_squeeze %dma_start3A_95 : memref<1x128xi32, #tpu.memory_space<vmem>> -> memref<128xi32, #tpu.memory_space<vmem>>
      %dma_start3A_97 = arith.constant 0 : i32
      %dma_start3A_98 = arith.constant 0 : i32
      %dma_start3A_99 = tpu.memref_slice %arg11[%dma_start3A_97, %dma_start3A_98] : memref<100352x16xf32, #tpu.memory_space<vmem_shared>> -> memref<100352x16xf32, #tpu.memory_space<vmem_shared>>
      tpu.enqueue_indirect_dma source(%arg9 : memref<128x16xf32, #tpu.memory_space<vmem>>) target(%dma_start3A_99 : memref<100352x16xf32, #tpu.memory_space<vmem_shared>>) offsets(%dma_start3A_96 : memref<128xi32, #tpu.memory_space<vmem>>) semaphore(%arg15 : memref<!tpu.dma_semaphore, #tpu.memory_space<semaphore_mem>>) {add = true}
      %dma_start3A_100 = arith.constant 3 : i32
      %dma_start3A_101 = arith.constant 0 : i32
      %dma_start3A_102 = tpu.memref_slice %arg6[%dma_start3A_100, %dma_start3A_101] : memref<4x128xi32, #tpu.memory_space<vmem>> -> memref<1x128xi32, #tpu.memory_space<vmem>>
      %dma_start3A_103 = tpu.memref_squeeze %dma_start3A_102 : memref<1x128xi32, #tpu.memory_space<vmem>> -> memref<128xi32, #tpu.memory_space<vmem>>
      %dma_start3A_104 = arith.constant 0 : i32
      %dma_start3A_105 = arith.constant 0 : i32
      %dma_start3A_106 = tpu.memref_slice %arg11[%dma_start3A_104, %dma_start3A_105] : memref<100352x16xf32, #tpu.memory_space<vmem_shared>> -> memref<100352x16xf32, #tpu.memory_space<vmem_shared>>
      tpu.enqueue_indirect_dma source(%arg9 : memref<128x16xf32, #tpu.memory_space<vmem>>) target(%dma_start3A_106 : memref<100352x16xf32, #tpu.memory_space<vmem_shared>>) offsets(%dma_start3A_103 : memref<128xi32, #tpu.memory_space<vmem>>) semaphore(%arg15 : memref<!tpu.dma_semaphore, #tpu.memory_space<semaphore_mem>>) {add = true}
      %add3A_107 = arith.constant 1 : i32
      %add3A_108 = arith.addi %mul3A_61, %add3A_107 : i32
      %dma_wait3A_109 = arith.constant 0 : i32
      %dma_wait3A_110 = arith.constant 0 : i32
      %dma_wait3A_111 = tpu.memref_slice %arg6[%dma_wait3A_109, %dma_wait3A_110] : memref<4x128xi32, #tpu.memory_space<vmem>> -> memref<1x128xi32, #tpu.memory_space<vmem>>
      %dma_wait3A_112 = tpu.memref_squeeze %dma_wait3A_111 : memref<1x128xi32, #tpu.memory_space<vmem>> -> memref<128xi32, #tpu.memory_space<vmem>>
      %dma_wait3A_113 = arith.constant 0 : i32
      %dma_wait3A_114 = arith.constant 0 : i32
      %dma_wait3A_115 = tpu.memref_slice %arg11[%dma_wait3A_113, %dma_wait3A_114] : memref<100352x16xf32, #tpu.memory_space<vmem_shared>> -> memref<100352x16xf32, #tpu.memory_space<vmem_shared>>
      tpu.wait_indirect_dma semaphore(%arg15 : memref<!tpu.dma_semaphore, #tpu.memory_space<semaphore_mem>>) src(%arg9 : memref<128x16xf32, #tpu.memory_space<vmem>>) dst(%dma_wait3A_115 : memref<100352x16xf32, #tpu.memory_space<vmem_shared>>)
      %dma_wait3A_116 = arith.constant 1 : i32
      %dma_wait3A_117 = arith.constant 0 : i32
      %dma_wait3A_118 = tpu.memref_slice %arg6[%dma_wait3A_116, %dma_wait3A_117] : memref<4x128xi32, #tpu.memory_space<vmem>> -> memref<1x128xi32, #tpu.memory_space<vmem>>
      %dma_wait3A_119 = tpu.memref_squeeze %dma_wait3A_118 : memref<1x128xi32, #tpu.memory_space<vmem>> -> memref<128xi32, #tpu.memory_space<vmem>>
      %dma_wait3A_120 = arith.constant 0 : i32
      %dma_wait3A_121 = arith.constant 0 : i32
      %dma_wait3A_122 = tpu.memref_slice %arg11[%dma_wait3A_120, %dma_wait3A_121] : memref<100352x16xf32, #tpu.memory_space<vmem_shared>> -> memref<100352x16xf32, #tpu.memory_space<vmem_shared>>
      tpu.wait_indirect_dma semaphore(%arg15 : memref<!tpu.dma_semaphore, #tpu.memory_space<semaphore_mem>>) src(%arg9 : memref<128x16xf32, #tpu.memory_space<vmem>>) dst(%dma_wait3A_122 : memref<100352x16xf32, #tpu.memory_space<vmem_shared>>)
      %dma_wait3A_123 = arith.constant 2 : i32
      %dma_wait3A_124 = arith.constant 0 : i32
      %dma_wait3A_125 = tpu.memref_slice %arg6[%dma_wait3A_123, %dma_wait3A_124] : memref<4x128xi32, #tpu.memory_space<vmem>> -> memref<1x128xi32, #tpu.memory_space<vmem>>
      %dma_wait3A_126 = tpu.memref_squeeze %dma_wait3A_125 : memref<1x128xi32, #tpu.memory_space<vmem>> -> memref<128xi32, #tpu.memory_space<vmem>>
      %dma_wait3A_127 = arith.constant 0 : i32
      %dma_wait3A_128 = arith.constant 0 : i32
      %dma_wait3A_129 = tpu.memref_slice %arg11[%dma_wait3A_127, %dma_wait3A_128] : memref<100352x16xf32, #tpu.memory_space<vmem_shared>> -> memref<100352x16xf32, #tpu.memory_space<vmem_shared>>
      tpu.wait_indirect_dma semaphore(%arg15 : memref<!tpu.dma_semaphore, #tpu.memory_space<semaphore_mem>>) src(%arg9 : memref<128x16xf32, #tpu.memory_space<vmem>>) dst(%dma_wait3A_129 : memref<100352x16xf32, #tpu.memory_space<vmem_shared>>)
      %dma_wait3A_130 = arith.constant 3 : i32
      %dma_wait3A_131 = arith.constant 0 : i32
      %dma_wait3A_132 = tpu.memref_slice %arg6[%dma_wait3A_130, %dma_wait3A_131] : memref<4x128xi32, #tpu.memory_space<vmem>> -> memref<1x128xi32, #tpu.memory_space<vmem>>
      %dma_wait3A_133 = tpu.memref_squeeze %dma_wait3A_132 : memref<1x128xi32, #tpu.memory_space<vmem>> -> memref<128xi32, #tpu.memory_space<vmem>>
      %dma_wait3A_134 = arith.constant 0 : i32
      %dma_wait3A_135 = arith.constant 0 : i32
      %dma_wait3A_136 = tpu.memref_slice %arg11[%dma_wait3A_134, %dma_wait3A_135] : memref<100352x16xf32, #tpu.memory_space<vmem_shared>> -> memref<100352x16xf32, #tpu.memory_space<vmem_shared>>
      tpu.wait_indirect_dma semaphore(%arg15 : memref<!tpu.dma_semaphore, #tpu.memory_space<semaphore_mem>>) src(%arg9 : memref<128x16xf32, #tpu.memory_space<vmem>>) dst(%dma_wait3A_136 : memref<100352x16xf32, #tpu.memory_space<vmem_shared>>)
      %add3A_137 = arith.constant 2 : i32
      %add3A_138 = arith.addi %add3A_108, %add3A_137 : i32
      %lt3A_139 = arith.constant 198 : i32
      %lt3A_140 = arith.cmpi slt, %add3A_138, %lt3A_139 : i32
      %convert_element_type3A_141 = arith.extui %lt3A_140 : i1 to i32
      %cond3A_142 = arith.constant 0 : i32
      %cond3A_143 = arith.cmpi ne, %convert_element_type3A_141, %cond3A_142 : i32
      scf.if %cond3A_143 {
        %add3A_251 = arith.constant 2 : i32
        %add3A_252 = arith.addi %add3A_108, %add3A_251 : i32
        %mul3A_253 = arith.constant 4 : i32
        %mul3A_254 = arith.muli %add3A_252, %mul3A_253 : i32
        %add3A_255 = arith.addi %mul3A_4, %mul3A_254 : i32
        %dma_start3A_256 = arith.constant 0 : i32
        %dma_start3A_257 = tpu.memref_slice %arg2[%add3A_255, %dma_start3A_256] : memref<25344x128xi32, #tpu.memory_space<hbm>> -> memref<4x128xi32, #tpu.memory_space<hbm>>
        %dma_start3A_258 = arith.constant 0 : i32
        %dma_start3A_259 = tpu.memref_slice %arg2[%add3A_255, %dma_start3A_258] : memref<25344x128xi32, #tpu.memory_space<hbm>> -> memref<4x128xi32, #tpu.memory_space<hbm>>
        tpu.enqueue_dma source(%dma_start3A_259 : memref<4x128xi32, #tpu.memory_space<hbm>>) target(%arg6 : memref<4x128xi32, #tpu.memory_space<vmem>>) target_semaphore(%arg12 : memref<!tpu.dma_semaphore, #tpu.memory_space<semaphore_mem>>)
      } else {
      }
      %mul3A_144 = arith.constant 4 : i32
      %mul3A_145 = arith.muli %add3A_108, %mul3A_144 : i32
      %add3A_146 = arith.addi %mul3A_4, %mul3A_145 : i32
      %dma_wait3A_147 = arith.constant 0 : i32
      %dma_wait3A_148 = tpu.memref_slice %arg2[%add3A_146, %dma_wait3A_147] : memref<25344x128xi32, #tpu.memory_space<hbm>> -> memref<4x128xi32, #tpu.memory_space<hbm>>
      %dma_wait3A_149 = arith.constant 0 : i32
      %dma_wait3A_150 = tpu.memref_slice %arg2[%add3A_146, %dma_wait3A_149] : memref<25344x128xi32, #tpu.memory_space<hbm>> -> memref<4x128xi32, #tpu.memory_space<hbm>>
      tpu.wait_dma2 semaphore(%arg13 : memref<!tpu.dma_semaphore, #tpu.memory_space<semaphore_mem>>) src(%dma_wait3A_150 : memref<4x128xi32, #tpu.memory_space<hbm>>) dst(%arg7 : memref<4x128xi32, #tpu.memory_space<vmem>>)
      %dma_start3A_151 = arith.constant 0 : i32
      %dma_start3A_152 = arith.constant 0 : i32
      %dma_start3A_153 = tpu.memref_slice %arg7[%dma_start3A_151, %dma_start3A_152] : memref<4x128xi32, #tpu.memory_space<vmem>> -> memref<1x128xi32, #tpu.memory_space<vmem>>
      %dma_start3A_154 = tpu.memref_squeeze %dma_start3A_153 : memref<1x128xi32, #tpu.memory_space<vmem>> -> memref<128xi32, #tpu.memory_space<vmem>>
      %dma_start3A_155 = arith.constant 0 : i32
      %dma_start3A_156 = arith.constant 0 : i32
      %dma_start3A_157 = tpu.memref_slice %arg11[%dma_start3A_155, %dma_start3A_156] : memref<100352x16xf32, #tpu.memory_space<vmem_shared>> -> memref<100352x16xf32, #tpu.memory_space<vmem_shared>>
      tpu.enqueue_indirect_dma source(%arg9 : memref<128x16xf32, #tpu.memory_space<vmem>>) target(%dma_start3A_157 : memref<100352x16xf32, #tpu.memory_space<vmem_shared>>) offsets(%dma_start3A_154 : memref<128xi32, #tpu.memory_space<vmem>>) semaphore(%arg16 : memref<!tpu.dma_semaphore, #tpu.memory_space<semaphore_mem>>) {add = true}
      %dma_start3A_158 = arith.constant 1 : i32
      %dma_start3A_159 = arith.constant 0 : i32
      %dma_start3A_160 = tpu.memref_slice %arg7[%dma_start3A_158, %dma_start3A_159] : memref<4x128xi32, #tpu.memory_space<vmem>> -> memref<1x128xi32, #tpu.memory_space<vmem>>
      %dma_start3A_161 = tpu.memref_squeeze %dma_start3A_160 : memref<1x128xi32, #tpu.memory_space<vmem>> -> memref<128xi32, #tpu.memory_space<vmem>>
      %dma_start3A_162 = arith.constant 0 : i32
      %dma_start3A_163 = arith.constant 0 : i32
      %dma_start3A_164 = tpu.memref_slice %arg11[%dma_start3A_162, %dma_start3A_163] : memref<100352x16xf32, #tpu.memory_space<vmem_shared>> -> memref<100352x16xf32, #tpu.memory_space<vmem_shared>>
      tpu.enqueue_indirect_dma source(%arg9 : memref<128x16xf32, #tpu.memory_space<vmem>>) target(%dma_start3A_164 : memref<100352x16xf32, #tpu.memory_space<vmem_shared>>) offsets(%dma_start3A_161 : memref<128xi32, #tpu.memory_space<vmem>>) semaphore(%arg16 : memref<!tpu.dma_semaphore, #tpu.memory_space<semaphore_mem>>) {add = true}
      %dma_start3A_165 = arith.constant 2 : i32
      %dma_start3A_166 = arith.constant 0 : i32
      %dma_start3A_167 = tpu.memref_slice %arg7[%dma_start3A_165, %dma_start3A_166] : memref<4x128xi32, #tpu.memory_space<vmem>> -> memref<1x128xi32, #tpu.memory_space<vmem>>
      %dma_start3A_168 = tpu.memref_squeeze %dma_start3A_167 : memref<1x128xi32, #tpu.memory_space<vmem>> -> memref<128xi32, #tpu.memory_space<vmem>>
      %dma_start3A_169 = arith.constant 0 : i32
      %dma_start3A_170 = arith.constant 0 : i32
      %dma_start3A_171 = tpu.memref_slice %arg11[%dma_start3A_169, %dma_start3A_170] : memref<100352x16xf32, #tpu.memory_space<vmem_shared>> -> memref<100352x16xf32, #tpu.memory_space<vmem_shared>>
      tpu.enqueue_indirect_dma source(%arg9 : memref<128x16xf32, #tpu.memory_space<vmem>>) target(%dma_start3A_171 : memref<100352x16xf32, #tpu.memory_space<vmem_shared>>) offsets(%dma_start3A_168 : memref<128xi32, #tpu.memory_space<vmem>>) semaphore(%arg16 : memref<!tpu.dma_semaphore, #tpu.memory_space<semaphore_mem>>) {add = true}
      %dma_start3A_172 = arith.constant 3 : i32
      %dma_start3A_173 = arith.constant 0 : i32
      %dma_start3A_174 = tpu.memref_slice %arg7[%dma_start3A_172, %dma_start3A_173] : memref<4x128xi32, #tpu.memory_space<vmem>> -> memref<1x128xi32, #tpu.memory_space<vmem>>
      %dma_start3A_175 = tpu.memref_squeeze %dma_start3A_174 : memref<1x128xi32, #tpu.memory_space<vmem>> -> memref<128xi32, #tpu.memory_space<vmem>>
      %dma_start3A_176 = arith.constant 0 : i32
      %dma_start3A_177 = arith.constant 0 : i32
      %dma_start3A_178 = tpu.memref_slice %arg11[%dma_start3A_176, %dma_start3A_177] : memref<100352x16xf32, #tpu.memory_space<vmem_shared>> -> memref<100352x16xf32, #tpu.memory_space<vmem_shared>>
      tpu.enqueue_indirect_dma source(%arg9 : memref<128x16xf32, #tpu.memory_space<vmem>>) target(%dma_start3A_178 : memref<100352x16xf32, #tpu.memory_space<vmem_shared>>) offsets(%dma_start3A_175 : memref<128xi32, #tpu.memory_space<vmem>>) semaphore(%arg16 : memref<!tpu.dma_semaphore, #tpu.memory_space<semaphore_mem>>) {add = true}
      %add3A_179 = arith.constant 2 : i32
      %add3A_180 = arith.addi %mul3A_61, %add3A_179 : i32
      %dma_wait3A_181 = arith.constant 0 : i32
      %dma_wait3A_182 = arith.constant 0 : i32
      %dma_wait3A_183 = tpu.memref_slice %arg7[%dma_wait3A_181, %dma_wait3A_182] : memref<4x128xi32, #tpu.memory_space<vmem>> -> memref<1x128xi32, #tpu.memory_space<vmem>>
      %dma_wait3A_184 = tpu.memref_squeeze %dma_wait3A_183 : memref<1x128xi32, #tpu.memory_space<vmem>> -> memref<128xi32, #tpu.memory_space<vmem>>
      %dma_wait3A_185 = arith.constant 0 : i32
      %dma_wait3A_186 = arith.constant 0 : i32
      %dma_wait3A_187 = tpu.memref_slice %arg11[%dma_wait3A_185, %dma_wait3A_186] : memref<100352x16xf32, #tpu.memory_space<vmem_shared>> -> memref<100352x16xf32, #tpu.memory_space<vmem_shared>>
      tpu.wait_indirect_dma semaphore(%arg16 : memref<!tpu.dma_semaphore, #tpu.memory_space<semaphore_mem>>) src(%arg9 : memref<128x16xf32, #tpu.memory_space<vmem>>) dst(%dma_wait3A_187 : memref<100352x16xf32, #tpu.memory_space<vmem_shared>>)
      %dma_wait3A_188 = arith.constant 1 : i32
      %dma_wait3A_189 = arith.constant 0 : i32
      %dma_wait3A_190 = tpu.memref_slice %arg7[%dma_wait3A_188, %dma_wait3A_189] : memref<4x128xi32, #tpu.memory_space<vmem>> -> memref<1x128xi32, #tpu.memory_space<vmem>>
      %dma_wait3A_191 = tpu.memref_squeeze %dma_wait3A_190 : memref<1x128xi32, #tpu.memory_space<vmem>> -> memref<128xi32, #tpu.memory_space<vmem>>
      %dma_wait3A_192 = arith.constant 0 : i32
      %dma_wait3A_193 = arith.constant 0 : i32
      %dma_wait3A_194 = tpu.memref_slice %arg11[%dma_wait3A_192, %dma_wait3A_193] : memref<100352x16xf32, #tpu.memory_space<vmem_shared>> -> memref<100352x16xf32, #tpu.memory_space<vmem_shared>>
      tpu.wait_indirect_dma semaphore(%arg16 : memref<!tpu.dma_semaphore, #tpu.memory_space<semaphore_mem>>) src(%arg9 : memref<128x16xf32, #tpu.memory_space<vmem>>) dst(%dma_wait3A_194 : memref<100352x16xf32, #tpu.memory_space<vmem_shared>>)
      %dma_wait3A_195 = arith.constant 2 : i32
      %dma_wait3A_196 = arith.constant 0 : i32
      %dma_wait3A_197 = tpu.memref_slice %arg7[%dma_wait3A_195, %dma_wait3A_196] : memref<4x128xi32, #tpu.memory_space<vmem>> -> memref<1x128xi32, #tpu.memory_space<vmem>>
      %dma_wait3A_198 = tpu.memref_squeeze %dma_wait3A_197 : memref<1x128xi32, #tpu.memory_space<vmem>> -> memref<128xi32, #tpu.memory_space<vmem>>
      %dma_wait3A_199 = arith.constant 0 : i32
      %dma_wait3A_200 = arith.constant 0 : i32
      %dma_wait3A_201 = tpu.memref_slice %arg11[%dma_wait3A_199, %dma_wait3A_200] : memref<100352x16xf32, #tpu.memory_space<vmem_shared>> -> memref<100352x16xf32, #tpu.memory_space<vmem_shared>>
      tpu.wait_indirect_dma semaphore(%arg16 : memref<!tpu.dma_semaphore, #tpu.memory_space<semaphore_mem>>) src(%arg9 : memref<128x16xf32, #tpu.memory_space<vmem>>) dst(%dma_wait3A_201 : memref<100352x16xf32, #tpu.memory_space<vmem_shared>>)
      %dma_wait3A_202 = arith.constant 3 : i32
      %dma_wait3A_203 = arith.constant 0 : i32
      %dma_wait3A_204 = tpu.memref_slice %arg7[%dma_wait3A_202, %dma_wait3A_203] : memref<4x128xi32, #tpu.memory_space<vmem>> -> memref<1x128xi32, #tpu.memory_space<vmem>>
      %dma_wait3A_205 = tpu.memref_squeeze %dma_wait3A_204 : memref<1x128xi32, #tpu.memory_space<vmem>> -> memref<128xi32, #tpu.memory_space<vmem>>
      %dma_wait3A_206 = arith.constant 0 : i32
      %dma_wait3A_207 = arith.constant 0 : i32
      %dma_wait3A_208 = tpu.memref_slice %arg11[%dma_wait3A_206, %dma_wait3A_207] : memref<100352x16xf32, #tpu.memory_space<vmem_shared>> -> memref<100352x16xf32, #tpu.memory_space<vmem_shared>>
      tpu.wait_indirect_dma semaphore(%arg16 : memref<!tpu.dma_semaphore, #tpu.memory_space<semaphore_mem>>) src(%arg9 : memref<128x16xf32, #tpu.memory_space<vmem>>) dst(%dma_wait3A_208 : memref<100352x16xf32, #tpu.memory_space<vmem_shared>>)
      %add3A_209 = arith.constant 2 : i32
      %add3A_210 = arith.addi %add3A_180, %add3A_209 : i32
      %lt3A_211 = arith.constant 198 : i32
      %lt3A_212 = arith.cmpi slt, %add3A_210, %lt3A_211 : i32
      %convert_element_type3A_213 = arith.extui %lt3A_212 : i1 to i32
      %cond3A_214 = arith.constant 0 : i32
      %cond3A_215 = arith.cmpi ne, %convert_element_type3A_213, %cond3A_214 : i32
      scf.if %cond3A_215 {
        %add3A_251 = arith.constant 2 : i32
        %add3A_252 = arith.addi %add3A_180, %add3A_251 : i32
        %mul3A_253 = arith.constant 4 : i32
        %mul3A_254 = arith.muli %add3A_252, %mul3A_253 : i32
        %add3A_255 = arith.addi %mul3A_4, %mul3A_254 : i32
        %dma_start3A_256 = arith.constant 0 : i32
        %dma_start3A_257 = tpu.memref_slice %arg2[%add3A_255, %dma_start3A_256] : memref<25344x128xi32, #tpu.memory_space<hbm>> -> memref<4x128xi32, #tpu.memory_space<hbm>>
        %dma_start3A_258 = arith.constant 0 : i32
        %dma_start3A_259 = tpu.memref_slice %arg2[%add3A_255, %dma_start3A_258] : memref<25344x128xi32, #tpu.memory_space<hbm>> -> memref<4x128xi32, #tpu.memory_space<hbm>>
        tpu.enqueue_dma source(%dma_start3A_259 : memref<4x128xi32, #tpu.memory_space<hbm>>) target(%arg7 : memref<4x128xi32, #tpu.memory_space<vmem>>) target_semaphore(%arg13 : memref<!tpu.dma_semaphore, #tpu.memory_space<semaphore_mem>>)
      } else {
      }
      %mul3A_216 = arith.constant 4 : i32
      %mul3A_217 = arith.muli %add3A_180, %mul3A_216 : i32
      %add3A_218 = arith.addi %mul3A_4, %mul3A_217 : i32
      %dma_wait3A_219 = arith.constant 0 : i32
      %dma_wait3A_220 = tpu.memref_slice %arg2[%add3A_218, %dma_wait3A_219] : memref<25344x128xi32, #tpu.memory_space<hbm>> -> memref<4x128xi32, #tpu.memory_space<hbm>>
      %dma_wait3A_221 = arith.constant 0 : i32
      %dma_wait3A_222 = tpu.memref_slice %arg2[%add3A_218, %dma_wait3A_221] : memref<25344x128xi32, #tpu.memory_space<hbm>> -> memref<4x128xi32, #tpu.memory_space<hbm>>
      tpu.wait_dma2 semaphore(%arg14 : memref<!tpu.dma_semaphore, #tpu.memory_space<semaphore_mem>>) src(%dma_wait3A_222 : memref<4x128xi32, #tpu.memory_space<hbm>>) dst(%arg8 : memref<4x128xi32, #tpu.memory_space<vmem>>)
      %dma_start3A_223 = arith.constant 0 : i32
      %dma_start3A_224 = arith.constant 0 : i32
      %dma_start3A_225 = tpu.memref_slice %arg8[%dma_start3A_223, %dma_start3A_224] : memref<4x128xi32, #tpu.memory_space<vmem>> -> memref<1x128xi32, #tpu.memory_space<vmem>>
      %dma_start3A_226 = tpu.memref_squeeze %dma_start3A_225 : memref<1x128xi32, #tpu.memory_space<vmem>> -> memref<128xi32, #tpu.memory_space<vmem>>
      %dma_start3A_227 = arith.constant 0 : i32
      %dma_start3A_228 = arith.constant 0 : i32
      %dma_start3A_229 = tpu.memref_slice %arg11[%dma_start3A_227, %dma_start3A_228] : memref<100352x16xf32, #tpu.memory_space<vmem_shared>> -> memref<100352x16xf32, #tpu.memory_space<vmem_shared>>
      tpu.enqueue_indirect_dma source(%arg9 : memref<128x16xf32, #tpu.memory_space<vmem>>) target(%dma_start3A_229 : memref<100352x16xf32, #tpu.memory_space<vmem_shared>>) offsets(%dma_start3A_226 : memref<128xi32, #tpu.memory_space<vmem>>) semaphore(%arg17 : memref<!tpu.dma_semaphore, #tpu.memory_space<semaphore_mem>>) {add = true}
      %dma_start3A_230 = arith.constant 1 : i32
      %dma_start3A_231 = arith.constant 0 : i32
      %dma_start3A_232 = tpu.memref_slice %arg8[%dma_start3A_230, %dma_start3A_231] : memref<4x128xi32, #tpu.memory_space<vmem>> -> memref<1x128xi32, #tpu.memory_space<vmem>>
      %dma_start3A_233 = tpu.memref_squeeze %dma_start3A_232 : memref<1x128xi32, #tpu.memory_space<vmem>> -> memref<128xi32, #tpu.memory_space<vmem>>
      %dma_start3A_234 = arith.constant 0 : i32
      %dma_start3A_235 = arith.constant 0 : i32
      %dma_start3A_236 = tpu.memref_slice %arg11[%dma_start3A_234, %dma_start3A_235] : memref<100352x16xf32, #tpu.memory_space<vmem_shared>> -> memref<100352x16xf32, #tpu.memory_space<vmem_shared>>
      tpu.enqueue_indirect_dma source(%arg9 : memref<128x16xf32, #tpu.memory_space<vmem>>) target(%dma_start3A_236 : memref<100352x16xf32, #tpu.memory_space<vmem_shared>>) offsets(%dma_start3A_233 : memref<128xi32, #tpu.memory_space<vmem>>) semaphore(%arg17 : memref<!tpu.dma_semaphore, #tpu.memory_space<semaphore_mem>>) {add = true}
      %dma_start3A_237 = arith.constant 2 : i32
      %dma_start3A_238 = arith.constant 0 : i32
      %dma_start3A_239 = tpu.memref_slice %arg8[%dma_start3A_237, %dma_start3A_238] : memref<4x128xi32, #tpu.memory_space<vmem>> -> memref<1x128xi32, #tpu.memory_space<vmem>>
      %dma_start3A_240 = tpu.memref_squeeze %dma_start3A_239 : memref<1x128xi32, #tpu.memory_space<vmem>> -> memref<128xi32, #tpu.memory_space<vmem>>
      %dma_start3A_241 = arith.constant 0 : i32
      %dma_start3A_242 = arith.constant 0 : i32
      %dma_start3A_243 = tpu.memref_slice %arg11[%dma_start3A_241, %dma_start3A_242] : memref<100352x16xf32, #tpu.memory_space<vmem_shared>> -> memref<100352x16xf32, #tpu.memory_space<vmem_shared>>
      tpu.enqueue_indirect_dma source(%arg9 : memref<128x16xf32, #tpu.memory_space<vmem>>) target(%dma_start3A_243 : memref<100352x16xf32, #tpu.memory_space<vmem_shared>>) offsets(%dma_start3A_240 : memref<128xi32, #tpu.memory_space<vmem>>) semaphore(%arg17 : memref<!tpu.dma_semaphore, #tpu.memory_space<semaphore_mem>>) {add = true}
      %dma_start3A_244 = arith.constant 3 : i32
      %dma_start3A_245 = arith.constant 0 : i32
      %dma_start3A_246 = tpu.memref_slice %arg8[%dma_start3A_244, %dma_start3A_245] : memref<4x128xi32, #tpu.memory_space<vmem>> -> memref<1x128xi32, #tpu.memory_space<vmem>>
      %dma_start3A_247 = tpu.memref_squeeze %dma_start3A_246 : memref<1x128xi32, #tpu.memory_space<vmem>> -> memref<128xi32, #tpu.memory_space<vmem>>
      %dma_start3A_248 = arith.constant 0 : i32
      %dma_start3A_249 = arith.constant 0 : i32
      %dma_start3A_250 = tpu.memref_slice %arg11[%dma_start3A_248, %dma_start3A_249] : memref<100352x16xf32, #tpu.memory_space<vmem_shared>> -> memref<100352x16xf32, #tpu.memory_space<vmem_shared>>
      tpu.enqueue_indirect_dma source(%arg9 : memref<128x16xf32, #tpu.memory_space<vmem>>) target(%dma_start3A_250 : memref<100352x16xf32, #tpu.memory_space<vmem_shared>>) offsets(%dma_start3A_247 : memref<128xi32, #tpu.memory_space<vmem>>) semaphore(%arg17 : memref<!tpu.dma_semaphore, #tpu.memory_space<semaphore_mem>>) {add = true}
    }
    %scan3A_26 = arith.constant 66 : i32
    %dma_wait3A = arith.constant 0 : i32
    %dma_wait3A_27 = arith.constant 0 : i32
    %dma_wait3A_28 = tpu.memref_slice %arg8[%dma_wait3A, %dma_wait3A_27] : memref<4x128xi32, #tpu.memory_space<vmem>> -> memref<1x128xi32, #tpu.memory_space<vmem>>
    %dma_wait3A_29 = tpu.memref_squeeze %dma_wait3A_28 : memref<1x128xi32, #tpu.memory_space<vmem>> -> memref<128xi32, #tpu.memory_space<vmem>>
    %dma_wait3A_30 = arith.constant 0 : i32
    %dma_wait3A_31 = arith.constant 0 : i32
    %dma_wait3A_32 = tpu.memref_slice %arg11[%dma_wait3A_30, %dma_wait3A_31] : memref<100352x16xf32, #tpu.memory_space<vmem_shared>> -> memref<100352x16xf32, #tpu.memory_space<vmem_shared>>
    tpu.wait_indirect_dma semaphore(%arg17 : memref<!tpu.dma_semaphore, #tpu.memory_space<semaphore_mem>>) src(%arg9 : memref<128x16xf32, #tpu.memory_space<vmem>>) dst(%dma_wait3A_32 : memref<100352x16xf32, #tpu.memory_space<vmem_shared>>)
    %dma_wait3A_33 = arith.constant 1 : i32
    %dma_wait3A_34 = arith.constant 0 : i32
    %dma_wait3A_35 = tpu.memref_slice %arg8[%dma_wait3A_33, %dma_wait3A_34] : memref<4x128xi32, #tpu.memory_space<vmem>> -> memref<1x128xi32, #tpu.memory_space<vmem>>
    %dma_wait3A_36 = tpu.memref_squeeze %dma_wait3A_35 : memref<1x128xi32, #tpu.memory_space<vmem>> -> memref<128xi32, #tpu.memory_space<vmem>>
    %dma_wait3A_37 = arith.constant 0 : i32
    %dma_wait3A_38 = arith.constant 0 : i32
    %dma_wait3A_39 = tpu.memref_slice %arg11[%dma_wait3A_37, %dma_wait3A_38] : memref<100352x16xf32, #tpu.memory_space<vmem_shared>> -> memref<100352x16xf32, #tpu.memory_space<vmem_shared>>
    tpu.wait_indirect_dma semaphore(%arg17 : memref<!tpu.dma_semaphore, #tpu.memory_space<semaphore_mem>>) src(%arg9 : memref<128x16xf32, #tpu.memory_space<vmem>>) dst(%dma_wait3A_39 : memref<100352x16xf32, #tpu.memory_space<vmem_shared>>)
    %dma_wait3A_40 = arith.constant 2 : i32
    %dma_wait3A_41 = arith.constant 0 : i32
    %dma_wait3A_42 = tpu.memref_slice %arg8[%dma_wait3A_40, %dma_wait3A_41] : memref<4x128xi32, #tpu.memory_space<vmem>> -> memref<1x128xi32, #tpu.memory_space<vmem>>
    %dma_wait3A_43 = tpu.memref_squeeze %dma_wait3A_42 : memref<1x128xi32, #tpu.memory_space<vmem>> -> memref<128xi32, #tpu.memory_space<vmem>>
    %dma_wait3A_44 = arith.constant 0 : i32
    %dma_wait3A_45 = arith.constant 0 : i32
    %dma_wait3A_46 = tpu.memref_slice %arg11[%dma_wait3A_44, %dma_wait3A_45] : memref<100352x16xf32, #tpu.memory_space<vmem_shared>> -> memref<100352x16xf32, #tpu.memory_space<vmem_shared>>
    tpu.wait_indirect_dma semaphore(%arg17 : memref<!tpu.dma_semaphore, #tpu.memory_space<semaphore_mem>>) src(%arg9 : memref<128x16xf32, #tpu.memory_space<vmem>>) dst(%dma_wait3A_46 : memref<100352x16xf32, #tpu.memory_space<vmem_shared>>)
    %dma_wait3A_47 = arith.constant 3 : i32
    %dma_wait3A_48 = arith.constant 0 : i32
    %dma_wait3A_49 = tpu.memref_slice %arg8[%dma_wait3A_47, %dma_wait3A_48] : memref<4x128xi32, #tpu.memory_space<vmem>> -> memref<1x128xi32, #tpu.memory_space<vmem>>
    %dma_wait3A_50 = tpu.memref_squeeze %dma_wait3A_49 : memref<1x128xi32, #tpu.memory_space<vmem>> -> memref<128xi32, #tpu.memory_space<vmem>>
    %dma_wait3A_51 = arith.constant 0 : i32
    %dma_wait3A_52 = arith.constant 0 : i32
    %dma_wait3A_53 = tpu.memref_slice %arg11[%dma_wait3A_51, %dma_wait3A_52] : memref<100352x16xf32, #tpu.memory_space<vmem_shared>> -> memref<100352x16xf32, #tpu.memory_space<vmem_shared>>
    tpu.wait_indirect_dma semaphore(%arg17 : memref<!tpu.dma_semaphore, #tpu.memory_space<semaphore_mem>>) src(%arg9 : memref<128x16xf32, #tpu.memory_space<vmem>>) dst(%dma_wait3A_53 : memref<100352x16xf32, #tpu.memory_space<vmem_shared>>)
    %barrier3A_54 = arith.constant 0 : index
    tpu.barrier barrier_id(%barrier3A_54)
    %mul3A_55 = arith.constant 6272 : i32
    %mul3A_56 = arith.muli %arg1, %mul3A_55 : i32
    %mul3A_57 = arith.constant 6272 : i32
    %mul3A_58 = arith.muli %arg1, %mul3A_57 : i32
    "tpu.region"() ({
      %run_scoped3A = tpu.sem_alloc : memref<!tpu.dma_semaphore, #tpu.memory_space<semaphore_mem>>
      %dma_start3A_59 = arith.constant 0 : i32
      %dma_start3A_60 = tpu.memref_slice %arg5[%arg0, %mul3A_58, %dma_start3A_59] : memref<2x100352x16xf32, #tpu.memory_space<hbm>> -> memref<1x6272x16xf32, #tpu.memory_space<hbm>>
      %dma_start3A_61 = tpu.memref_squeeze %dma_start3A_60 : memref<1x6272x16xf32, #tpu.memory_space<hbm>> -> memref<6272x16xf32, #tpu.memory_space<hbm>>
      %dma_start3A_62 = arith.constant 0 : i32
      %dma_start3A_63 = tpu.memref_slice %arg11[%mul3A_56, %dma_start3A_62] : memref<100352x16xf32, #tpu.memory_space<vmem_shared>> -> memref<6272x16xf32, #tpu.memory_space<vmem_shared>>
      tpu.enqueue_dma source(%dma_start3A_63 : memref<6272x16xf32, #tpu.memory_space<vmem_shared>>) target(%dma_start3A_61 : memref<6272x16xf32, #tpu.memory_space<hbm>>) target_semaphore(%run_scoped3A : memref<!tpu.dma_semaphore, #tpu.memory_space<semaphore_mem>>)
      %dma_wait3A_64 = arith.constant 0 : i32
      %dma_wait3A_65 = tpu.memref_slice %arg5[%arg0, %mul3A_58, %dma_wait3A_64] : memref<2x100352x16xf32, #tpu.memory_space<hbm>> -> memref<1x6272x16xf32, #tpu.memory_space<hbm>>
      %dma_wait3A_66 = tpu.memref_squeeze %dma_wait3A_65 : memref<1x6272x16xf32, #tpu.memory_space<hbm>> -> memref<6272x16xf32, #tpu.memory_space<hbm>>
      %dma_wait3A_67 = arith.constant 0 : i32
      %dma_wait3A_68 = tpu.memref_slice %arg11[%mul3A_56, %dma_wait3A_67] : memref<100352x16xf32, #tpu.memory_space<vmem_shared>> -> memref<6272x16xf32, #tpu.memory_space<vmem_shared>>
      tpu.wait_dma2 semaphore(%run_scoped3A : memref<!tpu.dma_semaphore, #tpu.memory_space<semaphore_mem>>) src(%dma_wait3A_68 : memref<6272x16xf32, #tpu.memory_space<vmem_shared>>) dst(%dma_wait3A_66 : memref<6272x16xf32, #tpu.memory_space<hbm>>)
      tpu.yield
    }) : () -> ()
    return
  }
}

module attributes {stable_mosaic.version = 14 : i64} {
  func.func @_prep_body(%arg0: i32, %arg1: memref<2048x24xf32, #tpu.memory_space<vmem>>, %arg2: memref<2x2048x16xf32, #tpu.memory_space<vmem>>, %arg3: memref<2048x1xf32, #tpu.memory_space<vmem>>, %arg4: memref<2048x16xf32, #tpu.memory_space<vmem>>, %arg5: memref<2x2048x16xf32, #tpu.memory_space<vmem>>) attributes {dimension_semantics = [#tpu.dimension_semantics<arbitrary>], iteration_bounds = array<i64: 49>, scalar_prefetch = 0 : i64, scratch_operands = 0 : i64, tpu.core_type = #tpu.core_type<tc>, window_params = [{transform_indices = @transform_0, window_bounds = array<i64: 2048, 24>}, {transform_indices = @transform_1, window_bounds = array<i64: 2, 2048, 16>}, {transform_indices = @transform_2, window_bounds = array<i64: 2048, 1>}, {transform_indices = @transform_3, window_bounds = array<i64: 2048, 16>}, {transform_indices = @transform_4, window_bounds = array<i64: 2, 2048, 16>}]} {
    %get3A = arith.constant 0 : index
    %get3A_0 = arith.constant 0 : index
    %get3A_1 = arith.constant 0 : index
    %get3A_2 = vector.load %arg2[%get3A, %get3A_0, %get3A_1] : memref<2x2048x16xf32, #tpu.memory_space<vmem>>, vector<1x2048x1xf32>
    %get3A_3 = vector.shape_cast %get3A_2 : vector<1x2048x1xf32> to vector<2048x1xf32>
    %get3A_4 = arith.constant 1 : index
    %get3A_5 = arith.constant 0 : index
    %get3A_6 = arith.constant 0 : index
    %get3A_7 = vector.load %arg2[%get3A_4, %get3A_5, %get3A_6] : memref<2x2048x16xf32, #tpu.memory_space<vmem>>, vector<1x2048x1xf32>
    %get3A_8 = vector.shape_cast %get3A_7 : vector<1x2048x1xf32> to vector<2048x1xf32>
    %add3A = arith.addf %get3A_3, %get3A_8 : vector<2048x1xf32>
    %gt3A = arith.constant 0.000000e+00 : f32
    %gt3A_9 = vector.broadcast %gt3A : f32 to vector<2048x1xf32>
    %gt3A_10 = arith.cmpf ogt, %add3A, %gt3A_9 : vector<2048x1xf32>
    %max3A = arith.constant 9.99999996E-13 : f32
    %max3A_11 = vector.broadcast %max3A : f32 to vector<2048x1xf32>
    %max3A_12 = arith.maximumf %add3A, %max3A_11 : vector<2048x1xf32>
    %rsqrt3A = math.rsqrt %max3A_12 : vector<2048x1xf32>
    %broadcast_in_dim3A = arith.constant 0.000000e+00 : f32
    %broadcast_in_dim3A_13 = vector.broadcast %broadcast_in_dim3A : f32 to vector<2048x1xf32>
    %select_n3A = arith.select %gt3A_10, %rsqrt3A, %broadcast_in_dim3A_13 : vector<2048x1xi1>, vector<2048x1xf32>
    %swap3A = arith.constant 0 : index
    %swap3A_14 = arith.constant 0 : index
    %swap3A_15 = vector.load %arg3[%swap3A, %swap3A_14] : memref<2048x1xf32, #tpu.memory_space<vmem>>, vector<2048x1xf32>
    tpu.vector_store %arg3[%swap3A, %swap3A_14], %select_n3A {strides = array<i32>} : memref<2048x1xf32, #tpu.memory_space<vmem>>, vector<2048x1xf32>,
    %mul3A = arith.mulf %select_n3A, %select_n3A : vector<2048x1xf32>
    %broadcast_in_dim3A_16 = vector.shape_cast %mul3A : vector<2048x1xf32> to vector<2048x1xf32>
    %broadcast_in_dim3A_17 = vector.broadcast %broadcast_in_dim3A_16 : vector<2048x1xf32> to vector<2048x16xf32>
    %swap3A_18 = arith.constant 0 : index
    %swap3A_19 = arith.constant 0 : index
    %swap3A_20 = vector.load %arg4[%swap3A_18, %swap3A_19] : memref<2048x16xf32, #tpu.memory_space<vmem>>, vector<2048x16xf32>
    tpu.vector_store %arg4[%swap3A_18, %swap3A_19], %broadcast_in_dim3A_17 {strides = array<i32>} : memref<2048x16xf32, #tpu.memory_space<vmem>>, vector<2048x16xf32>,
    %get3A_21 = arith.constant 0 : index
    %get3A_22 = arith.constant 0 : index
    %get3A_23 = vector.load %arg1[%get3A_21, %get3A_22] : memref<2048x24xf32, #tpu.memory_space<vmem>>, vector<2048x24xf32>
    %broadcast_in_dim3A_24 = arith.constant 0.000000e+00 : f32
    %broadcast_in_dim3A_25 = vector.broadcast %broadcast_in_dim3A_24 : f32 to vector<2048x4xf32>
    %slice3A = vector.extract_strided_slice %get3A_23 {offsets = [0, 0], sizes = [2048, 12], strides = [1, 1]} : vector<2048x24xf32> to vector<2048x12xf32>
    %mul3A_26 = vector.broadcast %select_n3A : vector<2048x1xf32> to vector<2048x12xf32>
    %mul3A_27 = arith.mulf %mul3A_26, %slice3A : vector<2048x12xf32>
    %concatenate3A = tpu.concatenate %mul3A_27, %broadcast_in_dim3A_25 in 1 : vector<2048x12xf32>, vector<2048x4xf32> -> vector<2048x16xf32>
    %swap3A_28 = arith.constant 0 : index
    %swap3A_29 = arith.constant 0 : index
    %swap3A_30 = arith.constant 0 : index
    %swap3A_31 = vector.load %arg5[%swap3A_28, %swap3A_29, %swap3A_30] : memref<2x2048x16xf32, #tpu.memory_space<vmem>>, vector<1x2048x16xf32>
    %swap3A_32 = vector.shape_cast %swap3A_31 : vector<1x2048x16xf32> to vector<2048x16xf32>
    %swap3A_33 = vector.shape_cast %concatenate3A : vector<2048x16xf32> to vector<1x2048x16xf32>
    tpu.vector_store %arg5[%swap3A_28, %swap3A_29, %swap3A_30], %swap3A_33 {strides = array<i32>} : memref<2x2048x16xf32, #tpu.memory_space<vmem>>, vector<1x2048x16xf32>,
    %slice3A_34 = vector.extract_strided_slice %get3A_23 {offsets = [0, 12], sizes = [2048, 12], strides = [1, 1]} : vector<2048x24xf32> to vector<2048x12xf32>
    %mul3A_35 = vector.broadcast %select_n3A : vector<2048x1xf32> to vector<2048x12xf32>
    %mul3A_36 = arith.mulf %mul3A_35, %slice3A_34 : vector<2048x12xf32>
    %concatenate3A_37 = tpu.concatenate %mul3A_36, %broadcast_in_dim3A_25 in 1 : vector<2048x12xf32>, vector<2048x4xf32> -> vector<2048x16xf32>
    %swap3A_38 = arith.constant 1 : index
    %swap3A_39 = arith.constant 0 : index
    %swap3A_40 = arith.constant 0 : index
    %swap3A_41 = vector.load %arg5[%swap3A_38, %swap3A_39, %swap3A_40] : memref<2x2048x16xf32, #tpu.memory_space<vmem>>, vector<1x2048x16xf32>
    %swap3A_42 = vector.shape_cast %swap3A_41 : vector<1x2048x16xf32> to vector<2048x16xf32>
    %swap3A_43 = vector.shape_cast %concatenate3A_37 : vector<2048x16xf32> to vector<1x2048x16xf32>
    tpu.vector_store %arg5[%swap3A_38, %swap3A_39, %swap3A_40], %swap3A_43 {strides = array<i32>} : memref<2x2048x16xf32, #tpu.memory_space<vmem>>, vector<1x2048x16xf32>,
    return
  }
  func.func @transform_0(%arg0: i32) -> (i32, i32) {
    %c0_i32 = arith.constant 0 : i32
    %c0_i32_0 = arith.constant 0 : i32
    return %arg0, %c0_i32 : i32, i32
  }
  func.func @transform_1(%arg0: i32) -> (i32, i32, i32) {
    %c0_i32 = arith.constant 0 : i32
    %c0_i32_0 = arith.constant 0 : i32
    %c0_i32_1 = arith.constant 0 : i32
    return %c0_i32, %arg0, %c0_i32_0 : i32, i32, i32
  }
  func.func @transform_2(%arg0: i32) -> (i32, i32) {
    %c0_i32 = arith.constant 0 : i32
    %c0_i32_0 = arith.constant 0 : i32
    return %arg0, %c0_i32 : i32, i32
  }
  func.func @transform_3(%arg0: i32) -> (i32, i32) {
    %c0_i32 = arith.constant 0 : i32
    %c0_i32_0 = arith.constant 0 : i32
    return %arg0, %c0_i32 : i32, i32
  }
  func.func @transform_4(%arg0: i32) -> (i32, i32, i32) {
    %c0_i32 = arith.constant 0 : i32
    %c0_i32_0 = arith.constant 0 : i32
    %c0_i32_1 = arith.constant 0 : i32
    return %c0_i32, %arg0, %c0_i32_0 : i32, i32, i32
  }
}

module attributes {stable_mosaic.version = 14 : i64} {
  func.func @_final_body(%arg0: i32, %arg1: memref<2048x24xf32, #tpu.memory_space<vmem>>, %arg2: memref<2048x1xf32, #tpu.memory_space<vmem>>, %arg3: memref<5x2x2048x16xf32, #tpu.memory_space<vmem>>, %arg4: memref<6x24x64xf32, #tpu.memory_space<vmem>>, %arg5: memref<1x64xf32, #tpu.memory_space<vmem>>, %arg6: memref<1x64xf32, #tpu.memory_space<vmem>>, %arg7: memref<1x64xf32, #tpu.memory_space<vmem>>, %arg8: memref<1x64xf32, #tpu.memory_space<vmem>>, %arg9: memref<1x64xf32, #tpu.memory_space<vmem>>, %arg10: memref<64x6xf32, #tpu.memory_space<vmem>>, %arg11: memref<1x6xf32, #tpu.memory_space<vmem>>, %arg12: memref<2048x6xf32, #tpu.memory_space<vmem>>) attributes {dimension_semantics = [#tpu.dimension_semantics<arbitrary>], iteration_bounds = array<i64: 49>, scalar_prefetch = 0 : i64, scratch_operands = 0 : i64, tpu.core_type = #tpu.core_type<tc>, window_params = [{transform_indices = @transform_0, window_bounds = array<i64: 2048, 24>}, {transform_indices = @transform_1, window_bounds = array<i64: 2048, 1>}, {transform_indices = @transform_2, window_bounds = array<i64: 5, 2, 2048, 16>}, {pipeline_mode = #tpu.pipeline_mode<synchronous>, transform_indices = @transform_3, window_bounds = array<i64: 6, 24, 64>}, {pipeline_mode = #tpu.pipeline_mode<synchronous>, transform_indices = @transform_4, window_bounds = array<i64: 1, 64>}, {pipeline_mode = #tpu.pipeline_mode<synchronous>, transform_indices = @transform_5, window_bounds = array<i64: 1, 64>}, {pipeline_mode = #tpu.pipeline_mode<synchronous>, transform_indices = @transform_6, window_bounds = array<i64: 1, 64>}, {pipeline_mode = #tpu.pipeline_mode<synchronous>, transform_indices = @transform_7, window_bounds = array<i64: 1, 64>}, {pipeline_mode = #tpu.pipeline_mode<synchronous>, transform_indices = @transform_8, window_bounds = array<i64: 1, 64>}, {pipeline_mode = #tpu.pipeline_mode<synchronous>, transform_indices = @transform_9, window_bounds = array<i64: 64, 6>}, {pipeline_mode = #tpu.pipeline_mode<synchronous>, transform_indices = @transform_10, window_bounds = array<i64: 1, 6>}, {transform_indices = @transform_11, window_bounds = array<i64: 2048, 6>}]} {
    %get3A = arith.constant 0 : index
    %get3A_0 = arith.constant 0 : index
    %get3A_1 = vector.load %arg1[%get3A, %get3A_0] : memref<2048x24xf32, #tpu.memory_space<vmem>>, vector<2048x24xf32>
    %get3A_2 = arith.constant 0 : index
    %get3A_3 = arith.constant 0 : index
    %get3A_4 = vector.load %arg2[%get3A_2, %get3A_3] : memref<2048x1xf32, #tpu.memory_space<vmem>>, vector<2048x1xf32>
    %get3A_5 = arith.constant 0 : index
    %get3A_6 = arith.constant 0 : index
    %get3A_7 = arith.constant 0 : index
    %get3A_8 = vector.load %arg4[%get3A_5, %get3A_6, %get3A_7] : memref<6x24x64xf32, #tpu.memory_space<vmem>>, vector<1x24x64xf32>
    %get3A_9 = vector.shape_cast %get3A_8 : vector<1x24x64xf32> to vector<24x64xf32>
    %dot_general3A = arith.constant dense<0.000000e+00> : vector<2048x64xf32>
    %dot_general3A_10 = tpu.matmul %get3A_1, %get3A_9, %dot_general3A {dimension_numbers = #tpu.dot_dimension_numbers<[1], [0], [0], [1], [0, 0, 1, 1], [], []>, transpose_lhs_hint = false} : vector<2048x24xf32>, vector<24x64xf32>, vector<2048x64xf32> -> vector<2048x64xf32>
    %get3A_11 = arith.constant 0 : index
    %get3A_12 = arith.constant 0 : index
    %get3A_13 = arith.constant 0 : index
    %get3A_14 = arith.constant 0 : index
    %get3A_15 = vector.load %arg3[%get3A_11, %get3A_12, %get3A_13, %get3A_14] : memref<5x2x2048x16xf32, #tpu.memory_space<vmem>>, vector<1x1x2048x16xf32>
    %get3A_16 = vector.shape_cast %get3A_15 : vector<1x1x2048x16xf32> to vector<2048x16xf32>
    %slice3A = vector.extract_strided_slice %get3A_16 {offsets = [0, 0], sizes = [2048, 12], strides = [1, 1]} : vector<2048x16xf32> to vector<2048x12xf32>
    %get3A_17 = arith.constant 0 : index
    %get3A_18 = arith.constant 1 : index
    %get3A_19 = arith.constant 0 : index
    %get3A_20 = arith.constant 0 : index
    %get3A_21 = vector.load %arg3[%get3A_17, %get3A_18, %get3A_19, %get3A_20] : memref<5x2x2048x16xf32, #tpu.memory_space<vmem>>, vector<1x1x2048x16xf32>
    %get3A_22 = vector.shape_cast %get3A_21 : vector<1x1x2048x16xf32> to vector<2048x16xf32>
    %slice3A_23 = vector.extract_strided_slice %get3A_22 {offsets = [0, 0], sizes = [2048, 12], strides = [1, 1]} : vector<2048x16xf32> to vector<2048x12xf32>
    %concatenate3A = tpu.concatenate %slice3A, %slice3A_23 in 1 : vector<2048x12xf32>, vector<2048x12xf32> -> vector<2048x24xf32>
    %neg3A = arith.constant 0.000000e+00 : f32
    %neg3A_24 = vector.broadcast %neg3A : f32 to vector<2048x1xf32>
    %neg3A_25 = arith.subf %neg3A_24, %get3A_4 : vector<2048x1xf32>
    %mul3A = vector.broadcast %neg3A_25 : vector<2048x1xf32> to vector<2048x24xf32>
    %mul3A_26 = arith.mulf %mul3A, %concatenate3A : vector<2048x24xf32>
    %get3A_27 = arith.constant 1 : index
    %get3A_28 = arith.constant 0 : index
    %get3A_29 = arith.constant 0 : index
    %get3A_30 = vector.load %arg4[%get3A_27, %get3A_28, %get3A_29] : memref<6x24x64xf32, #tpu.memory_space<vmem>>, vector<1x24x64xf32>
    %get3A_31 = vector.shape_cast %get3A_30 : vector<1x24x64xf32> to vector<24x64xf32>
    %dot_general3A_32 = arith.constant dense<0.000000e+00> : vector<2048x64xf32>
    %dot_general3A_33 = tpu.matmul %mul3A_26, %get3A_31, %dot_general3A_32 {dimension_numbers = #tpu.dot_dimension_numbers<[1], [0], [0], [1], [0, 0, 1, 1], [], []>, transpose_lhs_hint = false} : vector<2048x24xf32>, vector<24x64xf32>, vector<2048x64xf32> -> vector<2048x64xf32>
    %add3A = arith.addf %dot_general3A_10, %dot_general3A_33 : vector<2048x64xf32>
    %get3A_34 = arith.constant 1 : index
    %get3A_35 = arith.constant 0 : index
    %get3A_36 = arith.constant 0 : index
    %get3A_37 = arith.constant 0 : index
    %get3A_38 = vector.load %arg3[%get3A_34, %get3A_35, %get3A_36, %get3A_37] : memref<5x2x2048x16xf32, #tpu.memory_space<vmem>>, vector<1x1x2048x16xf32>
    %get3A_39 = vector.shape_cast %get3A_38 : vector<1x1x2048x16xf32> to vector<2048x16xf32>
    %slice3A_40 = vector.extract_strided_slice %get3A_39 {offsets = [0, 0], sizes = [2048, 12], strides = [1, 1]} : vector<2048x16xf32> to vector<2048x12xf32>
    %get3A_41 = arith.constant 1 : index
    %get3A_42 = arith.constant 1 : index
    %get3A_43 = arith.constant 0 : index
    %get3A_44 = arith.constant 0 : index
    %get3A_45 = vector.load %arg3[%get3A_41, %get3A_42, %get3A_43, %get3A_44] : memref<5x2x2048x16xf32, #tpu.memory_space<vmem>>, vector<1x1x2048x16xf32>
    %get3A_46 = vector.shape_cast %get3A_45 : vector<1x1x2048x16xf32> to vector<2048x16xf32>
    %slice3A_47 = vector.extract_strided_slice %get3A_46 {offsets = [0, 0], sizes = [2048, 12], strides = [1, 1]} : vector<2048x16xf32> to vector<2048x12xf32>
    %concatenate3A_48 = tpu.concatenate %slice3A_40, %slice3A_47 in 1 : vector<2048x12xf32>, vector<2048x12xf32> -> vector<2048x24xf32>
    %mul3A_49 = arith.constant -2.000000e+00 : f32
    %mul3A_50 = vector.broadcast %mul3A_49 : f32 to vector<2048x1xf32>
    %mul3A_51 = arith.mulf %mul3A_50, %get3A_4 : vector<2048x1xf32>
    %mul3A_52 = vector.broadcast %mul3A_51 : vector<2048x1xf32> to vector<2048x24xf32>
    %mul3A_53 = arith.mulf %mul3A_52, %concatenate3A_48 : vector<2048x24xf32>
    %sub3A = arith.subf %mul3A_53, %get3A_1 : vector<2048x24xf32>
    %get3A_54 = arith.constant 2 : index
    %get3A_55 = arith.constant 0 : index
    %get3A_56 = arith.constant 0 : index
    %get3A_57 = vector.load %arg4[%get3A_54, %get3A_55, %get3A_56] : memref<6x24x64xf32, #tpu.memory_space<vmem>>, vector<1x24x64xf32>
    %get3A_58 = vector.shape_cast %get3A_57 : vector<1x24x64xf32> to vector<24x64xf32>
    %dot_general3A_59 = arith.constant dense<0.000000e+00> : vector<2048x64xf32>
    %dot_general3A_60 = tpu.matmul %sub3A, %get3A_58, %dot_general3A_59 {dimension_numbers = #tpu.dot_dimension_numbers<[1], [0], [0], [1], [0, 0, 1, 1], [], []>, transpose_lhs_hint = false} : vector<2048x24xf32>, vector<24x64xf32>, vector<2048x64xf32> -> vector<2048x64xf32>
    %add3A_61 = arith.addf %add3A, %dot_general3A_60 : vector<2048x64xf32>
    %get3A_62 = arith.constant 2 : index
    %get3A_63 = arith.constant 0 : index
    %get3A_64 = arith.constant 0 : index
    %get3A_65 = arith.constant 0 : index
    %get3A_66 = vector.load %arg3[%get3A_62, %get3A_63, %get3A_64, %get3A_65] : memref<5x2x2048x16xf32, #tpu.memory_space<vmem>>, vector<1x1x2048x16xf32>
    %get3A_67 = vector.shape_cast %get3A_66 : vector<1x1x2048x16xf32> to vector<2048x16xf32>
    %slice3A_68 = vector.extract_strided_slice %get3A_67 {offsets = [0, 0], sizes = [2048, 12], strides = [1, 1]} : vector<2048x16xf32> to vector<2048x12xf32>
    %get3A_69 = arith.constant 2 : index
    %get3A_70 = arith.constant 1 : index
    %get3A_71 = arith.constant 0 : index
    %get3A_72 = arith.constant 0 : index
    %get3A_73 = vector.load %arg3[%get3A_69, %get3A_70, %get3A_71, %get3A_72] : memref<5x2x2048x16xf32, #tpu.memory_space<vmem>>, vector<1x1x2048x16xf32>
    %get3A_74 = vector.shape_cast %get3A_73 : vector<1x1x2048x16xf32> to vector<2048x16xf32>
    %slice3A_75 = vector.extract_strided_slice %get3A_74 {offsets = [0, 0], sizes = [2048, 12], strides = [1, 1]} : vector<2048x16xf32> to vector<2048x12xf32>
    %concatenate3A_76 = tpu.concatenate %slice3A_68, %slice3A_75 in 1 : vector<2048x12xf32>, vector<2048x12xf32> -> vector<2048x24xf32>
    %mul3A_77 = arith.constant -2.000000e+00 : f32
    %mul3A_78 = vector.broadcast %mul3A_77 : f32 to vector<2048x1xf32>
    %mul3A_79 = arith.mulf %mul3A_78, %get3A_4 : vector<2048x1xf32>
    %mul3A_80 = vector.broadcast %mul3A_79 : vector<2048x1xf32> to vector<2048x24xf32>
    %mul3A_81 = arith.mulf %mul3A_80, %concatenate3A_76 : vector<2048x24xf32>
    %sub3A_82 = arith.subf %mul3A_81, %mul3A_26 : vector<2048x24xf32>
    %get3A_83 = arith.constant 3 : index
    %get3A_84 = arith.constant 0 : index
    %get3A_85 = arith.constant 0 : index
    %get3A_86 = vector.load %arg4[%get3A_83, %get3A_84, %get3A_85] : memref<6x24x64xf32, #tpu.memory_space<vmem>>, vector<1x24x64xf32>
    %get3A_87 = vector.shape_cast %get3A_86 : vector<1x24x64xf32> to vector<24x64xf32>
    %dot_general3A_88 = arith.constant dense<0.000000e+00> : vector<2048x64xf32>
    %dot_general3A_89 = tpu.matmul %sub3A_82, %get3A_87, %dot_general3A_88 {dimension_numbers = #tpu.dot_dimension_numbers<[1], [0], [0], [1], [0, 0, 1, 1], [], []>, transpose_lhs_hint = false} : vector<2048x24xf32>, vector<24x64xf32>, vector<2048x64xf32> -> vector<2048x64xf32>
    %add3A_90 = arith.addf %add3A_61, %dot_general3A_89 : vector<2048x64xf32>
    %get3A_91 = arith.constant 3 : index
    %get3A_92 = arith.constant 0 : index
    %get3A_93 = arith.constant 0 : index
    %get3A_94 = arith.constant 0 : index
    %get3A_95 = vector.load %arg3[%get3A_91, %get3A_92, %get3A_93, %get3A_94] : memref<5x2x2048x16xf32, #tpu.memory_space<vmem>>, vector<1x1x2048x16xf32>
    %get3A_96 = vector.shape_cast %get3A_95 : vector<1x1x2048x16xf32> to vector<2048x16xf32>
    %slice3A_97 = vector.extract_strided_slice %get3A_96 {offsets = [0, 0], sizes = [2048, 12], strides = [1, 1]} : vector<2048x16xf32> to vector<2048x12xf32>
    %get3A_98 = arith.constant 3 : index
    %get3A_99 = arith.constant 1 : index
    %get3A_100 = arith.constant 0 : index
    %get3A_101 = arith.constant 0 : index
    %get3A_102 = vector.load %arg3[%get3A_98, %get3A_99, %get3A_100, %get3A_101] : memref<5x2x2048x16xf32, #tpu.memory_space<vmem>>, vector<1x1x2048x16xf32>
    %get3A_103 = vector.shape_cast %get3A_102 : vector<1x1x2048x16xf32> to vector<2048x16xf32>
    %slice3A_104 = vector.extract_strided_slice %get3A_103 {offsets = [0, 0], sizes = [2048, 12], strides = [1, 1]} : vector<2048x16xf32> to vector<2048x12xf32>
    %concatenate3A_105 = tpu.concatenate %slice3A_97, %slice3A_104 in 1 : vector<2048x12xf32>, vector<2048x12xf32> -> vector<2048x24xf32>
    %mul3A_106 = arith.constant -2.000000e+00 : f32
    %mul3A_107 = vector.broadcast %mul3A_106 : f32 to vector<2048x1xf32>
    %mul3A_108 = arith.mulf %mul3A_107, %get3A_4 : vector<2048x1xf32>
    %mul3A_109 = vector.broadcast %mul3A_108 : vector<2048x1xf32> to vector<2048x24xf32>
    %mul3A_110 = arith.mulf %mul3A_109, %concatenate3A_105 : vector<2048x24xf32>
    %sub3A_111 = arith.subf %mul3A_110, %sub3A : vector<2048x24xf32>
    %get3A_112 = arith.constant 4 : index
    %get3A_113 = arith.constant 0 : index
    %get3A_114 = arith.constant 0 : index
    %get3A_115 = vector.load %arg4[%get3A_112, %get3A_113, %get3A_114] : memref<6x24x64xf32, #tpu.memory_space<vmem>>, vector<1x24x64xf32>
    %get3A_116 = vector.shape_cast %get3A_115 : vector<1x24x64xf32> to vector<24x64xf32>
    %dot_general3A_117 = arith.constant dense<0.000000e+00> : vector<2048x64xf32>
    %dot_general3A_118 = tpu.matmul %sub3A_111, %get3A_116, %dot_general3A_117 {dimension_numbers = #tpu.dot_dimension_numbers<[1], [0], [0], [1], [0, 0, 1, 1], [], []>, transpose_lhs_hint = false} : vector<2048x24xf32>, vector<24x64xf32>, vector<2048x64xf32> -> vector<2048x64xf32>
    %add3A_119 = arith.addf %add3A_90, %dot_general3A_118 : vector<2048x64xf32>
    %get3A_120 = arith.constant 4 : index
    %get3A_121 = arith.constant 0 : index
    %get3A_122 = arith.constant 0 : index
    %get3A_123 = arith.constant 0 : index
    %get3A_124 = vector.load %arg3[%get3A_120, %get3A_121, %get3A_122, %get3A_123] : memref<5x2x2048x16xf32, #tpu.memory_space<vmem>>, vector<1x1x2048x16xf32>
    %get3A_125 = vector.shape_cast %get3A_124 : vector<1x1x2048x16xf32> to vector<2048x16xf32>
    %slice3A_126 = vector.extract_strided_slice %get3A_125 {offsets = [0, 0], sizes = [2048, 12], strides = [1, 1]} : vector<2048x16xf32> to vector<2048x12xf32>
    %get3A_127 = arith.constant 4 : index
    %get3A_128 = arith.constant 1 : index
    %get3A_129 = arith.constant 0 : index
    %get3A_130 = arith.constant 0 : index
    %get3A_131 = vector.load %arg3[%get3A_127, %get3A_128, %get3A_129, %get3A_130] : memref<5x2x2048x16xf32, #tpu.memory_space<vmem>>, vector<1x1x2048x16xf32>
    %get3A_132 = vector.shape_cast %get3A_131 : vector<1x1x2048x16xf32> to vector<2048x16xf32>
    %slice3A_133 = vector.extract_strided_slice %get3A_132 {offsets = [0, 0], sizes = [2048, 12], strides = [1, 1]} : vector<2048x16xf32> to vector<2048x12xf32>
    %concatenate3A_134 = tpu.concatenate %slice3A_126, %slice3A_133 in 1 : vector<2048x12xf32>, vector<2048x12xf32> -> vector<2048x24xf32>
    %mul3A_135 = arith.constant -2.000000e+00 : f32
    %mul3A_136 = vector.broadcast %mul3A_135 : f32 to vector<2048x1xf32>
    %mul3A_137 = arith.mulf %mul3A_136, %get3A_4 : vector<2048x1xf32>
    %mul3A_138 = vector.broadcast %mul3A_137 : vector<2048x1xf32> to vector<2048x24xf32>
    %mul3A_139 = arith.mulf %mul3A_138, %concatenate3A_134 : vector<2048x24xf32>
    %sub3A_140 = arith.subf %mul3A_139, %sub3A_82 : vector<2048x24xf32>
    %get3A_141 = arith.constant 5 : index
    %get3A_142 = arith.constant 0 : index
    %get3A_143 = arith.constant 0 : index
    %get3A_144 = vector.load %arg4[%get3A_141, %get3A_142, %get3A_143] : memref<6x24x64xf32, #tpu.memory_space<vmem>>, vector<1x24x64xf32>
    %get3A_145 = vector.shape_cast %get3A_144 : vector<1x24x64xf32> to vector<24x64xf32>
    %dot_general3A_146 = arith.constant dense<0.000000e+00> : vector<2048x64xf32>
    %dot_general3A_147 = tpu.matmul %sub3A_140, %get3A_145, %dot_general3A_146 {dimension_numbers = #tpu.dot_dimension_numbers<[1], [0], [0], [1], [0, 0, 1, 1], [], []>, transpose_lhs_hint = false} : vector<2048x24xf32>, vector<24x64xf32>, vector<2048x64xf32> -> vector<2048x64xf32>
    %add3A_148 = arith.addf %add3A_119, %dot_general3A_147 : vector<2048x64xf32>
    %get3A_149 = arith.constant 0 : index
    %get3A_150 = arith.constant 0 : index
    %get3A_151 = vector.load %arg5[%get3A_149, %get3A_150] : memref<1x64xf32, #tpu.memory_space<vmem>>, vector<1x64xf32>
    %add3A_152 = vector.broadcast %get3A_151 : vector<1x64xf32> to vector<2048x64xf32>
    %add3A_153 = arith.addf %add3A_148, %add3A_152 : vector<2048x64xf32>
    %get3A_154 = arith.constant 0 : index
    %get3A_155 = arith.constant 0 : index
    %get3A_156 = vector.load %arg8[%get3A_154, %get3A_155] : memref<1x64xf32, #tpu.memory_space<vmem>>, vector<1x64xf32>
    %sub3A_157 = vector.broadcast %get3A_156 : vector<1x64xf32> to vector<2048x64xf32>
    %sub3A_158 = arith.subf %add3A_153, %sub3A_157 : vector<2048x64xf32>
    %get3A_159 = arith.constant 0 : index
    %get3A_160 = arith.constant 0 : index
    %get3A_161 = vector.load %arg9[%get3A_159, %get3A_160] : memref<1x64xf32, #tpu.memory_space<vmem>>, vector<1x64xf32>
    %add3A_162 = arith.constant 9.99999974E-6 : f32
    %add3A_163 = vector.broadcast %add3A_162 : f32 to vector<1x64xf32>
    %add3A_164 = arith.addf %get3A_161, %add3A_163 : vector<1x64xf32>
    %rsqrt3A = math.rsqrt %add3A_164 : vector<1x64xf32>
    %mul3A_165 = vector.broadcast %rsqrt3A : vector<1x64xf32> to vector<2048x64xf32>
    %mul3A_166 = arith.mulf %sub3A_158, %mul3A_165 : vector<2048x64xf32>
    %get3A_167 = arith.constant 0 : index
    %get3A_168 = arith.constant 0 : index
    %get3A_169 = vector.load %arg6[%get3A_167, %get3A_168] : memref<1x64xf32, #tpu.memory_space<vmem>>, vector<1x64xf32>
    %mul3A_170 = vector.broadcast %get3A_169 : vector<1x64xf32> to vector<2048x64xf32>
    %mul3A_171 = arith.mulf %mul3A_166, %mul3A_170 : vector<2048x64xf32>
    %get3A_172 = arith.constant 0 : index
    %get3A_173 = arith.constant 0 : index
    %get3A_174 = vector.load %arg7[%get3A_172, %get3A_173] : memref<1x64xf32, #tpu.memory_space<vmem>>, vector<1x64xf32>
    %add3A_175 = vector.broadcast %get3A_174 : vector<1x64xf32> to vector<2048x64xf32>
    %add3A_176 = arith.addf %mul3A_171, %add3A_175 : vector<2048x64xf32>
    %max3A = arith.constant 0.000000e+00 : f32
    %max3A_177 = vector.broadcast %max3A : f32 to vector<2048x64xf32>
    %max3A_178 = arith.maximumf %add3A_176, %max3A_177 : vector<2048x64xf32>
    %get3A_179 = arith.constant 0 : index
    %get3A_180 = arith.constant 0 : index
    %get3A_181 = vector.load %arg10[%get3A_179, %get3A_180] : memref<64x6xf32, #tpu.memory_space<vmem>>, vector<64x6xf32>
    %dot_general3A_182 = arith.constant dense<0.000000e+00> : vector<2048x6xf32>
    %dot_general3A_183 = tpu.matmul %max3A_178, %get3A_181, %dot_general3A_182 {dimension_numbers = #tpu.dot_dimension_numbers<[1], [0], [0], [1], [0, 0, 1, 1], [], []>, transpose_lhs_hint = false} : vector<2048x64xf32>, vector<64x6xf32>, vector<2048x6xf32> -> vector<2048x6xf32>
    %get3A_184 = arith.constant 0 : index
    %get3A_185 = arith.constant 0 : index
    %get3A_186 = vector.load %arg11[%get3A_184, %get3A_185] : memref<1x6xf32, #tpu.memory_space<vmem>>, vector<1x6xf32>
    %add3A_187 = vector.broadcast %get3A_186 : vector<1x6xf32> to vector<2048x6xf32>
    %add3A_188 = arith.addf %dot_general3A_183, %add3A_187 : vector<2048x6xf32>
    %swap3A = arith.constant 0 : index
    %swap3A_189 = arith.constant 0 : index
    %swap3A_190 = vector.load %arg12[%swap3A, %swap3A_189] : memref<2048x6xf32, #tpu.memory_space<vmem>>, vector<2048x6xf32>
    tpu.vector_store %arg12[%swap3A, %swap3A_189], %add3A_188 {strides = array<i32>} : memref<2048x6xf32, #tpu.memory_space<vmem>>, vector<2048x6xf32>,
    return
  }
  func.func @transform_0(%arg0: i32) -> (i32, i32) {
    %c0_i32 = arith.constant 0 : i32
    %c0_i32_0 = arith.constant 0 : i32
    return %arg0, %c0_i32 : i32, i32
  }
  func.func @transform_1(%arg0: i32) -> (i32, i32) {
    %c0_i32 = arith.constant 0 : i32
    %c0_i32_0 = arith.constant 0 : i32
    return %arg0, %c0_i32 : i32, i32
  }
  func.func @transform_2(%arg0: i32) -> (i32, i32, i32, i32) {
    %c0_i32 = arith.constant 0 : i32
    %c0_i32_0 = arith.constant 0 : i32
    %c0_i32_1 = arith.constant 0 : i32
    %c0_i32_2 = arith.constant 0 : i32
    return %c0_i32, %c0_i32_0, %arg0, %c0_i32_1 : i32, i32, i32, i32
  }
  func.func @transform_3(%arg0: i32) -> (i32, i32, i32) {
    %c0_i32 = arith.constant 0 : i32
    %c0_i32_0 = arith.constant 0 : i32
    %c0_i32_1 = arith.constant 0 : i32
    %c0_i32_2 = arith.constant 0 : i32
    return %c0_i32, %c0_i32_0, %c0_i32_1 : i32, i32, i32
  }
  func.func @transform_4(%arg0: i32) -> (i32, i32) {
    %c0_i32 = arith.constant 0 : i32
    %c0_i32_0 = arith.constant 0 : i32
    %c0_i32_1 = arith.constant 0 : i32
    return %c0_i32, %c0_i32_0 : i32, i32
  }
  func.func @transform_5(%arg0: i32) -> (i32, i32) {
    %c0_i32 = arith.constant 0 : i32
    %c0_i32_0 = arith.constant 0 : i32
    %c0_i32_1 = arith.constant 0 : i32
    return %c0_i32, %c0_i32_0 : i32, i32
  }
  func.func @transform_6(%arg0: i32) -> (i32, i32) {
    %c0_i32 = arith.constant 0 : i32
    %c0_i32_0 = arith.constant 0 : i32
    %c0_i32_1 = arith.constant 0 : i32
    return %c0_i32, %c0_i32_0 : i32, i32
  }
  func.func @transform_7(%arg0: i32) -> (i32, i32) {
    %c0_i32 = arith.constant 0 : i32
    %c0_i32_0 = arith.constant 0 : i32
    %c0_i32_1 = arith.constant 0 : i32
    return %c0_i32, %c0_i32_0 : i32, i32
  }
  func.func @transform_8(%arg0: i32) -> (i32, i32) {
    %c0_i32 = arith.constant 0 : i32
    %c0_i32_0 = arith.constant 0 : i32
    %c0_i32_1 = arith.constant 0 : i32
    return %c0_i32, %c0_i32_0 : i32, i32
  }
  func.func @transform_9(%arg0: i32) -> (i32, i32) {
    %c0_i32 = arith.constant 0 : i32
    %c0_i32_0 = arith.constant 0 : i32
    %c0_i32_1 = arith.constant 0 : i32
    return %c0_i32, %c0_i32_0 : i32, i32
  }
  func.func @transform_10(%arg0: i32) -> (i32, i32) {
    %c0_i32 = arith.constant 0 : i32
    %c0_i32_0 = arith.constant 0 : i32
    %c0_i32_1 = arith.constant 0 : i32
    return %c0_i32, %c0_i32_0 : i32, i32
  }
  func.func @transform_11(%arg0: i32) -> (i32, i32) {
    %c0_i32 = arith.constant 0 : i32
    %c0_i32_0 = arith.constant 0 : i32
    return %arg0, %c0_i32 : i32, i32
  }
}

</mosaic_0001>

<sc_bundles>
// kernel: kernel.6.cloned.1.call-start
scs
__scs_entry_jumppad:
0x0: {  	(pc) =	sbr.rel $0x88, $3  }
0x1: {  	(tag) =	ssettag $0x0;
	lr =	simm.s32 $0x1  }
0x2: {  	[smem:$0x3F97] =	sst lr;
	_ =	strace $0xD0000000  }
0x3: {  	_ = 	snop  }
0x4: {  	_ = 	snop  }
0x5: {  	_ = 	snop  }
0x6: {  	_ = 	snop  }
0x7: {  	_ = 	snop  }
__scs_overlays_trampoline_lowered:
0x8: {  	[smem:$0x3FA6] =	sst s0  }
0x9: {  	[smem:$0x3FA7] =	sst s1  }
0xa: {  	[smem:$0x3FA8] =	sst s2  }
0xb: {  	[smem:$0x3FA9] =	sst s3  }
0xc: {  	[smem:$0x3FAA] =	sst s4  }
0xd: {  	[smem:$0x3FAB] =	sst s5  }
0xe: {  	[smem:$0x3FAC] =	sst s6  }
0xf: {  	[smem:$0x3FAD] =	sst s7  }
0x10: {  	[smem:$0x3FAE] =	sst s8  }
0x11: {  	[smem:$0x3FAF] =	sst s9;
	s0 =	simm.s32 @!p0 $0x0  }
0x12: {  	s1 =	sld [smem:$0x3F95];
	s0 =	simm.s32 @p0 $0x1  }
0x13: {  	[smem:$0x3FB0] =	sst s0;
	s0 =	simm.s32 @!p1 $0x0  }
0x14: {  	s2 =	sld [smem:$0x3F94];
	s0 =	simm.s32 @p1 $0x1  }
0x15: {  	[smem:$0x3FB1] =	sst s0;
	s0 =	simm.s32 @!p2 $0x0  }
0x16: {  	s3 =	sld [smem:$0x3FDB];
	s0 =	simm.s32 @p2 $0x1  }
0x17: {  	s4 =	simm.s32 $0x1BF5;
	[smem:$0x3FB3] =	sst s0  }
0x18: {  	s0 =	sld [smem:$0x3F96];
	_ =	swait.ge [sflag:s4], $0x0  }
0x19: {  	s7 =	sld [smem:$0x3F97]  }
0x1a: {  	s8 =	sadd.s32 $0xFFFFE003, lr  }
0x1b: {  	s9 =	sadd.s32 $0xFFFFFEF7, lr;
	s5 =	simm.s32 $0xFFFFFFFF;
	p2 =	slt.u32 s8, $0xFFFFF086  }
0x1c: {  	p1 =	slt.u32 s9, $0xF7A;
	s5 =	simm.s32 @!p2 $0x0  }
0x1d: {  	s5 =	simm.s32 @p1 $0x1;
	p0 =	seq.s32 s7, s2  }
0x1e: {  	s7 =	smul.u32 @!p0 $0xF7A, s2;
	p2 =	seq.s32 @!p0 s5, $0x0  }
0x1f: {  	s9 =	smul.u32 $0xF7A, s1;
	s8 =	simm.s32 @!p0 $0x1BF5;
	p2 =	por !p2, p0  }
0x20: {  	[sflag:s8] =	ssyncset.s32 @!p0 $0xFFFFF086;
	s6 =	sadd.s32 @!p0 s3, s7;
	s7 =	simm.s32 @!p0 $0x108  }
0x21: {  	s3 =	sadd.s32 s3, s9;
	s6 =	sadd.s32 @!p0 $0x88, s6;
	s7 =	simm.s32 @p2 $0x1082  }
0x22: {  	[simem:s7], [sflag:s8] =	dma.local @!p0 [hbm:s6], $0xF7A  }
0x23: {  	s9 =	sor.u32 $0xD0000000, s2;
	s6 =	simm.s32 $0x108;
	_ =	swait.ge @!p0 [sflag:s8], $0x0  }
0x24: {  	s3 =	sadd.s32 $0x88, s3;
	s6 =	simm.s32 @!p1 $0x1082;
	[sflag:s4] =	ssyncset.s32 $0xFFFFF086  }
0x25: {  	[simem:s6], [sflag:s4] =	dma.local [hbm:s3], $0xF7A  }
0x26: {  	[smem:$0x3F97] =	sst s1;
	(tag) =	ssettag s2;
	_ =	strace s9  }
0x27: {  	s1 =	sld [smem:$0x3FA7]  }
0x28: {  	s2 =	sld [smem:$0x3FA8]  }
0x29: {  	s4 =	sld [smem:$0x3FAA]  }
0x2a: {  	p0 =	seq.s32 s5, $0x0;
	s5 =	sld [smem:$0x3FAB]  }
0x2b: {  	s6 =	sld [smem:$0x3FAC]  }
0x2c: {  	s7 =	sld [smem:$0x3FAD]  }
0x2d: {  	s3 =	simm.s32 $0x108;
	s8 =	sld [smem:$0x3FAE]  }
0x2e: {  	s3 =	simm.s32 @!p0 $0x1082;
	s9 =	sld [smem:$0x3FAF]  }
0x2f: {  	lr =	sadd.s32 s0, s3;
	s0 =	sld [smem:$0x3FA6]  }
0x30: {  	s3 =	sld [smem:$0x3FA9]  }
0x31: {  	[smem:$0x3FB2] =	sst s10  }
0x32: {  	s10 =	sld [smem:$0x3FB0];
	_ =	sdelay $0x3  }
0x33: {  	p0 =	seq.s32 s10, $0x1;
	s10 =	sld [smem:$0x3FB2];
	_ =	sdelay $0x3  }
0x34: {  	[smem:$0x3FB2] =	sst s10  }
0x35: {  	s10 =	sld [smem:$0x3FB1];
	_ =	sdelay $0x3  }
0x36: {  	p1 =	seq.s32 s10, $0x1;
	s10 =	sld [smem:$0x3FB2];
	_ =	sdelay $0x3  }
0x37: {  	[smem:$0x3FB2] =	sst s10  }
0x38: {  	s10 =	sld [smem:$0x3FB3]  }
0x39: {  	_ = 	snop;
	(pc) =	sbr.ind lr, $3  }
0x3a: {  	_ = 	snop  }
0x3b: {  	_ = 	snop  }
0x3c: {  	p2 =	seq.s32 s10, $0x1;
	s10 =	sld [smem:$0x3FB2]  }
0x3d: {  	_ =	shalt  }
0x3e: {  	_ =	shalt  }
0x3f: {  	_ =	shalt  }
0x40: {  	_ =	shalt  }
0x41: {  	_ =	shalt  }
0x42: {  	_ =	shalt  }
0x43: {  	_ =	shalt  }
0x44: {  	_ =	shalt  }
0x45: {  	_ =	shalt  }
0x46: {  	_ =	shalt  }
0x47: {  	_ =	shalt  }
0x48: {  	_ =	shalt  }
0x49: {  	_ =	shalt  }
0x4a: {  	_ =	shalt  }
0x4b: {  	_ =	shalt  }
0x4c: {  	_ =	shalt  }
0x4d: {  	_ =	shalt  }
0x4e: {  	_ =	shalt  }
0x4f: {  	_ =	shalt  }
0x50: {  	_ =	shalt  }
0x51: {  	_ =	shalt  }
0x52: {  	_ =	shalt  }
0x53: {  	_ =	shalt  }
0x54: {  	_ =	shalt  }
0x55: {  	_ =	shalt  }
0x56: {  	_ =	shalt  }
0x57: {  	_ =	shalt  }
0x58: {  	_ =	shalt  }
0x59: {  	_ =	shalt  }
0x5a: {  	_ =	shalt  }
0x5b: {  	_ =	shalt  }
0x5c: {  	_ =	shalt  }
0x5d: {  	_ =	shalt  }
0x5e: {  	_ =	shalt  }
0x5f: {  	_ =	shalt  }
0x60: {  	_ =	shalt  }
0x61: {  	_ =	shalt  }
0x62: {  	_ =	shalt  }
0x63: {  	_ =	shalt  }
0x64: {  	_ =	shalt  }
0x65: {  	_ =	shalt  }
0x66: {  	_ =	shalt  }
0x67: {  	_ =	shalt  }
0x68: {  	_ =	shalt  }
0x69: {  	_ =	shalt  }
0x6a: {  	_ =	shalt  }
0x6b: {  	_ =	shalt  }
0x6c: {  	_ =	shalt  }
0x6d: {  	_ =	shalt  }
0x6e: {  	_ =	shalt  }
0x6f: {  	_ =	shalt  }
0x70: {  	_ =	shalt  }
0x71: {  	_ =	shalt  }
0x72: {  	_ =	shalt  }
0x73: {  	_ =	shalt  }
0x74: {  	_ =	shalt  }
0x75: {  	_ =	shalt  }
0x76: {  	_ =	shalt  }
0x77: {  	_ =	shalt  }
0x78: {  	_ =	shalt  }
0x79: {  	_ =	shalt  }
0x7a: {  	_ =	shalt  }
0x7b: {  	_ =	shalt  }
0x7c: {  	_ =	shalt  }
0x7d: {  	_ =	shalt  }
0x7e: {  	_ =	shalt  }
0x7f: {  	_ =	shalt  }
0x80: {  	_ =	shalt  }
0x81: {  	_ =	shalt  }
0x82: {  	_ =	shalt  }
0x83: {  	_ =	shalt  }
0x84: {  	_ =	shalt  }
0x85: {  	_ =	shalt  }
0x86: {  	_ =	shalt  }
0x87: {  	_ =	shalt  }
.Lfunc_end0:
.L_simem_size_0:
called_computation_lowered:
.L_overlay_start_0:
0x88: {  	s2 =	sld [smem:$0x3FD9]  }
0x89: {  	s3 =	sld [smem:$0x3FFE];
	_ =	sdelay $0x1  }
0x8a: {  	s1 =	srdreg.scid  }
0x8b: {  	s0 =	sand.u32 $0x1, s1  }
0x8c: {  	s17 =	sshll.u32 s0, $0xA;
	s2 =	sadd.s32 s3, s2  }
0x8d: {  	s2 =	sadd.s32 s2, s17  }
0x8e: {  	[smem:$0x3FBE] =	sst s2  }
0x8f: {  	_ = 	snop  }
0x90: {  	s2 =	sld [smem:$0x3FD0];
	(tm) =	ssettm $0x1  }
0x91: {  	s18 =	sld [smem:$0x3FFB];
	_ =	sdelay $0x3  }
0x92: {  	_ =	strace s18  }
0x93: {  	s3 =	sld [smem:$0x3FFC];
	_ =	sdelay $0x3  }
0x94: {  	_ =	strace s3  }
0x95: {  	s3 =	sld [smem:$0x3FFD];
	_ =	sdelay $0x3  }
0x96: {  	_ =	strace s3  }
0x97: {  	_ =	strace $0x8FFFFFFF  }
0x98: {  	s19 =	sld [smem:$0x3FDB];
	_ =	sdelay $0x1  }
0x99: {  	s4 =	simm.s32 $_scs_section_size  }
0x9a: {  	s5 =	simm.s32 $_size__tile_overlayer_lowered;
	s6 =	simm.s32 $_tile_overlayer_lowered  }
0x9b: {  	s22 =	simm.s32 $0x1BFF;
	s21 =	sshll.u32 s6, $0x1;
	s3 =	sadd.s32 s4, s19  }
0x9c: {  	s7 =	simm.s32 $0x0;
	s20 =	sshll.u32 s5, $0x1;
	s5 =	sadd.s32 s21, s3  }
0x9d: {  	[timem:s7], [sflag:s22] =	dma.local [hbm:s5], s20  }
0x9e: {  	_ =	swait.ge [sflag:s22], s20  }
0x9f: {  	s4 =	ssub.s32 $0x0, s20;
	[sflag:s22] =	ssyncset.done $0x0  }
0xa0: {  	[sflag:s22] =	ssyncadd.s32 s4;
	_ =	sdelay $0x1  }
0xa1: {  	s23 =	simm.s32 $0x1B8B  }
0xa2: {  	_ =	swait.ge [sflag:s23], $0x1  }
0xa3: {  	[sflag:s23] =	ssyncset.done $0x0  }
0xa4: {  	s25 =	simm.s32 $0x1B8E;
	s24 =	sld [smem:$0x3FFE];
	[sflag:s23] =	ssyncadd.s32 $0xFFFFFFFF  }
0xa5: {  	s26 =	simm.s32 $execute0_lowered;
	[smem:$0x3FD2] =	sst s25  }
0xa6: {  	s5 =	sshll.u32 s26, $0x1;
	_ =	strace $0x80000046;
	[dreg:$0x1] =	wrdreg $0xFFFFFFFF  }
0xa7: {  	s28 =	simm.s32 $_size_execute0_lowered;
	s3 =	sadd.s32 s3, s5;
	[dreg:$0x0] =	wrdreg $0x0  }
0xa8: {  	s5 =	sshll.u32 s28, $0x1;
	[dreg:$0x2] =	wrdreg s3  }
0xa9: {  	[dreg:$0x3] =	wrdreg s5  }
0xaa: {  	[dreg:$0x4] =	wrdreg $0xC0  }
0xab: {  	_ =	task [dreg:s7], $0x5FFFF  }
0xac: {  	[dreg:$0x1] =	wrdreg $0xFFFFFFFF  }
0xad: {  	[dreg:$0x0] =	wrdreg $0x60  }
0xae: {  	[dreg:$0x2] =	wrdreg s24  }
0xaf: {  	[dreg:$0x3] =	wrdreg s2  }
0xb0: {  	[dreg:$0x4] =	wrdreg $0x12000  }
0xb1: {  	[dreg:$0x5] =	wrdreg $0x9  }
0xb2: {  	_ =	task.clear_ibuf [dreg:s7], $0x6FFFF;
	_ =	strace $0x90000046  }
0xb3: {  	s29 =	simm.s32 $0x9;
	_ =	strace $0x80000048  }
0xb4: {  	_ =	swait.ge [sflag:s29], $0x1  }
0xb5: {  	[sflag:s29] =	ssyncadd.s32 $0xFFFFFFFF  }
0xb6: {  	_ =	strace $0x90000048  }
0xb7: {  	_ =	sfence  }
0xb8: {  	s30 =	sld [smem:$0x0];
	_ =	sdelay $0x2  }
0xb9: {  	s31 =	sshll.u32 s1, $0xD;
	s1 =	sshrl.u32 s1, $0x2  }
0xba: {  	s3 =	sand.u32 $0x4000, s31;
	s1 =	sadd.s32 s1, s30  }
0xbb: {  	s0 =	sor.u32 s3, s0;
	s1 =	sshll.u32 s1, $0x11  }
0xbc: {  	s0 =	sor.u32 s1, s0  }
0xbd: {  	s0 =	sadd.s32 $0x8F2B, s0  }
0xbe: {  	[sflag:s0] =	ssyncadd.remote.s32 $0x1  }
0xbf: {  	_ =	sfence.sel $0xFFFF  }
0xc0: {  	[dreg:$0x0] =	wrdreg $0xFFFFFFFF;
	(pc) =	sbr.abs _section_cstart, $3  }
0xc1: {  	[dreg:$0x1] =	wrdreg $0xFFFFFFFF  }
0xc2: {  	_ =	task.clear_ibuf [dreg:s7], $0x2FFFF;
	_ =	strace $0x9FFFFFFF  }
0xc3: {  	(tm) =	ssettm $0x7FFFFFFF  }
tec
execute0_lowered:
.L_overlay_start_1:
0x0: {  	(tag) =	ssettag $0x1  }
0x1: {  	s0 =	rddreg [dreg:$0x0]  }
0x2: {  	s2 =	rddreg [dreg:$0x2]  }
0x3: {  	s4 =	simm.s32 $0x0;
	s1 =	srdreg.scid;
	s10 =	stileid.u32  }
0x4: {  	s14 =	simm.s32 $0xE00;
	s15 =	simm.s32 $0x7;
	s28 =	simm.s32 $0x300  }
0x5: {  	s29 =	simm.s32 $0x380;
	s30 =	simm.s32 $0x5;
	s6 =	smul.u32 $0x18800, s10  }
0x6: {  	s31 =	simm.s32 $0x3;
	[smem:$0x7FF] =	sst s4;
	s9 =	smul.u32 $0x18C00, s10  }
0x7: {  	s1 =	sand.u32 $0x1, s1;
	s8 =	sadd.s32 $0x2400, s0;
	s20 =	smul.u32 $0x62000, s10  }
0x8: {  	s3 =	smul.u32 $0x188000, s1;
	s5 =	sshll.u32 s1, $0x4;
	_ =	strace $0x80000047  }
0x9: {  	[dreg:$0x5] =	wrdreg s8;
	s16 =	smul.u32 $0x18C000, s1;
	s1 =	ssub.s32 $0x2, s1  }
0xa: {  	s8 =	simm.s32 $0x0;
	s7 =	sor.u32 s10, s5;
	s5 =	sadd.s32 $0x18BC00, s0  }
0xb: {  	s17 =	sshrl.u32 s1, $0x1;
	s7 =	smul.u32 $0x3180, s7;
	s3 =	sadd.s32 s6, s3  }
0xc: {  	s1 =	ssub.s32 s1, s17;
	s19 =	sadd.s32 s9, s16;
	s6 =	sadd.s32 s6, s2  }
0xd: {  	s16 =	simm.s32 $0x600;
	s17 =	simm.s32 $0x200;
	s3 =	sshrl.u32 s3, $0x3  }
0xe: {  	s21 =	sadd.s32 $0x800, s19;
	s1 =	smax.u32 s1, $0x1;
	s23 =	sadd.s32 $0x400, s19  }
0xf: {  	s25 =	sadd.s32 $0x600, s19;
	s19 =	simm.s32 $0x1;
	s26 =	sshrl.u32 s6, $0x3  }
0x10: {  	s0 =	sadd.s32 s3, s0;
	s7 =	sadd.s32 s5, s7;
	[dreg:$0x9] =	wrdreg s1  }
0x11: {  	s22 =	sshrl.u32 s21, $0x3;
	s24 =	sshrl.u32 s23, $0x3;
	[dreg:$0xa] =	wrdreg s25  }
0x12: {  	s21 =	simm.s32 $0x100;
	s23 =	simm.s32 $0x4;
	[dreg:$0xb] =	wrdreg s26  }
0x13: {  	s26 =	simm.s32 $0x280;
	s3 =	simm.s32 $0x580;
	[dreg:$0x6] =	wrdreg s7  }
0x14: {  	s18 =	sadd.s32 $0x40, s7;
	s0 =	sadd.s32 $0x1EEC00, s0;
	s1 =	sadd.s32 s22, s5  }
0x15: {  	s13 =	sadd.s32 s24, s5;
	s22 =	simm.s32 $0x180;
	[dreg:$0x7] =	wrdreg s18  }
0x16: {  	s24 =	simm.s32 $0x2;
	[dreg:$0x8] =	wrdreg s0;
	s0 =	sshrl.u32 s20, $0x2  }
0x17: {  	[dreg:$0x4] =	wrdreg s1;
	s18 =	simm.s32 $0x400;
	s20 =	simm.s32 $0x80  }
0x18: {  	s1 =	simm.s32 $0x500;
	s11 =	sadd.s32 s0, s2;
	s0 =	simm.s32 $0x480  }
.LBB2_1:
0x19: {  	s6 =	rddreg [dreg:$0x5]  }
0x1a: {  	[tilespmem:s14], [sflag:$0x7] =	stream.linear.gather [hbm4b:s6+s4], $0x400, $0x38;
	[tilespmem:$0x19A00] =	vst v63  }
0x1b: {  	_ =	swait.ge [sflag:s15], $0x400  }
0x1c: {  	[sflag:s15] =	ssyncset.done $0x0  }
0x1d: {  	[sflag:s15] =	ssyncadd.s32 $0xFFFFFC00  }
0x1e: {  	s25 =	rddreg [dreg:$0x1]  }
0x1f: {  	[tilespmem:s16], [sflag:$0x7] =	stream.linear.gather [hbm4b:s25+s4], $0x800, $0x38;
	[tilespmem:$0x19A00] =	vst v63  }
0x20: {  	_ =	swait.ge [sflag:s15], $0x800  }
0x21: {  	[sflag:s15] =	ssyncset.done $0x0  }
0x22: {  	s7 =	sadd.s32 $0x0, s11;
	[sflag:s15] =	ssyncadd.s32 $0xFFFFF800  }
0x23: {  	[spmem:s7] =	stream.linear.scatter [tilespmem:s14], [sflag:$0x7], $0x400, $0x38;
	[tilespmem:$0x19A00] =	vst v63  }
0x24: {  	s7 =	simm.s32 $0x1000;
	_ =	swait.ge [sflag:s15], $0x400  }
.LBB2_2:
0x25: {  	s9 =	sshra.s32 s7, $0x2;
	[sflag:s15] =	ssyncset.done $0x0;
	p0 =	sne.s32 s7, $0x61000  }
.Ltmp0:
0x26: {  	s9 =	sadd.s32 s9, s11;
	[sflag:s15] =	ssyncadd.s32 $0xFFFFFC00;
	(pc) =	sbr.rel @p0 .LBB2_2-.Ltmp0, $3  }
0x27: {  	[spmem:s9] =	stream.linear.scatter [tilespmem:s14], [sflag:$0x7], $0x400, $0x38;
	[tilespmem:$0x19A00] =	vst v63  }
0x28: {  	s7 =	sadd.s32 $0x1000, s7;
	_ =	sdelay $0x1  }
0x29: {  	_ =	swait.ge [sflag:s15], $0x400  }
0x2a: {  	[sflag:s15] =	ssyncset.done $0x0  }
0x2b: {  	[sflag:s15] =	ssyncadd.s32 $0xFFFFFC00  }
0x2c: {  	[bflag:$0x0] =	sbarrier.arrive $0xFFFF  }
0x2d: {  	s7 =	simm.s32 $0x0;
	p0 =	por $0x1, $0x1;
	s6 =	rddreg [dreg:$0x6]  }
0x2e: {  	[tilespmem:s7], [sflag:$0x1] =	stream.linear.gather [hbm4b:s6+s7], $0x200, $0x38;
	[tilespmem:$0x19A00] =	vst v63  }
0x2f: {  	p0 =	por p0, p0;
	s12 =	rddreg [dreg:$0x7]  }
0x30: {  	[tilespmem:s17], [sflag:$0x2] =	stream.linear.gather [hbm4b:s12+s7], $0x200, $0x38;
	[tilespmem:$0x19A00] =	vst v63  }
0x31: {  	s7 =	simm.s32 @!p0 $0x6  }
0x32: {  	_ =	swait.ge @!p0 [sflag:s7], $0x800  }
0x33: {  	[sflag:s7] =	ssyncset.done @!p0 $0x0  }
0x34: {  	[sflag:s7] =	ssyncadd.s32 @!p0 $0xFFFFF800  }
0x35: {  	_ =	swait.ge @!p0 [sflag:s7], $0x800  }
0x36: {  	[sflag:s7] =	ssyncset.done @!p0 $0x0  }
0x37: {  	[sflag:s7] =	ssyncadd.s32 @!p0 $0xFFFFF800  }
0x38: {  	_ =	swait.ge @!p0 [sflag:s7], $0x800  }
0x39: {  	[sflag:s7] =	ssyncset.done @!p0 $0x0  }
0x3a: {  	[sflag:s7] =	ssyncadd.s32 @!p0 $0xFFFFF800  }
0x3b: {  	_ =	swait.ge @!p0 [sflag:s7], $0x800  }
0x3c: {  	[sflag:s7] =	ssyncset.done @!p0 $0x0  }
0x3d: {  	s25 =	sadd.s32 $0x0, s13;
	[sflag:s7] =	ssyncadd.s32 @!p0 $0xFFFFF800  }
0x3e: {  	[tilespmem:s18], [sflag:$0x3] =	stream.linear.gather [hbm4b:s25+s4], $0x200, $0x38;
	[tilespmem:$0x19A00] =	vst v63  }
0x3f: {  	_ =	swait.ge [sflag:s19], $0x200  }
0x40: {  	[sflag:s19] =	ssyncset.done $0x0  }
0x41: {  	[sflag:s19] =	ssyncadd.s32 $0xFFFFFE00  }
0x42: {  	[spmem:s2] =	stream.indirect.scatter.add.f32 [tilespmem:s16], [sflag:$0x4], $0x10, s4, s20, $0xb8;
	[tilespmem:$0x19A00] =	vst v63  }
0x43: {  	_ = 	snop  }
0x44: {  	[spmem:s2] =	stream.indirect.scatter.add.f32 [tilespmem:s16], [sflag:$0x4], $0x10, s20, s20, $0xb8;
	[tilespmem:$0x19A00] =	vst v63  }
0x45: {  	_ = 	snop  }
0x46: {  	[spmem:s2] =	stream.indirect.scatter.add.f32 [tilespmem:s16], [sflag:$0x4], $0x10, s21, s20, $0xb8;
	[tilespmem:$0x19A00] =	vst v63  }
0x47: {  	_ = 	snop  }
0x48: {  	[spmem:s2] =	stream.indirect.scatter.add.f32 [tilespmem:s16], [sflag:$0x4], $0x10, s22, s20, $0xb8;
	[tilespmem:$0x19A00] =	vst v63  }
0x49: {  	_ =	swait.ge [sflag:s23], $0x800  }
0x4a: {  	[sflag:s23] =	ssyncset.done $0x0  }
0x4b: {  	[sflag:s23] =	ssyncadd.s32 $0xFFFFF800  }
0x4c: {  	_ =	swait.ge [sflag:s23], $0x800  }
0x4d: {  	[sflag:s23] =	ssyncset.done $0x0  }
0x4e: {  	[sflag:s23] =	ssyncadd.s32 $0xFFFFF800  }
0x4f: {  	_ =	swait.ge [sflag:s23], $0x800  }
0x50: {  	[sflag:s23] =	ssyncset.done $0x0  }
0x51: {  	[sflag:s23] =	ssyncadd.s32 $0xFFFFF800  }
0x52: {  	_ =	swait.ge [sflag:s23], $0x800  }
0x53: {  	p0 =	por $0x0, $0x0;
	s6 =	rddreg [dreg:$0xa]  }
0x54: {  	[sflag:s23] =	ssyncset.done $0x0;
	s7 =	sshrl.u32 @!p0 s6, $0x3  }
0x55: {  	s9 =	simm.s32 @!p0 $0x0;
	[sflag:s23] =	ssyncadd.s32 $0xFFFFF800;
	s7 =	sadd.s32 @!p0 s5, s7  }
0x56: {  	[tilespmem:s9], [sflag:$0x1] =	stream.linear.gather @!p0 [hbm4b:s7+s9], $0x200, $0x38;
	[tilespmem:$0x19A00] =	vst v63  }
0x57: {  	_ =	swait.ge [sflag:s24], $0x200  }
0x58: {  	[sflag:s24] =	ssyncset.done $0x0  }
0x59: {  	[sflag:s24] =	ssyncadd.s32 $0xFFFFFE00  }
0x5a: {  	[spmem:s2] =	stream.indirect.scatter.add.f32 [tilespmem:s16], [sflag:$0x5], $0x10, s17, s20, $0xb8;
	[tilespmem:$0x19A00] =	vst v63  }
0x5b: {  	_ = 	snop  }
0x5c: {  	[spmem:s2] =	stream.indirect.scatter.add.f32 [tilespmem:s16], [sflag:$0x5], $0x10, s26, s20, $0xb8;
	[tilespmem:$0x19A00] =	vst v63  }
0x5d: {  	_ = 	snop  }
0x5e: {  	[spmem:s2] =	stream.indirect.scatter.add.f32 [tilespmem:s16], [sflag:$0x5], $0x10, s28, s20, $0xb8;
	[tilespmem:$0x19A00] =	vst v63  }
0x5f: {  	_ = 	snop  }
0x60: {  	[spmem:s2] =	stream.indirect.scatter.add.f32 [tilespmem:s16], [sflag:$0x5], $0x10, s29, s20, $0xb8;
	[tilespmem:$0x19A00] =	vst v63  }
0x61: {  	_ =	swait.ge [sflag:s30], $0x800  }
0x62: {  	[sflag:s30] =	ssyncset.done $0x0  }
0x63: {  	[sflag:s30] =	ssyncadd.s32 $0xFFFFF800  }
0x64: {  	_ =	swait.ge [sflag:s30], $0x800  }
0x65: {  	[sflag:s30] =	ssyncset.done $0x0  }
0x66: {  	[sflag:s30] =	ssyncadd.s32 $0xFFFFF800  }
0x67: {  	_ =	swait.ge [sflag:s30], $0x800  }
0x68: {  	[sflag:s30] =	ssyncset.done $0x0  }
0x69: {  	[sflag:s30] =	ssyncadd.s32 $0xFFFFF800  }
0x6a: {  	_ =	swait.ge [sflag:s30], $0x800  }
0x6b: {  	s7 =	rddreg [dreg:$0x4];
	[sflag:s30] =	ssyncset.done $0x0  }
0x6c: {  	s10 =	simm.s32 @!p0 $0x200;
	[sflag:s30] =	ssyncadd.s32 $0xFFFFF800;
	s7 =	sadd.s32 @!p0 $0x0, s7  }
0x6d: {  	[tilespmem:s10], [sflag:$0x2] =	stream.linear.gather @!p0 [hbm4b:s7+s9], $0x200, $0x38;
	[tilespmem:$0x19A00] =	vst v63  }
0x6e: {  	_ =	swait.ge [sflag:s31], $0x200  }
0x6f: {  	[sflag:s31] =	ssyncset.done $0x0  }
0x70: {  	[sflag:s31] =	ssyncadd.s32 $0xFFFFFE00  }
0x71: {  	[spmem:s2] =	stream.indirect.scatter.add.f32 [tilespmem:s16], [sflag:$0x6], $0x10, s18, s20, $0xb8;
	[tilespmem:$0x19A00] =	vst v63  }
0x72: {  	p6 =	por $0x0, $0x0;
	s9 =	simm.s32 $0xC0  }
0x73: {  	[spmem:s2] =	stream.indirect.scatter.add.f32 [tilespmem:s16], [sflag:$0x6], $0x10, s0, s20, $0xb8;
	[tilespmem:$0x19A00] =	vst v63  }
0x74: {  	s7 =	simm.s32 $0x180;
	p0 =	por p6, p6;
	s10 =	sadd.s32 $0x600, s6  }
0x75: {  	[spmem:s2] =	stream.indirect.scatter.add.f32 [tilespmem:s16], [sflag:$0x6], $0x10, s1, s20, $0xb8;
	[tilespmem:$0x19A00] =	vst v63  }
.LBB2_4:
0x76: {  	[spmem:s2] =	stream.indirect.scatter.add.f32 [tilespmem:s16], [sflag:$0x6], $0x10, s3, s20, $0xb8;
	[tilespmem:$0x19A00] =	vst v63  }
0x77: {  	s12 =	simm.s32 @!p0 $0x6  }
0x78: {  	_ =	swait.ge @!p0 [sflag:s12], $0x800  }
0x79: {  	[sflag:s12] =	ssyncset.done @!p0 $0x0  }
0x7a: {  	[sflag:s12] =	ssyncadd.s32 @!p0 $0xFFFFF800  }
0x7b: {  	_ =	swait.ge @!p0 [sflag:s12], $0x800  }
0x7c: {  	[sflag:s12] =	ssyncset.done @!p0 $0x0  }
0x7d: {  	[sflag:s12] =	ssyncadd.s32 @!p0 $0xFFFFF800  }
0x7e: {  	_ =	swait.ge @!p0 [sflag:s12], $0x800  }
0x7f: {  	[sflag:s12] =	ssyncset.done @!p0 $0x0  }
0x80: {  	[sflag:s12] =	ssyncadd.s32 @!p0 $0xFFFFF800  }
0x81: {  	_ =	swait.ge @!p0 [sflag:s12], $0x800  }
0x82: {  	[sflag:s12] =	ssyncset.done @!p0 $0x0  }
0x83: {  	s6 =	sadd.s32 s9, s13;
	[sflag:s12] =	ssyncadd.s32 @!p0 $0xFFFFF800  }
0x84: {  	[tilespmem:s18], [sflag:$0x3] =	stream.linear.gather [hbm4b:s6+s4], $0x200, $0x38;
	[tilespmem:$0x19A00] =	vst v63  }
0x85: {  	_ =	swait.ge [sflag:s19], $0x200  }
0x86: {  	[sflag:s19] =	ssyncset.done $0x0  }
0x87: {  	[sflag:s19] =	ssyncadd.s32 $0xFFFFFE00  }
0x88: {  	[spmem:s2] =	stream.indirect.scatter.add.f32 [tilespmem:s16], [sflag:$0x4], $0x10, s4, s20, $0xb8;
	[tilespmem:$0x19A00] =	vst v63  }
0x89: {  	_ = 	snop  }
0x8a: {  	[spmem:s2] =	stream.indirect.scatter.add.f32 [tilespmem:s16], [sflag:$0x4], $0x10, s20, s20, $0xb8;
	[tilespmem:$0x19A00] =	vst v63  }
0x8b: {  	_ = 	snop  }
0x8c: {  	[spmem:s2] =	stream.indirect.scatter.add.f32 [tilespmem:s16], [sflag:$0x4], $0x10, s21, s20, $0xb8;
	[tilespmem:$0x19A00] =	vst v63  }
0x8d: {  	_ = 	snop  }
0x8e: {  	[spmem:s2] =	stream.indirect.scatter.add.f32 [tilespmem:s16], [sflag:$0x4], $0x10, s22, s20, $0xb8;
	[tilespmem:$0x19A00] =	vst v63  }
0x8f: {  	_ =	swait.ge [sflag:s23], $0x800  }
0x90: {  	[sflag:s23] =	ssyncset.done $0x0  }
0x91: {  	[sflag:s23] =	ssyncadd.s32 $0xFFFFF800  }
0x92: {  	_ =	swait.ge [sflag:s23], $0x800  }
0x93: {  	[sflag:s23] =	ssyncset.done $0x0  }
0x94: {  	[sflag:s23] =	ssyncadd.s32 $0xFFFFF800  }
0x95: {  	_ =	swait.ge [sflag:s23], $0x800  }
0x96: {  	s25 =	smov.u32 s7;
	[sflag:s23] =	ssyncset.done $0x0  }
0x97: {  	p2 =	seq.s32 s25, $0x0;
	[sflag:s23] =	ssyncadd.s32 $0xFFFFF800  }
0x98: {  	p0 =	por p2, p2;
	p2 =	seq.s32 s9, $0x30C0;
	_ =	swait.ge [sflag:s23], $0x800  }
0x99: {  	s12 =	sshrl.u32 @!p2 s10, $0x3;
	[sflag:s23] =	ssyncset.done $0x0  }
0x9a: {  	s6 =	simm.s32 @!p2 $0x0;
	s12 =	sadd.s32 @!p2 s5, s12;
	[sflag:s23] =	ssyncadd.s32 $0xFFFFF800  }
0x9b: {  	[tilespmem:s6], [sflag:$0x1] =	stream.linear.gather @!p2 [hbm4b:s12+s6], $0x200, $0x38;
	[tilespmem:$0x19A00] =	vst v63  }
0x9c: {  	_ =	swait.ge [sflag:s24], $0x200  }
0x9d: {  	[sflag:s24] =	ssyncset.done $0x0  }
0x9e: {  	[sflag:s24] =	ssyncadd.s32 $0xFFFFFE00  }
0x9f: {  	[spmem:s2] =	stream.indirect.scatter.add.f32 [tilespmem:s16], [sflag:$0x5], $0x10, s17, s20, $0xb8;
	[tilespmem:$0x19A00] =	vst v63  }
0xa0: {  	_ = 	snop  }
0xa1: {  	[spmem:s2] =	stream.indirect.scatter.add.f32 [tilespmem:s16], [sflag:$0x5], $0x10, s26, s20, $0xb8;
	[tilespmem:$0x19A00] =	vst v63  }
0xa2: {  	_ = 	snop  }
0xa3: {  	[spmem:s2] =	stream.indirect.scatter.add.f32 [tilespmem:s16], [sflag:$0x5], $0x10, s28, s20, $0xb8;
	[tilespmem:$0x19A00] =	vst v63  }
0xa4: {  	_ = 	snop  }
0xa5: {  	[spmem:s2] =	stream.indirect.scatter.add.f32 [tilespmem:s16], [sflag:$0x5], $0x10, s29, s20, $0xb8;
	[tilespmem:$0x19A00] =	vst v63  }
0xa6: {  	_ =	swait.ge [sflag:s30], $0x800  }
0xa7: {  	[sflag:s30] =	ssyncset.done $0x0  }
0xa8: {  	[sflag:s30] =	ssyncadd.s32 $0xFFFFF800  }
0xa9: {  	_ =	swait.ge [sflag:s30], $0x800  }
0xaa: {  	[sflag:s30] =	ssyncset.done $0x0  }
0xab: {  	[sflag:s30] =	ssyncadd.s32 $0xFFFFF800  }
0xac: {  	_ =	swait.ge [sflag:s30], $0x800  }
0xad: {  	[sflag:s30] =	ssyncset.done $0x0  }
0xae: {  	[sflag:s30] =	ssyncadd.s32 $0xFFFFF800  }
0xaf: {  	_ =	swait.ge [sflag:s30], $0x800  }
0xb0: {  	s12 =	rddreg [dreg:$0x4];
	[sflag:s30] =	ssyncset.done $0x0  }
0xb1: {  	[sflag:s30] =	ssyncadd.s32 $0xFFFFF800;
	s9 =	sadd.s32 @!p2 s9, s12;
	s12 =	simm.s32 @!p2 $0x200  }
0xb2: {  	[tilespmem:s12], [sflag:$0x2] =	stream.linear.gather @!p2 [hbm4b:s9+s6], $0x200, $0x38;
	[tilespmem:$0x19A00] =	vst v63  }
0xb3: {  	_ =	swait.ge [sflag:s31], $0x200  }
0xb4: {  	s7 =	sadd.s32 $0xC0, s7;
	[sflag:s31] =	ssyncset.done $0x0  }
0xb5: {  	p1 =	sne.s32 s7, $0x3180;
	[sflag:s31] =	ssyncadd.s32 $0xFFFFFE00  }
0xb6: {  	[spmem:s2] =	stream.indirect.scatter.add.f32 [tilespmem:s16], [sflag:$0x6], $0x10, s18, s20, $0xb8;
	[tilespmem:$0x19A00] =	vst v63  }
.Ltmp1:
0xb7: {  	_ = 	snop;
	(pc) =	sbr.rel @p1 .LBB2_4-.Ltmp1, $4  }
0xb8: {  	_ = 	snop  }
0xb9: {  	[spmem:s2] =	stream.indirect.scatter.add.f32 [tilespmem:s16], [sflag:$0x6], $0x10, s0, s20, $0xb8;
	[tilespmem:$0x19A00] =	vst v63  }
0xba: {  	s10 =	sadd.s32 $0x600, s10;
	s9 =	smov.u32 s25  }
0xbb: {  	[spmem:s2] =	stream.indirect.scatter.add.f32 [tilespmem:s16], [sflag:$0x6], $0x10, s1, s20, $0xb8;
	[tilespmem:$0x19A00] =	vst v63  }
0xbc: {  	[spmem:s2] =	stream.indirect.scatter.add.f32 [tilespmem:s16], [sflag:$0x6], $0x10, s3, s20, $0xb8;
	[tilespmem:$0x19A00] =	vst v63  }
0xbd: {  	s6 =	simm.s32 @!p0 $0x6  }
0xbe: {  	_ =	swait.ge @!p0 [sflag:s6], $0x800  }
0xbf: {  	[sflag:s6] =	ssyncset.done @!p0 $0x0  }
0xc0: {  	[sflag:s6] =	ssyncadd.s32 @!p0 $0xFFFFF800  }
0xc1: {  	_ =	swait.ge @!p0 [sflag:s6], $0x800  }
0xc2: {  	[sflag:s6] =	ssyncset.done @!p0 $0x0  }
0xc3: {  	[sflag:s6] =	ssyncadd.s32 @!p0 $0xFFFFF800  }
0xc4: {  	_ =	swait.ge @!p0 [sflag:s6], $0x800  }
0xc5: {  	[sflag:s6] =	ssyncset.done @!p0 $0x0  }
0xc6: {  	[sflag:s6] =	ssyncadd.s32 @!p0 $0xFFFFF800  }
0xc7: {  	_ =	swait.ge @!p0 [sflag:s6], $0x800  }
0xc8: {  	[sflag:s6] =	ssyncset.done @!p0 $0x0  }
0xc9: {  	s25 =	sadd.s32 s9, s13;
	[sflag:s6] =	ssyncadd.s32 @!p0 $0xFFFFF800  }
0xca: {  	[tilespmem:s18], [sflag:$0x3] =	stream.linear.gather [hbm4b:s25+s4], $0x200, $0x38;
	[tilespmem:$0x19A00] =	vst v63  }
0xcb: {  	_ =	swait.ge [sflag:s19], $0x200  }
0xcc: {  	[sflag:s19] =	ssyncset.done $0x0  }
0xcd: {  	[sflag:s19] =	ssyncadd.s32 $0xFFFFFE00  }
0xce: {  	[spmem:s2] =	stream.indirect.scatter.add.f32 [tilespmem:s16], [sflag:$0x4], $0x10, s4, s20, $0xb8;
	[tilespmem:$0x19A00] =	vst v63  }
0xcf: {  	_ = 	snop  }
0xd0: {  	[spmem:s2] =	stream.indirect.scatter.add.f32 [tilespmem:s16], [sflag:$0x4], $0x10, s20, s20, $0xb8;
	[tilespmem:$0x19A00] =	vst v63  }
0xd1: {  	_ = 	snop  }
0xd2: {  	[spmem:s2] =	stream.indirect.scatter.add.f32 [tilespmem:s16], [sflag:$0x4], $0x10, s21, s20, $0xb8;
	[tilespmem:$0x19A00] =	vst v63  }
0xd3: {  	_ = 	snop  }
0xd4: {  	[spmem:s2] =	stream.indirect.scatter.add.f32 [tilespmem:s16], [sflag:$0x4], $0x10, s22, s20, $0xb8;
	[tilespmem:$0x19A00] =	vst v63  }
0xd5: {  	_ =	swait.ge [sflag:s23], $0x800  }
0xd6: {  	[sflag:s23] =	ssyncset.done $0x0  }
0xd7: {  	[sflag:s23] =	ssyncadd.s32 $0xFFFFF800  }
0xd8: {  	_ =	swait.ge [sflag:s23], $0x800  }
0xd9: {  	[sflag:s23] =	ssyncset.done $0x0  }
0xda: {  	[sflag:s23] =	ssyncadd.s32 $0xFFFFF800  }
0xdb: {  	_ =	swait.ge [sflag:s23], $0x800  }
0xdc: {  	[sflag:s23] =	ssyncset.done $0x0  }
0xdd: {  	[sflag:s23] =	ssyncadd.s32 $0xFFFFF800  }
0xde: {  	p0 =	seq.s32 s9, $0x30C0;
	_ =	swait.ge [sflag:s23], $0x800  }
0xdf: {  	s6 =	sshrl.u32 @!p0 s10, $0x3;
	[sflag:s23] =	ssyncset.done $0x0  }
0xe0: {  	s7 =	simm.s32 @!p0 $0x0;
	s6 =	sadd.s32 @!p0 s5, s6;
	[sflag:s23] =	ssyncadd.s32 $0xFFFFF800  }
0xe1: {  	[tilespmem:s7], [sflag:$0x1] =	stream.linear.gather @!p0 [hbm4b:s6+s7], $0x200, $0x38;
	[tilespmem:$0x19A00] =	vst v63  }
0xe2: {  	_ =	swait.ge [sflag:s24], $0x200  }
0xe3: {  	[sflag:s24] =	ssyncset.done $0x0  }
0xe4: {  	[sflag:s24] =	ssyncadd.s32 $0xFFFFFE00  }
0xe5: {  	[spmem:s2] =	stream.indirect.scatter.add.f32 [tilespmem:s16], [sflag:$0x5], $0x10, s17, s20, $0xb8;
	[tilespmem:$0x19A00] =	vst v63  }
0xe6: {  	_ = 	snop  }
0xe7: {  	[spmem:s2] =	stream.indirect.scatter.add.f32 [tilespmem:s16], [sflag:$0x5], $0x10, s26, s20, $0xb8;
	[tilespmem:$0x19A00] =	vst v63  }
0xe8: {  	_ = 	snop  }
0xe9: {  	[spmem:s2] =	stream.indirect.scatter.add.f32 [tilespmem:s16], [sflag:$0x5], $0x10, s28, s20, $0xb8;
	[tilespmem:$0x19A00] =	vst v63  }
0xea: {  	_ = 	snop  }
0xeb: {  	[spmem:s2] =	stream.indirect.scatter.add.f32 [tilespmem:s16], [sflag:$0x5], $0x10, s29, s20, $0xb8;
	[tilespmem:$0x19A00] =	vst v63  }
0xec: {  	_ =	swait.ge [sflag:s30], $0x800  }
0xed: {  	[sflag:s30] =	ssyncset.done $0x0  }
0xee: {  	[sflag:s30] =	ssyncadd.s32 $0xFFFFF800  }
0xef: {  	_ =	swait.ge [sflag:s30], $0x800  }
0xf0: {  	[sflag:s30] =	ssyncset.done $0x0  }
0xf1: {  	[sflag:s30] =	ssyncadd.s32 $0xFFFFF800  }
0xf2: {  	_ =	swait.ge [sflag:s30], $0x800  }
0xf3: {  	[sflag:s30] =	ssyncset.done $0x0  }
0xf4: {  	[sflag:s30] =	ssyncadd.s32 $0xFFFFF800  }
0xf5: {  	_ =	swait.ge [sflag:s30], $0x800  }
0xf6: {  	s6 =	rddreg [dreg:$0x4];
	[sflag:s30] =	ssyncset.done $0x0  }
0xf7: {  	[sflag:s30] =	ssyncadd.s32 $0xFFFFF800;
	s6 =	sadd.s32 @!p0 s9, s6;
	s9 =	simm.s32 @!p0 $0x200  }
0xf8: {  	[tilespmem:s9], [sflag:$0x2] =	stream.linear.gather @!p0 [hbm4b:s6+s7], $0x200, $0x38;
	[tilespmem:$0x19A00] =	vst v63  }
0xf9: {  	_ =	swait.ge [sflag:s31], $0x200  }
0xfa: {  	[sflag:s31] =	ssyncset.done $0x0  }
0xfb: {  	[sflag:s31] =	ssyncadd.s32 $0xFFFFFE00  }
0xfc: {  	[spmem:s2] =	stream.indirect.scatter.add.f32 [tilespmem:s16], [sflag:$0x6], $0x10, s18, s20, $0xb8;
	[tilespmem:$0x19A00] =	vst v63  }
0xfd: {  	_ = 	snop  }
0xfe: {  	[spmem:s2] =	stream.indirect.scatter.add.f32 [tilespmem:s16], [sflag:$0x6], $0x10, s0, s20, $0xb8;
	[tilespmem:$0x19A00] =	vst v63  }
0xff: {  	_ = 	snop  }
0x100: {  	[spmem:s2] =	stream.indirect.scatter.add.f32 [tilespmem:s16], [sflag:$0x6], $0x10, s1, s20, $0xb8;
	[tilespmem:$0x19A00] =	vst v63  }
0x101: {  	s7 =	simm.s32 $0x6  }
0x102: {  	[spmem:s2] =	stream.indirect.scatter.add.f32 [tilespmem:s16], [sflag:$0x6], $0x10, s3, s20, $0xb8;
	[tilespmem:$0x19A00] =	vst v63  }
0x103: {  	_ =	swait.ge [sflag:s7], $0x800  }
0x104: {  	[sflag:s7] =	ssyncset.done $0x0  }
0x105: {  	[sflag:s7] =	ssyncadd.s32 $0xFFFFF800  }
0x106: {  	_ =	swait.ge [sflag:s7], $0x800  }
0x107: {  	[sflag:s7] =	ssyncset.done $0x0  }
0x108: {  	[sflag:s7] =	ssyncadd.s32 $0xFFFFF800  }
0x109: {  	_ =	swait.ge [sflag:s7], $0x800  }
0x10a: {  	[sflag:s7] =	ssyncset.done $0x0  }
0x10b: {  	[sflag:s7] =	ssyncadd.s32 $0xFFFFF800  }
0x10c: {  	_ =	swait.ge [sflag:s7], $0x800  }
0x10d: {  	[sflag:s7] =	ssyncset.done $0x0  }
0x10e: {  	[sflag:s7] =	ssyncadd.s32 $0xFFFFF800  }
0x10f: {  	s9 =	stileid.u32;
	[bflag:$0x0] =	sbarrier.arrive $0xFFFF  }
0x110: {  	s6 =	sshll.u32 s9, $0x6;
	s10 =	rddreg [dreg:$0x8]  }
0x111: {  	s6 =	sor.u32 $0x1C07, s6;
	s12 =	rddreg [dreg:$0xb]  }
0x112: {  	[hbm:s10], [sflag:s6] =	dma.local [spmem:s12], $0x3100  }
0x113: {  	_ =	swait.ge [sflag:s15], $0x3100  }
0x114: {  	s8 =	sadd.s32 $0x1, s8;
	s25 =	rddreg [dreg:$0x9]  }
0x115: {  	p0 =	sne.s32 s8, s25  }
.Ltmp2:
0x116: {  	_ = 	snop;
	(pc) =	sbr.rel @p0 .LBB2_1-.Ltmp2, $3  }
0x117: {  	_ =	sdelay $0x1  }
0x118: {  	[sflag:s15] =	ssyncset.done $0x0  }
0x119: {  	[sflag:s15] =	ssyncadd.s32 $0xFFFFCF00  }
0x11a: {  	_ =	sfence.sel $0x180000  }
0x11b: {  	[bflag:$0x0] =	sbarrier.arrive $0xFFFF  }
0x11c: {  	_ =	strace $0x90000047  }
0x11d: {  	s0 =	stileid.u32;
	[bflag:$0x2] =	sbarrier.arrive $0xFFFF  }
0x11e: {  	p0 =	sne.s32 s0, $0x0;
	s0 =	rddreg [dreg:$0x3]  }
0x11f: {  	s0 =	sadd.s32 @!p0 $0x100000, s0  }
0x120: {  	[sflag:s0] =	ssyncadd.tile.s32 @!p0 $0x1;
	_ =	shalt  }
.Lfunc_end2:
_tile_overlayer_lowered:
.L_overlay_start_2:
0x121: {  	(tag) =	ssettag $0x2  }
0x122: {  	s0 =	rddreg [dreg:$0x0];
	s2 =	stileid.u32  }
0x123: {  	s1 =	rddreg [dreg:$0x1];
	p0 =	sne.s32 s2, $0x0  }
0x124: {  	s3 =	rddreg [dreg:$0x2];
	[bflag:$0x3] =	sbarrier.arrive $0xFFFF;
	s2 =	simm.s32 @!p0 $0x1C07  }
0x125: {  	[timem:s3], [sflag:s2] =	dma.local @!p0 [hbm:s0], s1  }
0x126: {  	s0 =	simm.s32 @!p0 $0x7  }
0x127: {  	_ =	swait.ge @!p0 [sflag:s0], s1  }
0x128: {  	s1 =	ssub.s32 @!p0 $0x0, s1;
	[sflag:s0] =	ssyncset.done @!p0 $0x0  }
0x129: {  	[sflag:s0] =	ssyncadd.s32 @!p0 s1  }
0x12a: {  	[bflag:$0x3] =	sbarrier.arrive $0xFFFF  }
0x12b: {  	_ =	shalt  }

// kernel: kernel.9.cloned.1.call-start
scs
__scs_entry_jumppad:
0x0: {  	(pc) =	sbr.rel $0x88, $3  }
0x1: {  	(tag) =	ssettag $0x0;
	lr =	simm.s32 $0x1  }
0x2: {  	[smem:$0x3F97] =	sst lr;
	_ =	strace $0xD0000000  }
0x3: {  	_ = 	snop  }
0x4: {  	_ = 	snop  }
0x5: {  	_ = 	snop  }
0x6: {  	_ = 	snop  }
0x7: {  	_ = 	snop  }
__scs_overlays_trampoline_lowered:
0x8: {  	[smem:$0x3FA6] =	sst s0  }
0x9: {  	[smem:$0x3FA7] =	sst s1  }
0xa: {  	[smem:$0x3FA8] =	sst s2  }
0xb: {  	[smem:$0x3FA9] =	sst s3  }
0xc: {  	[smem:$0x3FAA] =	sst s4  }
0xd: {  	[smem:$0x3FAB] =	sst s5  }
0xe: {  	[smem:$0x3FAC] =	sst s6  }
0xf: {  	[smem:$0x3FAD] =	sst s7  }
0x10: {  	[smem:$0x3FAE] =	sst s8  }
0x11: {  	[smem:$0x3FAF] =	sst s9;
	s0 =	simm.s32 @!p0 $0x0  }
0x12: {  	s1 =	sld [smem:$0x3F95];
	s0 =	simm.s32 @p0 $0x1  }
0x13: {  	[smem:$0x3FB0] =	sst s0;
	s0 =	simm.s32 @!p1 $0x0  }
0x14: {  	s2 =	sld [smem:$0x3F94];
	s0 =	simm.s32 @p1 $0x1  }
0x15: {  	[smem:$0x3FB1] =	sst s0;
	s0 =	simm.s32 @!p2 $0x0  }
0x16: {  	s3 =	sld [smem:$0x3FDB];
	s0 =	simm.s32 @p2 $0x1  }
0x17: {  	s4 =	simm.s32 $0x1BF5;
	[smem:$0x3FB3] =	sst s0  }
0x18: {  	s0 =	sld [smem:$0x3F96];
	_ =	swait.ge [sflag:s4], $0x0  }
0x19: {  	s7 =	sld [smem:$0x3F97]  }
0x1a: {  	s8 =	sadd.s32 $0xFFFFE003, lr  }
0x1b: {  	s9 =	sadd.s32 $0xFFFFFEF7, lr;
	s5 =	simm.s32 $0xFFFFFFFF;
	p2 =	slt.u32 s8, $0xFFFFF086  }
0x1c: {  	p1 =	slt.u32 s9, $0xF7A;
	s5 =	simm.s32 @!p2 $0x0  }
0x1d: {  	s5 =	simm.s32 @p1 $0x1;
	p0 =	seq.s32 s7, s2  }
0x1e: {  	s7 =	smul.u32 @!p0 $0xF7A, s2;
	p2 =	seq.s32 @!p0 s5, $0x0  }
0x1f: {  	s9 =	smul.u32 $0xF7A, s1;
	s8 =	simm.s32 @!p0 $0x1BF5;
	p2 =	por !p2, p0  }
0x20: {  	[sflag:s8] =	ssyncset.s32 @!p0 $0xFFFFF086;
	s6 =	sadd.s32 @!p0 s3, s7;
	s7 =	simm.s32 @!p0 $0x108  }
0x21: {  	s3 =	sadd.s32 s3, s9;
	s6 =	sadd.s32 @!p0 $0x88, s6;
	s7 =	simm.s32 @p2 $0x1082  }
0x22: {  	[simem:s7], [sflag:s8] =	dma.local @!p0 [hbm:s6], $0xF7A  }
0x23: {  	s9 =	sor.u32 $0xD0000000, s2;
	s6 =	simm.s32 $0x108;
	_ =	swait.ge @!p0 [sflag:s8], $0x0  }
0x24: {  	s3 =	sadd.s32 $0x88, s3;
	s6 =	simm.s32 @!p1 $0x1082;
	[sflag:s4] =	ssyncset.s32 $0xFFFFF086  }
0x25: {  	[simem:s6], [sflag:s4] =	dma.local [hbm:s3], $0xF7A  }
0x26: {  	[smem:$0x3F97] =	sst s1;
	(tag) =	ssettag s2;
	_ =	strace s9  }
0x27: {  	s1 =	sld [smem:$0x3FA7]  }
0x28: {  	s2 =	sld [smem:$0x3FA8]  }
0x29: {  	s4 =	sld [smem:$0x3FAA]  }
0x2a: {  	p0 =	seq.s32 s5, $0x0;
	s5 =	sld [smem:$0x3FAB]  }
0x2b: {  	s6 =	sld [smem:$0x3FAC]  }
0x2c: {  	s7 =	sld [smem:$0x3FAD]  }
0x2d: {  	s3 =	simm.s32 $0x108;
	s8 =	sld [smem:$0x3FAE]  }
0x2e: {  	s3 =	simm.s32 @!p0 $0x1082;
	s9 =	sld [smem:$0x3FAF]  }
0x2f: {  	lr =	sadd.s32 s0, s3;
	s0 =	sld [smem:$0x3FA6]  }
0x30: {  	s3 =	sld [smem:$0x3FA9]  }
0x31: {  	[smem:$0x3FB2] =	sst s10  }
0x32: {  	s10 =	sld [smem:$0x3FB0];
	_ =	sdelay $0x3  }
0x33: {  	p0 =	seq.s32 s10, $0x1;
	s10 =	sld [smem:$0x3FB2];
	_ =	sdelay $0x3  }
0x34: {  	[smem:$0x3FB2] =	sst s10  }
0x35: {  	s10 =	sld [smem:$0x3FB1];
	_ =	sdelay $0x3  }
0x36: {  	p1 =	seq.s32 s10, $0x1;
	s10 =	sld [smem:$0x3FB2];
	_ =	sdelay $0x3  }
0x37: {  	[smem:$0x3FB2] =	sst s10  }
0x38: {  	s10 =	sld [smem:$0x3FB3]  }
0x39: {  	_ = 	snop;
	(pc) =	sbr.ind lr, $3  }
0x3a: {  	_ = 	snop  }
0x3b: {  	_ = 	snop  }
0x3c: {  	p2 =	seq.s32 s10, $0x1;
	s10 =	sld [smem:$0x3FB2]  }
0x3d: {  	_ =	shalt  }
0x3e: {  	_ =	shalt  }
0x3f: {  	_ =	shalt  }
0x40: {  	_ =	shalt  }
0x41: {  	_ =	shalt  }
0x42: {  	_ =	shalt  }
0x43: {  	_ =	shalt  }
0x44: {  	_ =	shalt  }
0x45: {  	_ =	shalt  }
0x46: {  	_ =	shalt  }
0x47: {  	_ =	shalt  }
0x48: {  	_ =	shalt  }
0x49: {  	_ =	shalt  }
0x4a: {  	_ =	shalt  }
0x4b: {  	_ =	shalt  }
0x4c: {  	_ =	shalt  }
0x4d: {  	_ =	shalt  }
0x4e: {  	_ =	shalt  }
0x4f: {  	_ =	shalt  }
0x50: {  	_ =	shalt  }
0x51: {  	_ =	shalt  }
0x52: {  	_ =	shalt  }
0x53: {  	_ =	shalt  }
0x54: {  	_ =	shalt  }
0x55: {  	_ =	shalt  }
0x56: {  	_ =	shalt  }
0x57: {  	_ =	shalt  }
0x58: {  	_ =	shalt  }
0x59: {  	_ =	shalt  }
0x5a: {  	_ =	shalt  }
0x5b: {  	_ =	shalt  }
0x5c: {  	_ =	shalt  }
0x5d: {  	_ =	shalt  }
0x5e: {  	_ =	shalt  }
0x5f: {  	_ =	shalt  }
0x60: {  	_ =	shalt  }
0x61: {  	_ =	shalt  }
0x62: {  	_ =	shalt  }
0x63: {  	_ =	shalt  }
0x64: {  	_ =	shalt  }
0x65: {  	_ =	shalt  }
0x66: {  	_ =	shalt  }
0x67: {  	_ =	shalt  }
0x68: {  	_ =	shalt  }
0x69: {  	_ =	shalt  }
0x6a: {  	_ =	shalt  }
0x6b: {  	_ =	shalt  }
0x6c: {  	_ =	shalt  }
0x6d: {  	_ =	shalt  }
0x6e: {  	_ =	shalt  }
0x6f: {  	_ =	shalt  }
0x70: {  	_ =	shalt  }
0x71: {  	_ =	shalt  }
0x72: {  	_ =	shalt  }
0x73: {  	_ =	shalt  }
0x74: {  	_ =	shalt  }
0x75: {  	_ =	shalt  }
0x76: {  	_ =	shalt  }
0x77: {  	_ =	shalt  }
0x78: {  	_ =	shalt  }
0x79: {  	_ =	shalt  }
0x7a: {  	_ =	shalt  }
0x7b: {  	_ =	shalt  }
0x7c: {  	_ =	shalt  }
0x7d: {  	_ =	shalt  }
0x7e: {  	_ =	shalt  }
0x7f: {  	_ =	shalt  }
0x80: {  	_ =	shalt  }
0x81: {  	_ =	shalt  }
0x82: {  	_ =	shalt  }
0x83: {  	_ =	shalt  }
0x84: {  	_ =	shalt  }
0x85: {  	_ =	shalt  }
0x86: {  	_ =	shalt  }
0x87: {  	_ =	shalt  }
.Lfunc_end0:
.L_simem_size_0:
called_computation.1_lowered:
.L_overlay_start_0:
0x88: {  	s2 =	sld [smem:$0x3FD9]  }
0x89: {  	s3 =	sld [smem:$0x3FFE];
	_ =	sdelay $0x1  }
0x8a: {  	s1 =	srdreg.scid  }
0x8b: {  	s0 =	sand.u32 $0x1, s1  }
0x8c: {  	s16 =	sshll.u32 s0, $0xA;
	s2 =	sadd.s32 s3, s2  }
0x8d: {  	s2 =	sadd.s32 s2, s16  }
0x8e: {  	[smem:$0x3FBE] =	sst s2  }
0x8f: {  	_ = 	snop  }
0x90: {  	(tm) =	ssettm $0x1  }
0x91: {  	s17 =	sld [smem:$0x3FFB];
	_ =	sdelay $0x3  }
0x92: {  	_ =	strace s17  }
0x93: {  	s2 =	sld [smem:$0x3FFC];
	_ =	sdelay $0x3  }
0x94: {  	_ =	strace s2  }
0x95: {  	s2 =	sld [smem:$0x3FFD];
	_ =	sdelay $0x3  }
0x96: {  	_ =	strace s2  }
0x97: {  	_ =	strace $0x8FFFFFFF  }
0x98: {  	s18 =	sld [smem:$0x3FDB];
	_ =	sdelay $0x1  }
0x99: {  	s19 =	simm.s32 $_scs_section_size  }
0x9a: {  	s4 =	simm.s32 $_size__tile_overlayer_lowered;
	s5 =	simm.s32 $_tile_overlayer_lowered  }
0x9b: {  	s22 =	simm.s32 $0x1BFF;
	s21 =	sshll.u32 s5, $0x1;
	s2 =	sadd.s32 s19, s18  }
0x9c: {  	s6 =	simm.s32 $0x0;
	s20 =	sshll.u32 s4, $0x1;
	s4 =	sadd.s32 s21, s2  }
0x9d: {  	[timem:s6], [sflag:s22] =	dma.local [hbm:s4], s20  }
0x9e: {  	_ =	swait.ge [sflag:s22], s20  }
0x9f: {  	s3 =	ssub.s32 $0x0, s20;
	[sflag:s22] =	ssyncset.done $0x0  }
0xa0: {  	[sflag:s22] =	ssyncadd.s32 s3;
	_ =	sdelay $0x1  }
0xa1: {  	s23 =	simm.s32 $0x1B8B  }
0xa2: {  	_ =	swait.ge [sflag:s23], $0x1  }
0xa3: {  	[sflag:s23] =	ssyncset.done $0x0  }
0xa4: {  	s25 =	simm.s32 $0x1B8E;
	s24 =	sld [smem:$0x3FFE];
	[sflag:s23] =	ssyncadd.s32 $0xFFFFFFFF  }
0xa5: {  	s26 =	simm.s32 $execute0_lowered;
	[smem:$0x3FD2] =	sst s25  }
0xa6: {  	s4 =	sshll.u32 s26, $0x1;
	_ =	strace $0x80000049;
	[dreg:$0x1] =	wrdreg $0xFFFFFFFF  }
0xa7: {  	s28 =	simm.s32 $_size_execute0_lowered;
	s2 =	sadd.s32 s2, s4;
	[dreg:$0x0] =	wrdreg $0x0  }
0xa8: {  	s4 =	sshll.u32 s28, $0x1;
	[dreg:$0x2] =	wrdreg s2  }
0xa9: {  	[dreg:$0x3] =	wrdreg s4  }
0xaa: {  	[dreg:$0x4] =	wrdreg $0xC0  }
0xab: {  	_ =	task [dreg:s6], $0x5FFFF  }
0xac: {  	[dreg:$0x1] =	wrdreg $0xFFFFFFFF  }
0xad: {  	[dreg:$0x0] =	wrdreg $0x60  }
0xae: {  	[dreg:$0x2] =	wrdreg s24  }
0xaf: {  	[dreg:$0x3] =	wrdreg $0x68000  }
0xb0: {  	[dreg:$0x4] =	wrdreg $0x9  }
0xb1: {  	_ =	task.clear_ibuf [dreg:s6], $0x5FFFF;
	_ =	strace $0x90000049  }
0xb2: {  	s29 =	simm.s32 $0x9;
	_ =	strace $0x8000004B  }
0xb3: {  	_ =	swait.ge [sflag:s29], $0x1  }
0xb4: {  	[sflag:s29] =	ssyncadd.s32 $0xFFFFFFFF  }
0xb5: {  	_ =	strace $0x9000004B  }
0xb6: {  	_ =	sfence  }
0xb7: {  	s30 =	sld [smem:$0x0];
	_ =	sdelay $0x2  }
0xb8: {  	s31 =	sshll.u32 s1, $0xD;
	s1 =	sshrl.u32 s1, $0x2  }
0xb9: {  	s3 =	sand.u32 $0x4000, s31;
	s1 =	sadd.s32 s1, s30  }
0xba: {  	s0 =	sor.u32 s3, s0;
	s1 =	sshll.u32 s1, $0x11  }
0xbb: {  	s0 =	sor.u32 s1, s0  }
0xbc: {  	s0 =	sadd.s32 $0x8F2B, s0  }
0xbd: {  	[sflag:s0] =	ssyncadd.remote.s32 $0x1  }
0xbe: {  	_ =	sfence.sel $0xFFFF  }
0xbf: {  	[dreg:$0x0] =	wrdreg $0xFFFFFFFF;
	(pc) =	sbr.abs _section_cstart, $3  }
0xc0: {  	[dreg:$0x1] =	wrdreg $0xFFFFFFFF  }
0xc1: {  	_ =	task.clear_ibuf [dreg:s6], $0x2FFFF;
	_ =	strace $0x9FFFFFFF  }
0xc2: {  	(tm) =	ssettm $0x7FFFFFFF  }
0xc3: {  	_ =	shalt  }
tec
execute0_lowered:
.L_overlay_start_1:
0x0: {  	(tag) =	ssettag $0x1  }
0x1: {  	s0 =	rddreg [dreg:$0x0];
	s1 =	srdreg.scid  }
0x2: {  	s2 =	rddreg [dreg:$0x1];
	s10 =	stileid.u32  }
0x3: {  	s17 =	simm.s32 $0x0;
	s28 =	simm.s32 $0x4C00;
	s29 =	simm.s32 $0x8  }
0x4: {  	s31 =	simm.s32 $0x3C00;
	s18 =	smul.u32 $0x18800, s10;
	s20 =	sadd.s32 $0x55F600, s0  }
0x5: {  	s5 =	sand.u32 $0x1, s1;
	s19 =	sadd.s32 $0x250C00, s0;
	s12 =	smul.u32 $0x31800, s10  }
0x6: {  	[smem:$0x7FF] =	sst s17;
	s4 =	sadd.s32 $0x1EC600, s0;
	s25 =	smul.u32 $0x3100, s10  }
0x7: {  	s21 =	sadd.s32 $0x2400, s0;
	s22 =	sadd.s32 $0x6EB600, s0;
	s9 =	smul.u32 $0x62000, s10  }
0x8: {  	s30 =	smul.u32 $0x6300, s10;
	_ =	strace $0x8000004A;
	[dreg:$0x6] =	wrdreg s4  }
0x9: {  	s11 =	sadd.s32 $0x2B3C00, s0;
	s3 =	smul.u32 $0x188000, s5;
	[dreg:$0x7] =	wrdreg s21  }
0xa: {  	[dreg:$0x8] =	wrdreg s22;
	s23 =	ssub.s32 $0x2, s5;
	s6 =	smul.u32 $0x31000, s5  }
0xb: {  	s13 =	smul.u32 $0x318000, s5;
	s4 =	simm.s32 $0x1400;
	[dreg:$0x3] =	wrdreg s5  }
0xc: {  	[dreg:$0x5] =	wrdreg s20;
	s24 =	sshrl.u32 s23, $0x1;
	s8 =	sor.u32 $0x200, s12  }
0xd: {  	s7 =	sshrl.u32 s12, $0x3;
	s14 =	sshrl.u32 s9, $0x2;
	[dreg:$0x9] =	wrdreg s12  }
0xe: {  	s15 =	sadd.s32 s30, s19;
	s30 =	smul.u32 $0x1880, s10;
	[dreg:$0x4] =	wrdreg s3  }
0xf: {  	s10 =	simm.s32 $0x1C00;
	s1 =	sadd.s32 s18, s3;
	[dreg:$0xa] =	wrdreg s8  }
0x10: {  	s8 =	sshrl.u32 s8, $0x3;
	s7 =	sadd.s32 s19, s7;
	s18 =	sadd.s32 s14, s2  }
0x11: {  	[dreg:$0x10] =	wrdreg s15;
	s14 =	simm.s32 $0x5000;
	s3 =	simm.s32 $0x1  }
0x12: {  	s15 =	simm.s32 $0x80;
	s1 =	sshrl.u32 s1, $0x3;
	[dreg:$0xb] =	wrdreg s7  }
0x13: {  	s26 =	sadd.s32 s19, s8;
	s19 =	sadd.s32 s12, s13;
	[dreg:$0x17] =	wrdreg s30  }
0x14: {  	s1 =	sadd.s32 s1, s0;
	[dreg:$0xc] =	wrdreg s26;
	s21 =	sadd.s32 $0xE00, s19  }
0x15: {  	s0 =	ssub.s32 s23, s24;
	s23 =	sadd.s32 $0xC00, s19;
	[dreg:$0x11] =	wrdreg s21  }
0x16: {  	s8 =	sadd.s32 s6, s11;
	s24 =	sadd.s32 $0xA00, s19;
	[dreg:$0x12] =	wrdreg s23  }
0x17: {  	s22 =	sadd.s32 s25, s8;
	s25 =	sadd.s32 $0x800, s19;
	[dreg:$0x13] =	wrdreg s24  }
0x18: {  	s12 =	simm.s32 $0x100;
	s26 =	sor.u32 $0x600, s19;
	[dreg:$0x14] =	wrdreg s25  }
0x19: {  	s13 =	simm.s32 $0x2400;
	s7 =	simm.s32 $0x7;
	[dreg:$0x15] =	wrdreg s26  }
0x1a: {  	s0 =	smax.u32 s0, $0x1;
	s16 =	sadd.s32 $0x18A600, s1;
	[dreg:$0xf] =	wrdreg s22  }
0x1b: {  	s24 =	simm.s32 $0x800;
	s21 =	simm.s32 $0x4;
	[dreg:$0xd] =	wrdreg s0  }
0x1c: {  	s23 =	simm.s32 $0x5;
	s0 =	sor.u32 $0x400, s19;
	[dreg:$0xe] =	wrdreg s16  }
0x1d: {  	s26 =	simm.s32 $0x6;
	s1 =	simm.s32 $0x0;
	[dreg:$0x16] =	wrdreg s0  }
.LBB2_1:
0x1e: {  	[dreg:$0x18] =	wrdreg s1  }
0x1f: {  	s0 =	rddreg [dreg:$0x7]  }
0x20: {  	[tilespmem:s28], [sflag:$0x8] =	stream.linear.gather [hbm4b:s0+s17], $0x400, $0x38;
	[tilespmem:$0x1F000] =	vst v63  }
0x21: {  	_ =	swait.ge [sflag:s29], $0x400  }
0x22: {  	[sflag:s29] =	ssyncset.done $0x0  }
0x23: {  	s25 =	sadd.s32 $0x0, s16;
	[sflag:s29] =	ssyncadd.s32 $0xFFFFFC00  }
0x24: {  	[tilespmem:s14], [sflag:$0x8] =	stream.linear.gather [hbm4b:s25+s17], $0x800, $0x38;
	[tilespmem:$0x1F000] =	vst v63  }
0x25: {  	_ =	swait.ge [sflag:s29], $0x800  }
0x26: {  	[sflag:s29] =	ssyncset.done $0x0  }
0x27: {  	s30 =	sadd.s32 $0x0, s22;
	[sflag:s29] =	ssyncadd.s32 $0xFFFFF800  }
0x28: {  	[hbm4b:s30+s17] =	stream.linear.scatter [tilespmem:s14], [sflag:$0x8], $0x800, $0x38;
	[tilespmem:$0x1F000] =	vst v63  }
0x29: {  	s1 =	simm.s32 $0x200;
	_ =	swait.ge [sflag:s29], $0x800  }
0x2a: {  	s19 =	simm.s32 $0x5000;
	s0 =	simm.s32 $0x100;
	[sflag:s29] =	ssyncset.done $0x0  }
.LBB2_2:
0x2b: {  	s6 =	sadd.s32 s0, s16  }
0x2c: {  	[sflag:s29] =	ssyncadd.s32 $0xFFFFF800;
	s8 =	smov.u32 s1;
	s14 =	sadd.s32 $0x100, s1  }
0x2d: {  	[tilespmem:s19], [sflag:$0x8] =	stream.linear.gather [hbm4b:s6+s17], $0x800, $0x38;
	[tilespmem:$0x1F000] =	vst v63  }
0x2e: {  	p0 =	sne.s32 s1, $0x3000;
	_ =	swait.ge [sflag:s29], $0x800  }
.Ltmp0:
0x2f: {  	[sflag:s29] =	ssyncset.done $0x0;
	(pc) =	sbr.rel @p0 .LBB2_2-.Ltmp0, $4  }
0x30: {  	s1 =	sadd.s32 s0, s22;
	s0 =	smov.u32 s8;
	[sflag:s29] =	ssyncadd.s32 $0xFFFFF800  }
0x31: {  	[hbm4b:s1+s17] =	stream.linear.scatter [tilespmem:s19], [sflag:$0x8], $0x800, $0x38;
	[tilespmem:$0x1F000] =	vst v63  }
0x32: {  	_ =	swait.ge [sflag:s29], $0x800  }
0x33: {  	s1 =	smov.u32 s14;
	[sflag:s29] =	ssyncset.done $0x0  }
0x34: {  	s1 =	sadd.s32 s0, s16;
	[sflag:s29] =	ssyncadd.s32 $0xFFFFF800  }
0x35: {  	[tilespmem:s19], [sflag:$0x8] =	stream.linear.gather [hbm4b:s1+s17], $0x800, $0x38;
	[tilespmem:$0x1F000] =	vst v63  }
0x36: {  	_ =	swait.ge [sflag:s29], $0x800  }
0x37: {  	[sflag:s29] =	ssyncset.done $0x0  }
0x38: {  	s30 =	sadd.s32 s0, s22;
	[sflag:s29] =	ssyncadd.s32 $0xFFFFF800  }
0x39: {  	[hbm4b:s30+s17] =	stream.linear.scatter [tilespmem:s19], [sflag:$0x8], $0x800, $0x38;
	[tilespmem:$0x1F000] =	vst v63  }
0x3a: {  	_ =	swait.ge [sflag:s29], $0x800  }
0x3b: {  	[sflag:s29] =	ssyncset.done $0x0  }
0x3c: {  	[sflag:s29] =	ssyncadd.s32 $0xFFFFF800  }
0x3d: {  	s25 =	simm.s32 $0x1;
	p0 =	por $0x0, $0x0;
	[bflag:$0x0] =	sbarrier.arrive $0xFFFF  }
.LBB2_4:
0x3e: {  	s1 =	rddreg [dreg:$0x11]  }
0x3f: {  	s16 =	rddreg [dreg:$0x13]  }
0x40: {  	s0 =	simm.s32 $0x1;
	s6 =	rddreg [dreg:$0x12]  }
0x41: {  	s8 =	rddreg [dreg:$0x14];
	s0 =	simm.s32 @!p0 $0x0  }
0x42: {  	s19 =	rddreg [dreg:$0x15];
	s22 =	sadd.s32 $0x0, s18;
	s0 =	smul.u32 $0x630000, s0  }
0x43: {  	[spmem:s22] =	stream.linear.scatter [tilespmem:s28], [sflag:$0x8], $0x400, $0x38;
	[tilespmem:$0x1F000] =	vst v63  }
0x44: {  	s14 =	rddreg [dreg:$0x16];
	s1 =	sadd.s32 s0, s1  }
0x45: {  	s6 =	sadd.s32 s0, s6;
	s8 =	sadd.s32 s0, s8;
	s1 =	sshrl.u32 s1, $0x3  }
0x46: {  	s17 =	sshrl.u32 s8, $0x3;
	s8 =	sadd.s32 s0, s19;
	s1 =	sadd.s32 s1, s20  }
0x47: {  	s8 =	sshrl.u32 s8, $0x3;
	[dreg:$0x1a] =	wrdreg s1;
	s1 =	sadd.s32 s0, s16  }
0x48: {  	s0 =	sadd.s32 s0, s14;
	s30 =	sadd.s32 s8, s20;
	s1 =	sshrl.u32 s1, $0x3  }
0x49: {  	[dreg:$0x1d] =	wrdreg s30;
	s0 =	sshrl.u32 s0, $0x3;
	s1 =	sadd.s32 s1, s20  }
0x4a: {  	s0 =	sadd.s32 s0, s20;
	[dreg:$0x1b] =	wrdreg s1  }
0x4b: {  	s1 =	sadd.s32 s17, s20;
	[dreg:$0x1e] =	wrdreg s0  }
0x4c: {  	s9 =	simm.s32 $0x600;
	[dreg:$0x1c] =	wrdreg s1  }
0x4d: {  	s14 =	simm.s32 $0x180;
	s0 =	simm.s32 $0x1000;
	_ =	swait.ge [sflag:s29], $0x400  }
.LBB2_5:
0x4e: {  	s1 =	sshra.s32 s0, $0x2;
	[sflag:s29] =	ssyncset.done $0x0;
	p1 =	sne.s32 s0, $0x61000  }
.Ltmp1:
0x4f: {  	s1 =	sadd.s32 s1, s18;
	[sflag:s29] =	ssyncadd.s32 $0xFFFFFC00;
	(pc) =	sbr.rel @p1 .LBB2_5-.Ltmp1, $3  }
0x50: {  	[spmem:s1] =	stream.linear.scatter [tilespmem:s28], [sflag:$0x8], $0x400, $0x38;
	[tilespmem:$0x1F000] =	vst v63  }
0x51: {  	s0 =	sadd.s32 $0x1000, s0;
	_ =	sdelay $0x1  }
0x52: {  	_ =	swait.ge [sflag:s29], $0x400  }
0x53: {  	s0 =	sadd.s32 $0xFFFFFFFF, s25  }
0x54: {  	[dreg:$0x1f] =	wrdreg s0;
	s0 =	sshll.u32 s0, $0x1  }
0x55: {  	s0 =	sand.u32 $0x2, s0  }
0x56: {  	s0 =	sor.u32 s5, s0  }
0x57: {  	[dreg:$0x19] =	wrdreg s25;
	[sflag:s29] =	ssyncset.done $0x0;
	s1 =	smul.u32 $0x318000, s0  }
0x58: {  	s17 =	rddreg [dreg:$0x9];
	[sflag:s29] =	ssyncadd.s32 $0xFFFFFC00  }
0x59: {  	[bflag:$0x0] =	sbarrier.arrive $0xFFFF;
	s0 =	sadd.s32 s17, s1  }
0x5a: {  	s22 =	rddreg [dreg:$0xa];
	s0 =	sshrl.u32 s0, $0x3  }
0x5b: {  	s1 =	sadd.s32 s22, s1;
	s8 =	sadd.s32 s20, s0;
	s0 =	simm.s32 $0x0  }
0x5c: {  	[tilespmem:s0], [sflag:$0x1] =	stream.linear.gather [hbm4b:s8+s0], $0x200, $0x38;
	[tilespmem:$0x1F000] =	vst v63  }
0x5d: {  	s19 =	rddreg [dreg:$0xb];
	s1 =	sshrl.u32 s1, $0x3  }
0x5e: {  	[tilespmem:s9], [sflag:$0x1] =	stream.linear.gather [hbm4b:s19+s0], $0x200, $0x38;
	[tilespmem:$0x1F000] =	vst v63  }
0x5f: {  	s1 =	sadd.s32 s20, s1;
	s8 =	simm.s32 $0x200  }
0x60: {  	[tilespmem:s8], [sflag:$0x2] =	stream.linear.gather [hbm4b:s1+s0], $0x200, $0x38;
	[tilespmem:$0x1F000] =	vst v63  }
0x61: {  	s25 =	rddreg [dreg:$0xc]  }
0x62: {  	[tilespmem:s24], [sflag:$0x2] =	stream.linear.gather [hbm4b:s25+s0], $0x200, $0x38;
	[tilespmem:$0x1F000] =	vst v63  }
0x63: {  	_ =	swait.ge [sflag:s3], $0x200  }
0x64: {  	[sflag:s3] =	ssyncset.done $0x0  }
0x65: {  	[sflag:s3] =	ssyncadd.s32 $0xFFFFFE00  }
0x66: {  	_ =	swait.ge [sflag:s3], $0x200  }
0x67: {  	[sflag:s3] =	ssyncset.done $0x0  }
0x68: {  	s1 =	simm.s32 $0xC00;
	[sflag:s3] =	ssyncadd.s32 $0xFFFFFE00  }
0x69: {  	[tilespmem:s1], [sflag:$0x4] =	stream.indirect.gather [hbm4b:s11+s15], $0x10, s0, s15, $0xb8;
	[tilespmem:$0x1F000] =	vst v63  }
0x6a: {  	_ = 	snop  }
0x6b: {  	[tilespmem:s4], [sflag:$0x4] =	stream.indirect.gather [hbm4b:s11+s15], $0x10, s15, s15, $0xb8;
	[tilespmem:$0x1F000] =	vst v63  }
0x6c: {  	s30 =	simm.s32 $0x100;
	s22 =	simm.s32 $0x0  }
0x6d: {  	[tilespmem:s10], [sflag:$0x4] =	stream.indirect.gather [hbm4b:s11+s15], $0x10, s12, s15, $0xb8;
	[tilespmem:$0x1F000] =	vst v63  }
0x6e: {  	s25 =	simm.s32 $0x1;
	s24 =	simm.s32 $0x800;
	[smem:$0x7FD] =	sst s6  }
0x6f: {  	[tilespmem:s13], [sflag:$0x4] =	stream.indirect.gather [hbm4b:s11+s15], $0x10, s14, s15, $0xb8;
	[tilespmem:$0x1F000] =	vst v63  }
.LBB2_7:
0x70: {  	_ =	swait.ge [sflag:s21], $0x800  }
0x71: {  	[sflag:s21] =	ssyncset.done $0x0  }
0x72: {  	[sflag:s21] =	ssyncadd.s32 $0xFFFFF800  }
0x73: {  	_ =	swait.ge [sflag:s21], $0x800  }
0x74: {  	[sflag:s21] =	ssyncset.done $0x0  }
0x75: {  	[sflag:s21] =	ssyncadd.s32 $0xFFFFF800  }
0x76: {  	_ =	swait.ge [sflag:s21], $0x800  }
0x77: {  	[sflag:s21] =	ssyncset.done $0x0  }
0x78: {  	[sflag:s21] =	ssyncadd.s32 $0xFFFFF800  }
0x79: {  	_ =	swait.ge [sflag:s21], $0x800  }
0x7a: {  	[sflag:s21] =	ssyncset.done $0x0  }
0x7b: {  	s3 =	simm.s32 $0x600;
	[sflag:s21] =	ssyncadd.s32 $0xFFFFF800  }
0x7c: {  	[spmem:s2] =	stream.indirect.scatter.add.f32 [tilespmem:s1], [sflag:$0x6], $0x10, s3, s15, $0xb8;
	[tilespmem:$0x1F000] =	vst v63  }
0x7d: {  	s5 =	simm.s32 $0x680  }
0x7e: {  	[spmem:s2] =	stream.indirect.scatter.add.f32 [tilespmem:s4], [sflag:$0x6], $0x10, s5, s15, $0xb8;
	[tilespmem:$0x1F000] =	vst v63  }
0x7f: {  	s6 =	simm.s32 $0x700;
	p1 =	seq.s32 s0, $0x0  }
0x80: {  	[spmem:s2] =	stream.indirect.scatter.add.f32 [tilespmem:s10], [sflag:$0x6], $0x10, s6, s15, $0xb8;
	[tilespmem:$0x1F000] =	vst v63  }
0x81: {  	s9 =	simm.s32 $0x780;
	s1 =	simm.s32 @!p1 $0x7  }
0x82: {  	[spmem:s2] =	stream.indirect.scatter.add.f32 [tilespmem:s13], [sflag:$0x6], $0x10, s9, s15, $0xb8;
	[tilespmem:$0x1F000] =	vst v63  }
0x83: {  	_ =	swait.ge @!p1 [sflag:s1], $0x800  }
0x84: {  	[sflag:s1] =	ssyncset.done @!p1 $0x0  }
0x85: {  	[sflag:s1] =	ssyncadd.s32 @!p1 $0xFFFFF800  }
0x86: {  	_ =	swait.ge @!p1 [sflag:s1], $0x800  }
0x87: {  	[sflag:s1] =	ssyncset.done @!p1 $0x0  }
0x88: {  	[sflag:s1] =	ssyncadd.s32 @!p1 $0xFFFFF800  }
0x89: {  	_ =	swait.ge @!p1 [sflag:s1], $0x800  }
0x8a: {  	[sflag:s1] =	ssyncset.done @!p1 $0x0  }
0x8b: {  	[sflag:s1] =	ssyncadd.s32 @!p1 $0xFFFFF800  }
0x8c: {  	_ =	swait.ge @!p1 [sflag:s1], $0x800  }
0x8d: {  	[sflag:s1] =	ssyncset.done @!p1 $0x0  }
0x8e: {  	s19 =	simm.s32 $0x2;
	[sflag:s1] =	ssyncadd.s32 @!p1 $0xFFFFF800  }
0x8f: {  	_ =	swait.ge [sflag:s19], $0x200  }
0x90: {  	[sflag:s19] =	ssyncset.done $0x0  }
0x91: {  	[sflag:s19] =	ssyncadd.s32 $0xFFFFFE00  }
0x92: {  	_ =	swait.ge [sflag:s19], $0x200  }
0x93: {  	[sflag:s19] =	ssyncset.done $0x0  }
0x94: {  	s12 =	simm.s32 $0x2C00;
	[sflag:s19] =	ssyncadd.s32 $0xFFFFFE00  }
0x95: {  	[tilespmem:s12], [sflag:$0x5] =	stream.indirect.gather [hbm4b:s11+s15], $0x10, s8, s15, $0xb8;
	[tilespmem:$0x1F000] =	vst v63  }
0x96: {  	s10 =	simm.s32 $0x280;
	s6 =	simm.s32 $0x3400  }
0x97: {  	[tilespmem:s6], [sflag:$0x5] =	stream.indirect.gather [hbm4b:s11+s15], $0x10, s10, s15, $0xb8;
	[tilespmem:$0x1F000] =	vst v63  }
0x98: {  	s13 =	simm.s32 $0x300  }
0x99: {  	[tilespmem:s31], [sflag:$0x5] =	stream.indirect.gather [hbm4b:s11+s15], $0x10, s13, s15, $0xb8;
	[tilespmem:$0x1F000] =	vst v63  }
0x9a: {  	s14 =	simm.s32 $0x380;
	s9 =	simm.s32 $0x4400;
	s16 =	rddreg [dreg:$0x1e]  }
0x9b: {  	[tilespmem:s9], [sflag:$0x5] =	stream.indirect.gather [hbm4b:s11+s15], $0x10, s14, s15, $0xb8;
	[tilespmem:$0x1F000] =	vst v63  }
0x9c: {  	s14 =	rddreg [dreg:$0x10]  }
0x9d: {  	s4 =	simm.s32 $0x400;
	s1 =	sadd.s32 s0, s16;
	s16 =	sadd.s32 s0, s14  }
0x9e: {  	[tilespmem:s4], [sflag:$0x3] =	stream.linear.gather [hbm4b:s1+s22], $0x200, $0x38;
	[tilespmem:$0x1F000] =	vst v63  }
0x9f: {  	s5 =	simm.s32 $0xA00;
	s17 =	sadd.s32 $0x80, s16  }
0xa0: {  	[tilespmem:s5], [sflag:$0x3] =	stream.linear.gather [hbm4b:s17+s22], $0x200, $0x38;
	[tilespmem:$0x1F000] =	vst v63  }
0xa1: {  	_ =	swait.ge [sflag:s23], $0x800  }
0xa2: {  	[sflag:s23] =	ssyncset.done $0x0  }
0xa3: {  	[sflag:s23] =	ssyncadd.s32 $0xFFFFF800  }
0xa4: {  	_ =	swait.ge [sflag:s23], $0x800  }
0xa5: {  	[sflag:s23] =	ssyncset.done $0x0  }
0xa6: {  	[sflag:s23] =	ssyncadd.s32 $0xFFFFF800  }
0xa7: {  	_ =	swait.ge [sflag:s23], $0x800  }
0xa8: {  	[sflag:s23] =	ssyncset.done $0x0  }
0xa9: {  	[sflag:s23] =	ssyncadd.s32 $0xFFFFF800  }
0xaa: {  	_ =	swait.ge [sflag:s23], $0x800  }
0xab: {  	[sflag:s23] =	ssyncset.done $0x0  }
0xac: {  	[sflag:s23] =	ssyncadd.s32 $0xFFFFF800  }
0xad: {  	[spmem:s2] =	stream.indirect.scatter.add.f32 [tilespmem:s12], [sflag:$0x7], $0x10, s24, s15, $0xb8;
	[tilespmem:$0x1F000] =	vst v63  }
0xae: {  	s5 =	simm.s32 $0x880  }
0xaf: {  	[spmem:s2] =	stream.indirect.scatter.add.f32 [tilespmem:s6], [sflag:$0x7], $0x10, s5, s15, $0xb8;
	[tilespmem:$0x1F000] =	vst v63  }
0xb0: {  	s17 =	simm.s32 $0x900  }
0xb1: {  	[spmem:s2] =	stream.indirect.scatter.add.f32 [tilespmem:s31], [sflag:$0x7], $0x10, s17, s15, $0xb8;
	[tilespmem:$0x1F000] =	vst v63  }
0xb2: {  	s5 =	simm.s32 $0x980  }
0xb3: {  	[spmem:s2] =	stream.indirect.scatter.add.f32 [tilespmem:s9], [sflag:$0x7], $0x10, s5, s15, $0xb8;
	[tilespmem:$0x1F000] =	vst v63  }
0xb4: {  	_ =	swait.ge [sflag:s26], $0x800  }
0xb5: {  	[sflag:s26] =	ssyncset.done $0x0  }
0xb6: {  	[sflag:s26] =	ssyncadd.s32 $0xFFFFF800  }
0xb7: {  	_ =	swait.ge [sflag:s26], $0x800  }
0xb8: {  	[sflag:s26] =	ssyncset.done $0x0  }
0xb9: {  	[sflag:s26] =	ssyncadd.s32 $0xFFFFF800  }
0xba: {  	_ =	swait.ge [sflag:s26], $0x800  }
0xbb: {  	[sflag:s26] =	ssyncset.done $0x0  }
0xbc: {  	[sflag:s26] =	ssyncadd.s32 $0xFFFFF800  }
0xbd: {  	_ =	swait.ge [sflag:s26], $0x800  }
0xbe: {  	[sflag:s26] =	ssyncset.done $0x0  }
0xbf: {  	s5 =	simm.s32 $0x3;
	[sflag:s26] =	ssyncadd.s32 $0xFFFFF800  }
0xc0: {  	_ =	swait.ge [sflag:s5], $0x200  }
0xc1: {  	[sflag:s5] =	ssyncset.done $0x0  }
0xc2: {  	[sflag:s5] =	ssyncadd.s32 $0xFFFFFE00  }
0xc3: {  	_ =	swait.ge [sflag:s5], $0x200  }
0xc4: {  	[sflag:s5] =	ssyncset.done $0x0  }
0xc5: {  	s10 =	simm.s32 $0xC00;
	[sflag:s5] =	ssyncadd.s32 $0xFFFFFE00  }
0xc6: {  	[tilespmem:s10], [sflag:$0x4] =	stream.indirect.gather [hbm4b:s11+s15], $0x10, s4, s15, $0xb8;
	[tilespmem:$0x1F000] =	vst v63  }
0xc7: {  	s13 =	simm.s32 $0x1400;
	s17 =	simm.s32 $0x480  }
0xc8: {  	[tilespmem:s13], [sflag:$0x4] =	stream.indirect.gather [hbm4b:s11+s15], $0x10, s17, s15, $0xb8;
	[tilespmem:$0x1F000] =	vst v63  }
0xc9: {  	s20 =	simm.s32 $0x1C00;
	s17 =	simm.s32 $0x500  }
0xca: {  	[tilespmem:s20], [sflag:$0x4] =	stream.indirect.gather [hbm4b:s11+s15], $0x10, s17, s15, $0xb8;
	[tilespmem:$0x1F000] =	vst v63  }
0xcb: {  	s3 =	simm.s32 $0x2400;
	s17 =	simm.s32 $0x580  }
0xcc: {  	[tilespmem:s3], [sflag:$0x4] =	stream.indirect.gather [hbm4b:s11+s15], $0x10, s17, s15, $0xb8;
	[tilespmem:$0x1F000] =	vst v63  }
0xcd: {  	s17 =	rddreg [dreg:$0x1d]  }
0xce: {  	s1 =	sadd.s32 s0, s17  }
0xcf: {  	[tilespmem:s22], [sflag:$0x1] =	stream.linear.gather [hbm4b:s1+s22], $0x200, $0x38;
	[tilespmem:$0x1F000] =	vst v63  }
0xd0: {  	s17 =	simm.s32 $0x600;
	s1 =	sadd.s32 $0xC0, s16  }
0xd1: {  	[tilespmem:s17], [sflag:$0x1] =	stream.linear.gather [hbm4b:s1+s22], $0x200, $0x38;
	[tilespmem:$0x1F000] =	vst v63  }
0xd2: {  	_ =	swait.ge [sflag:s21], $0x800  }
0xd3: {  	[sflag:s21] =	ssyncset.done $0x0  }
0xd4: {  	[sflag:s21] =	ssyncadd.s32 $0xFFFFF800  }
0xd5: {  	_ =	swait.ge [sflag:s21], $0x800  }
0xd6: {  	[sflag:s21] =	ssyncset.done $0x0  }
0xd7: {  	[sflag:s21] =	ssyncadd.s32 $0xFFFFF800  }
0xd8: {  	_ =	swait.ge [sflag:s21], $0x800  }
0xd9: {  	[sflag:s21] =	ssyncset.done $0x0  }
0xda: {  	[sflag:s21] =	ssyncadd.s32 $0xFFFFF800  }
0xdb: {  	_ =	swait.ge [sflag:s21], $0x800  }
0xdc: {  	[sflag:s21] =	ssyncset.done $0x0  }
0xdd: {  	s1 =	simm.s32 $0xA00;
	[sflag:s21] =	ssyncadd.s32 $0xFFFFF800  }
0xde: {  	[spmem:s2] =	stream.indirect.scatter.add.f32 [tilespmem:s10], [sflag:$0x6], $0x10, s1, s15, $0xb8;
	[tilespmem:$0x1F000] =	vst v63  }
0xdf: {  	s1 =	simm.s32 $0xA80  }
0xe0: {  	[spmem:s2] =	stream.indirect.scatter.add.f32 [tilespmem:s13], [sflag:$0x6], $0x10, s1, s15, $0xb8;
	[tilespmem:$0x1F000] =	vst v63  }
0xe1: {  	s1 =	simm.s32 $0xB00  }
0xe2: {  	[spmem:s2] =	stream.indirect.scatter.add.f32 [tilespmem:s20], [sflag:$0x6], $0x10, s1, s15, $0xb8;
	[tilespmem:$0x1F000] =	vst v63  }
0xe3: {  	s1 =	simm.s32 $0xB80  }
0xe4: {  	[spmem:s2] =	stream.indirect.scatter.add.f32 [tilespmem:s3], [sflag:$0x6], $0x10, s1, s15, $0xb8;
	[tilespmem:$0x1F000] =	vst v63  }
0xe5: {  	_ =	swait.ge [sflag:s7], $0x800  }
0xe6: {  	[sflag:s7] =	ssyncset.done $0x0  }
0xe7: {  	[sflag:s7] =	ssyncadd.s32 $0xFFFFF800  }
0xe8: {  	_ =	swait.ge [sflag:s7], $0x800  }
0xe9: {  	[sflag:s7] =	ssyncset.done $0x0  }
0xea: {  	[sflag:s7] =	ssyncadd.s32 $0xFFFFF800  }
0xeb: {  	_ =	swait.ge [sflag:s7], $0x800  }
0xec: {  	[sflag:s7] =	ssyncset.done $0x0  }
0xed: {  	[sflag:s7] =	ssyncadd.s32 $0xFFFFF800  }
0xee: {  	_ =	swait.ge [sflag:s7], $0x800  }
0xef: {  	[sflag:s7] =	ssyncset.done $0x0  }
0xf0: {  	[sflag:s7] =	ssyncadd.s32 $0xFFFFF800  }
0xf1: {  	_ =	swait.ge [sflag:s25], $0x200  }
0xf2: {  	[sflag:s25] =	ssyncset.done $0x0  }
0xf3: {  	[sflag:s25] =	ssyncadd.s32 $0xFFFFFE00  }
0xf4: {  	_ =	swait.ge [sflag:s25], $0x200  }
0xf5: {  	[sflag:s25] =	ssyncset.done $0x0  }
0xf6: {  	[sflag:s25] =	ssyncadd.s32 $0xFFFFFE00  }
0xf7: {  	[tilespmem:s12], [sflag:$0x5] =	stream.indirect.gather [hbm4b:s11+s15], $0x10, s22, s15, $0xb8;
	[tilespmem:$0x1F000] =	vst v63  }
0xf8: {  	_ = 	snop  }
0xf9: {  	[tilespmem:s6], [sflag:$0x5] =	stream.indirect.gather [hbm4b:s11+s15], $0x10, s15, s15, $0xb8;
	[tilespmem:$0x1F000] =	vst v63  }
0xfa: {  	_ = 	snop  }
0xfb: {  	[tilespmem:s31], [sflag:$0x5] =	stream.indirect.gather [hbm4b:s11+s15], $0x10, s30, s15, $0xb8;
	[tilespmem:$0x1F000] =	vst v63  }
0xfc: {  	s1 =	simm.s32 $0x180  }
0xfd: {  	[tilespmem:s9], [sflag:$0x5] =	stream.indirect.gather [hbm4b:s11+s15], $0x10, s1, s15, $0xb8;
	[tilespmem:$0x1F000] =	vst v63  }
0xfe: {  	s1 =	rddreg [dreg:$0x1c]  }
0xff: {  	s1 =	sadd.s32 s0, s1  }
0x100: {  	[tilespmem:s8], [sflag:$0x2] =	stream.linear.gather [hbm4b:s1+s22], $0x200, $0x38;
	[tilespmem:$0x1F000] =	vst v63  }
0x101: {  	s1 =	sadd.s32 $0x100, s16  }
0x102: {  	[tilespmem:s24], [sflag:$0x2] =	stream.linear.gather [hbm4b:s1+s22], $0x200, $0x38;
	[tilespmem:$0x1F000] =	vst v63  }
0x103: {  	_ =	swait.ge [sflag:s23], $0x800  }
0x104: {  	[sflag:s23] =	ssyncset.done $0x0  }
0x105: {  	[sflag:s23] =	ssyncadd.s32 $0xFFFFF800  }
0x106: {  	_ =	swait.ge [sflag:s23], $0x800  }
0x107: {  	[sflag:s23] =	ssyncset.done $0x0  }
0x108: {  	[sflag:s23] =	ssyncadd.s32 $0xFFFFF800  }
0x109: {  	_ =	swait.ge [sflag:s23], $0x800  }
0x10a: {  	[sflag:s23] =	ssyncset.done $0x0  }
0x10b: {  	[sflag:s23] =	ssyncadd.s32 $0xFFFFF800  }
0x10c: {  	_ =	swait.ge [sflag:s23], $0x800  }
0x10d: {  	[sflag:s23] =	ssyncset.done $0x0  }
0x10e: {  	s17 =	simm.s32 $0x600;
	[sflag:s23] =	ssyncadd.s32 $0xFFFFF800  }
0x10f: {  	[spmem:s2] =	stream.indirect.scatter.add.f32 [tilespmem:s12], [sflag:$0x7], $0x10, s17, s15, $0xb8;
	[tilespmem:$0x1F000] =	vst v63  }
0x110: {  	s17 =	simm.s32 $0x680  }
0x111: {  	[spmem:s2] =	stream.indirect.scatter.add.f32 [tilespmem:s6], [sflag:$0x7], $0x10, s17, s15, $0xb8;
	[tilespmem:$0x1F000] =	vst v63  }
0x112: {  	s17 =	simm.s32 $0x700  }
0x113: {  	[spmem:s2] =	stream.indirect.scatter.add.f32 [tilespmem:s31], [sflag:$0x7], $0x10, s17, s15, $0xb8;
	[tilespmem:$0x1F000] =	vst v63  }
0x114: {  	s17 =	simm.s32 $0x780  }
0x115: {  	[spmem:s2] =	stream.indirect.scatter.add.f32 [tilespmem:s9], [sflag:$0x7], $0x10, s17, s15, $0xb8;
	[tilespmem:$0x1F000] =	vst v63  }
0x116: {  	_ =	swait.ge [sflag:s26], $0x800  }
0x117: {  	[sflag:s26] =	ssyncset.done $0x0  }
0x118: {  	[sflag:s26] =	ssyncadd.s32 $0xFFFFF800  }
0x119: {  	_ =	swait.ge [sflag:s26], $0x800  }
0x11a: {  	[sflag:s26] =	ssyncset.done $0x0  }
0x11b: {  	[sflag:s26] =	ssyncadd.s32 $0xFFFFF800  }
0x11c: {  	_ =	swait.ge [sflag:s26], $0x800  }
0x11d: {  	[sflag:s26] =	ssyncset.done $0x0  }
0x11e: {  	[sflag:s26] =	ssyncadd.s32 $0xFFFFF800  }
0x11f: {  	_ =	swait.ge [sflag:s26], $0x800  }
0x120: {  	[sflag:s26] =	ssyncset.done $0x0  }
0x121: {  	[sflag:s26] =	ssyncadd.s32 $0xFFFFF800  }
0x122: {  	_ =	swait.ge [sflag:s19], $0x200  }
0x123: {  	[sflag:s19] =	ssyncset.done $0x0  }
0x124: {  	[sflag:s19] =	ssyncadd.s32 $0xFFFFFE00  }
0x125: {  	_ =	swait.ge [sflag:s19], $0x200  }
0x126: {  	[sflag:s19] =	ssyncset.done $0x0  }
0x127: {  	[sflag:s19] =	ssyncadd.s32 $0xFFFFFE00  }
0x128: {  	[tilespmem:s10], [sflag:$0x4] =	stream.indirect.gather [hbm4b:s11+s15], $0x10, s8, s15, $0xb8;
	[tilespmem:$0x1F000] =	vst v63  }
0x129: {  	s19 =	simm.s32 $0x280  }
0x12a: {  	[tilespmem:s13], [sflag:$0x4] =	stream.indirect.gather [hbm4b:s11+s15], $0x10, s19, s15, $0xb8;
	[tilespmem:$0x1F000] =	vst v63  }
0x12b: {  	s8 =	simm.s32 $0x300  }
0x12c: {  	[tilespmem:s20], [sflag:$0x4] =	stream.indirect.gather [hbm4b:s11+s15], $0x10, s8, s15, $0xb8;
	[tilespmem:$0x1F000] =	vst v63  }
0x12d: {  	s17 =	simm.s32 $0x380;
	s19 =	rddreg [dreg:$0x1b]  }
0x12e: {  	[tilespmem:s3], [sflag:$0x4] =	stream.indirect.gather [hbm4b:s11+s15], $0x10, s17, s15, $0xb8;
	[tilespmem:$0x1F000] =	vst v63  }
0x12f: {  	s1 =	sadd.s32 s0, s19  }
0x130: {  	[tilespmem:s4], [sflag:$0x3] =	stream.linear.gather [hbm4b:s1+s22], $0x200, $0x38;
	[tilespmem:$0x1F000] =	vst v63  }
0x131: {  	s8 =	sadd.s32 $0x140, s16;
	s17 =	simm.s32 $0xA00  }
0x132: {  	[tilespmem:s17], [sflag:$0x3] =	stream.linear.gather [hbm4b:s8+s22], $0x200, $0x38;
	[tilespmem:$0x1F000] =	vst v63  }
0x133: {  	_ =	swait.ge [sflag:s21], $0x800  }
0x134: {  	[sflag:s21] =	ssyncset.done $0x0  }
0x135: {  	[sflag:s21] =	ssyncadd.s32 $0xFFFFF800  }
0x136: {  	_ =	swait.ge [sflag:s21], $0x800  }
0x137: {  	[sflag:s21] =	ssyncset.done $0x0  }
0x138: {  	[sflag:s21] =	ssyncadd.s32 $0xFFFFF800  }
0x139: {  	_ =	swait.ge [sflag:s21], $0x800  }
0x13a: {  	[sflag:s21] =	ssyncset.done $0x0  }
0x13b: {  	[sflag:s21] =	ssyncadd.s32 $0xFFFFF800  }
0x13c: {  	_ =	swait.ge [sflag:s21], $0x800  }
0x13d: {  	[sflag:s21] =	ssyncset.done $0x0  }
0x13e: {  	[sflag:s21] =	ssyncadd.s32 $0xFFFFF800  }
0x13f: {  	[spmem:s2] =	stream.indirect.scatter.add.f32 [tilespmem:s10], [sflag:$0x6], $0x10, s24, s15, $0xb8;
	[tilespmem:$0x1F000] =	vst v63  }
0x140: {  	s19 =	simm.s32 $0x880  }
0x141: {  	[spmem:s2] =	stream.indirect.scatter.add.f32 [tilespmem:s13], [sflag:$0x6], $0x10, s19, s15, $0xb8;
	[tilespmem:$0x1F000] =	vst v63  }
0x142: {  	s22 =	simm.s32 $0x900  }
0x143: {  	[spmem:s2] =	stream.indirect.scatter.add.f32 [tilespmem:s20], [sflag:$0x6], $0x10, s22, s15, $0xb8;
	[tilespmem:$0x1F000] =	vst v63  }
0x144: {  	s24 =	simm.s32 $0x980  }
0x145: {  	[spmem:s2] =	stream.indirect.scatter.add.f32 [tilespmem:s3], [sflag:$0x6], $0x10, s24, s15, $0xb8;
	[tilespmem:$0x1F000] =	vst v63  }
0x146: {  	_ =	swait.ge [sflag:s7], $0x800  }
0x147: {  	[sflag:s7] =	ssyncset.done $0x0  }
0x148: {  	[sflag:s7] =	ssyncadd.s32 $0xFFFFF800  }
0x149: {  	_ =	swait.ge [sflag:s7], $0x800  }
0x14a: {  	[sflag:s7] =	ssyncset.done $0x0  }
0x14b: {  	[sflag:s7] =	ssyncadd.s32 $0xFFFFF800  }
0x14c: {  	_ =	swait.ge [sflag:s7], $0x800  }
0x14d: {  	[sflag:s7] =	ssyncset.done $0x0  }
0x14e: {  	[sflag:s7] =	ssyncadd.s32 $0xFFFFF800  }
0x14f: {  	_ =	swait.ge [sflag:s7], $0x800  }
0x150: {  	[sflag:s7] =	ssyncset.done $0x0  }
0x151: {  	[sflag:s7] =	ssyncadd.s32 $0xFFFFF800  }
0x152: {  	_ =	swait.ge [sflag:s5], $0x200  }
0x153: {  	[sflag:s5] =	ssyncset.done $0x0  }
0x154: {  	[sflag:s5] =	ssyncadd.s32 $0xFFFFFE00  }
0x155: {  	_ =	swait.ge [sflag:s5], $0x200  }
0x156: {  	[sflag:s5] =	ssyncset.done $0x0  }
0x157: {  	[sflag:s5] =	ssyncadd.s32 $0xFFFFFE00  }
0x158: {  	[tilespmem:s12], [sflag:$0x5] =	stream.indirect.gather [hbm4b:s11+s15], $0x10, s4, s15, $0xb8;
	[tilespmem:$0x1F000] =	vst v63  }
0x159: {  	s4 =	simm.s32 $0x480  }
0x15a: {  	[tilespmem:s6], [sflag:$0x5] =	stream.indirect.gather [hbm4b:s11+s15], $0x10, s4, s15, $0xb8;
	[tilespmem:$0x1F000] =	vst v63  }
0x15b: {  	s5 =	simm.s32 $0x500  }
0x15c: {  	[tilespmem:s31], [sflag:$0x5] =	stream.indirect.gather [hbm4b:s11+s15], $0x10, s5, s15, $0xb8;
	[tilespmem:$0x1F000] =	vst v63  }
0x15d: {  	s5 =	sld [smem:$0x7FD]  }
0x15e: {  	p1 =	seq.s32 s0, $0x6180;
	s8 =	simm.s32 $0x580  }
0x15f: {  	[tilespmem:s9], [sflag:$0x5] =	stream.indirect.gather [hbm4b:s11+s15], $0x10, s8, s15, $0xb8;
	[tilespmem:$0x1F000] =	vst v63  }
0x160: {  	s4 =	rddreg [dreg:$0x5];
	s1 =	sshrl.u32 @!p1 s5, $0x3  }
0x161: {  	s8 =	simm.s32 @!p1 $0x0;
	s1 =	sadd.s32 @!p1 s4, s1  }
0x162: {  	[tilespmem:s8], [sflag:$0x1] =	stream.linear.gather @!p1 [hbm4b:s1+s8], $0x200, $0x38;
	[tilespmem:$0x1F000] =	vst v63  }
0x163: {  	s1 =	sadd.s32 @!p1 s0, s14  }
0x164: {  	s14 =	simm.s32 @!p1 $0x600;
	s1 =	sadd.s32 @!p1 $0x180, s1  }
0x165: {  	[tilespmem:s14], [sflag:$0x1] =	stream.linear.gather @!p1 [hbm4b:s1+s8], $0x200, $0x38;
	[tilespmem:$0x1F000] =	vst v63  }
0x166: {  	_ =	swait.ge [sflag:s23], $0x800  }
0x167: {  	[sflag:s23] =	ssyncset.done $0x0  }
0x168: {  	[sflag:s23] =	ssyncadd.s32 $0xFFFFF800  }
0x169: {  	_ =	swait.ge [sflag:s23], $0x800  }
0x16a: {  	[sflag:s23] =	ssyncset.done $0x0  }
0x16b: {  	[sflag:s23] =	ssyncadd.s32 $0xFFFFF800  }
0x16c: {  	_ =	swait.ge [sflag:s23], $0x800  }
0x16d: {  	[sflag:s23] =	ssyncset.done $0x0  }
0x16e: {  	[sflag:s23] =	ssyncadd.s32 $0xFFFFF800  }
0x16f: {  	_ =	swait.ge [sflag:s23], $0x800  }
0x170: {  	[sflag:s23] =	ssyncset.done $0x0  }
0x171: {  	s17 =	simm.s32 $0xA00;
	[sflag:s23] =	ssyncadd.s32 $0xFFFFF800  }
0x172: {  	[spmem:s2] =	stream.indirect.scatter.add.f32 [tilespmem:s12], [sflag:$0x7], $0x10, s17, s15, $0xb8;
	[tilespmem:$0x1F000] =	vst v63  }
0x173: {  	s14 =	simm.s32 $0xA80  }
0x174: {  	[spmem:s2] =	stream.indirect.scatter.add.f32 [tilespmem:s6], [sflag:$0x7], $0x10, s14, s15, $0xb8;
	[tilespmem:$0x1F000] =	vst v63  }
0x175: {  	s17 =	simm.s32 $0xB00  }
0x176: {  	[spmem:s2] =	stream.indirect.scatter.add.f32 [tilespmem:s31], [sflag:$0x7], $0x10, s17, s15, $0xb8;
	[tilespmem:$0x1F000] =	vst v63  }
0x177: {  	s24 =	simm.s32 $0xB80  }
0x178: {  	[spmem:s2] =	stream.indirect.scatter.add.f32 [tilespmem:s9], [sflag:$0x7], $0x10, s24, s15, $0xb8;
	[tilespmem:$0x1F000] =	vst v63  }
0x179: {  	_ =	swait.ge [sflag:s26], $0x800  }
0x17a: {  	[sflag:s26] =	ssyncset.done $0x0  }
0x17b: {  	[sflag:s26] =	ssyncadd.s32 $0xFFFFF800  }
0x17c: {  	_ =	swait.ge [sflag:s26], $0x800  }
0x17d: {  	[sflag:s26] =	ssyncset.done $0x0  }
0x17e: {  	[sflag:s26] =	ssyncadd.s32 $0xFFFFF800  }
0x17f: {  	_ =	swait.ge [sflag:s26], $0x800  }
.Ltmp2:
0x180: {  	[sflag:s26] =	ssyncset.done $0x0;
	(pc) =	sbr.rel @p1 .LBB2_9-.Ltmp2, $4  }
0x181: {  	[sflag:s26] =	ssyncadd.s32 $0xFFFFF800  }
0x182: {  	s30 =	simm.s32 $0x200;
	_ =	swait.ge [sflag:s26], $0x800  }
0x183: {  	s19 =	simm.s32 $0x100;
	s22 =	simm.s32 $0x800;
	[sflag:s26] =	ssyncset.done $0x0  }
0x184: {  	s4 =	simm.s32 $0x180;
	s17 =	simm.s32 $0x0;
	[sflag:s26] =	ssyncadd.s32 $0xFFFFF800  }
0x185: {  	_ =	swait.ge [sflag:s25], $0x200  }
0x186: {  	[sflag:s25] =	ssyncset.done $0x0  }
0x187: {  	[sflag:s25] =	ssyncadd.s32 $0xFFFFFE00  }
0x188: {  	_ =	swait.ge [sflag:s25], $0x200  }
0x189: {  	[sflag:s25] =	ssyncset.done $0x0  }
0x18a: {  	[sflag:s25] =	ssyncadd.s32 $0xFFFFFE00  }
0x18b: {  	[tilespmem:s10], [sflag:$0x4] =	stream.indirect.gather [hbm4b:s11+s15], $0x10, s17, s15, $0xb8;
	[tilespmem:$0x1F000] =	vst v63  }
0x18c: {  	_ = 	snop  }
0x18d: {  	[tilespmem:s13], [sflag:$0x4] =	stream.indirect.gather [hbm4b:s11+s15], $0x10, s15, s15, $0xb8;
	[tilespmem:$0x1F000] =	vst v63  }
0x18e: {  	s24 =	sadd.s32 $0x1C0, s16;
	s5 =	sadd.s32 $0xC00, s5;
	s1 =	rddreg [dreg:$0x1a]  }
0x18f: {  	[tilespmem:s20], [sflag:$0x4] =	stream.indirect.gather [hbm4b:s11+s15], $0x10, s19, s15, $0xb8;
	[tilespmem:$0x1F000] =	vst v63  }
0x190: {  	s8 =	simm.s32 $0x200;
	[smem:$0x7FD] =	sst s5;
	s1 =	sadd.s32 s0, s1  }
0x191: {  	[tilespmem:s3], [sflag:$0x4] =	stream.indirect.gather [hbm4b:s11+s15], $0x10, s4, s15, $0xb8;
	[tilespmem:$0x1F000] =	vst v63  }
.Ltmp3:
0x192: {  	s0 =	sadd.s32 $0x180, s0;
	s10 =	simm.s32 $0x1C00;
	(pc) =	sbr.rel .LBB2_7-.Ltmp3, $4  }
0x193: {  	[tilespmem:s30], [sflag:$0x2] =	stream.linear.gather [hbm4b:s1+s17], $0x200, $0x38;
	[tilespmem:$0x1F000] =	vst v63  }
0x194: {  	s13 =	simm.s32 $0x2400;
	s4 =	simm.s32 $0x1400;
	s30 =	simm.s32 $0x100  }
0x195: {  	[tilespmem:s22], [sflag:$0x2] =	stream.linear.gather [hbm4b:s24+s17], $0x200, $0x38;
	[tilespmem:$0x1F000] =	vst v63  }
0x196: {  	s1 =	simm.s32 $0xC00;
	s24 =	simm.s32 $0x800;
	s22 =	simm.s32 $0x0  }
.LBB2_9:
0x197: {  	_ =	swait.ge [sflag:s7], $0x800  }
0x198: {  	[sflag:s7] =	ssyncset.done $0x0  }
0x199: {  	[sflag:s7] =	ssyncadd.s32 $0xFFFFF800  }
0x19a: {  	_ =	swait.ge [sflag:s7], $0x800  }
0x19b: {  	[sflag:s7] =	ssyncset.done $0x0  }
0x19c: {  	[sflag:s7] =	ssyncadd.s32 $0xFFFFF800  }
0x19d: {  	s8 =	simm.f32 $-1.000000000e+00;
	s16 =	simm.s32 $0x0;
	_ =	swait.ge [sflag:s7], $0x800  }
0x19e: {  	s19 =	simm.s32 $0x0;
	s14 =	simm.s32 $0x5000;
	[sflag:s7] =	ssyncset.done $0x0  }
0x19f: {  	s4 =	simm.s32 $0x1400;
	s10 =	simm.s32 $0x1C00;
	[sflag:s7] =	ssyncadd.s32 $0xFFFFF800  }
0x1a0: {  	s13 =	simm.s32 $0x2400;
	s9 =	simm.s32 $0x5800;
	_ =	swait.ge [sflag:s7], $0x800  }
0x1a1: {  	s12 =	simm.s32 $0x6000;
	s25 =	rddreg [dreg:$0x19];
	[sflag:s7] =	ssyncset.done $0x0  }
0x1a2: {  	s1 =	rddreg [dreg:$0x1f];
	p1 =	seq.s32 s25, $0x1;
	[sflag:s7] =	ssyncadd.s32 $0xFFFFF800  }
0x1a3: {  	s0 =	sshll.u32 s25, $0x1;
	s1 =	smul.u32 $0x310000, s1;
	[bflag:$0x0] =	sbarrier.arrive $0xFFFF  }
0x1a4: {  	s0 =	sand.u32 $0x2, s0;
	s8 =	simm.s32 @!p1 $0xC0000000;
	s3 =	rddreg [dreg:$0x3]  }
0x1a5: {  	p1 =	sgt.u32 s25, $0x1;
	s6 =	rddreg [dreg:$0x4];
	s0 =	sor.u32 s3, s0  }
0x1a6: {  	v0 =	vmov s8;
	s6 =	sadd.s32 s6, s1;
	s3 =	simm.s32 $0x1;
	s0 =	smul.u32 $0x18800, s0  }
.LBB2_10:
0x1a7: {  	s1 =	sshll.u32 s19, $0x7;
	s8 =	rddreg [dreg:$0x17]  }
0x1a8: {  	s8 =	sadd.s32 s8, s1  }
0x1a9: {  	s30 =	sshll.u32 s8, $0x4  }
0x1aa: {  	s20 =	sadd.s32 s30, s2  }
0x1ab: {  	[tilespmem:s14], [sflag:$0x8] =	stream.linear.gather [spmem:s20], $0x800, $0x38;
	[tilespmem:$0x1F000] =	vst v63  }
0x1ac: {  	s22 =	sadd.s32 s0, s8;
	_ =	swait.ge [sflag:s29], $0x800  }
0x1ad: {  	s1 =	sshll.u32 s22, $0x1;
	[sflag:s29] =	ssyncset.done $0x0  }
0x1ae: {  	s1 =	sadd.s32 s11, s1;
	[sflag:s29] =	ssyncadd.s32 $0xFFFFF800  }
0x1af: {  	[tilespmem:s9], [sflag:$0x8] =	stream.linear.gather [hbm4b:s1+s16], $0x800, $0x38;
	[tilespmem:$0x1F000] =	vst v63  }
0x1b0: {  	_ =	swait.ge [sflag:s29], $0x800  }
0x1b1: {  	s8 =	sshll.u32 s8, $0x1;
	[sflag:s29] =	ssyncset.done $0x0;
	s24 =	rddreg [dreg:$0x6]  }
0x1b2: {  	[sflag:s29] =	ssyncadd.s32 $0xFFFFF800;
	s8 =	sadd.s32 s24, s8  }
0x1b3: {  	[tilespmem:s12], [sflag:$0x8] =	stream.linear.gather [hbm4b:s8+s16], $0x800, $0x38;
	[tilespmem:$0x1F000] =	vst v63  }
0x1b4: {  	_ =	swait.ge [sflag:s29], $0x800  }
0x1b5: {  	[sflag:s29] =	ssyncset.done $0x0  }
0x1b6: {  	s8 =	simm.s32 $0x0;
	[sflag:s29] =	ssyncadd.s32 $0xFFFFF800  }
0x1b7: {  	v1 =	vld [tilespmem:s8+$0x6000];
	_ =	sdelay $0x1  }
0x1b8: {  	v2 =	vld [tilespmem:s8+$0x5000]  }
0x1b9: {  	v3 =	vld [tilespmem:s8+$0x5800];
	_ =	sdelay $0x1  }
0x1ba: {  	v1 =	vmul.f32 v1, v0;
	_ =	sdelay $0x1  }
0x1bb: {  	v1 =	vmul.f32 v1, v2  }
0x1bc: {  	s22 =	simm.s32 $0x80;
	s14 =	simm.s32 $0x10;
	v2 =	vpsel !p1, $0x0, v3  }
.LBB2_11:
0x1bd: {  	p2 =	sne.s32 s22, $0x1FC0;
	v3 =	vld [tilespmem:s14+$0x6000];
	v1 =	vsub.f32 v1, v2;
	_ =	sdelay $0x1  }
0x1be: {  	v2 =	vld [tilespmem:s14+$0x5000];
	[tilespmem:s8+$0x5800] =	vst v1;
	s8 =	smov.u32 s14  }
0x1bf: {  	v4 =	vld [tilespmem:s8+$0x5800]  }
.Ltmp4:
0x1c0: {  	(pc) =	sbr.rel @p2 .LBB2_11-.Ltmp4, $3  }
0x1c1: {  	v1 =	vmul.f32 v3, v0;
	_ =	sdelay $0x1  }
0x1c2: {  	v1 =	vmul.f32 v1, v2  }
0x1c3: {  	s14 =	sshra.s32 s22, $0x2;
	s22 =	sadd.s32 $0x40, s22;
	v2 =	vpsel !p1, $0x0, v4  }
0x1c4: {  	v3 =	vld [tilespmem:s14+$0x6000];
	v1 =	vsub.f32 v1, v2;
	_ =	sdelay $0x1  }
0x1c5: {  	v2 =	vld [tilespmem:s14+$0x5000];
	[tilespmem:s8+$0x5800] =	vst v1  }
0x1c6: {  	v1 =	vld [tilespmem:s14+$0x5800];
	_ =	sdelay $0x1  }
0x1c7: {  	v3 =	vmul.f32 v3, v0;
	_ =	sdelay $0x1  }
0x1c8: {  	v2 =	vmul.f32 v3, v2  }
0x1c9: {  	v1 =	vpsel !p1, $0x0, v1  }
0x1ca: {  	v1 =	vsub.f32 v2, v1;
	_ =	sdelay $0x1  }
0x1cb: {  	s24 =	sadd.s32 s30, s6;
	s19 =	sadd.s32 $0x1, s19;
	[tilespmem:s14+$0x5800] =	vst v1  }
0x1cc: {  	[hbm4b:s1+s17] =	stream.linear.scatter [tilespmem:s9], [sflag:$0x8], $0x800, $0x38;
	[tilespmem:$0x1F000] =	vst v63  }
0x1cd: {  	p2 =	sne.s32 s19, $0x31;
	s14 =	simm.s32 $0x5000;
	_ =	swait.ge [sflag:s29], $0x800  }
0x1ce: {  	s1 =	sshrl.u32 s24, $0x3;
	[sflag:s29] =	ssyncset.done $0x0;
	s30 =	rddreg [dreg:$0x8]  }
.Ltmp5:
0x1cf: {  	[sflag:s29] =	ssyncadd.s32 $0xFFFFF800;
	s1 =	sadd.s32 s30, s1;
	(pc) =	sbr.rel @p2 .LBB2_10-.Ltmp5, $4  }
0x1d0: {  	[hbm4b:s1+s17] =	stream.linear.scatter [tilespmem:s14], [sflag:$0x8], $0x800, $0x38;
	[tilespmem:$0x1F000] =	vst v63  }
0x1d1: {  	_ =	swait.ge [sflag:s29], $0x800  }
0x1d2: {  	[sflag:s29] =	ssyncset.done $0x0  }
0x1d3: {  	[sflag:s29] =	ssyncadd.s32 $0xFFFFF800  }
0x1d4: {  	s25 =	sadd.s32 $0x1, s25  }
0x1d5: {  	p1 =	sne.s32 s25, $0x6  }
.Ltmp6:
0x1d6: {  	_ = 	snop;
	(pc) =	sbr.rel @p1 .LBB2_4-.Ltmp6, $4  }
0x1d7: {  	[bflag:$0x0] =	sbarrier.arrive $0xFFFF  }
0x1d8: {  	s5 =	rddreg [dreg:$0x3]  }
0x1d9: {  	p0 =	por !p0, !p0;
	s20 =	rddreg [dreg:$0x5]  }
0x1da: {  	s24 =	simm.s32 $0x800;
	s12 =	simm.s32 $0x100;
	s22 =	rddreg [dreg:$0xf]  }
0x1db: {  	s1 =	rddreg [dreg:$0x18]  }
0x1dc: {  	s0 =	rddreg [dreg:$0xd];
	s1 =	sadd.s32 $0x1, s1  }
0x1dd: {  	p0 =	sne.s32 s1, s0  }
.Ltmp7:
0x1de: {  	_ = 	snop;
	(pc) =	sbr.rel @p0 .LBB2_1-.Ltmp7, $2  }
0x1df: {  	_ =	sdelay $0x2  }
0x1e0: {  	s16 =	rddreg [dreg:$0xe]  }
0x1e1: {  	_ =	sfence.sel $0x180000  }
0x1e2: {  	[bflag:$0x0] =	sbarrier.arrive $0xFFFF  }
0x1e3: {  	_ =	strace $0x9000004A  }
0x1e4: {  	s0 =	stileid.u32;
	[bflag:$0x2] =	sbarrier.arrive $0xFFFF  }
0x1e5: {  	p0 =	sne.s32 s0, $0x0;
	s0 =	rddreg [dreg:$0x2]  }
0x1e6: {  	s0 =	sadd.s32 @!p0 $0x100000, s0  }
0x1e7: {  	[sflag:s0] =	ssyncadd.tile.s32 @!p0 $0x1;
	_ =	shalt  }
.Lfunc_end2:
_tile_overlayer_lowered:
.L_overlay_start_2:
0x1e8: {  	(tag) =	ssettag $0x2  }
0x1e9: {  	s0 =	rddreg [dreg:$0x0];
	s2 =	stileid.u32  }
0x1ea: {  	s1 =	rddreg [dreg:$0x1];
	p0 =	sne.s32 s2, $0x0  }
0x1eb: {  	s3 =	rddreg [dreg:$0x2];
	[bflag:$0x3] =	sbarrier.arrive $0xFFFF;
	s2 =	simm.s32 @!p0 $0x1C08  }
0x1ec: {  	[timem:s3], [sflag:s2] =	dma.local @!p0 [hbm:s0], s1  }
0x1ed: {  	s0 =	simm.s32 @!p0 $0x8  }
0x1ee: {  	_ =	swait.ge @!p0 [sflag:s0], s1  }
0x1ef: {  	s1 =	ssub.s32 @!p0 $0x0, s1;
	[sflag:s0] =	ssyncset.done @!p0 $0x0  }
0x1f0: {  	[sflag:s0] =	ssyncadd.s32 @!p0 s1  }
0x1f1: {  	[bflag:$0x3] =	sbarrier.arrive $0xFFFF  }
0x1f2: {  	_ =	shalt  }

</sc_bundles>
